<compile_context>
chip_gen: v7x
topology: tpu7x:2x2x1
jax: 0.10.2.dev20260603
libtpu: 0.0.44.dev20260713+nightly
codegen_flags: <defaults>
</compile_context>

<pallas_src>
import functools

import jax
import jax.numpy as jnp
from jax import lax
from jax.experimental import pallas as pl
from jax.experimental.pallas import tpu as pltpu
from jax.experimental.pallas import tpu_sc as plsc

B, M, S = 1024, 50, 20
EMB = 32
NWORDS = 100000
NSEGS = B * M
NW = 32
SEG_PER_W = NSEGS // NW
NSEG_CHUNK = 64
IDS_CHUNK = NSEG_CHUNK * S
GROWS = 128
NGATHER = IDS_CHUNK // GROWS
NCHUNKS = SEG_PER_W // NSEG_CHUNK
CTX_ROWS_PER_CHUNK = IDS_CHUNK // GROWS


def _lanes_max(x):
    i = lax.iota(jnp.int32, 16)
    for sh in (8, 4, 2, 1):
        x = jnp.maximum(x, x.at[i ^ sh].get(mode="promise_in_bounds"))
    return x


def _lanes_sum(x):
    i = lax.iota(jnp.int32, 16)
    for sh in (8, 4, 2, 1):
        x = x + x.at[i ^ sh].get(mode="promise_in_bounds")
    return x


def _encoder_body(ctx_hbm, at_hbm, cl_hbm, out_hbm,
                  idx_raw, idx0, idx1, idx2, r1, r2, r3, outv, sem):
    cid = lax.axis_index("c")
    sid = lax.axis_index("s")
    wid = sid * 2 + cid

    @pl.loop(0, NCHUNKS)
    def _chunk(c):
        id0 = wid * (SEG_PER_W * S) + c * IDS_CHUNK
        pltpu.sync_copy(ctx_hbm.at[pl.ds(id0, IDS_CHUNK)], idx_raw)
        for r in range(CTX_ROWS_PER_CHUNK):
            for k in range(GROWS // 16):
                v = idx_raw[pl.ds(r * GROWS + k * 16, 16)]
                idx0[r, pl.ds(k * 16, 16)] = v
                idx1[r, pl.ds(k * 16, 16)] = v + NWORDS
                idx2[r, pl.ds(k * 16, 16)] = v + 2 * NWORDS
        cps = []
        for j in range(NGATHER):
            dst = pl.ds(j * GROWS, GROWS)
            cps.append(pltpu.async_copy(at_hbm.at[idx1.at[j]], r1.at[dst], sem))
            cps.append(pltpu.async_copy(at_hbm.at[idx2.at[j]], r2.at[dst], sem))
            cps.append(pltpu.async_copy(cl_hbm.at[idx0.at[j]], r3.at[dst], sem))
        for cp in cps:
            cp.wait()

        @pl.loop(0, NSEG_CHUNK)
        def _seg(s):
            base = s * S

            def red(j, accs):
                a1l, a1h, a2l, a2h, a3l, a3h = accs
                r = base + j
                return (a1l + r1[r, 0:16], a1h + r1[r, 16:32],
                        a2l + r2[r, 0:16], a2h + r2[r, 16:32],
                        a3l + r3[r, 0:16], a3h + r3[r, 16:32])

            z = jnp.zeros((16,), jnp.float32)
            g1l, g1h, g2l, g2h, g3l, g3h = lax.fori_loop(
                0, S, red, (z, z, z, z, z, z))
            o1l = g1l * (1.0 / EMB)
            o1h = g1h * (1.0 / EMB)
            t2l = g1l * o1l
            t2h = g1h * o1h
            m2 = _lanes_max(jnp.maximum(t2l, t2h))
            e2l = jnp.exp(t2l - m2)
            e2h = jnp.exp(t2h - m2)
            inv2 = 1.0 / _lanes_sum(e2l + e2h)
            q2l = o1l + g2l * (e2l * inv2)
            q2h = o1h + g2h * (e2h * inv2)
            t3l = g2l * q2l
            t3h = g2h * q2h
            m3 = _lanes_max(jnp.maximum(t3l, t3h))
            e3l = jnp.exp(t3l - m3)
            e3h = jnp.exp(t3h - m3)
            inv3 = 1.0 / _lanes_sum(e3l + e3h)
            outv[s, 0:16] = g3l * (e3l * inv3)
            outv[s, 16:32] = g3h * (e3h * inv3)

        seg0 = wid * SEG_PER_W + c * NSEG_CHUNK
        pltpu.sync_copy(outv, out_hbm.at[pl.ds(seg0, NSEG_CHUNK)])


@jax.jit
def _encoder_sc(ctx2d, at2, c_last):
    mesh = plsc.VectorSubcoreMesh(core_axis_name="c", subcore_axis_name="s")
    call = pl.kernel(
        _encoder_body,
        out_type=jax.ShapeDtypeStruct((NSEGS, EMB), jnp.float32),
        mesh=mesh,
        scratch_types=[
            pltpu.VMEM((IDS_CHUNK,), jnp.int32),
            pltpu.VMEM((CTX_ROWS_PER_CHUNK, GROWS), jnp.int32),
            pltpu.VMEM((CTX_ROWS_PER_CHUNK, GROWS), jnp.int32),
            pltpu.VMEM((CTX_ROWS_PER_CHUNK, GROWS), jnp.int32),
            pltpu.VMEM((IDS_CHUNK, EMB), jnp.float32),
            pltpu.VMEM((IDS_CHUNK, EMB), jnp.float32),
            pltpu.VMEM((IDS_CHUNK, EMB), jnp.float32),
            pltpu.VMEM((NSEG_CHUNK, EMB), jnp.float32),
            pltpu.SemaphoreType.DMA,
        ],
        compiler_params=pltpu.CompilerParams(use_tc_tiling_on_sc=False),
    )
    return call(ctx2d, at2, c_last)


def kernel(context, A_tables, C_last):
    ctx2d = context.reshape(-1)
    at2 = A_tables.reshape(3 * NWORDS, EMB)
    out = _encoder_sc(ctx2d, at2, C_last)
    return out.reshape(B, M, EMB)

# --- scband reference (transcript-rebuilt; emitter-appended) ---
"""Pipeline reference for scband-encoder-7962869366885 (READ-ONLY COPY).

The authoritative reference and input builder live on the scoring server;
editing this copy changes nothing except your own understanding.
"""

import jax, jax.numpy as jnp
import numpy as np


def setup_inputs(seed: int = 0) -> dict:
    key = jax.random.key(seed)
    k1, k2, k3 = jax.random.split(key, 3)
    B, M, S = 1024, 50, 20
    hops, nwords, emb = 3, 100000, 32
    context = jax.random.randint(k1, (B, M, S), 0, nwords, dtype=jnp.int64 if jax.config.jax_enable_x64 else jnp.int32).astype(jnp.int32)
    # Learned parameters: hops A-tables plus the last C-table (C[i] is tied to A[i+1]).
    A_tables = jax.random.normal(k2, (hops, nwords, emb), dtype=jnp.float32)
    C_last = jax.random.normal(k3, (nwords, emb), dtype=jnp.float32)
    return {"context": context, "A_tables": A_tables, "C_last": C_last}


def reference(context, A_tables, C_last):
    hops = A_tables.shape[0]
    B, M, S = context.shape
    emb = A_tables.shape[-1]
    q0 = jnp.zeros((B, M, emb), dtype=jnp.float32)
    ctx = context.reshape(B, -1)
    C_tables = jnp.concatenate([A_tables[1:], C_last[None]], axis=0)

    def body(q, tables):
        Aw, Cw = tables
        A = jnp.take(Aw, ctx, axis=0).reshape(B, M, S, emb)
        A = jnp.sum(A, axis=2)
        attn = jax.nn.softmax(A * q, axis=2)
        C = jnp.take(Cw, ctx, axis=0).reshape(B, M, S, emb)
        C = jnp.sum(C, axis=2)
        o = C * attn
        return q + o, o

    _, os_ = jax.lax.scan(body, q0, (A_tables, C_tables))
    return os_[-1]

if __name__ == "__main__":
    import jax
    _d = setup_inputs()
    print(jax.jit(kernel)(*tuple(_d.values())))

</pallas_src>

<mosaic_0001>
#map = affine_map<(d0, d1) -> (0)>
#map1 = affine_map<(d0, d1) -> (0, 0)>
module attributes {stable_mosaic.version = 14 : i64} {
  func.func @_encoder_body(%arg0: i32, %arg1: i32, %arg2: memref<1024000xi32, #tpu.memory_space<hbm>>, %arg3: memref<300000x32xf32, #tpu.memory_space<hbm>>, %arg4: memref<100000x32xf32, #tpu.memory_space<hbm>>, %arg5: memref<51200x32xf32, #tpu.memory_space<hbm>>, %arg6: memref<1280xi32, #tpu.memory_space<vmem>>, %arg7: memref<10x128xi32, #tpu.memory_space<vmem>>, %arg8: memref<10x128xi32, #tpu.memory_space<vmem>>, %arg9: memref<10x128xi32, #tpu.memory_space<vmem>>, %arg10: memref<1280x32xf32, #tpu.memory_space<vmem>>, %arg11: memref<1280x32xf32, #tpu.memory_space<vmem>>, %arg12: memref<1280x32xf32, #tpu.memory_space<vmem>>, %arg13: memref<64x32xf32, #tpu.memory_space<vmem>>, %arg14: memref<!tpu.dma_semaphore, #tpu.memory_space<semaphore_mem>>) attributes {dimension_semantics = [#tpu.dimension_semantics<core_parallel>, #tpu.dimension_semantics<subcore_parallel>], iteration_bounds = array<i64: 2, 16>, scalar_prefetch = 0 : i64, scratch_operands = 9 : i64, tpu.core_type = #tpu.core_type<sc_vector_subcore>, window_params = [{transform_indices = #map}, {transform_indices = #map1}, {transform_indices = #map1}, {transform_indices = #map1}]} {
    %mul3A = arith.constant 2 : i32
    %mul3A_0 = arith.muli %arg1, %mul3A : i32
    %add3A = arith.addi %mul3A_0, %arg0 : i32
    %scan3A = arith.constant 0 : i32
    %scan3A_1 = arith.constant 25 : i32
    %scan3A_2 = arith.addi %scan3A, %scan3A_1 : i32
    %scan3A_3 = arith.constant 1 : i32
    scf.for %scan3A_5 = %scan3A to %scan3A_2 step %scan3A_3  : i32 {
      %mul3A_6 = arith.constant 1 : i32
      %mul3A_7 = arith.muli %scan3A_5, %mul3A_6 : i32
      %add3A_8 = arith.constant 0 : i32
      %add3A_9 = arith.addi %add3A_8, %mul3A_7 : i32
      %mul3A_10 = arith.constant 32000 : i32
      %mul3A_11 = arith.muli %add3A, %mul3A_10 : i32
      %mul3A_12 = arith.constant 1280 : i32
      %mul3A_13 = arith.muli %add3A_9, %mul3A_12 : i32
      %add3A_14 = arith.addi %mul3A_11, %mul3A_13 : i32
      "tpu.region"() ({
        %run_scoped3A = tpu.sem_alloc : memref<!tpu.dma_semaphore, #tpu.memory_space<semaphore_mem>>
        %dma_start3A_2781 = tpu.memref_slice %arg2[%add3A_14] : memref<1024000xi32, #tpu.memory_space<hbm>> -> memref<1280xi32, #tpu.memory_space<hbm>>
        %dma_start3A_2782 = tpu.memref_slice %arg2[%add3A_14] : memref<1024000xi32, #tpu.memory_space<hbm>> -> memref<1280xi32, #tpu.memory_space<hbm>>
        tpu.enqueue_dma source(%dma_start3A_2782 : memref<1280xi32, #tpu.memory_space<hbm>>) target(%arg6 : memref<1280xi32, #tpu.memory_space<vmem>>) target_semaphore(%run_scoped3A : memref<!tpu.dma_semaphore, #tpu.memory_space<semaphore_mem>>)
        %dma_wait3A_2783 = tpu.memref_slice %arg2[%add3A_14] : memref<1024000xi32, #tpu.memory_space<hbm>> -> memref<1280xi32, #tpu.memory_space<hbm>>
        %dma_wait3A_2784 = tpu.memref_slice %arg2[%add3A_14] : memref<1024000xi32, #tpu.memory_space<hbm>> -> memref<1280xi32, #tpu.memory_space<hbm>>
        tpu.wait_dma2 semaphore(%run_scoped3A : memref<!tpu.dma_semaphore, #tpu.memory_space<semaphore_mem>>) src(%dma_wait3A_2784 : memref<1280xi32, #tpu.memory_space<hbm>>) dst(%arg6 : memref<1280xi32, #tpu.memory_space<vmem>>)
        tpu.yield
      }) : () -> ()
      %get3A = arith.constant 0 : index
      %get3A_15 = tpu.vector_load %arg6[%get3A] {strides = array<i32>} : memref<1280xi32, #tpu.memory_space<vmem>>, vector<16xi32>,
      %get3A_16 = vector.shape_cast %get3A_15 : vector<16xi32> to vector<16xi32>
      %swap3A = arith.constant 0 : i32
      %swap3A_17 = arith.index_cast %swap3A : i32 to index
      %swap3A_18 = arith.constant 0 : index
      %swap3A_19 = tpu.vector_load %arg7[%swap3A_17, %swap3A_18] {strides = array<i32>} : memref<10x128xi32, #tpu.memory_space<vmem>>, vector<1x16xi32>,
      %swap3A_20 = vector.shape_cast %swap3A_19 : vector<1x16xi32> to vector<16xi32>
      %swap3A_21 = vector.shape_cast %get3A_16 : vector<16xi32> to vector<1x16xi32>
      tpu.vector_store %arg7[%swap3A_17, %swap3A_18], %swap3A_21 {strides = array<i32>} : memref<10x128xi32, #tpu.memory_space<vmem>>, vector<1x16xi32>,
      %add3A_22 = arith.constant 100000 : i32
      %add3A_23 = vector.broadcast %add3A_22 : i32 to vector<16xi32>
      %add3A_24 = arith.addi %get3A_16, %add3A_23 : vector<16xi32>
      %swap3A_25 = arith.constant 0 : i32
      %swap3A_26 = arith.index_cast %swap3A_25 : i32 to index
      %swap3A_27 = arith.constant 0 : index
      %swap3A_28 = tpu.vector_load %arg8[%swap3A_26, %swap3A_27] {strides = array<i32>} : memref<10x128xi32, #tpu.memory_space<vmem>>, vector<1x16xi32>,
      %swap3A_29 = vector.shape_cast %swap3A_28 : vector<1x16xi32> to vector<16xi32>
      %swap3A_30 = vector.shape_cast %add3A_24 : vector<16xi32> to vector<1x16xi32>
      tpu.vector_store %arg8[%swap3A_26, %swap3A_27], %swap3A_30 {strides = array<i32>} : memref<10x128xi32, #tpu.memory_space<vmem>>, vector<1x16xi32>,
      %add3A_31 = arith.constant 200000 : i32
      %add3A_32 = vector.broadcast %add3A_31 : i32 to vector<16xi32>
      %add3A_33 = arith.addi %get3A_16, %add3A_32 : vector<16xi32>
      %swap3A_34 = arith.constant 0 : i32
      %swap3A_35 = arith.index_cast %swap3A_34 : i32 to index
      %swap3A_36 = arith.constant 0 : index
      %swap3A_37 = tpu.vector_load %arg9[%swap3A_35, %swap3A_36] {strides = array<i32>} : memref<10x128xi32, #tpu.memory_space<vmem>>, vector<1x16xi32>,
      %swap3A_38 = vector.shape_cast %swap3A_37 : vector<1x16xi32> to vector<16xi32>
      %swap3A_39 = vector.shape_cast %add3A_33 : vector<16xi32> to vector<1x16xi32>
      tpu.vector_store %arg9[%swap3A_35, %swap3A_36], %swap3A_39 {strides = array<i32>} : memref<10x128xi32, #tpu.memory_space<vmem>>, vector<1x16xi32>,
      %get3A_40 = arith.constant 16 : index
      %get3A_41 = tpu.vector_load %arg6[%get3A_40] {strides = array<i32>} : memref<1280xi32, #tpu.memory_space<vmem>>, vector<16xi32>,
      %get3A_42 = vector.shape_cast %get3A_41 : vector<16xi32> to vector<16xi32>
      %swap3A_43 = arith.constant 0 : i32
      %swap3A_44 = arith.index_cast %swap3A_43 : i32 to index
      %swap3A_45 = arith.constant 16 : index
      %swap3A_46 = tpu.vector_load %arg7[%swap3A_44, %swap3A_45] {strides = array<i32>} : memref<10x128xi32, #tpu.memory_space<vmem>>, vector<1x16xi32>,
      %swap3A_47 = vector.shape_cast %swap3A_46 : vector<1x16xi32> to vector<16xi32>
      %swap3A_48 = vector.shape_cast %get3A_42 : vector<16xi32> to vector<1x16xi32>
      tpu.vector_store %arg7[%swap3A_44, %swap3A_45], %swap3A_48 {strides = array<i32>} : memref<10x128xi32, #tpu.memory_space<vmem>>, vector<1x16xi32>,
      %add3A_49 = arith.constant 100000 : i32
      %add3A_50 = vector.broadcast %add3A_49 : i32 to vector<16xi32>
      %add3A_51 = arith.addi %get3A_42, %add3A_50 : vector<16xi32>
      %swap3A_52 = arith.constant 0 : i32
      %swap3A_53 = arith.index_cast %swap3A_52 : i32 to index
      %swap3A_54 = arith.constant 16 : index
      %swap3A_55 = tpu.vector_load %arg8[%swap3A_53, %swap3A_54] {strides = array<i32>} : memref<10x128xi32, #tpu.memory_space<vmem>>, vector<1x16xi32>,
      %swap3A_56 = vector.shape_cast %swap3A_55 : vector<1x16xi32> to vector<16xi32>
      %swap3A_57 = vector.shape_cast %add3A_51 : vector<16xi32> to vector<1x16xi32>
      tpu.vector_store %arg8[%swap3A_53, %swap3A_54], %swap3A_57 {strides = array<i32>} : memref<10x128xi32, #tpu.memory_space<vmem>>, vector<1x16xi32>,
      %add3A_58 = arith.constant 200000 : i32
      %add3A_59 = vector.broadcast %add3A_58 : i32 to vector<16xi32>
      %add3A_60 = arith.addi %get3A_42, %add3A_59 : vector<16xi32>
      %swap3A_61 = arith.constant 0 : i32
      %swap3A_62 = arith.index_cast %swap3A_61 : i32 to index
      %swap3A_63 = arith.constant 16 : index
      %swap3A_64 = tpu.vector_load %arg9[%swap3A_62, %swap3A_63] {strides = array<i32>} : memref<10x128xi32, #tpu.memory_space<vmem>>, vector<1x16xi32>,
      %swap3A_65 = vector.shape_cast %swap3A_64 : vector<1x16xi32> to vector<16xi32>
      %swap3A_66 = vector.shape_cast %add3A_60 : vector<16xi32> to vector<1x16xi32>
      tpu.vector_store %arg9[%swap3A_62, %swap3A_63], %swap3A_66 {strides = array<i32>} : memref<10x128xi32, #tpu.memory_space<vmem>>, vector<1x16xi32>,
      %get3A_67 = arith.constant 32 : index
      %get3A_68 = tpu.vector_load %arg6[%get3A_67] {strides = array<i32>} : memref<1280xi32, #tpu.memory_space<vmem>>, vector<16xi32>,
      %get3A_69 = vector.shape_cast %get3A_68 : vector<16xi32> to vector<16xi32>
      %swap3A_70 = arith.constant 0 : i32
      %swap3A_71 = arith.index_cast %swap3A_70 : i32 to index
      %swap3A_72 = arith.constant 32 : index
      %swap3A_73 = tpu.vector_load %arg7[%swap3A_71, %swap3A_72] {strides = array<i32>} : memref<10x128xi32, #tpu.memory_space<vmem>>, vector<1x16xi32>,
      %swap3A_74 = vector.shape_cast %swap3A_73 : vector<1x16xi32> to vector<16xi32>
      %swap3A_75 = vector.shape_cast %get3A_69 : vector<16xi32> to vector<1x16xi32>
      tpu.vector_store %arg7[%swap3A_71, %swap3A_72], %swap3A_75 {strides = array<i32>} : memref<10x128xi32, #tpu.memory_space<vmem>>, vector<1x16xi32>,
      %add3A_76 = arith.constant 100000 : i32
      %add3A_77 = vector.broadcast %add3A_76 : i32 to vector<16xi32>
      %add3A_78 = arith.addi %get3A_69, %add3A_77 : vector<16xi32>
      %swap3A_79 = arith.constant 0 : i32
      %swap3A_80 = arith.index_cast %swap3A_79 : i32 to index
      %swap3A_81 = arith.constant 32 : index
      %swap3A_82 = tpu.vector_load %arg8[%swap3A_80, %swap3A_81] {strides = array<i32>} : memref<10x128xi32, #tpu.memory_space<vmem>>, vector<1x16xi32>,
      %swap3A_83 = vector.shape_cast %swap3A_82 : vector<1x16xi32> to vector<16xi32>
      %swap3A_84 = vector.shape_cast %add3A_78 : vector<16xi32> to vector<1x16xi32>
      tpu.vector_store %arg8[%swap3A_80, %swap3A_81], %swap3A_84 {strides = array<i32>} : memref<10x128xi32, #tpu.memory_space<vmem>>, vector<1x16xi32>,
      %add3A_85 = arith.constant 200000 : i32
      %add3A_86 = vector.broadcast %add3A_85 : i32 to vector<16xi32>
      %add3A_87 = arith.addi %get3A_69, %add3A_86 : vector<16xi32>
      %swap3A_88 = arith.constant 0 : i32
      %swap3A_89 = arith.index_cast %swap3A_88 : i32 to index
      %swap3A_90 = arith.constant 32 : index
      %swap3A_91 = tpu.vector_load %arg9[%swap3A_89, %swap3A_90] {strides = array<i32>} : memref<10x128xi32, #tpu.memory_space<vmem>>, vector<1x16xi32>,
      %swap3A_92 = vector.shape_cast %swap3A_91 : vector<1x16xi32> to vector<16xi32>
      %swap3A_93 = vector.shape_cast %add3A_87 : vector<16xi32> to vector<1x16xi32>
      tpu.vector_store %arg9[%swap3A_89, %swap3A_90], %swap3A_93 {strides = array<i32>} : memref<10x128xi32, #tpu.memory_space<vmem>>, vector<1x16xi32>,
      %get3A_94 = arith.constant 48 : index
      %get3A_95 = tpu.vector_load %arg6[%get3A_94] {strides = array<i32>} : memref<1280xi32, #tpu.memory_space<vmem>>, vector<16xi32>,
      %get3A_96 = vector.shape_cast %get3A_95 : vector<16xi32> to vector<16xi32>
      %swap3A_97 = arith.constant 0 : i32
      %swap3A_98 = arith.index_cast %swap3A_97 : i32 to index
      %swap3A_99 = arith.constant 48 : index
      %swap3A_100 = tpu.vector_load %arg7[%swap3A_98, %swap3A_99] {strides = array<i32>} : memref<10x128xi32, #tpu.memory_space<vmem>>, vector<1x16xi32>,
      %swap3A_101 = vector.shape_cast %swap3A_100 : vector<1x16xi32> to vector<16xi32>
      %swap3A_102 = vector.shape_cast %get3A_96 : vector<16xi32> to vector<1x16xi32>
      tpu.vector_store %arg7[%swap3A_98, %swap3A_99], %swap3A_102 {strides = array<i32>} : memref<10x128xi32, #tpu.memory_space<vmem>>, vector<1x16xi32>,
      %add3A_103 = arith.constant 100000 : i32
      %add3A_104 = vector.broadcast %add3A_103 : i32 to vector<16xi32>
      %add3A_105 = arith.addi %get3A_96, %add3A_104 : vector<16xi32>
      %swap3A_106 = arith.constant 0 : i32
      %swap3A_107 = arith.index_cast %swap3A_106 : i32 to index
      %swap3A_108 = arith.constant 48 : index
      %swap3A_109 = tpu.vector_load %arg8[%swap3A_107, %swap3A_108] {strides = array<i32>} : memref<10x128xi32, #tpu.memory_space<vmem>>, vector<1x16xi32>,
      %swap3A_110 = vector.shape_cast %swap3A_109 : vector<1x16xi32> to vector<16xi32>
      %swap3A_111 = vector.shape_cast %add3A_105 : vector<16xi32> to vector<1x16xi32>
      tpu.vector_store %arg8[%swap3A_107, %swap3A_108], %swap3A_111 {strides = array<i32>} : memref<10x128xi32, #tpu.memory_space<vmem>>, vector<1x16xi32>,
      %add3A_112 = arith.constant 200000 : i32
      %add3A_113 = vector.broadcast %add3A_112 : i32 to vector<16xi32>
      %add3A_114 = arith.addi %get3A_96, %add3A_113 : vector<16xi32>
      %swap3A_115 = arith.constant 0 : i32
      %swap3A_116 = arith.index_cast %swap3A_115 : i32 to index
      %swap3A_117 = arith.constant 48 : index
      %swap3A_118 = tpu.vector_load %arg9[%swap3A_116, %swap3A_117] {strides = array<i32>} : memref<10x128xi32, #tpu.memory_space<vmem>>, vector<1x16xi32>,
      %swap3A_119 = vector.shape_cast %swap3A_118 : vector<1x16xi32> to vector<16xi32>
      %swap3A_120 = vector.shape_cast %add3A_114 : vector<16xi32> to vector<1x16xi32>
      tpu.vector_store %arg9[%swap3A_116, %swap3A_117], %swap3A_120 {strides = array<i32>} : memref<10x128xi32, #tpu.memory_space<vmem>>, vector<1x16xi32>,
      %get3A_121 = arith.constant 64 : index
      %get3A_122 = tpu.vector_load %arg6[%get3A_121] {strides = array<i32>} : memref<1280xi32, #tpu.memory_space<vmem>>, vector<16xi32>,
      %get3A_123 = vector.shape_cast %get3A_122 : vector<16xi32> to vector<16xi32>
      %swap3A_124 = arith.constant 0 : i32
      %swap3A_125 = arith.index_cast %swap3A_124 : i32 to index
      %swap3A_126 = arith.constant 64 : index
      %swap3A_127 = tpu.vector_load %arg7[%swap3A_125, %swap3A_126] {strides = array<i32>} : memref<10x128xi32, #tpu.memory_space<vmem>>, vector<1x16xi32>,
      %swap3A_128 = vector.shape_cast %swap3A_127 : vector<1x16xi32> to vector<16xi32>
      %swap3A_129 = vector.shape_cast %get3A_123 : vector<16xi32> to vector<1x16xi32>
      tpu.vector_store %arg7[%swap3A_125, %swap3A_126], %swap3A_129 {strides = array<i32>} : memref<10x128xi32, #tpu.memory_space<vmem>>, vector<1x16xi32>,
      %add3A_130 = arith.constant 100000 : i32
      %add3A_131 = vector.broadcast %add3A_130 : i32 to vector<16xi32>
      %add3A_132 = arith.addi %get3A_123, %add3A_131 : vector<16xi32>
      %swap3A_133 = arith.constant 0 : i32
      %swap3A_134 = arith.index_cast %swap3A_133 : i32 to index
      %swap3A_135 = arith.constant 64 : index
      %swap3A_136 = tpu.vector_load %arg8[%swap3A_134, %swap3A_135] {strides = array<i32>} : memref<10x128xi32, #tpu.memory_space<vmem>>, vector<1x16xi32>,
      %swap3A_137 = vector.shape_cast %swap3A_136 : vector<1x16xi32> to vector<16xi32>
      %swap3A_138 = vector.shape_cast %add3A_132 : vector<16xi32> to vector<1x16xi32>
      tpu.vector_store %arg8[%swap3A_134, %swap3A_135], %swap3A_138 {strides = array<i32>} : memref<10x128xi32, #tpu.memory_space<vmem>>, vector<1x16xi32>,
      %add3A_139 = arith.constant 200000 : i32
      %add3A_140 = vector.broadcast %add3A_139 : i32 to vector<16xi32>
      %add3A_141 = arith.addi %get3A_123, %add3A_140 : vector<16xi32>
      %swap3A_142 = arith.constant 0 : i32
      %swap3A_143 = arith.index_cast %swap3A_142 : i32 to index
      %swap3A_144 = arith.constant 64 : index
      %swap3A_145 = tpu.vector_load %arg9[%swap3A_143, %swap3A_144] {strides = array<i32>} : memref<10x128xi32, #tpu.memory_space<vmem>>, vector<1x16xi32>,
      %swap3A_146 = vector.shape_cast %swap3A_145 : vector<1x16xi32> to vector<16xi32>
      %swap3A_147 = vector.shape_cast %add3A_141 : vector<16xi32> to vector<1x16xi32>
      tpu.vector_store %arg9[%swap3A_143, %swap3A_144], %swap3A_147 {strides = array<i32>} : memref<10x128xi32, #tpu.memory_space<vmem>>, vector<1x16xi32>,
      %get3A_148 = arith.constant 80 : index
      %get3A_149 = tpu.vector_load %arg6[%get3A_148] {strides = array<i32>} : memref<1280xi32, #tpu.memory_space<vmem>>, vector<16xi32>,
      %get3A_150 = vector.shape_cast %get3A_149 : vector<16xi32> to vector<16xi32>
      %swap3A_151 = arith.constant 0 : i32
      %swap3A_152 = arith.index_cast %swap3A_151 : i32 to index
      %swap3A_153 = arith.constant 80 : index
      %swap3A_154 = tpu.vector_load %arg7[%swap3A_152, %swap3A_153] {strides = array<i32>} : memref<10x128xi32, #tpu.memory_space<vmem>>, vector<1x16xi32>,
      %swap3A_155 = vector.shape_cast %swap3A_154 : vector<1x16xi32> to vector<16xi32>
      %swap3A_156 = vector.shape_cast %get3A_150 : vector<16xi32> to vector<1x16xi32>
      tpu.vector_store %arg7[%swap3A_152, %swap3A_153], %swap3A_156 {strides = array<i32>} : memref<10x128xi32, #tpu.memory_space<vmem>>, vector<1x16xi32>,
      %add3A_157 = arith.constant 100000 : i32
      %add3A_158 = vector.broadcast %add3A_157 : i32 to vector<16xi32>
      %add3A_159 = arith.addi %get3A_150, %add3A_158 : vector<16xi32>
      %swap3A_160 = arith.constant 0 : i32
      %swap3A_161 = arith.index_cast %swap3A_160 : i32 to index
      %swap3A_162 = arith.constant 80 : index
      %swap3A_163 = tpu.vector_load %arg8[%swap3A_161, %swap3A_162] {strides = array<i32>} : memref<10x128xi32, #tpu.memory_space<vmem>>, vector<1x16xi32>,
      %swap3A_164 = vector.shape_cast %swap3A_163 : vector<1x16xi32> to vector<16xi32>
      %swap3A_165 = vector.shape_cast %add3A_159 : vector<16xi32> to vector<1x16xi32>
      tpu.vector_store %arg8[%swap3A_161, %swap3A_162], %swap3A_165 {strides = array<i32>} : memref<10x128xi32, #tpu.memory_space<vmem>>, vector<1x16xi32>,
      %add3A_166 = arith.constant 200000 : i32
      %add3A_167 = vector.broadcast %add3A_166 : i32 to vector<16xi32>
      %add3A_168 = arith.addi %get3A_150, %add3A_167 : vector<16xi32>
      %swap3A_169 = arith.constant 0 : i32
      %swap3A_170 = arith.index_cast %swap3A_169 : i32 to index
      %swap3A_171 = arith.constant 80 : index
      %swap3A_172 = tpu.vector_load %arg9[%swap3A_170, %swap3A_171] {strides = array<i32>} : memref<10x128xi32, #tpu.memory_space<vmem>>, vector<1x16xi32>,
      %swap3A_173 = vector.shape_cast %swap3A_172 : vector<1x16xi32> to vector<16xi32>
      %swap3A_174 = vector.shape_cast %add3A_168 : vector<16xi32> to vector<1x16xi32>
      tpu.vector_store %arg9[%swap3A_170, %swap3A_171], %swap3A_174 {strides = array<i32>} : memref<10x128xi32, #tpu.memory_space<vmem>>, vector<1x16xi32>,
      %get3A_175 = arith.constant 96 : index
      %get3A_176 = tpu.vector_load %arg6[%get3A_175] {strides = array<i32>} : memref<1280xi32, #tpu.memory_space<vmem>>, vector<16xi32>,
      %get3A_177 = vector.shape_cast %get3A_176 : vector<16xi32> to vector<16xi32>
      %swap3A_178 = arith.constant 0 : i32
      %swap3A_179 = arith.index_cast %swap3A_178 : i32 to index
      %swap3A_180 = arith.constant 96 : index
      %swap3A_181 = tpu.vector_load %arg7[%swap3A_179, %swap3A_180] {strides = array<i32>} : memref<10x128xi32, #tpu.memory_space<vmem>>, vector<1x16xi32>,
      %swap3A_182 = vector.shape_cast %swap3A_181 : vector<1x16xi32> to vector<16xi32>
      %swap3A_183 = vector.shape_cast %get3A_177 : vector<16xi32> to vector<1x16xi32>
      tpu.vector_store %arg7[%swap3A_179, %swap3A_180], %swap3A_183 {strides = array<i32>} : memref<10x128xi32, #tpu.memory_space<vmem>>, vector<1x16xi32>,
      %add3A_184 = arith.constant 100000 : i32
      %add3A_185 = vector.broadcast %add3A_184 : i32 to vector<16xi32>
      %add3A_186 = arith.addi %get3A_177, %add3A_185 : vector<16xi32>
      %swap3A_187 = arith.constant 0 : i32
      %swap3A_188 = arith.index_cast %swap3A_187 : i32 to index
      %swap3A_189 = arith.constant 96 : index
      %swap3A_190 = tpu.vector_load %arg8[%swap3A_188, %swap3A_189] {strides = array<i32>} : memref<10x128xi32, #tpu.memory_space<vmem>>, vector<1x16xi32>,
      %swap3A_191 = vector.shape_cast %swap3A_190 : vector<1x16xi32> to vector<16xi32>
      %swap3A_192 = vector.shape_cast %add3A_186 : vector<16xi32> to vector<1x16xi32>
      tpu.vector_store %arg8[%swap3A_188, %swap3A_189], %swap3A_192 {strides = array<i32>} : memref<10x128xi32, #tpu.memory_space<vmem>>, vector<1x16xi32>,
      %add3A_193 = arith.constant 200000 : i32
      %add3A_194 = vector.broadcast %add3A_193 : i32 to vector<16xi32>
      %add3A_195 = arith.addi %get3A_177, %add3A_194 : vector<16xi32>
      %swap3A_196 = arith.constant 0 : i32
      %swap3A_197 = arith.index_cast %swap3A_196 : i32 to index
      %swap3A_198 = arith.constant 96 : index
      %swap3A_199 = tpu.vector_load %arg9[%swap3A_197, %swap3A_198] {strides = array<i32>} : memref<10x128xi32, #tpu.memory_space<vmem>>, vector<1x16xi32>,
      %swap3A_200 = vector.shape_cast %swap3A_199 : vector<1x16xi32> to vector<16xi32>
      %swap3A_201 = vector.shape_cast %add3A_195 : vector<16xi32> to vector<1x16xi32>
      tpu.vector_store %arg9[%swap3A_197, %swap3A_198], %swap3A_201 {strides = array<i32>} : memref<10x128xi32, #tpu.memory_space<vmem>>, vector<1x16xi32>,
      %get3A_202 = arith.constant 112 : index
      %get3A_203 = tpu.vector_load %arg6[%get3A_202] {strides = array<i32>} : memref<1280xi32, #tpu.memory_space<vmem>>, vector<16xi32>,
      %get3A_204 = vector.shape_cast %get3A_203 : vector<16xi32> to vector<16xi32>
      %swap3A_205 = arith.constant 0 : i32
      %swap3A_206 = arith.index_cast %swap3A_205 : i32 to index
      %swap3A_207 = arith.constant 112 : index
      %swap3A_208 = tpu.vector_load %arg7[%swap3A_206, %swap3A_207] {strides = array<i32>} : memref<10x128xi32, #tpu.memory_space<vmem>>, vector<1x16xi32>,
      %swap3A_209 = vector.shape_cast %swap3A_208 : vector<1x16xi32> to vector<16xi32>
      %swap3A_210 = vector.shape_cast %get3A_204 : vector<16xi32> to vector<1x16xi32>
      tpu.vector_store %arg7[%swap3A_206, %swap3A_207], %swap3A_210 {strides = array<i32>} : memref<10x128xi32, #tpu.memory_space<vmem>>, vector<1x16xi32>,
      %add3A_211 = arith.constant 100000 : i32
      %add3A_212 = vector.broadcast %add3A_211 : i32 to vector<16xi32>
      %add3A_213 = arith.addi %get3A_204, %add3A_212 : vector<16xi32>
      %swap3A_214 = arith.constant 0 : i32
      %swap3A_215 = arith.index_cast %swap3A_214 : i32 to index
      %swap3A_216 = arith.constant 112 : index
      %swap3A_217 = tpu.vector_load %arg8[%swap3A_215, %swap3A_216] {strides = array<i32>} : memref<10x128xi32, #tpu.memory_space<vmem>>, vector<1x16xi32>,
      %swap3A_218 = vector.shape_cast %swap3A_217 : vector<1x16xi32> to vector<16xi32>
      %swap3A_219 = vector.shape_cast %add3A_213 : vector<16xi32> to vector<1x16xi32>
      tpu.vector_store %arg8[%swap3A_215, %swap3A_216], %swap3A_219 {strides = array<i32>} : memref<10x128xi32, #tpu.memory_space<vmem>>, vector<1x16xi32>,
      %add3A_220 = arith.constant 200000 : i32
      %add3A_221 = vector.broadcast %add3A_220 : i32 to vector<16xi32>
      %add3A_222 = arith.addi %get3A_204, %add3A_221 : vector<16xi32>
      %swap3A_223 = arith.constant 0 : i32
      %swap3A_224 = arith.index_cast %swap3A_223 : i32 to index
      %swap3A_225 = arith.constant 112 : index
      %swap3A_226 = tpu.vector_load %arg9[%swap3A_224, %swap3A_225] {strides = array<i32>} : memref<10x128xi32, #tpu.memory_space<vmem>>, vector<1x16xi32>,
      %swap3A_227 = vector.shape_cast %swap3A_226 : vector<1x16xi32> to vector<16xi32>
      %swap3A_228 = vector.shape_cast %add3A_222 : vector<16xi32> to vector<1x16xi32>
      tpu.vector_store %arg9[%swap3A_224, %swap3A_225], %swap3A_228 {strides = array<i32>} : memref<10x128xi32, #tpu.memory_space<vmem>>, vector<1x16xi32>,
      %get3A_229 = arith.constant 128 : index
      %get3A_230 = tpu.vector_load %arg6[%get3A_229] {strides = array<i32>} : memref<1280xi32, #tpu.memory_space<vmem>>, vector<16xi32>,
      %get3A_231 = vector.shape_cast %get3A_230 : vector<16xi32> to vector<16xi32>
      %swap3A_232 = arith.constant 1 : i32
      %swap3A_233 = arith.index_cast %swap3A_232 : i32 to index
      %swap3A_234 = arith.constant 0 : index
      %swap3A_235 = tpu.vector_load %arg7[%swap3A_233, %swap3A_234] {strides = array<i32>} : memref<10x128xi32, #tpu.memory_space<vmem>>, vector<1x16xi32>,
      %swap3A_236 = vector.shape_cast %swap3A_235 : vector<1x16xi32> to vector<16xi32>
      %swap3A_237 = vector.shape_cast %get3A_231 : vector<16xi32> to vector<1x16xi32>
      tpu.vector_store %arg7[%swap3A_233, %swap3A_234], %swap3A_237 {strides = array<i32>} : memref<10x128xi32, #tpu.memory_space<vmem>>, vector<1x16xi32>,
      %add3A_238 = arith.constant 100000 : i32
      %add3A_239 = vector.broadcast %add3A_238 : i32 to vector<16xi32>
      %add3A_240 = arith.addi %get3A_231, %add3A_239 : vector<16xi32>
      %swap3A_241 = arith.constant 1 : i32
      %swap3A_242 = arith.index_cast %swap3A_241 : i32 to index
      %swap3A_243 = arith.constant 0 : index
      %swap3A_244 = tpu.vector_load %arg8[%swap3A_242, %swap3A_243] {strides = array<i32>} : memref<10x128xi32, #tpu.memory_space<vmem>>, vector<1x16xi32>,
      %swap3A_245 = vector.shape_cast %swap3A_244 : vector<1x16xi32> to vector<16xi32>
      %swap3A_246 = vector.shape_cast %add3A_240 : vector<16xi32> to vector<1x16xi32>
      tpu.vector_store %arg8[%swap3A_242, %swap3A_243], %swap3A_246 {strides = array<i32>} : memref<10x128xi32, #tpu.memory_space<vmem>>, vector<1x16xi32>,
      %add3A_247 = arith.constant 200000 : i32
      %add3A_248 = vector.broadcast %add3A_247 : i32 to vector<16xi32>
      %add3A_249 = arith.addi %get3A_231, %add3A_248 : vector<16xi32>
      %swap3A_250 = arith.constant 1 : i32
      %swap3A_251 = arith.index_cast %swap3A_250 : i32 to index
      %swap3A_252 = arith.constant 0 : index
      %swap3A_253 = tpu.vector_load %arg9[%swap3A_251, %swap3A_252] {strides = array<i32>} : memref<10x128xi32, #tpu.memory_space<vmem>>, vector<1x16xi32>,
      %swap3A_254 = vector.shape_cast %swap3A_253 : vector<1x16xi32> to vector<16xi32>
      %swap3A_255 = vector.shape_cast %add3A_249 : vector<16xi32> to vector<1x16xi32>
      tpu.vector_store %arg9[%swap3A_251, %swap3A_252], %swap3A_255 {strides = array<i32>} : memref<10x128xi32, #tpu.memory_space<vmem>>, vector<1x16xi32>,
      %get3A_256 = arith.constant 144 : index
      %get3A_257 = tpu.vector_load %arg6[%get3A_256] {strides = array<i32>} : memref<1280xi32, #tpu.memory_space<vmem>>, vector<16xi32>,
      %get3A_258 = vector.shape_cast %get3A_257 : vector<16xi32> to vector<16xi32>
      %swap3A_259 = arith.constant 1 : i32
      %swap3A_260 = arith.index_cast %swap3A_259 : i32 to index
      %swap3A_261 = arith.constant 16 : index
      %swap3A_262 = tpu.vector_load %arg7[%swap3A_260, %swap3A_261] {strides = array<i32>} : memref<10x128xi32, #tpu.memory_space<vmem>>, vector<1x16xi32>,
      %swap3A_263 = vector.shape_cast %swap3A_262 : vector<1x16xi32> to vector<16xi32>
      %swap3A_264 = vector.shape_cast %get3A_258 : vector<16xi32> to vector<1x16xi32>
      tpu.vector_store %arg7[%swap3A_260, %swap3A_261], %swap3A_264 {strides = array<i32>} : memref<10x128xi32, #tpu.memory_space<vmem>>, vector<1x16xi32>,
      %add3A_265 = arith.constant 100000 : i32
      %add3A_266 = vector.broadcast %add3A_265 : i32 to vector<16xi32>
      %add3A_267 = arith.addi %get3A_258, %add3A_266 : vector<16xi32>
      %swap3A_268 = arith.constant 1 : i32
      %swap3A_269 = arith.index_cast %swap3A_268 : i32 to index
      %swap3A_270 = arith.constant 16 : index
      %swap3A_271 = tpu.vector_load %arg8[%swap3A_269, %swap3A_270] {strides = array<i32>} : memref<10x128xi32, #tpu.memory_space<vmem>>, vector<1x16xi32>,
      %swap3A_272 = vector.shape_cast %swap3A_271 : vector<1x16xi32> to vector<16xi32>
      %swap3A_273 = vector.shape_cast %add3A_267 : vector<16xi32> to vector<1x16xi32>
      tpu.vector_store %arg8[%swap3A_269, %swap3A_270], %swap3A_273 {strides = array<i32>} : memref<10x128xi32, #tpu.memory_space<vmem>>, vector<1x16xi32>,
      %add3A_274 = arith.constant 200000 : i32
      %add3A_275 = vector.broadcast %add3A_274 : i32 to vector<16xi32>
      %add3A_276 = arith.addi %get3A_258, %add3A_275 : vector<16xi32>
      %swap3A_277 = arith.constant 1 : i32
      %swap3A_278 = arith.index_cast %swap3A_277 : i32 to index
      %swap3A_279 = arith.constant 16 : index
      %swap3A_280 = tpu.vector_load %arg9[%swap3A_278, %swap3A_279] {strides = array<i32>} : memref<10x128xi32, #tpu.memory_space<vmem>>, vector<1x16xi32>,
      %swap3A_281 = vector.shape_cast %swap3A_280 : vector<1x16xi32> to vector<16xi32>
      %swap3A_282 = vector.shape_cast %add3A_276 : vector<16xi32> to vector<1x16xi32>
      tpu.vector_store %arg9[%swap3A_278, %swap3A_279], %swap3A_282 {strides = array<i32>} : memref<10x128xi32, #tpu.memory_space<vmem>>, vector<1x16xi32>,
      %get3A_283 = arith.constant 160 : index
      %get3A_284 = tpu.vector_load %arg6[%get3A_283] {strides = array<i32>} : memref<1280xi32, #tpu.memory_space<vmem>>, vector<16xi32>,
      %get3A_285 = vector.shape_cast %get3A_284 : vector<16xi32> to vector<16xi32>
      %swap3A_286 = arith.constant 1 : i32
      %swap3A_287 = arith.index_cast %swap3A_286 : i32 to index
      %swap3A_288 = arith.constant 32 : index
      %swap3A_289 = tpu.vector_load %arg7[%swap3A_287, %swap3A_288] {strides = array<i32>} : memref<10x128xi32, #tpu.memory_space<vmem>>, vector<1x16xi32>,
      %swap3A_290 = vector.shape_cast %swap3A_289 : vector<1x16xi32> to vector<16xi32>
      %swap3A_291 = vector.shape_cast %get3A_285 : vector<16xi32> to vector<1x16xi32>
      tpu.vector_store %arg7[%swap3A_287, %swap3A_288], %swap3A_291 {strides = array<i32>} : memref<10x128xi32, #tpu.memory_space<vmem>>, vector<1x16xi32>,
      %add3A_292 = arith.constant 100000 : i32
      %add3A_293 = vector.broadcast %add3A_292 : i32 to vector<16xi32>
      %add3A_294 = arith.addi %get3A_285, %add3A_293 : vector<16xi32>
      %swap3A_295 = arith.constant 1 : i32
      %swap3A_296 = arith.index_cast %swap3A_295 : i32 to index
      %swap3A_297 = arith.constant 32 : index
      %swap3A_298 = tpu.vector_load %arg8[%swap3A_296, %swap3A_297] {strides = array<i32>} : memref<10x128xi32, #tpu.memory_space<vmem>>, vector<1x16xi32>,
      %swap3A_299 = vector.shape_cast %swap3A_298 : vector<1x16xi32> to vector<16xi32>
      %swap3A_300 = vector.shape_cast %add3A_294 : vector<16xi32> to vector<1x16xi32>
      tpu.vector_store %arg8[%swap3A_296, %swap3A_297], %swap3A_300 {strides = array<i32>} : memref<10x128xi32, #tpu.memory_space<vmem>>, vector<1x16xi32>,
      %add3A_301 = arith.constant 200000 : i32
      %add3A_302 = vector.broadcast %add3A_301 : i32 to vector<16xi32>
      %add3A_303 = arith.addi %get3A_285, %add3A_302 : vector<16xi32>
      %swap3A_304 = arith.constant 1 : i32
      %swap3A_305 = arith.index_cast %swap3A_304 : i32 to index
      %swap3A_306 = arith.constant 32 : index
      %swap3A_307 = tpu.vector_load %arg9[%swap3A_305, %swap3A_306] {strides = array<i32>} : memref<10x128xi32, #tpu.memory_space<vmem>>, vector<1x16xi32>,
      %swap3A_308 = vector.shape_cast %swap3A_307 : vector<1x16xi32> to vector<16xi32>
      %swap3A_309 = vector.shape_cast %add3A_303 : vector<16xi32> to vector<1x16xi32>
      tpu.vector_store %arg9[%swap3A_305, %swap3A_306], %swap3A_309 {strides = array<i32>} : memref<10x128xi32, #tpu.memory_space<vmem>>, vector<1x16xi32>,
      %get3A_310 = arith.constant 176 : index
      %get3A_311 = tpu.vector_load %arg6[%get3A_310] {strides = array<i32>} : memref<1280xi32, #tpu.memory_space<vmem>>, vector<16xi32>,
      %get3A_312 = vector.shape_cast %get3A_311 : vector<16xi32> to vector<16xi32>
      %swap3A_313 = arith.constant 1 : i32
      %swap3A_314 = arith.index_cast %swap3A_313 : i32 to index
      %swap3A_315 = arith.constant 48 : index
      %swap3A_316 = tpu.vector_load %arg7[%swap3A_314, %swap3A_315] {strides = array<i32>} : memref<10x128xi32, #tpu.memory_space<vmem>>, vector<1x16xi32>,
      %swap3A_317 = vector.shape_cast %swap3A_316 : vector<1x16xi32> to vector<16xi32>
      %swap3A_318 = vector.shape_cast %get3A_312 : vector<16xi32> to vector<1x16xi32>
      tpu.vector_store %arg7[%swap3A_314, %swap3A_315], %swap3A_318 {strides = array<i32>} : memref<10x128xi32, #tpu.memory_space<vmem>>, vector<1x16xi32>,
      %add3A_319 = arith.constant 100000 : i32
      %add3A_320 = vector.broadcast %add3A_319 : i32 to vector<16xi32>
      %add3A_321 = arith.addi %get3A_312, %add3A_320 : vector<16xi32>
      %swap3A_322 = arith.constant 1 : i32
      %swap3A_323 = arith.index_cast %swap3A_322 : i32 to index
      %swap3A_324 = arith.constant 48 : index
      %swap3A_325 = tpu.vector_load %arg8[%swap3A_323, %swap3A_324] {strides = array<i32>} : memref<10x128xi32, #tpu.memory_space<vmem>>, vector<1x16xi32>,
      %swap3A_326 = vector.shape_cast %swap3A_325 : vector<1x16xi32> to vector<16xi32>
      %swap3A_327 = vector.shape_cast %add3A_321 : vector<16xi32> to vector<1x16xi32>
      tpu.vector_store %arg8[%swap3A_323, %swap3A_324], %swap3A_327 {strides = array<i32>} : memref<10x128xi32, #tpu.memory_space<vmem>>, vector<1x16xi32>,
      %add3A_328 = arith.constant 200000 : i32
      %add3A_329 = vector.broadcast %add3A_328 : i32 to vector<16xi32>
      %add3A_330 = arith.addi %get3A_312, %add3A_329 : vector<16xi32>
      %swap3A_331 = arith.constant 1 : i32
      %swap3A_332 = arith.index_cast %swap3A_331 : i32 to index
      %swap3A_333 = arith.constant 48 : index
      %swap3A_334 = tpu.vector_load %arg9[%swap3A_332, %swap3A_333] {strides = array<i32>} : memref<10x128xi32, #tpu.memory_space<vmem>>, vector<1x16xi32>,
      %swap3A_335 = vector.shape_cast %swap3A_334 : vector<1x16xi32> to vector<16xi32>
      %swap3A_336 = vector.shape_cast %add3A_330 : vector<16xi32> to vector<1x16xi32>
      tpu.vector_store %arg9[%swap3A_332, %swap3A_333], %swap3A_336 {strides = array<i32>} : memref<10x128xi32, #tpu.memory_space<vmem>>, vector<1x16xi32>,
      %get3A_337 = arith.constant 192 : index
      %get3A_338 = tpu.vector_load %arg6[%get3A_337] {strides = array<i32>} : memref<1280xi32, #tpu.memory_space<vmem>>, vector<16xi32>,
      %get3A_339 = vector.shape_cast %get3A_338 : vector<16xi32> to vector<16xi32>
      %swap3A_340 = arith.constant 1 : i32
      %swap3A_341 = arith.index_cast %swap3A_340 : i32 to index
      %swap3A_342 = arith.constant 64 : index
      %swap3A_343 = tpu.vector_load %arg7[%swap3A_341, %swap3A_342] {strides = array<i32>} : memref<10x128xi32, #tpu.memory_space<vmem>>, vector<1x16xi32>,
      %swap3A_344 = vector.shape_cast %swap3A_343 : vector<1x16xi32> to vector<16xi32>
      %swap3A_345 = vector.shape_cast %get3A_339 : vector<16xi32> to vector<1x16xi32>
      tpu.vector_store %arg7[%swap3A_341, %swap3A_342], %swap3A_345 {strides = array<i32>} : memref<10x128xi32, #tpu.memory_space<vmem>>, vector<1x16xi32>,
      %add3A_346 = arith.constant 100000 : i32
      %add3A_347 = vector.broadcast %add3A_346 : i32 to vector<16xi32>
      %add3A_348 = arith.addi %get3A_339, %add3A_347 : vector<16xi32>
      %swap3A_349 = arith.constant 1 : i32
      %swap3A_350 = arith.index_cast %swap3A_349 : i32 to index
      %swap3A_351 = arith.constant 64 : index
      %swap3A_352 = tpu.vector_load %arg8[%swap3A_350, %swap3A_351] {strides = array<i32>} : memref<10x128xi32, #tpu.memory_space<vmem>>, vector<1x16xi32>,
      %swap3A_353 = vector.shape_cast %swap3A_352 : vector<1x16xi32> to vector<16xi32>
      %swap3A_354 = vector.shape_cast %add3A_348 : vector<16xi32> to vector<1x16xi32>
      tpu.vector_store %arg8[%swap3A_350, %swap3A_351], %swap3A_354 {strides = array<i32>} : memref<10x128xi32, #tpu.memory_space<vmem>>, vector<1x16xi32>,
      %add3A_355 = arith.constant 200000 : i32
      %add3A_356 = vector.broadcast %add3A_355 : i32 to vector<16xi32>
      %add3A_357 = arith.addi %get3A_339, %add3A_356 : vector<16xi32>
      %swap3A_358 = arith.constant 1 : i32
      %swap3A_359 = arith.index_cast %swap3A_358 : i32 to index
      %swap3A_360 = arith.constant 64 : index
      %swap3A_361 = tpu.vector_load %arg9[%swap3A_359, %swap3A_360] {strides = array<i32>} : memref<10x128xi32, #tpu.memory_space<vmem>>, vector<1x16xi32>,
      %swap3A_362 = vector.shape_cast %swap3A_361 : vector<1x16xi32> to vector<16xi32>
      %swap3A_363 = vector.shape_cast %add3A_357 : vector<16xi32> to vector<1x16xi32>
      tpu.vector_store %arg9[%swap3A_359, %swap3A_360], %swap3A_363 {strides = array<i32>} : memref<10x128xi32, #tpu.memory_space<vmem>>, vector<1x16xi32>,
      %get3A_364 = arith.constant 208 : index
      %get3A_365 = tpu.vector_load %arg6[%get3A_364] {strides = array<i32>} : memref<1280xi32, #tpu.memory_space<vmem>>, vector<16xi32>,
      %get3A_366 = vector.shape_cast %get3A_365 : vector<16xi32> to vector<16xi32>
      %swap3A_367 = arith.constant 1 : i32
      %swap3A_368 = arith.index_cast %swap3A_367 : i32 to index
      %swap3A_369 = arith.constant 80 : index
      %swap3A_370 = tpu.vector_load %arg7[%swap3A_368, %swap3A_369] {strides = array<i32>} : memref<10x128xi32, #tpu.memory_space<vmem>>, vector<1x16xi32>,
      %swap3A_371 = vector.shape_cast %swap3A_370 : vector<1x16xi32> to vector<16xi32>
      %swap3A_372 = vector.shape_cast %get3A_366 : vector<16xi32> to vector<1x16xi32>
      tpu.vector_store %arg7[%swap3A_368, %swap3A_369], %swap3A_372 {strides = array<i32>} : memref<10x128xi32, #tpu.memory_space<vmem>>, vector<1x16xi32>,
      %add3A_373 = arith.constant 100000 : i32
      %add3A_374 = vector.broadcast %add3A_373 : i32 to vector<16xi32>
      %add3A_375 = arith.addi %get3A_366, %add3A_374 : vector<16xi32>
      %swap3A_376 = arith.constant 1 : i32
      %swap3A_377 = arith.index_cast %swap3A_376 : i32 to index
      %swap3A_378 = arith.constant 80 : index
      %swap3A_379 = tpu.vector_load %arg8[%swap3A_377, %swap3A_378] {strides = array<i32>} : memref<10x128xi32, #tpu.memory_space<vmem>>, vector<1x16xi32>,
      %swap3A_380 = vector.shape_cast %swap3A_379 : vector<1x16xi32> to vector<16xi32>
      %swap3A_381 = vector.shape_cast %add3A_375 : vector<16xi32> to vector<1x16xi32>
      tpu.vector_store %arg8[%swap3A_377, %swap3A_378], %swap3A_381 {strides = array<i32>} : memref<10x128xi32, #tpu.memory_space<vmem>>, vector<1x16xi32>,
      %add3A_382 = arith.constant 200000 : i32
      %add3A_383 = vector.broadcast %add3A_382 : i32 to vector<16xi32>
      %add3A_384 = arith.addi %get3A_366, %add3A_383 : vector<16xi32>
      %swap3A_385 = arith.constant 1 : i32
      %swap3A_386 = arith.index_cast %swap3A_385 : i32 to index
      %swap3A_387 = arith.constant 80 : index
      %swap3A_388 = tpu.vector_load %arg9[%swap3A_386, %swap3A_387] {strides = array<i32>} : memref<10x128xi32, #tpu.memory_space<vmem>>, vector<1x16xi32>,
      %swap3A_389 = vector.shape_cast %swap3A_388 : vector<1x16xi32> to vector<16xi32>
      %swap3A_390 = vector.shape_cast %add3A_384 : vector<16xi32> to vector<1x16xi32>
      tpu.vector_store %arg9[%swap3A_386, %swap3A_387], %swap3A_390 {strides = array<i32>} : memref<10x128xi32, #tpu.memory_space<vmem>>, vector<1x16xi32>,
      %get3A_391 = arith.constant 224 : index
      %get3A_392 = tpu.vector_load %arg6[%get3A_391] {strides = array<i32>} : memref<1280xi32, #tpu.memory_space<vmem>>, vector<16xi32>,
      %get3A_393 = vector.shape_cast %get3A_392 : vector<16xi32> to vector<16xi32>
      %swap3A_394 = arith.constant 1 : i32
      %swap3A_395 = arith.index_cast %swap3A_394 : i32 to index
      %swap3A_396 = arith.constant 96 : index
      %swap3A_397 = tpu.vector_load %arg7[%swap3A_395, %swap3A_396] {strides = array<i32>} : memref<10x128xi32, #tpu.memory_space<vmem>>, vector<1x16xi32>,
      %swap3A_398 = vector.shape_cast %swap3A_397 : vector<1x16xi32> to vector<16xi32>
      %swap3A_399 = vector.shape_cast %get3A_393 : vector<16xi32> to vector<1x16xi32>
      tpu.vector_store %arg7[%swap3A_395, %swap3A_396], %swap3A_399 {strides = array<i32>} : memref<10x128xi32, #tpu.memory_space<vmem>>, vector<1x16xi32>,
      %add3A_400 = arith.constant 100000 : i32
      %add3A_401 = vector.broadcast %add3A_400 : i32 to vector<16xi32>
      %add3A_402 = arith.addi %get3A_393, %add3A_401 : vector<16xi32>
      %swap3A_403 = arith.constant 1 : i32
      %swap3A_404 = arith.index_cast %swap3A_403 : i32 to index
      %swap3A_405 = arith.constant 96 : index
      %swap3A_406 = tpu.vector_load %arg8[%swap3A_404, %swap3A_405] {strides = array<i32>} : memref<10x128xi32, #tpu.memory_space<vmem>>, vector<1x16xi32>,
      %swap3A_407 = vector.shape_cast %swap3A_406 : vector<1x16xi32> to vector<16xi32>
      %swap3A_408 = vector.shape_cast %add3A_402 : vector<16xi32> to vector<1x16xi32>
      tpu.vector_store %arg8[%swap3A_404, %swap3A_405], %swap3A_408 {strides = array<i32>} : memref<10x128xi32, #tpu.memory_space<vmem>>, vector<1x16xi32>,
      %add3A_409 = arith.constant 200000 : i32
      %add3A_410 = vector.broadcast %add3A_409 : i32 to vector<16xi32>
      %add3A_411 = arith.addi %get3A_393, %add3A_410 : vector<16xi32>
      %swap3A_412 = arith.constant 1 : i32
      %swap3A_413 = arith.index_cast %swap3A_412 : i32 to index
      %swap3A_414 = arith.constant 96 : index
      %swap3A_415 = tpu.vector_load %arg9[%swap3A_413, %swap3A_414] {strides = array<i32>} : memref<10x128xi32, #tpu.memory_space<vmem>>, vector<1x16xi32>,
      %swap3A_416 = vector.shape_cast %swap3A_415 : vector<1x16xi32> to vector<16xi32>
      %swap3A_417 = vector.shape_cast %add3A_411 : vector<16xi32> to vector<1x16xi32>
      tpu.vector_store %arg9[%swap3A_413, %swap3A_414], %swap3A_417 {strides = array<i32>} : memref<10x128xi32, #tpu.memory_space<vmem>>, vector<1x16xi32>,
      %get3A_418 = arith.constant 240 : index
      %get3A_419 = tpu.vector_load %arg6[%get3A_418] {strides = array<i32>} : memref<1280xi32, #tpu.memory_space<vmem>>, vector<16xi32>,
      %get3A_420 = vector.shape_cast %get3A_419 : vector<16xi32> to vector<16xi32>
      %swap3A_421 = arith.constant 1 : i32
      %swap3A_422 = arith.index_cast %swap3A_421 : i32 to index
      %swap3A_423 = arith.constant 112 : index
      %swap3A_424 = tpu.vector_load %arg7[%swap3A_422, %swap3A_423] {strides = array<i32>} : memref<10x128xi32, #tpu.memory_space<vmem>>, vector<1x16xi32>,
      %swap3A_425 = vector.shape_cast %swap3A_424 : vector<1x16xi32> to vector<16xi32>
      %swap3A_426 = vector.shape_cast %get3A_420 : vector<16xi32> to vector<1x16xi32>
      tpu.vector_store %arg7[%swap3A_422, %swap3A_423], %swap3A_426 {strides = array<i32>} : memref<10x128xi32, #tpu.memory_space<vmem>>, vector<1x16xi32>,
      %add3A_427 = arith.constant 100000 : i32
      %add3A_428 = vector.broadcast %add3A_427 : i32 to vector<16xi32>
      %add3A_429 = arith.addi %get3A_420, %add3A_428 : vector<16xi32>
      %swap3A_430 = arith.constant 1 : i32
      %swap3A_431 = arith.index_cast %swap3A_430 : i32 to index
      %swap3A_432 = arith.constant 112 : index
      %swap3A_433 = tpu.vector_load %arg8[%swap3A_431, %swap3A_432] {strides = array<i32>} : memref<10x128xi32, #tpu.memory_space<vmem>>, vector<1x16xi32>,
      %swap3A_434 = vector.shape_cast %swap3A_433 : vector<1x16xi32> to vector<16xi32>
      %swap3A_435 = vector.shape_cast %add3A_429 : vector<16xi32> to vector<1x16xi32>
      tpu.vector_store %arg8[%swap3A_431, %swap3A_432], %swap3A_435 {strides = array<i32>} : memref<10x128xi32, #tpu.memory_space<vmem>>, vector<1x16xi32>,
      %add3A_436 = arith.constant 200000 : i32
      %add3A_437 = vector.broadcast %add3A_436 : i32 to vector<16xi32>
      %add3A_438 = arith.addi %get3A_420, %add3A_437 : vector<16xi32>
      %swap3A_439 = arith.constant 1 : i32
      %swap3A_440 = arith.index_cast %swap3A_439 : i32 to index
      %swap3A_441 = arith.constant 112 : index
      %swap3A_442 = tpu.vector_load %arg9[%swap3A_440, %swap3A_441] {strides = array<i32>} : memref<10x128xi32, #tpu.memory_space<vmem>>, vector<1x16xi32>,
      %swap3A_443 = vector.shape_cast %swap3A_442 : vector<1x16xi32> to vector<16xi32>
      %swap3A_444 = vector.shape_cast %add3A_438 : vector<16xi32> to vector<1x16xi32>
      tpu.vector_store %arg9[%swap3A_440, %swap3A_441], %swap3A_444 {strides = array<i32>} : memref<10x128xi32, #tpu.memory_space<vmem>>, vector<1x16xi32>,
      %get3A_445 = arith.constant 256 : index
      %get3A_446 = tpu.vector_load %arg6[%get3A_445] {strides = array<i32>} : memref<1280xi32, #tpu.memory_space<vmem>>, vector<16xi32>,
      %get3A_447 = vector.shape_cast %get3A_446 : vector<16xi32> to vector<16xi32>
      %swap3A_448 = arith.constant 2 : i32
      %swap3A_449 = arith.index_cast %swap3A_448 : i32 to index
      %swap3A_450 = arith.constant 0 : index
      %swap3A_451 = tpu.vector_load %arg7[%swap3A_449, %swap3A_450] {strides = array<i32>} : memref<10x128xi32, #tpu.memory_space<vmem>>, vector<1x16xi32>,
      %swap3A_452 = vector.shape_cast %swap3A_451 : vector<1x16xi32> to vector<16xi32>
      %swap3A_453 = vector.shape_cast %get3A_447 : vector<16xi32> to vector<1x16xi32>
      tpu.vector_store %arg7[%swap3A_449, %swap3A_450], %swap3A_453 {strides = array<i32>} : memref<10x128xi32, #tpu.memory_space<vmem>>, vector<1x16xi32>,
      %add3A_454 = arith.constant 100000 : i32
      %add3A_455 = vector.broadcast %add3A_454 : i32 to vector<16xi32>
      %add3A_456 = arith.addi %get3A_447, %add3A_455 : vector<16xi32>
      %swap3A_457 = arith.constant 2 : i32
      %swap3A_458 = arith.index_cast %swap3A_457 : i32 to index
      %swap3A_459 = arith.constant 0 : index
      %swap3A_460 = tpu.vector_load %arg8[%swap3A_458, %swap3A_459] {strides = array<i32>} : memref<10x128xi32, #tpu.memory_space<vmem>>, vector<1x16xi32>,
      %swap3A_461 = vector.shape_cast %swap3A_460 : vector<1x16xi32> to vector<16xi32>
      %swap3A_462 = vector.shape_cast %add3A_456 : vector<16xi32> to vector<1x16xi32>
      tpu.vector_store %arg8[%swap3A_458, %swap3A_459], %swap3A_462 {strides = array<i32>} : memref<10x128xi32, #tpu.memory_space<vmem>>, vector<1x16xi32>,
      %add3A_463 = arith.constant 200000 : i32
      %add3A_464 = vector.broadcast %add3A_463 : i32 to vector<16xi32>
      %add3A_465 = arith.addi %get3A_447, %add3A_464 : vector<16xi32>
      %swap3A_466 = arith.constant 2 : i32
      %swap3A_467 = arith.index_cast %swap3A_466 : i32 to index
      %swap3A_468 = arith.constant 0 : index
      %swap3A_469 = tpu.vector_load %arg9[%swap3A_467, %swap3A_468] {strides = array<i32>} : memref<10x128xi32, #tpu.memory_space<vmem>>, vector<1x16xi32>,
      %swap3A_470 = vector.shape_cast %swap3A_469 : vector<1x16xi32> to vector<16xi32>
      %swap3A_471 = vector.shape_cast %add3A_465 : vector<16xi32> to vector<1x16xi32>
      tpu.vector_store %arg9[%swap3A_467, %swap3A_468], %swap3A_471 {strides = array<i32>} : memref<10x128xi32, #tpu.memory_space<vmem>>, vector<1x16xi32>,
      %get3A_472 = arith.constant 272 : index
      %get3A_473 = tpu.vector_load %arg6[%get3A_472] {strides = array<i32>} : memref<1280xi32, #tpu.memory_space<vmem>>, vector<16xi32>,
      %get3A_474 = vector.shape_cast %get3A_473 : vector<16xi32> to vector<16xi32>
      %swap3A_475 = arith.constant 2 : i32
      %swap3A_476 = arith.index_cast %swap3A_475 : i32 to index
      %swap3A_477 = arith.constant 16 : index
      %swap3A_478 = tpu.vector_load %arg7[%swap3A_476, %swap3A_477] {strides = array<i32>} : memref<10x128xi32, #tpu.memory_space<vmem>>, vector<1x16xi32>,
      %swap3A_479 = vector.shape_cast %swap3A_478 : vector<1x16xi32> to vector<16xi32>
      %swap3A_480 = vector.shape_cast %get3A_474 : vector<16xi32> to vector<1x16xi32>
      tpu.vector_store %arg7[%swap3A_476, %swap3A_477], %swap3A_480 {strides = array<i32>} : memref<10x128xi32, #tpu.memory_space<vmem>>, vector<1x16xi32>,
      %add3A_481 = arith.constant 100000 : i32
      %add3A_482 = vector.broadcast %add3A_481 : i32 to vector<16xi32>
      %add3A_483 = arith.addi %get3A_474, %add3A_482 : vector<16xi32>
      %swap3A_484 = arith.constant 2 : i32
      %swap3A_485 = arith.index_cast %swap3A_484 : i32 to index
      %swap3A_486 = arith.constant 16 : index
      %swap3A_487 = tpu.vector_load %arg8[%swap3A_485, %swap3A_486] {strides = array<i32>} : memref<10x128xi32, #tpu.memory_space<vmem>>, vector<1x16xi32>,
      %swap3A_488 = vector.shape_cast %swap3A_487 : vector<1x16xi32> to vector<16xi32>
      %swap3A_489 = vector.shape_cast %add3A_483 : vector<16xi32> to vector<1x16xi32>
      tpu.vector_store %arg8[%swap3A_485, %swap3A_486], %swap3A_489 {strides = array<i32>} : memref<10x128xi32, #tpu.memory_space<vmem>>, vector<1x16xi32>,
      %add3A_490 = arith.constant 200000 : i32
      %add3A_491 = vector.broadcast %add3A_490 : i32 to vector<16xi32>
      %add3A_492 = arith.addi %get3A_474, %add3A_491 : vector<16xi32>
      %swap3A_493 = arith.constant 2 : i32
      %swap3A_494 = arith.index_cast %swap3A_493 : i32 to index
      %swap3A_495 = arith.constant 16 : index
      %swap3A_496 = tpu.vector_load %arg9[%swap3A_494, %swap3A_495] {strides = array<i32>} : memref<10x128xi32, #tpu.memory_space<vmem>>, vector<1x16xi32>,
      %swap3A_497 = vector.shape_cast %swap3A_496 : vector<1x16xi32> to vector<16xi32>
      %swap3A_498 = vector.shape_cast %add3A_492 : vector<16xi32> to vector<1x16xi32>
      tpu.vector_store %arg9[%swap3A_494, %swap3A_495], %swap3A_498 {strides = array<i32>} : memref<10x128xi32, #tpu.memory_space<vmem>>, vector<1x16xi32>,
      %get3A_499 = arith.constant 288 : index
      %get3A_500 = tpu.vector_load %arg6[%get3A_499] {strides = array<i32>} : memref<1280xi32, #tpu.memory_space<vmem>>, vector<16xi32>,
      %get3A_501 = vector.shape_cast %get3A_500 : vector<16xi32> to vector<16xi32>
      %swap3A_502 = arith.constant 2 : i32
      %swap3A_503 = arith.index_cast %swap3A_502 : i32 to index
      %swap3A_504 = arith.constant 32 : index
      %swap3A_505 = tpu.vector_load %arg7[%swap3A_503, %swap3A_504] {strides = array<i32>} : memref<10x128xi32, #tpu.memory_space<vmem>>, vector<1x16xi32>,
      %swap3A_506 = vector.shape_cast %swap3A_505 : vector<1x16xi32> to vector<16xi32>
      %swap3A_507 = vector.shape_cast %get3A_501 : vector<16xi32> to vector<1x16xi32>
      tpu.vector_store %arg7[%swap3A_503, %swap3A_504], %swap3A_507 {strides = array<i32>} : memref<10x128xi32, #tpu.memory_space<vmem>>, vector<1x16xi32>,
      %add3A_508 = arith.constant 100000 : i32
      %add3A_509 = vector.broadcast %add3A_508 : i32 to vector<16xi32>
      %add3A_510 = arith.addi %get3A_501, %add3A_509 : vector<16xi32>
      %swap3A_511 = arith.constant 2 : i32
      %swap3A_512 = arith.index_cast %swap3A_511 : i32 to index
      %swap3A_513 = arith.constant 32 : index
      %swap3A_514 = tpu.vector_load %arg8[%swap3A_512, %swap3A_513] {strides = array<i32>} : memref<10x128xi32, #tpu.memory_space<vmem>>, vector<1x16xi32>,
      %swap3A_515 = vector.shape_cast %swap3A_514 : vector<1x16xi32> to vector<16xi32>
      %swap3A_516 = vector.shape_cast %add3A_510 : vector<16xi32> to vector<1x16xi32>
      tpu.vector_store %arg8[%swap3A_512, %swap3A_513], %swap3A_516 {strides = array<i32>} : memref<10x128xi32, #tpu.memory_space<vmem>>, vector<1x16xi32>,
      %add3A_517 = arith.constant 200000 : i32
      %add3A_518 = vector.broadcast %add3A_517 : i32 to vector<16xi32>
      %add3A_519 = arith.addi %get3A_501, %add3A_518 : vector<16xi32>
      %swap3A_520 = arith.constant 2 : i32
      %swap3A_521 = arith.index_cast %swap3A_520 : i32 to index
      %swap3A_522 = arith.constant 32 : index
      %swap3A_523 = tpu.vector_load %arg9[%swap3A_521, %swap3A_522] {strides = array<i32>} : memref<10x128xi32, #tpu.memory_space<vmem>>, vector<1x16xi32>,
      %swap3A_524 = vector.shape_cast %swap3A_523 : vector<1x16xi32> to vector<16xi32>
      %swap3A_525 = vector.shape_cast %add3A_519 : vector<16xi32> to vector<1x16xi32>
      tpu.vector_store %arg9[%swap3A_521, %swap3A_522], %swap3A_525 {strides = array<i32>} : memref<10x128xi32, #tpu.memory_space<vmem>>, vector<1x16xi32>,
      %get3A_526 = arith.constant 304 : index
      %get3A_527 = tpu.vector_load %arg6[%get3A_526] {strides = array<i32>} : memref<1280xi32, #tpu.memory_space<vmem>>, vector<16xi32>,
      %get3A_528 = vector.shape_cast %get3A_527 : vector<16xi32> to vector<16xi32>
      %swap3A_529 = arith.constant 2 : i32
      %swap3A_530 = arith.index_cast %swap3A_529 : i32 to index
      %swap3A_531 = arith.constant 48 : index
      %swap3A_532 = tpu.vector_load %arg7[%swap3A_530, %swap3A_531] {strides = array<i32>} : memref<10x128xi32, #tpu.memory_space<vmem>>, vector<1x16xi32>,
      %swap3A_533 = vector.shape_cast %swap3A_532 : vector<1x16xi32> to vector<16xi32>
      %swap3A_534 = vector.shape_cast %get3A_528 : vector<16xi32> to vector<1x16xi32>
      tpu.vector_store %arg7[%swap3A_530, %swap3A_531], %swap3A_534 {strides = array<i32>} : memref<10x128xi32, #tpu.memory_space<vmem>>, vector<1x16xi32>,
      %add3A_535 = arith.constant 100000 : i32
      %add3A_536 = vector.broadcast %add3A_535 : i32 to vector<16xi32>
      %add3A_537 = arith.addi %get3A_528, %add3A_536 : vector<16xi32>
      %swap3A_538 = arith.constant 2 : i32
      %swap3A_539 = arith.index_cast %swap3A_538 : i32 to index
      %swap3A_540 = arith.constant 48 : index
      %swap3A_541 = tpu.vector_load %arg8[%swap3A_539, %swap3A_540] {strides = array<i32>} : memref<10x128xi32, #tpu.memory_space<vmem>>, vector<1x16xi32>,
      %swap3A_542 = vector.shape_cast %swap3A_541 : vector<1x16xi32> to vector<16xi32>
      %swap3A_543 = vector.shape_cast %add3A_537 : vector<16xi32> to vector<1x16xi32>
      tpu.vector_store %arg8[%swap3A_539, %swap3A_540], %swap3A_543 {strides = array<i32>} : memref<10x128xi32, #tpu.memory_space<vmem>>, vector<1x16xi32>,
      %add3A_544 = arith.constant 200000 : i32
      %add3A_545 = vector.broadcast %add3A_544 : i32 to vector<16xi32>
      %add3A_546 = arith.addi %get3A_528, %add3A_545 : vector<16xi32>
      %swap3A_547 = arith.constant 2 : i32
      %swap3A_548 = arith.index_cast %swap3A_547 : i32 to index
      %swap3A_549 = arith.constant 48 : index
      %swap3A_550 = tpu.vector_load %arg9[%swap3A_548, %swap3A_549] {strides = array<i32>} : memref<10x128xi32, #tpu.memory_space<vmem>>, vector<1x16xi32>,
      %swap3A_551 = vector.shape_cast %swap3A_550 : vector<1x16xi32> to vector<16xi32>
      %swap3A_552 = vector.shape_cast %add3A_546 : vector<16xi32> to vector<1x16xi32>
      tpu.vector_store %arg9[%swap3A_548, %swap3A_549], %swap3A_552 {strides = array<i32>} : memref<10x128xi32, #tpu.memory_space<vmem>>, vector<1x16xi32>,
      %get3A_553 = arith.constant 320 : index
      %get3A_554 = tpu.vector_load %arg6[%get3A_553] {strides = array<i32>} : memref<1280xi32, #tpu.memory_space<vmem>>, vector<16xi32>,
      %get3A_555 = vector.shape_cast %get3A_554 : vector<16xi32> to vector<16xi32>
      %swap3A_556 = arith.constant 2 : i32
      %swap3A_557 = arith.index_cast %swap3A_556 : i32 to index
      %swap3A_558 = arith.constant 64 : index
      %swap3A_559 = tpu.vector_load %arg7[%swap3A_557, %swap3A_558] {strides = array<i32>} : memref<10x128xi32, #tpu.memory_space<vmem>>, vector<1x16xi32>,
      %swap3A_560 = vector.shape_cast %swap3A_559 : vector<1x16xi32> to vector<16xi32>
      %swap3A_561 = vector.shape_cast %get3A_555 : vector<16xi32> to vector<1x16xi32>
      tpu.vector_store %arg7[%swap3A_557, %swap3A_558], %swap3A_561 {strides = array<i32>} : memref<10x128xi32, #tpu.memory_space<vmem>>, vector<1x16xi32>,
      %add3A_562 = arith.constant 100000 : i32
      %add3A_563 = vector.broadcast %add3A_562 : i32 to vector<16xi32>
      %add3A_564 = arith.addi %get3A_555, %add3A_563 : vector<16xi32>
      %swap3A_565 = arith.constant 2 : i32
      %swap3A_566 = arith.index_cast %swap3A_565 : i32 to index
      %swap3A_567 = arith.constant 64 : index
      %swap3A_568 = tpu.vector_load %arg8[%swap3A_566, %swap3A_567] {strides = array<i32>} : memref<10x128xi32, #tpu.memory_space<vmem>>, vector<1x16xi32>,
      %swap3A_569 = vector.shape_cast %swap3A_568 : vector<1x16xi32> to vector<16xi32>
      %swap3A_570 = vector.shape_cast %add3A_564 : vector<16xi32> to vector<1x16xi32>
      tpu.vector_store %arg8[%swap3A_566, %swap3A_567], %swap3A_570 {strides = array<i32>} : memref<10x128xi32, #tpu.memory_space<vmem>>, vector<1x16xi32>,
      %add3A_571 = arith.constant 200000 : i32
      %add3A_572 = vector.broadcast %add3A_571 : i32 to vector<16xi32>
      %add3A_573 = arith.addi %get3A_555, %add3A_572 : vector<16xi32>
      %swap3A_574 = arith.constant 2 : i32
      %swap3A_575 = arith.index_cast %swap3A_574 : i32 to index
      %swap3A_576 = arith.constant 64 : index
      %swap3A_577 = tpu.vector_load %arg9[%swap3A_575, %swap3A_576] {strides = array<i32>} : memref<10x128xi32, #tpu.memory_space<vmem>>, vector<1x16xi32>,
      %swap3A_578 = vector.shape_cast %swap3A_577 : vector<1x16xi32> to vector<16xi32>
      %swap3A_579 = vector.shape_cast %add3A_573 : vector<16xi32> to vector<1x16xi32>
      tpu.vector_store %arg9[%swap3A_575, %swap3A_576], %swap3A_579 {strides = array<i32>} : memref<10x128xi32, #tpu.memory_space<vmem>>, vector<1x16xi32>,
      %get3A_580 = arith.constant 336 : index
      %get3A_581 = tpu.vector_load %arg6[%get3A_580] {strides = array<i32>} : memref<1280xi32, #tpu.memory_space<vmem>>, vector<16xi32>,
      %get3A_582 = vector.shape_cast %get3A_581 : vector<16xi32> to vector<16xi32>
      %swap3A_583 = arith.constant 2 : i32
      %swap3A_584 = arith.index_cast %swap3A_583 : i32 to index
      %swap3A_585 = arith.constant 80 : index
      %swap3A_586 = tpu.vector_load %arg7[%swap3A_584, %swap3A_585] {strides = array<i32>} : memref<10x128xi32, #tpu.memory_space<vmem>>, vector<1x16xi32>,
      %swap3A_587 = vector.shape_cast %swap3A_586 : vector<1x16xi32> to vector<16xi32>
      %swap3A_588 = vector.shape_cast %get3A_582 : vector<16xi32> to vector<1x16xi32>
      tpu.vector_store %arg7[%swap3A_584, %swap3A_585], %swap3A_588 {strides = array<i32>} : memref<10x128xi32, #tpu.memory_space<vmem>>, vector<1x16xi32>,
      %add3A_589 = arith.constant 100000 : i32
      %add3A_590 = vector.broadcast %add3A_589 : i32 to vector<16xi32>
      %add3A_591 = arith.addi %get3A_582, %add3A_590 : vector<16xi32>
      %swap3A_592 = arith.constant 2 : i32
      %swap3A_593 = arith.index_cast %swap3A_592 : i32 to index
      %swap3A_594 = arith.constant 80 : index
      %swap3A_595 = tpu.vector_load %arg8[%swap3A_593, %swap3A_594] {strides = array<i32>} : memref<10x128xi32, #tpu.memory_space<vmem>>, vector<1x16xi32>,
      %swap3A_596 = vector.shape_cast %swap3A_595 : vector<1x16xi32> to vector<16xi32>
      %swap3A_597 = vector.shape_cast %add3A_591 : vector<16xi32> to vector<1x16xi32>
      tpu.vector_store %arg8[%swap3A_593, %swap3A_594], %swap3A_597 {strides = array<i32>} : memref<10x128xi32, #tpu.memory_space<vmem>>, vector<1x16xi32>,
      %add3A_598 = arith.constant 200000 : i32
      %add3A_599 = vector.broadcast %add3A_598 : i32 to vector<16xi32>
      %add3A_600 = arith.addi %get3A_582, %add3A_599 : vector<16xi32>
      %swap3A_601 = arith.constant 2 : i32
      %swap3A_602 = arith.index_cast %swap3A_601 : i32 to index
      %swap3A_603 = arith.constant 80 : index
      %swap3A_604 = tpu.vector_load %arg9[%swap3A_602, %swap3A_603] {strides = array<i32>} : memref<10x128xi32, #tpu.memory_space<vmem>>, vector<1x16xi32>,
      %swap3A_605 = vector.shape_cast %swap3A_604 : vector<1x16xi32> to vector<16xi32>
      %swap3A_606 = vector.shape_cast %add3A_600 : vector<16xi32> to vector<1x16xi32>
      tpu.vector_store %arg9[%swap3A_602, %swap3A_603], %swap3A_606 {strides = array<i32>} : memref<10x128xi32, #tpu.memory_space<vmem>>, vector<1x16xi32>,
      %get3A_607 = arith.constant 352 : index
      %get3A_608 = tpu.vector_load %arg6[%get3A_607] {strides = array<i32>} : memref<1280xi32, #tpu.memory_space<vmem>>, vector<16xi32>,
      %get3A_609 = vector.shape_cast %get3A_608 : vector<16xi32> to vector<16xi32>
      %swap3A_610 = arith.constant 2 : i32
      %swap3A_611 = arith.index_cast %swap3A_610 : i32 to index
      %swap3A_612 = arith.constant 96 : index
      %swap3A_613 = tpu.vector_load %arg7[%swap3A_611, %swap3A_612] {strides = array<i32>} : memref<10x128xi32, #tpu.memory_space<vmem>>, vector<1x16xi32>,
      %swap3A_614 = vector.shape_cast %swap3A_613 : vector<1x16xi32> to vector<16xi32>
      %swap3A_615 = vector.shape_cast %get3A_609 : vector<16xi32> to vector<1x16xi32>
      tpu.vector_store %arg7[%swap3A_611, %swap3A_612], %swap3A_615 {strides = array<i32>} : memref<10x128xi32, #tpu.memory_space<vmem>>, vector<1x16xi32>,
      %add3A_616 = arith.constant 100000 : i32
      %add3A_617 = vector.broadcast %add3A_616 : i32 to vector<16xi32>
      %add3A_618 = arith.addi %get3A_609, %add3A_617 : vector<16xi32>
      %swap3A_619 = arith.constant 2 : i32
      %swap3A_620 = arith.index_cast %swap3A_619 : i32 to index
      %swap3A_621 = arith.constant 96 : index
      %swap3A_622 = tpu.vector_load %arg8[%swap3A_620, %swap3A_621] {strides = array<i32>} : memref<10x128xi32, #tpu.memory_space<vmem>>, vector<1x16xi32>,
      %swap3A_623 = vector.shape_cast %swap3A_622 : vector<1x16xi32> to vector<16xi32>
      %swap3A_624 = vector.shape_cast %add3A_618 : vector<16xi32> to vector<1x16xi32>
      tpu.vector_store %arg8[%swap3A_620, %swap3A_621], %swap3A_624 {strides = array<i32>} : memref<10x128xi32, #tpu.memory_space<vmem>>, vector<1x16xi32>,
      %add3A_625 = arith.constant 200000 : i32
      %add3A_626 = vector.broadcast %add3A_625 : i32 to vector<16xi32>
      %add3A_627 = arith.addi %get3A_609, %add3A_626 : vector<16xi32>
      %swap3A_628 = arith.constant 2 : i32
      %swap3A_629 = arith.index_cast %swap3A_628 : i32 to index
      %swap3A_630 = arith.constant 96 : index
      %swap3A_631 = tpu.vector_load %arg9[%swap3A_629, %swap3A_630] {strides = array<i32>} : memref<10x128xi32, #tpu.memory_space<vmem>>, vector<1x16xi32>,
      %swap3A_632 = vector.shape_cast %swap3A_631 : vector<1x16xi32> to vector<16xi32>
      %swap3A_633 = vector.shape_cast %add3A_627 : vector<16xi32> to vector<1x16xi32>
      tpu.vector_store %arg9[%swap3A_629, %swap3A_630], %swap3A_633 {strides = array<i32>} : memref<10x128xi32, #tpu.memory_space<vmem>>, vector<1x16xi32>,
      %get3A_634 = arith.constant 368 : index
      %get3A_635 = tpu.vector_load %arg6[%get3A_634] {strides = array<i32>} : memref<1280xi32, #tpu.memory_space<vmem>>, vector<16xi32>,
      %get3A_636 = vector.shape_cast %get3A_635 : vector<16xi32> to vector<16xi32>
      %swap3A_637 = arith.constant 2 : i32
      %swap3A_638 = arith.index_cast %swap3A_637 : i32 to index
      %swap3A_639 = arith.constant 112 : index
      %swap3A_640 = tpu.vector_load %arg7[%swap3A_638, %swap3A_639] {strides = array<i32>} : memref<10x128xi32, #tpu.memory_space<vmem>>, vector<1x16xi32>,
      %swap3A_641 = vector.shape_cast %swap3A_640 : vector<1x16xi32> to vector<16xi32>
      %swap3A_642 = vector.shape_cast %get3A_636 : vector<16xi32> to vector<1x16xi32>
      tpu.vector_store %arg7[%swap3A_638, %swap3A_639], %swap3A_642 {strides = array<i32>} : memref<10x128xi32, #tpu.memory_space<vmem>>, vector<1x16xi32>,
      %add3A_643 = arith.constant 100000 : i32
      %add3A_644 = vector.broadcast %add3A_643 : i32 to vector<16xi32>
      %add3A_645 = arith.addi %get3A_636, %add3A_644 : vector<16xi32>
      %swap3A_646 = arith.constant 2 : i32
      %swap3A_647 = arith.index_cast %swap3A_646 : i32 to index
      %swap3A_648 = arith.constant 112 : index
      %swap3A_649 = tpu.vector_load %arg8[%swap3A_647, %swap3A_648] {strides = array<i32>} : memref<10x128xi32, #tpu.memory_space<vmem>>, vector<1x16xi32>,
      %swap3A_650 = vector.shape_cast %swap3A_649 : vector<1x16xi32> to vector<16xi32>
      %swap3A_651 = vector.shape_cast %add3A_645 : vector<16xi32> to vector<1x16xi32>
      tpu.vector_store %arg8[%swap3A_647, %swap3A_648], %swap3A_651 {strides = array<i32>} : memref<10x128xi32, #tpu.memory_space<vmem>>, vector<1x16xi32>,
      %add3A_652 = arith.constant 200000 : i32
      %add3A_653 = vector.broadcast %add3A_652 : i32 to vector<16xi32>
      %add3A_654 = arith.addi %get3A_636, %add3A_653 : vector<16xi32>
      %swap3A_655 = arith.constant 2 : i32
      %swap3A_656 = arith.index_cast %swap3A_655 : i32 to index
      %swap3A_657 = arith.constant 112 : index
      %swap3A_658 = tpu.vector_load %arg9[%swap3A_656, %swap3A_657] {strides = array<i32>} : memref<10x128xi32, #tpu.memory_space<vmem>>, vector<1x16xi32>,
      %swap3A_659 = vector.shape_cast %swap3A_658 : vector<1x16xi32> to vector<16xi32>
      %swap3A_660 = vector.shape_cast %add3A_654 : vector<16xi32> to vector<1x16xi32>
      tpu.vector_store %arg9[%swap3A_656, %swap3A_657], %swap3A_660 {strides = array<i32>} : memref<10x128xi32, #tpu.memory_space<vmem>>, vector<1x16xi32>,
      %get3A_661 = arith.constant 384 : index
      %get3A_662 = tpu.vector_load %arg6[%get3A_661] {strides = array<i32>} : memref<1280xi32, #tpu.memory_space<vmem>>, vector<16xi32>,
      %get3A_663 = vector.shape_cast %get3A_662 : vector<16xi32> to vector<16xi32>
      %swap3A_664 = arith.constant 3 : i32
      %swap3A_665 = arith.index_cast %swap3A_664 : i32 to index
      %swap3A_666 = arith.constant 0 : index
      %swap3A_667 = tpu.vector_load %arg7[%swap3A_665, %swap3A_666] {strides = array<i32>} : memref<10x128xi32, #tpu.memory_space<vmem>>, vector<1x16xi32>,
      %swap3A_668 = vector.shape_cast %swap3A_667 : vector<1x16xi32> to vector<16xi32>
      %swap3A_669 = vector.shape_cast %get3A_663 : vector<16xi32> to vector<1x16xi32>
      tpu.vector_store %arg7[%swap3A_665, %swap3A_666], %swap3A_669 {strides = array<i32>} : memref<10x128xi32, #tpu.memory_space<vmem>>, vector<1x16xi32>,
      %add3A_670 = arith.constant 100000 : i32
      %add3A_671 = vector.broadcast %add3A_670 : i32 to vector<16xi32>
      %add3A_672 = arith.addi %get3A_663, %add3A_671 : vector<16xi32>
      %swap3A_673 = arith.constant 3 : i32
      %swap3A_674 = arith.index_cast %swap3A_673 : i32 to index
      %swap3A_675 = arith.constant 0 : index
      %swap3A_676 = tpu.vector_load %arg8[%swap3A_674, %swap3A_675] {strides = array<i32>} : memref<10x128xi32, #tpu.memory_space<vmem>>, vector<1x16xi32>,
      %swap3A_677 = vector.shape_cast %swap3A_676 : vector<1x16xi32> to vector<16xi32>
      %swap3A_678 = vector.shape_cast %add3A_672 : vector<16xi32> to vector<1x16xi32>
      tpu.vector_store %arg8[%swap3A_674, %swap3A_675], %swap3A_678 {strides = array<i32>} : memref<10x128xi32, #tpu.memory_space<vmem>>, vector<1x16xi32>,
      %add3A_679 = arith.constant 200000 : i32
      %add3A_680 = vector.broadcast %add3A_679 : i32 to vector<16xi32>
      %add3A_681 = arith.addi %get3A_663, %add3A_680 : vector<16xi32>
      %swap3A_682 = arith.constant 3 : i32
      %swap3A_683 = arith.index_cast %swap3A_682 : i32 to index
      %swap3A_684 = arith.constant 0 : index
      %swap3A_685 = tpu.vector_load %arg9[%swap3A_683, %swap3A_684] {strides = array<i32>} : memref<10x128xi32, #tpu.memory_space<vmem>>, vector<1x16xi32>,
      %swap3A_686 = vector.shape_cast %swap3A_685 : vector<1x16xi32> to vector<16xi32>
      %swap3A_687 = vector.shape_cast %add3A_681 : vector<16xi32> to vector<1x16xi32>
      tpu.vector_store %arg9[%swap3A_683, %swap3A_684], %swap3A_687 {strides = array<i32>} : memref<10x128xi32, #tpu.memory_space<vmem>>, vector<1x16xi32>,
      %get3A_688 = arith.constant 400 : index
      %get3A_689 = tpu.vector_load %arg6[%get3A_688] {strides = array<i32>} : memref<1280xi32, #tpu.memory_space<vmem>>, vector<16xi32>,
      %get3A_690 = vector.shape_cast %get3A_689 : vector<16xi32> to vector<16xi32>
      %swap3A_691 = arith.constant 3 : i32
      %swap3A_692 = arith.index_cast %swap3A_691 : i32 to index
      %swap3A_693 = arith.constant 16 : index
      %swap3A_694 = tpu.vector_load %arg7[%swap3A_692, %swap3A_693] {strides = array<i32>} : memref<10x128xi32, #tpu.memory_space<vmem>>, vector<1x16xi32>,
      %swap3A_695 = vector.shape_cast %swap3A_694 : vector<1x16xi32> to vector<16xi32>
      %swap3A_696 = vector.shape_cast %get3A_690 : vector<16xi32> to vector<1x16xi32>
      tpu.vector_store %arg7[%swap3A_692, %swap3A_693], %swap3A_696 {strides = array<i32>} : memref<10x128xi32, #tpu.memory_space<vmem>>, vector<1x16xi32>,
      %add3A_697 = arith.constant 100000 : i32
      %add3A_698 = vector.broadcast %add3A_697 : i32 to vector<16xi32>
      %add3A_699 = arith.addi %get3A_690, %add3A_698 : vector<16xi32>
      %swap3A_700 = arith.constant 3 : i32
      %swap3A_701 = arith.index_cast %swap3A_700 : i32 to index
      %swap3A_702 = arith.constant 16 : index
      %swap3A_703 = tpu.vector_load %arg8[%swap3A_701, %swap3A_702] {strides = array<i32>} : memref<10x128xi32, #tpu.memory_space<vmem>>, vector<1x16xi32>,
      %swap3A_704 = vector.shape_cast %swap3A_703 : vector<1x16xi32> to vector<16xi32>
      %swap3A_705 = vector.shape_cast %add3A_699 : vector<16xi32> to vector<1x16xi32>
      tpu.vector_store %arg8[%swap3A_701, %swap3A_702], %swap3A_705 {strides = array<i32>} : memref<10x128xi32, #tpu.memory_space<vmem>>, vector<1x16xi32>,
      %add3A_706 = arith.constant 200000 : i32
      %add3A_707 = vector.broadcast %add3A_706 : i32 to vector<16xi32>
      %add3A_708 = arith.addi %get3A_690, %add3A_707 : vector<16xi32>
      %swap3A_709 = arith.constant 3 : i32
      %swap3A_710 = arith.index_cast %swap3A_709 : i32 to index
      %swap3A_711 = arith.constant 16 : index
      %swap3A_712 = tpu.vector_load %arg9[%swap3A_710, %swap3A_711] {strides = array<i32>} : memref<10x128xi32, #tpu.memory_space<vmem>>, vector<1x16xi32>,
      %swap3A_713 = vector.shape_cast %swap3A_712 : vector<1x16xi32> to vector<16xi32>
      %swap3A_714 = vector.shape_cast %add3A_708 : vector<16xi32> to vector<1x16xi32>
      tpu.vector_store %arg9[%swap3A_710, %swap3A_711], %swap3A_714 {strides = array<i32>} : memref<10x128xi32, #tpu.memory_space<vmem>>, vector<1x16xi32>,
      %get3A_715 = arith.constant 416 : index
      %get3A_716 = tpu.vector_load %arg6[%get3A_715] {strides = array<i32>} : memref<1280xi32, #tpu.memory_space<vmem>>, vector<16xi32>,
      %get3A_717 = vector.shape_cast %get3A_716 : vector<16xi32> to vector<16xi32>
      %swap3A_718 = arith.constant 3 : i32
      %swap3A_719 = arith.index_cast %swap3A_718 : i32 to index
      %swap3A_720 = arith.constant 32 : index
      %swap3A_721 = tpu.vector_load %arg7[%swap3A_719, %swap3A_720] {strides = array<i32>} : memref<10x128xi32, #tpu.memory_space<vmem>>, vector<1x16xi32>,
      %swap3A_722 = vector.shape_cast %swap3A_721 : vector<1x16xi32> to vector<16xi32>
      %swap3A_723 = vector.shape_cast %get3A_717 : vector<16xi32> to vector<1x16xi32>
      tpu.vector_store %arg7[%swap3A_719, %swap3A_720], %swap3A_723 {strides = array<i32>} : memref<10x128xi32, #tpu.memory_space<vmem>>, vector<1x16xi32>,
      %add3A_724 = arith.constant 100000 : i32
      %add3A_725 = vector.broadcast %add3A_724 : i32 to vector<16xi32>
      %add3A_726 = arith.addi %get3A_717, %add3A_725 : vector<16xi32>
      %swap3A_727 = arith.constant 3 : i32
      %swap3A_728 = arith.index_cast %swap3A_727 : i32 to index
      %swap3A_729 = arith.constant 32 : index
      %swap3A_730 = tpu.vector_load %arg8[%swap3A_728, %swap3A_729] {strides = array<i32>} : memref<10x128xi32, #tpu.memory_space<vmem>>, vector<1x16xi32>,
      %swap3A_731 = vector.shape_cast %swap3A_730 : vector<1x16xi32> to vector<16xi32>
      %swap3A_732 = vector.shape_cast %add3A_726 : vector<16xi32> to vector<1x16xi32>
      tpu.vector_store %arg8[%swap3A_728, %swap3A_729], %swap3A_732 {strides = array<i32>} : memref<10x128xi32, #tpu.memory_space<vmem>>, vector<1x16xi32>,
      %add3A_733 = arith.constant 200000 : i32
      %add3A_734 = vector.broadcast %add3A_733 : i32 to vector<16xi32>
      %add3A_735 = arith.addi %get3A_717, %add3A_734 : vector<16xi32>
      %swap3A_736 = arith.constant 3 : i32
      %swap3A_737 = arith.index_cast %swap3A_736 : i32 to index
      %swap3A_738 = arith.constant 32 : index
      %swap3A_739 = tpu.vector_load %arg9[%swap3A_737, %swap3A_738] {strides = array<i32>} : memref<10x128xi32, #tpu.memory_space<vmem>>, vector<1x16xi32>,
      %swap3A_740 = vector.shape_cast %swap3A_739 : vector<1x16xi32> to vector<16xi32>
      %swap3A_741 = vector.shape_cast %add3A_735 : vector<16xi32> to vector<1x16xi32>
      tpu.vector_store %arg9[%swap3A_737, %swap3A_738], %swap3A_741 {strides = array<i32>} : memref<10x128xi32, #tpu.memory_space<vmem>>, vector<1x16xi32>,
      %get3A_742 = arith.constant 432 : index
      %get3A_743 = tpu.vector_load %arg6[%get3A_742] {strides = array<i32>} : memref<1280xi32, #tpu.memory_space<vmem>>, vector<16xi32>,
      %get3A_744 = vector.shape_cast %get3A_743 : vector<16xi32> to vector<16xi32>
      %swap3A_745 = arith.constant 3 : i32
      %swap3A_746 = arith.index_cast %swap3A_745 : i32 to index
      %swap3A_747 = arith.constant 48 : index
      %swap3A_748 = tpu.vector_load %arg7[%swap3A_746, %swap3A_747] {strides = array<i32>} : memref<10x128xi32, #tpu.memory_space<vmem>>, vector<1x16xi32>,
      %swap3A_749 = vector.shape_cast %swap3A_748 : vector<1x16xi32> to vector<16xi32>
      %swap3A_750 = vector.shape_cast %get3A_744 : vector<16xi32> to vector<1x16xi32>
      tpu.vector_store %arg7[%swap3A_746, %swap3A_747], %swap3A_750 {strides = array<i32>} : memref<10x128xi32, #tpu.memory_space<vmem>>, vector<1x16xi32>,
      %add3A_751 = arith.constant 100000 : i32
      %add3A_752 = vector.broadcast %add3A_751 : i32 to vector<16xi32>
      %add3A_753 = arith.addi %get3A_744, %add3A_752 : vector<16xi32>
      %swap3A_754 = arith.constant 3 : i32
      %swap3A_755 = arith.index_cast %swap3A_754 : i32 to index
      %swap3A_756 = arith.constant 48 : index
      %swap3A_757 = tpu.vector_load %arg8[%swap3A_755, %swap3A_756] {strides = array<i32>} : memref<10x128xi32, #tpu.memory_space<vmem>>, vector<1x16xi32>,
      %swap3A_758 = vector.shape_cast %swap3A_757 : vector<1x16xi32> to vector<16xi32>
      %swap3A_759 = vector.shape_cast %add3A_753 : vector<16xi32> to vector<1x16xi32>
      tpu.vector_store %arg8[%swap3A_755, %swap3A_756], %swap3A_759 {strides = array<i32>} : memref<10x128xi32, #tpu.memory_space<vmem>>, vector<1x16xi32>,
      %add3A_760 = arith.constant 200000 : i32
      %add3A_761 = vector.broadcast %add3A_760 : i32 to vector<16xi32>
      %add3A_762 = arith.addi %get3A_744, %add3A_761 : vector<16xi32>
      %swap3A_763 = arith.constant 3 : i32
      %swap3A_764 = arith.index_cast %swap3A_763 : i32 to index
      %swap3A_765 = arith.constant 48 : index
      %swap3A_766 = tpu.vector_load %arg9[%swap3A_764, %swap3A_765] {strides = array<i32>} : memref<10x128xi32, #tpu.memory_space<vmem>>, vector<1x16xi32>,
      %swap3A_767 = vector.shape_cast %swap3A_766 : vector<1x16xi32> to vector<16xi32>
      %swap3A_768 = vector.shape_cast %add3A_762 : vector<16xi32> to vector<1x16xi32>
      tpu.vector_store %arg9[%swap3A_764, %swap3A_765], %swap3A_768 {strides = array<i32>} : memref<10x128xi32, #tpu.memory_space<vmem>>, vector<1x16xi32>,
      %get3A_769 = arith.constant 448 : index
      %get3A_770 = tpu.vector_load %arg6[%get3A_769] {strides = array<i32>} : memref<1280xi32, #tpu.memory_space<vmem>>, vector<16xi32>,
      %get3A_771 = vector.shape_cast %get3A_770 : vector<16xi32> to vector<16xi32>
      %swap3A_772 = arith.constant 3 : i32
      %swap3A_773 = arith.index_cast %swap3A_772 : i32 to index
      %swap3A_774 = arith.constant 64 : index
      %swap3A_775 = tpu.vector_load %arg7[%swap3A_773, %swap3A_774] {strides = array<i32>} : memref<10x128xi32, #tpu.memory_space<vmem>>, vector<1x16xi32>,
      %swap3A_776 = vector.shape_cast %swap3A_775 : vector<1x16xi32> to vector<16xi32>
      %swap3A_777 = vector.shape_cast %get3A_771 : vector<16xi32> to vector<1x16xi32>
      tpu.vector_store %arg7[%swap3A_773, %swap3A_774], %swap3A_777 {strides = array<i32>} : memref<10x128xi32, #tpu.memory_space<vmem>>, vector<1x16xi32>,
      %add3A_778 = arith.constant 100000 : i32
      %add3A_779 = vector.broadcast %add3A_778 : i32 to vector<16xi32>
      %add3A_780 = arith.addi %get3A_771, %add3A_779 : vector<16xi32>
      %swap3A_781 = arith.constant 3 : i32
      %swap3A_782 = arith.index_cast %swap3A_781 : i32 to index
      %swap3A_783 = arith.constant 64 : index
      %swap3A_784 = tpu.vector_load %arg8[%swap3A_782, %swap3A_783] {strides = array<i32>} : memref<10x128xi32, #tpu.memory_space<vmem>>, vector<1x16xi32>,
      %swap3A_785 = vector.shape_cast %swap3A_784 : vector<1x16xi32> to vector<16xi32>
      %swap3A_786 = vector.shape_cast %add3A_780 : vector<16xi32> to vector<1x16xi32>
      tpu.vector_store %arg8[%swap3A_782, %swap3A_783], %swap3A_786 {strides = array<i32>} : memref<10x128xi32, #tpu.memory_space<vmem>>, vector<1x16xi32>,
      %add3A_787 = arith.constant 200000 : i32
      %add3A_788 = vector.broadcast %add3A_787 : i32 to vector<16xi32>
      %add3A_789 = arith.addi %get3A_771, %add3A_788 : vector<16xi32>
      %swap3A_790 = arith.constant 3 : i32
      %swap3A_791 = arith.index_cast %swap3A_790 : i32 to index
      %swap3A_792 = arith.constant 64 : index
      %swap3A_793 = tpu.vector_load %arg9[%swap3A_791, %swap3A_792] {strides = array<i32>} : memref<10x128xi32, #tpu.memory_space<vmem>>, vector<1x16xi32>,
      %swap3A_794 = vector.shape_cast %swap3A_793 : vector<1x16xi32> to vector<16xi32>
      %swap3A_795 = vector.shape_cast %add3A_789 : vector<16xi32> to vector<1x16xi32>
      tpu.vector_store %arg9[%swap3A_791, %swap3A_792], %swap3A_795 {strides = array<i32>} : memref<10x128xi32, #tpu.memory_space<vmem>>, vector<1x16xi32>,
      %get3A_796 = arith.constant 464 : index
      %get3A_797 = tpu.vector_load %arg6[%get3A_796] {strides = array<i32>} : memref<1280xi32, #tpu.memory_space<vmem>>, vector<16xi32>,
      %get3A_798 = vector.shape_cast %get3A_797 : vector<16xi32> to vector<16xi32>
      %swap3A_799 = arith.constant 3 : i32
      %swap3A_800 = arith.index_cast %swap3A_799 : i32 to index
      %swap3A_801 = arith.constant 80 : index
      %swap3A_802 = tpu.vector_load %arg7[%swap3A_800, %swap3A_801] {strides = array<i32>} : memref<10x128xi32, #tpu.memory_space<vmem>>, vector<1x16xi32>,
      %swap3A_803 = vector.shape_cast %swap3A_802 : vector<1x16xi32> to vector<16xi32>
      %swap3A_804 = vector.shape_cast %get3A_798 : vector<16xi32> to vector<1x16xi32>
      tpu.vector_store %arg7[%swap3A_800, %swap3A_801], %swap3A_804 {strides = array<i32>} : memref<10x128xi32, #tpu.memory_space<vmem>>, vector<1x16xi32>,
      %add3A_805 = arith.constant 100000 : i32
      %add3A_806 = vector.broadcast %add3A_805 : i32 to vector<16xi32>
      %add3A_807 = arith.addi %get3A_798, %add3A_806 : vector<16xi32>
      %swap3A_808 = arith.constant 3 : i32
      %swap3A_809 = arith.index_cast %swap3A_808 : i32 to index
      %swap3A_810 = arith.constant 80 : index
      %swap3A_811 = tpu.vector_load %arg8[%swap3A_809, %swap3A_810] {strides = array<i32>} : memref<10x128xi32, #tpu.memory_space<vmem>>, vector<1x16xi32>,
      %swap3A_812 = vector.shape_cast %swap3A_811 : vector<1x16xi32> to vector<16xi32>
      %swap3A_813 = vector.shape_cast %add3A_807 : vector<16xi32> to vector<1x16xi32>
      tpu.vector_store %arg8[%swap3A_809, %swap3A_810], %swap3A_813 {strides = array<i32>} : memref<10x128xi32, #tpu.memory_space<vmem>>, vector<1x16xi32>,
      %add3A_814 = arith.constant 200000 : i32
      %add3A_815 = vector.broadcast %add3A_814 : i32 to vector<16xi32>
      %add3A_816 = arith.addi %get3A_798, %add3A_815 : vector<16xi32>
      %swap3A_817 = arith.constant 3 : i32
      %swap3A_818 = arith.index_cast %swap3A_817 : i32 to index
      %swap3A_819 = arith.constant 80 : index
      %swap3A_820 = tpu.vector_load %arg9[%swap3A_818, %swap3A_819] {strides = array<i32>} : memref<10x128xi32, #tpu.memory_space<vmem>>, vector<1x16xi32>,
      %swap3A_821 = vector.shape_cast %swap3A_820 : vector<1x16xi32> to vector<16xi32>
      %swap3A_822 = vector.shape_cast %add3A_816 : vector<16xi32> to vector<1x16xi32>
      tpu.vector_store %arg9[%swap3A_818, %swap3A_819], %swap3A_822 {strides = array<i32>} : memref<10x128xi32, #tpu.memory_space<vmem>>, vector<1x16xi32>,
      %get3A_823 = arith.constant 480 : index
      %get3A_824 = tpu.vector_load %arg6[%get3A_823] {strides = array<i32>} : memref<1280xi32, #tpu.memory_space<vmem>>, vector<16xi32>,
      %get3A_825 = vector.shape_cast %get3A_824 : vector<16xi32> to vector<16xi32>
      %swap3A_826 = arith.constant 3 : i32
      %swap3A_827 = arith.index_cast %swap3A_826 : i32 to index
      %swap3A_828 = arith.constant 96 : index
      %swap3A_829 = tpu.vector_load %arg7[%swap3A_827, %swap3A_828] {strides = array<i32>} : memref<10x128xi32, #tpu.memory_space<vmem>>, vector<1x16xi32>,
      %swap3A_830 = vector.shape_cast %swap3A_829 : vector<1x16xi32> to vector<16xi32>
      %swap3A_831 = vector.shape_cast %get3A_825 : vector<16xi32> to vector<1x16xi32>
      tpu.vector_store %arg7[%swap3A_827, %swap3A_828], %swap3A_831 {strides = array<i32>} : memref<10x128xi32, #tpu.memory_space<vmem>>, vector<1x16xi32>,
      %add3A_832 = arith.constant 100000 : i32
      %add3A_833 = vector.broadcast %add3A_832 : i32 to vector<16xi32>
      %add3A_834 = arith.addi %get3A_825, %add3A_833 : vector<16xi32>
      %swap3A_835 = arith.constant 3 : i32
      %swap3A_836 = arith.index_cast %swap3A_835 : i32 to index
      %swap3A_837 = arith.constant 96 : index
      %swap3A_838 = tpu.vector_load %arg8[%swap3A_836, %swap3A_837] {strides = array<i32>} : memref<10x128xi32, #tpu.memory_space<vmem>>, vector<1x16xi32>,
      %swap3A_839 = vector.shape_cast %swap3A_838 : vector<1x16xi32> to vector<16xi32>
      %swap3A_840 = vector.shape_cast %add3A_834 : vector<16xi32> to vector<1x16xi32>
      tpu.vector_store %arg8[%swap3A_836, %swap3A_837], %swap3A_840 {strides = array<i32>} : memref<10x128xi32, #tpu.memory_space<vmem>>, vector<1x16xi32>,
      %add3A_841 = arith.constant 200000 : i32
      %add3A_842 = vector.broadcast %add3A_841 : i32 to vector<16xi32>
      %add3A_843 = arith.addi %get3A_825, %add3A_842 : vector<16xi32>
      %swap3A_844 = arith.constant 3 : i32
      %swap3A_845 = arith.index_cast %swap3A_844 : i32 to index
      %swap3A_846 = arith.constant 96 : index
      %swap3A_847 = tpu.vector_load %arg9[%swap3A_845, %swap3A_846] {strides = array<i32>} : memref<10x128xi32, #tpu.memory_space<vmem>>, vector<1x16xi32>,
      %swap3A_848 = vector.shape_cast %swap3A_847 : vector<1x16xi32> to vector<16xi32>
      %swap3A_849 = vector.shape_cast %add3A_843 : vector<16xi32> to vector<1x16xi32>
      tpu.vector_store %arg9[%swap3A_845, %swap3A_846], %swap3A_849 {strides = array<i32>} : memref<10x128xi32, #tpu.memory_space<vmem>>, vector<1x16xi32>,
      %get3A_850 = arith.constant 496 : index
      %get3A_851 = tpu.vector_load %arg6[%get3A_850] {strides = array<i32>} : memref<1280xi32, #tpu.memory_space<vmem>>, vector<16xi32>,
      %get3A_852 = vector.shape_cast %get3A_851 : vector<16xi32> to vector<16xi32>
      %swap3A_853 = arith.constant 3 : i32
      %swap3A_854 = arith.index_cast %swap3A_853 : i32 to index
      %swap3A_855 = arith.constant 112 : index
      %swap3A_856 = tpu.vector_load %arg7[%swap3A_854, %swap3A_855] {strides = array<i32>} : memref<10x128xi32, #tpu.memory_space<vmem>>, vector<1x16xi32>,
      %swap3A_857 = vector.shape_cast %swap3A_856 : vector<1x16xi32> to vector<16xi32>
      %swap3A_858 = vector.shape_cast %get3A_852 : vector<16xi32> to vector<1x16xi32>
      tpu.vector_store %arg7[%swap3A_854, %swap3A_855], %swap3A_858 {strides = array<i32>} : memref<10x128xi32, #tpu.memory_space<vmem>>, vector<1x16xi32>,
      %add3A_859 = arith.constant 100000 : i32
      %add3A_860 = vector.broadcast %add3A_859 : i32 to vector<16xi32>
      %add3A_861 = arith.addi %get3A_852, %add3A_860 : vector<16xi32>
      %swap3A_862 = arith.constant 3 : i32
      %swap3A_863 = arith.index_cast %swap3A_862 : i32 to index
      %swap3A_864 = arith.constant 112 : index
      %swap3A_865 = tpu.vector_load %arg8[%swap3A_863, %swap3A_864] {strides = array<i32>} : memref<10x128xi32, #tpu.memory_space<vmem>>, vector<1x16xi32>,
      %swap3A_866 = vector.shape_cast %swap3A_865 : vector<1x16xi32> to vector<16xi32>
      %swap3A_867 = vector.shape_cast %add3A_861 : vector<16xi32> to vector<1x16xi32>
      tpu.vector_store %arg8[%swap3A_863, %swap3A_864], %swap3A_867 {strides = array<i32>} : memref<10x128xi32, #tpu.memory_space<vmem>>, vector<1x16xi32>,
      %add3A_868 = arith.constant 200000 : i32
      %add3A_869 = vector.broadcast %add3A_868 : i32 to vector<16xi32>
      %add3A_870 = arith.addi %get3A_852, %add3A_869 : vector<16xi32>
      %swap3A_871 = arith.constant 3 : i32
      %swap3A_872 = arith.index_cast %swap3A_871 : i32 to index
      %swap3A_873 = arith.constant 112 : index
      %swap3A_874 = tpu.vector_load %arg9[%swap3A_872, %swap3A_873] {strides = array<i32>} : memref<10x128xi32, #tpu.memory_space<vmem>>, vector<1x16xi32>,
      %swap3A_875 = vector.shape_cast %swap3A_874 : vector<1x16xi32> to vector<16xi32>
      %swap3A_876 = vector.shape_cast %add3A_870 : vector<16xi32> to vector<1x16xi32>
      tpu.vector_store %arg9[%swap3A_872, %swap3A_873], %swap3A_876 {strides = array<i32>} : memref<10x128xi32, #tpu.memory_space<vmem>>, vector<1x16xi32>,
      %get3A_877 = arith.constant 512 : index
      %get3A_878 = tpu.vector_load %arg6[%get3A_877] {strides = array<i32>} : memref<1280xi32, #tpu.memory_space<vmem>>, vector<16xi32>,
      %get3A_879 = vector.shape_cast %get3A_878 : vector<16xi32> to vector<16xi32>
      %swap3A_880 = arith.constant 4 : i32
      %swap3A_881 = arith.index_cast %swap3A_880 : i32 to index
      %swap3A_882 = arith.constant 0 : index
      %swap3A_883 = tpu.vector_load %arg7[%swap3A_881, %swap3A_882] {strides = array<i32>} : memref<10x128xi32, #tpu.memory_space<vmem>>, vector<1x16xi32>,
      %swap3A_884 = vector.shape_cast %swap3A_883 : vector<1x16xi32> to vector<16xi32>
      %swap3A_885 = vector.shape_cast %get3A_879 : vector<16xi32> to vector<1x16xi32>
      tpu.vector_store %arg7[%swap3A_881, %swap3A_882], %swap3A_885 {strides = array<i32>} : memref<10x128xi32, #tpu.memory_space<vmem>>, vector<1x16xi32>,
      %add3A_886 = arith.constant 100000 : i32
      %add3A_887 = vector.broadcast %add3A_886 : i32 to vector<16xi32>
      %add3A_888 = arith.addi %get3A_879, %add3A_887 : vector<16xi32>
      %swap3A_889 = arith.constant 4 : i32
      %swap3A_890 = arith.index_cast %swap3A_889 : i32 to index
      %swap3A_891 = arith.constant 0 : index
      %swap3A_892 = tpu.vector_load %arg8[%swap3A_890, %swap3A_891] {strides = array<i32>} : memref<10x128xi32, #tpu.memory_space<vmem>>, vector<1x16xi32>,
      %swap3A_893 = vector.shape_cast %swap3A_892 : vector<1x16xi32> to vector<16xi32>
      %swap3A_894 = vector.shape_cast %add3A_888 : vector<16xi32> to vector<1x16xi32>
      tpu.vector_store %arg8[%swap3A_890, %swap3A_891], %swap3A_894 {strides = array<i32>} : memref<10x128xi32, #tpu.memory_space<vmem>>, vector<1x16xi32>,
      %add3A_895 = arith.constant 200000 : i32
      %add3A_896 = vector.broadcast %add3A_895 : i32 to vector<16xi32>
      %add3A_897 = arith.addi %get3A_879, %add3A_896 : vector<16xi32>
      %swap3A_898 = arith.constant 4 : i32
      %swap3A_899 = arith.index_cast %swap3A_898 : i32 to index
      %swap3A_900 = arith.constant 0 : index
      %swap3A_901 = tpu.vector_load %arg9[%swap3A_899, %swap3A_900] {strides = array<i32>} : memref<10x128xi32, #tpu.memory_space<vmem>>, vector<1x16xi32>,
      %swap3A_902 = vector.shape_cast %swap3A_901 : vector<1x16xi32> to vector<16xi32>
      %swap3A_903 = vector.shape_cast %add3A_897 : vector<16xi32> to vector<1x16xi32>
      tpu.vector_store %arg9[%swap3A_899, %swap3A_900], %swap3A_903 {strides = array<i32>} : memref<10x128xi32, #tpu.memory_space<vmem>>, vector<1x16xi32>,
      %get3A_904 = arith.constant 528 : index
      %get3A_905 = tpu.vector_load %arg6[%get3A_904] {strides = array<i32>} : memref<1280xi32, #tpu.memory_space<vmem>>, vector<16xi32>,
      %get3A_906 = vector.shape_cast %get3A_905 : vector<16xi32> to vector<16xi32>
      %swap3A_907 = arith.constant 4 : i32
      %swap3A_908 = arith.index_cast %swap3A_907 : i32 to index
      %swap3A_909 = arith.constant 16 : index
      %swap3A_910 = tpu.vector_load %arg7[%swap3A_908, %swap3A_909] {strides = array<i32>} : memref<10x128xi32, #tpu.memory_space<vmem>>, vector<1x16xi32>,
      %swap3A_911 = vector.shape_cast %swap3A_910 : vector<1x16xi32> to vector<16xi32>
      %swap3A_912 = vector.shape_cast %get3A_906 : vector<16xi32> to vector<1x16xi32>
      tpu.vector_store %arg7[%swap3A_908, %swap3A_909], %swap3A_912 {strides = array<i32>} : memref<10x128xi32, #tpu.memory_space<vmem>>, vector<1x16xi32>,
      %add3A_913 = arith.constant 100000 : i32
      %add3A_914 = vector.broadcast %add3A_913 : i32 to vector<16xi32>
      %add3A_915 = arith.addi %get3A_906, %add3A_914 : vector<16xi32>
      %swap3A_916 = arith.constant 4 : i32
      %swap3A_917 = arith.index_cast %swap3A_916 : i32 to index
      %swap3A_918 = arith.constant 16 : index
      %swap3A_919 = tpu.vector_load %arg8[%swap3A_917, %swap3A_918] {strides = array<i32>} : memref<10x128xi32, #tpu.memory_space<vmem>>, vector<1x16xi32>,
      %swap3A_920 = vector.shape_cast %swap3A_919 : vector<1x16xi32> to vector<16xi32>
      %swap3A_921 = vector.shape_cast %add3A_915 : vector<16xi32> to vector<1x16xi32>
      tpu.vector_store %arg8[%swap3A_917, %swap3A_918], %swap3A_921 {strides = array<i32>} : memref<10x128xi32, #tpu.memory_space<vmem>>, vector<1x16xi32>,
      %add3A_922 = arith.constant 200000 : i32
      %add3A_923 = vector.broadcast %add3A_922 : i32 to vector<16xi32>
      %add3A_924 = arith.addi %get3A_906, %add3A_923 : vector<16xi32>
      %swap3A_925 = arith.constant 4 : i32
      %swap3A_926 = arith.index_cast %swap3A_925 : i32 to index
      %swap3A_927 = arith.constant 16 : index
      %swap3A_928 = tpu.vector_load %arg9[%swap3A_926, %swap3A_927] {strides = array<i32>} : memref<10x128xi32, #tpu.memory_space<vmem>>, vector<1x16xi32>,
      %swap3A_929 = vector.shape_cast %swap3A_928 : vector<1x16xi32> to vector<16xi32>
      %swap3A_930 = vector.shape_cast %add3A_924 : vector<16xi32> to vector<1x16xi32>
      tpu.vector_store %arg9[%swap3A_926, %swap3A_927], %swap3A_930 {strides = array<i32>} : memref<10x128xi32, #tpu.memory_space<vmem>>, vector<1x16xi32>,
      %get3A_931 = arith.constant 544 : index
      %get3A_932 = tpu.vector_load %arg6[%get3A_931] {strides = array<i32>} : memref<1280xi32, #tpu.memory_space<vmem>>, vector<16xi32>,
      %get3A_933 = vector.shape_cast %get3A_932 : vector<16xi32> to vector<16xi32>
      %swap3A_934 = arith.constant 4 : i32
      %swap3A_935 = arith.index_cast %swap3A_934 : i32 to index
      %swap3A_936 = arith.constant 32 : index
      %swap3A_937 = tpu.vector_load %arg7[%swap3A_935, %swap3A_936] {strides = array<i32>} : memref<10x128xi32, #tpu.memory_space<vmem>>, vector<1x16xi32>,
      %swap3A_938 = vector.shape_cast %swap3A_937 : vector<1x16xi32> to vector<16xi32>
      %swap3A_939 = vector.shape_cast %get3A_933 : vector<16xi32> to vector<1x16xi32>
      tpu.vector_store %arg7[%swap3A_935, %swap3A_936], %swap3A_939 {strides = array<i32>} : memref<10x128xi32, #tpu.memory_space<vmem>>, vector<1x16xi32>,
      %add3A_940 = arith.constant 100000 : i32
      %add3A_941 = vector.broadcast %add3A_940 : i32 to vector<16xi32>
      %add3A_942 = arith.addi %get3A_933, %add3A_941 : vector<16xi32>
      %swap3A_943 = arith.constant 4 : i32
      %swap3A_944 = arith.index_cast %swap3A_943 : i32 to index
      %swap3A_945 = arith.constant 32 : index
      %swap3A_946 = tpu.vector_load %arg8[%swap3A_944, %swap3A_945] {strides = array<i32>} : memref<10x128xi32, #tpu.memory_space<vmem>>, vector<1x16xi32>,
      %swap3A_947 = vector.shape_cast %swap3A_946 : vector<1x16xi32> to vector<16xi32>
      %swap3A_948 = vector.shape_cast %add3A_942 : vector<16xi32> to vector<1x16xi32>
      tpu.vector_store %arg8[%swap3A_944, %swap3A_945], %swap3A_948 {strides = array<i32>} : memref<10x128xi32, #tpu.memory_space<vmem>>, vector<1x16xi32>,
      %add3A_949 = arith.constant 200000 : i32
      %add3A_950 = vector.broadcast %add3A_949 : i32 to vector<16xi32>
      %add3A_951 = arith.addi %get3A_933, %add3A_950 : vector<16xi32>
      %swap3A_952 = arith.constant 4 : i32
      %swap3A_953 = arith.index_cast %swap3A_952 : i32 to index
      %swap3A_954 = arith.constant 32 : index
      %swap3A_955 = tpu.vector_load %arg9[%swap3A_953, %swap3A_954] {strides = array<i32>} : memref<10x128xi32, #tpu.memory_space<vmem>>, vector<1x16xi32>,
      %swap3A_956 = vector.shape_cast %swap3A_955 : vector<1x16xi32> to vector<16xi32>
      %swap3A_957 = vector.shape_cast %add3A_951 : vector<16xi32> to vector<1x16xi32>
      tpu.vector_store %arg9[%swap3A_953, %swap3A_954], %swap3A_957 {strides = array<i32>} : memref<10x128xi32, #tpu.memory_space<vmem>>, vector<1x16xi32>,
      %get3A_958 = arith.constant 560 : index
      %get3A_959 = tpu.vector_load %arg6[%get3A_958] {strides = array<i32>} : memref<1280xi32, #tpu.memory_space<vmem>>, vector<16xi32>,
      %get3A_960 = vector.shape_cast %get3A_959 : vector<16xi32> to vector<16xi32>
      %swap3A_961 = arith.constant 4 : i32
      %swap3A_962 = arith.index_cast %swap3A_961 : i32 to index
      %swap3A_963 = arith.constant 48 : index
      %swap3A_964 = tpu.vector_load %arg7[%swap3A_962, %swap3A_963] {strides = array<i32>} : memref<10x128xi32, #tpu.memory_space<vmem>>, vector<1x16xi32>,
      %swap3A_965 = vector.shape_cast %swap3A_964 : vector<1x16xi32> to vector<16xi32>
      %swap3A_966 = vector.shape_cast %get3A_960 : vector<16xi32> to vector<1x16xi32>
      tpu.vector_store %arg7[%swap3A_962, %swap3A_963], %swap3A_966 {strides = array<i32>} : memref<10x128xi32, #tpu.memory_space<vmem>>, vector<1x16xi32>,
      %add3A_967 = arith.constant 100000 : i32
      %add3A_968 = vector.broadcast %add3A_967 : i32 to vector<16xi32>
      %add3A_969 = arith.addi %get3A_960, %add3A_968 : vector<16xi32>
      %swap3A_970 = arith.constant 4 : i32
      %swap3A_971 = arith.index_cast %swap3A_970 : i32 to index
      %swap3A_972 = arith.constant 48 : index
      %swap3A_973 = tpu.vector_load %arg8[%swap3A_971, %swap3A_972] {strides = array<i32>} : memref<10x128xi32, #tpu.memory_space<vmem>>, vector<1x16xi32>,
      %swap3A_974 = vector.shape_cast %swap3A_973 : vector<1x16xi32> to vector<16xi32>
      %swap3A_975 = vector.shape_cast %add3A_969 : vector<16xi32> to vector<1x16xi32>
      tpu.vector_store %arg8[%swap3A_971, %swap3A_972], %swap3A_975 {strides = array<i32>} : memref<10x128xi32, #tpu.memory_space<vmem>>, vector<1x16xi32>,
      %add3A_976 = arith.constant 200000 : i32
      %add3A_977 = vector.broadcast %add3A_976 : i32 to vector<16xi32>
      %add3A_978 = arith.addi %get3A_960, %add3A_977 : vector<16xi32>
      %swap3A_979 = arith.constant 4 : i32
      %swap3A_980 = arith.index_cast %swap3A_979 : i32 to index
      %swap3A_981 = arith.constant 48 : index
      %swap3A_982 = tpu.vector_load %arg9[%swap3A_980, %swap3A_981] {strides = array<i32>} : memref<10x128xi32, #tpu.memory_space<vmem>>, vector<1x16xi32>,
      %swap3A_983 = vector.shape_cast %swap3A_982 : vector<1x16xi32> to vector<16xi32>
      %swap3A_984 = vector.shape_cast %add3A_978 : vector<16xi32> to vector<1x16xi32>
      tpu.vector_store %arg9[%swap3A_980, %swap3A_981], %swap3A_984 {strides = array<i32>} : memref<10x128xi32, #tpu.memory_space<vmem>>, vector<1x16xi32>,
      %get3A_985 = arith.constant 576 : index
      %get3A_986 = tpu.vector_load %arg6[%get3A_985] {strides = array<i32>} : memref<1280xi32, #tpu.memory_space<vmem>>, vector<16xi32>,
      %get3A_987 = vector.shape_cast %get3A_986 : vector<16xi32> to vector<16xi32>
      %swap3A_988 = arith.constant 4 : i32
      %swap3A_989 = arith.index_cast %swap3A_988 : i32 to index
      %swap3A_990 = arith.constant 64 : index
      %swap3A_991 = tpu.vector_load %arg7[%swap3A_989, %swap3A_990] {strides = array<i32>} : memref<10x128xi32, #tpu.memory_space<vmem>>, vector<1x16xi32>,
      %swap3A_992 = vector.shape_cast %swap3A_991 : vector<1x16xi32> to vector<16xi32>
      %swap3A_993 = vector.shape_cast %get3A_987 : vector<16xi32> to vector<1x16xi32>
      tpu.vector_store %arg7[%swap3A_989, %swap3A_990], %swap3A_993 {strides = array<i32>} : memref<10x128xi32, #tpu.memory_space<vmem>>, vector<1x16xi32>,
      %add3A_994 = arith.constant 100000 : i32
      %add3A_995 = vector.broadcast %add3A_994 : i32 to vector<16xi32>
      %add3A_996 = arith.addi %get3A_987, %add3A_995 : vector<16xi32>
      %swap3A_997 = arith.constant 4 : i32
      %swap3A_998 = arith.index_cast %swap3A_997 : i32 to index
      %swap3A_999 = arith.constant 64 : index
      %swap3A_1000 = tpu.vector_load %arg8[%swap3A_998, %swap3A_999] {strides = array<i32>} : memref<10x128xi32, #tpu.memory_space<vmem>>, vector<1x16xi32>,
      %swap3A_1001 = vector.shape_cast %swap3A_1000 : vector<1x16xi32> to vector<16xi32>
      %swap3A_1002 = vector.shape_cast %add3A_996 : vector<16xi32> to vector<1x16xi32>
      tpu.vector_store %arg8[%swap3A_998, %swap3A_999], %swap3A_1002 {strides = array<i32>} : memref<10x128xi32, #tpu.memory_space<vmem>>, vector<1x16xi32>,
      %add3A_1003 = arith.constant 200000 : i32
      %add3A_1004 = vector.broadcast %add3A_1003 : i32 to vector<16xi32>
      %add3A_1005 = arith.addi %get3A_987, %add3A_1004 : vector<16xi32>
      %swap3A_1006 = arith.constant 4 : i32
      %swap3A_1007 = arith.index_cast %swap3A_1006 : i32 to index
      %swap3A_1008 = arith.constant 64 : index
      %swap3A_1009 = tpu.vector_load %arg9[%swap3A_1007, %swap3A_1008] {strides = array<i32>} : memref<10x128xi32, #tpu.memory_space<vmem>>, vector<1x16xi32>,
      %swap3A_1010 = vector.shape_cast %swap3A_1009 : vector<1x16xi32> to vector<16xi32>
      %swap3A_1011 = vector.shape_cast %add3A_1005 : vector<16xi32> to vector<1x16xi32>
      tpu.vector_store %arg9[%swap3A_1007, %swap3A_1008], %swap3A_1011 {strides = array<i32>} : memref<10x128xi32, #tpu.memory_space<vmem>>, vector<1x16xi32>,
      %get3A_1012 = arith.constant 592 : index
      %get3A_1013 = tpu.vector_load %arg6[%get3A_1012] {strides = array<i32>} : memref<1280xi32, #tpu.memory_space<vmem>>, vector<16xi32>,
      %get3A_1014 = vector.shape_cast %get3A_1013 : vector<16xi32> to vector<16xi32>
      %swap3A_1015 = arith.constant 4 : i32
      %swap3A_1016 = arith.index_cast %swap3A_1015 : i32 to index
      %swap3A_1017 = arith.constant 80 : index
      %swap3A_1018 = tpu.vector_load %arg7[%swap3A_1016, %swap3A_1017] {strides = array<i32>} : memref<10x128xi32, #tpu.memory_space<vmem>>, vector<1x16xi32>,
      %swap3A_1019 = vector.shape_cast %swap3A_1018 : vector<1x16xi32> to vector<16xi32>
      %swap3A_1020 = vector.shape_cast %get3A_1014 : vector<16xi32> to vector<1x16xi32>
      tpu.vector_store %arg7[%swap3A_1016, %swap3A_1017], %swap3A_1020 {strides = array<i32>} : memref<10x128xi32, #tpu.memory_space<vmem>>, vector<1x16xi32>,
      %add3A_1021 = arith.constant 100000 : i32
      %add3A_1022 = vector.broadcast %add3A_1021 : i32 to vector<16xi32>
      %add3A_1023 = arith.addi %get3A_1014, %add3A_1022 : vector<16xi32>
      %swap3A_1024 = arith.constant 4 : i32
      %swap3A_1025 = arith.index_cast %swap3A_1024 : i32 to index
      %swap3A_1026 = arith.constant 80 : index
      %swap3A_1027 = tpu.vector_load %arg8[%swap3A_1025, %swap3A_1026] {strides = array<i32>} : memref<10x128xi32, #tpu.memory_space<vmem>>, vector<1x16xi32>,
      %swap3A_1028 = vector.shape_cast %swap3A_1027 : vector<1x16xi32> to vector<16xi32>
      %swap3A_1029 = vector.shape_cast %add3A_1023 : vector<16xi32> to vector<1x16xi32>
      tpu.vector_store %arg8[%swap3A_1025, %swap3A_1026], %swap3A_1029 {strides = array<i32>} : memref<10x128xi32, #tpu.memory_space<vmem>>, vector<1x16xi32>,
      %add3A_1030 = arith.constant 200000 : i32
      %add3A_1031 = vector.broadcast %add3A_1030 : i32 to vector<16xi32>
      %add3A_1032 = arith.addi %get3A_1014, %add3A_1031 : vector<16xi32>
      %swap3A_1033 = arith.constant 4 : i32
      %swap3A_1034 = arith.index_cast %swap3A_1033 : i32 to index
      %swap3A_1035 = arith.constant 80 : index
      %swap3A_1036 = tpu.vector_load %arg9[%swap3A_1034, %swap3A_1035] {strides = array<i32>} : memref<10x128xi32, #tpu.memory_space<vmem>>, vector<1x16xi32>,
      %swap3A_1037 = vector.shape_cast %swap3A_1036 : vector<1x16xi32> to vector<16xi32>
      %swap3A_1038 = vector.shape_cast %add3A_1032 : vector<16xi32> to vector<1x16xi32>
      tpu.vector_store %arg9[%swap3A_1034, %swap3A_1035], %swap3A_1038 {strides = array<i32>} : memref<10x128xi32, #tpu.memory_space<vmem>>, vector<1x16xi32>,
      %get3A_1039 = arith.constant 608 : index
      %get3A_1040 = tpu.vector_load %arg6[%get3A_1039] {strides = array<i32>} : memref<1280xi32, #tpu.memory_space<vmem>>, vector<16xi32>,
      %get3A_1041 = vector.shape_cast %get3A_1040 : vector<16xi32> to vector<16xi32>
      %swap3A_1042 = arith.constant 4 : i32
      %swap3A_1043 = arith.index_cast %swap3A_1042 : i32 to index
      %swap3A_1044 = arith.constant 96 : index
      %swap3A_1045 = tpu.vector_load %arg7[%swap3A_1043, %swap3A_1044] {strides = array<i32>} : memref<10x128xi32, #tpu.memory_space<vmem>>, vector<1x16xi32>,
      %swap3A_1046 = vector.shape_cast %swap3A_1045 : vector<1x16xi32> to vector<16xi32>
      %swap3A_1047 = vector.shape_cast %get3A_1041 : vector<16xi32> to vector<1x16xi32>
      tpu.vector_store %arg7[%swap3A_1043, %swap3A_1044], %swap3A_1047 {strides = array<i32>} : memref<10x128xi32, #tpu.memory_space<vmem>>, vector<1x16xi32>,
      %add3A_1048 = arith.constant 100000 : i32
      %add3A_1049 = vector.broadcast %add3A_1048 : i32 to vector<16xi32>
      %add3A_1050 = arith.addi %get3A_1041, %add3A_1049 : vector<16xi32>
      %swap3A_1051 = arith.constant 4 : i32
      %swap3A_1052 = arith.index_cast %swap3A_1051 : i32 to index
      %swap3A_1053 = arith.constant 96 : index
      %swap3A_1054 = tpu.vector_load %arg8[%swap3A_1052, %swap3A_1053] {strides = array<i32>} : memref<10x128xi32, #tpu.memory_space<vmem>>, vector<1x16xi32>,
      %swap3A_1055 = vector.shape_cast %swap3A_1054 : vector<1x16xi32> to vector<16xi32>
      %swap3A_1056 = vector.shape_cast %add3A_1050 : vector<16xi32> to vector<1x16xi32>
      tpu.vector_store %arg8[%swap3A_1052, %swap3A_1053], %swap3A_1056 {strides = array<i32>} : memref<10x128xi32, #tpu.memory_space<vmem>>, vector<1x16xi32>,
      %add3A_1057 = arith.constant 200000 : i32
      %add3A_1058 = vector.broadcast %add3A_1057 : i32 to vector<16xi32>
      %add3A_1059 = arith.addi %get3A_1041, %add3A_1058 : vector<16xi32>
      %swap3A_1060 = arith.constant 4 : i32
      %swap3A_1061 = arith.index_cast %swap3A_1060 : i32 to index
      %swap3A_1062 = arith.constant 96 : index
      %swap3A_1063 = tpu.vector_load %arg9[%swap3A_1061, %swap3A_1062] {strides = array<i32>} : memref<10x128xi32, #tpu.memory_space<vmem>>, vector<1x16xi32>,
      %swap3A_1064 = vector.shape_cast %swap3A_1063 : vector<1x16xi32> to vector<16xi32>
      %swap3A_1065 = vector.shape_cast %add3A_1059 : vector<16xi32> to vector<1x16xi32>
      tpu.vector_store %arg9[%swap3A_1061, %swap3A_1062], %swap3A_1065 {strides = array<i32>} : memref<10x128xi32, #tpu.memory_space<vmem>>, vector<1x16xi32>,
      %get3A_1066 = arith.constant 624 : index
      %get3A_1067 = tpu.vector_load %arg6[%get3A_1066] {strides = array<i32>} : memref<1280xi32, #tpu.memory_space<vmem>>, vector<16xi32>,
      %get3A_1068 = vector.shape_cast %get3A_1067 : vector<16xi32> to vector<16xi32>
      %swap3A_1069 = arith.constant 4 : i32
      %swap3A_1070 = arith.index_cast %swap3A_1069 : i32 to index
      %swap3A_1071 = arith.constant 112 : index
      %swap3A_1072 = tpu.vector_load %arg7[%swap3A_1070, %swap3A_1071] {strides = array<i32>} : memref<10x128xi32, #tpu.memory_space<vmem>>, vector<1x16xi32>,
      %swap3A_1073 = vector.shape_cast %swap3A_1072 : vector<1x16xi32> to vector<16xi32>
      %swap3A_1074 = vector.shape_cast %get3A_1068 : vector<16xi32> to vector<1x16xi32>
      tpu.vector_store %arg7[%swap3A_1070, %swap3A_1071], %swap3A_1074 {strides = array<i32>} : memref<10x128xi32, #tpu.memory_space<vmem>>, vector<1x16xi32>,
      %add3A_1075 = arith.constant 100000 : i32
      %add3A_1076 = vector.broadcast %add3A_1075 : i32 to vector<16xi32>
      %add3A_1077 = arith.addi %get3A_1068, %add3A_1076 : vector<16xi32>
      %swap3A_1078 = arith.constant 4 : i32
      %swap3A_1079 = arith.index_cast %swap3A_1078 : i32 to index
      %swap3A_1080 = arith.constant 112 : index
      %swap3A_1081 = tpu.vector_load %arg8[%swap3A_1079, %swap3A_1080] {strides = array<i32>} : memref<10x128xi32, #tpu.memory_space<vmem>>, vector<1x16xi32>,
      %swap3A_1082 = vector.shape_cast %swap3A_1081 : vector<1x16xi32> to vector<16xi32>
      %swap3A_1083 = vector.shape_cast %add3A_1077 : vector<16xi32> to vector<1x16xi32>
      tpu.vector_store %arg8[%swap3A_1079, %swap3A_1080], %swap3A_1083 {strides = array<i32>} : memref<10x128xi32, #tpu.memory_space<vmem>>, vector<1x16xi32>,
      %add3A_1084 = arith.constant 200000 : i32
      %add3A_1085 = vector.broadcast %add3A_1084 : i32 to vector<16xi32>
      %add3A_1086 = arith.addi %get3A_1068, %add3A_1085 : vector<16xi32>
      %swap3A_1087 = arith.constant 4 : i32
      %swap3A_1088 = arith.index_cast %swap3A_1087 : i32 to index
      %swap3A_1089 = arith.constant 112 : index
      %swap3A_1090 = tpu.vector_load %arg9[%swap3A_1088, %swap3A_1089] {strides = array<i32>} : memref<10x128xi32, #tpu.memory_space<vmem>>, vector<1x16xi32>,
      %swap3A_1091 = vector.shape_cast %swap3A_1090 : vector<1x16xi32> to vector<16xi32>
      %swap3A_1092 = vector.shape_cast %add3A_1086 : vector<16xi32> to vector<1x16xi32>
      tpu.vector_store %arg9[%swap3A_1088, %swap3A_1089], %swap3A_1092 {strides = array<i32>} : memref<10x128xi32, #tpu.memory_space<vmem>>, vector<1x16xi32>,
      %get3A_1093 = arith.constant 640 : index
      %get3A_1094 = tpu.vector_load %arg6[%get3A_1093] {strides = array<i32>} : memref<1280xi32, #tpu.memory_space<vmem>>, vector<16xi32>,
      %get3A_1095 = vector.shape_cast %get3A_1094 : vector<16xi32> to vector<16xi32>
      %swap3A_1096 = arith.constant 5 : i32
      %swap3A_1097 = arith.index_cast %swap3A_1096 : i32 to index
      %swap3A_1098 = arith.constant 0 : index
      %swap3A_1099 = tpu.vector_load %arg7[%swap3A_1097, %swap3A_1098] {strides = array<i32>} : memref<10x128xi32, #tpu.memory_space<vmem>>, vector<1x16xi32>,
      %swap3A_1100 = vector.shape_cast %swap3A_1099 : vector<1x16xi32> to vector<16xi32>
      %swap3A_1101 = vector.shape_cast %get3A_1095 : vector<16xi32> to vector<1x16xi32>
      tpu.vector_store %arg7[%swap3A_1097, %swap3A_1098], %swap3A_1101 {strides = array<i32>} : memref<10x128xi32, #tpu.memory_space<vmem>>, vector<1x16xi32>,
      %add3A_1102 = arith.constant 100000 : i32
      %add3A_1103 = vector.broadcast %add3A_1102 : i32 to vector<16xi32>
      %add3A_1104 = arith.addi %get3A_1095, %add3A_1103 : vector<16xi32>
      %swap3A_1105 = arith.constant 5 : i32
      %swap3A_1106 = arith.index_cast %swap3A_1105 : i32 to index
      %swap3A_1107 = arith.constant 0 : index
      %swap3A_1108 = tpu.vector_load %arg8[%swap3A_1106, %swap3A_1107] {strides = array<i32>} : memref<10x128xi32, #tpu.memory_space<vmem>>, vector<1x16xi32>,
      %swap3A_1109 = vector.shape_cast %swap3A_1108 : vector<1x16xi32> to vector<16xi32>
      %swap3A_1110 = vector.shape_cast %add3A_1104 : vector<16xi32> to vector<1x16xi32>
      tpu.vector_store %arg8[%swap3A_1106, %swap3A_1107], %swap3A_1110 {strides = array<i32>} : memref<10x128xi32, #tpu.memory_space<vmem>>, vector<1x16xi32>,
      %add3A_1111 = arith.constant 200000 : i32
      %add3A_1112 = vector.broadcast %add3A_1111 : i32 to vector<16xi32>
      %add3A_1113 = arith.addi %get3A_1095, %add3A_1112 : vector<16xi32>
      %swap3A_1114 = arith.constant 5 : i32
      %swap3A_1115 = arith.index_cast %swap3A_1114 : i32 to index
      %swap3A_1116 = arith.constant 0 : index
      %swap3A_1117 = tpu.vector_load %arg9[%swap3A_1115, %swap3A_1116] {strides = array<i32>} : memref<10x128xi32, #tpu.memory_space<vmem>>, vector<1x16xi32>,
      %swap3A_1118 = vector.shape_cast %swap3A_1117 : vector<1x16xi32> to vector<16xi32>
      %swap3A_1119 = vector.shape_cast %add3A_1113 : vector<16xi32> to vector<1x16xi32>
      tpu.vector_store %arg9[%swap3A_1115, %swap3A_1116], %swap3A_1119 {strides = array<i32>} : memref<10x128xi32, #tpu.memory_space<vmem>>, vector<1x16xi32>,
      %get3A_1120 = arith.constant 656 : index
      %get3A_1121 = tpu.vector_load %arg6[%get3A_1120] {strides = array<i32>} : memref<1280xi32, #tpu.memory_space<vmem>>, vector<16xi32>,
      %get3A_1122 = vector.shape_cast %get3A_1121 : vector<16xi32> to vector<16xi32>
      %swap3A_1123 = arith.constant 5 : i32
      %swap3A_1124 = arith.index_cast %swap3A_1123 : i32 to index
      %swap3A_1125 = arith.constant 16 : index
      %swap3A_1126 = tpu.vector_load %arg7[%swap3A_1124, %swap3A_1125] {strides = array<i32>} : memref<10x128xi32, #tpu.memory_space<vmem>>, vector<1x16xi32>,
      %swap3A_1127 = vector.shape_cast %swap3A_1126 : vector<1x16xi32> to vector<16xi32>
      %swap3A_1128 = vector.shape_cast %get3A_1122 : vector<16xi32> to vector<1x16xi32>
      tpu.vector_store %arg7[%swap3A_1124, %swap3A_1125], %swap3A_1128 {strides = array<i32>} : memref<10x128xi32, #tpu.memory_space<vmem>>, vector<1x16xi32>,
      %add3A_1129 = arith.constant 100000 : i32
      %add3A_1130 = vector.broadcast %add3A_1129 : i32 to vector<16xi32>
      %add3A_1131 = arith.addi %get3A_1122, %add3A_1130 : vector<16xi32>
      %swap3A_1132 = arith.constant 5 : i32
      %swap3A_1133 = arith.index_cast %swap3A_1132 : i32 to index
      %swap3A_1134 = arith.constant 16 : index
      %swap3A_1135 = tpu.vector_load %arg8[%swap3A_1133, %swap3A_1134] {strides = array<i32>} : memref<10x128xi32, #tpu.memory_space<vmem>>, vector<1x16xi32>,
      %swap3A_1136 = vector.shape_cast %swap3A_1135 : vector<1x16xi32> to vector<16xi32>
      %swap3A_1137 = vector.shape_cast %add3A_1131 : vector<16xi32> to vector<1x16xi32>
      tpu.vector_store %arg8[%swap3A_1133, %swap3A_1134], %swap3A_1137 {strides = array<i32>} : memref<10x128xi32, #tpu.memory_space<vmem>>, vector<1x16xi32>,
      %add3A_1138 = arith.constant 200000 : i32
      %add3A_1139 = vector.broadcast %add3A_1138 : i32 to vector<16xi32>
      %add3A_1140 = arith.addi %get3A_1122, %add3A_1139 : vector<16xi32>
      %swap3A_1141 = arith.constant 5 : i32
      %swap3A_1142 = arith.index_cast %swap3A_1141 : i32 to index
      %swap3A_1143 = arith.constant 16 : index
      %swap3A_1144 = tpu.vector_load %arg9[%swap3A_1142, %swap3A_1143] {strides = array<i32>} : memref<10x128xi32, #tpu.memory_space<vmem>>, vector<1x16xi32>,
      %swap3A_1145 = vector.shape_cast %swap3A_1144 : vector<1x16xi32> to vector<16xi32>
      %swap3A_1146 = vector.shape_cast %add3A_1140 : vector<16xi32> to vector<1x16xi32>
      tpu.vector_store %arg9[%swap3A_1142, %swap3A_1143], %swap3A_1146 {strides = array<i32>} : memref<10x128xi32, #tpu.memory_space<vmem>>, vector<1x16xi32>,
      %get3A_1147 = arith.constant 672 : index
      %get3A_1148 = tpu.vector_load %arg6[%get3A_1147] {strides = array<i32>} : memref<1280xi32, #tpu.memory_space<vmem>>, vector<16xi32>,
      %get3A_1149 = vector.shape_cast %get3A_1148 : vector<16xi32> to vector<16xi32>
      %swap3A_1150 = arith.constant 5 : i32
      %swap3A_1151 = arith.index_cast %swap3A_1150 : i32 to index
      %swap3A_1152 = arith.constant 32 : index
      %swap3A_1153 = tpu.vector_load %arg7[%swap3A_1151, %swap3A_1152] {strides = array<i32>} : memref<10x128xi32, #tpu.memory_space<vmem>>, vector<1x16xi32>,
      %swap3A_1154 = vector.shape_cast %swap3A_1153 : vector<1x16xi32> to vector<16xi32>
      %swap3A_1155 = vector.shape_cast %get3A_1149 : vector<16xi32> to vector<1x16xi32>
      tpu.vector_store %arg7[%swap3A_1151, %swap3A_1152], %swap3A_1155 {strides = array<i32>} : memref<10x128xi32, #tpu.memory_space<vmem>>, vector<1x16xi32>,
      %add3A_1156 = arith.constant 100000 : i32
      %add3A_1157 = vector.broadcast %add3A_1156 : i32 to vector<16xi32>
      %add3A_1158 = arith.addi %get3A_1149, %add3A_1157 : vector<16xi32>
      %swap3A_1159 = arith.constant 5 : i32
      %swap3A_1160 = arith.index_cast %swap3A_1159 : i32 to index
      %swap3A_1161 = arith.constant 32 : index
      %swap3A_1162 = tpu.vector_load %arg8[%swap3A_1160, %swap3A_1161] {strides = array<i32>} : memref<10x128xi32, #tpu.memory_space<vmem>>, vector<1x16xi32>,
      %swap3A_1163 = vector.shape_cast %swap3A_1162 : vector<1x16xi32> to vector<16xi32>
      %swap3A_1164 = vector.shape_cast %add3A_1158 : vector<16xi32> to vector<1x16xi32>
      tpu.vector_store %arg8[%swap3A_1160, %swap3A_1161], %swap3A_1164 {strides = array<i32>} : memref<10x128xi32, #tpu.memory_space<vmem>>, vector<1x16xi32>,
      %add3A_1165 = arith.constant 200000 : i32
      %add3A_1166 = vector.broadcast %add3A_1165 : i32 to vector<16xi32>
      %add3A_1167 = arith.addi %get3A_1149, %add3A_1166 : vector<16xi32>
      %swap3A_1168 = arith.constant 5 : i32
      %swap3A_1169 = arith.index_cast %swap3A_1168 : i32 to index
      %swap3A_1170 = arith.constant 32 : index
      %swap3A_1171 = tpu.vector_load %arg9[%swap3A_1169, %swap3A_1170] {strides = array<i32>} : memref<10x128xi32, #tpu.memory_space<vmem>>, vector<1x16xi32>,
      %swap3A_1172 = vector.shape_cast %swap3A_1171 : vector<1x16xi32> to vector<16xi32>
      %swap3A_1173 = vector.shape_cast %add3A_1167 : vector<16xi32> to vector<1x16xi32>
      tpu.vector_store %arg9[%swap3A_1169, %swap3A_1170], %swap3A_1173 {strides = array<i32>} : memref<10x128xi32, #tpu.memory_space<vmem>>, vector<1x16xi32>,
      %get3A_1174 = arith.constant 688 : index
      %get3A_1175 = tpu.vector_load %arg6[%get3A_1174] {strides = array<i32>} : memref<1280xi32, #tpu.memory_space<vmem>>, vector<16xi32>,
      %get3A_1176 = vector.shape_cast %get3A_1175 : vector<16xi32> to vector<16xi32>
      %swap3A_1177 = arith.constant 5 : i32
      %swap3A_1178 = arith.index_cast %swap3A_1177 : i32 to index
      %swap3A_1179 = arith.constant 48 : index
      %swap3A_1180 = tpu.vector_load %arg7[%swap3A_1178, %swap3A_1179] {strides = array<i32>} : memref<10x128xi32, #tpu.memory_space<vmem>>, vector<1x16xi32>,
      %swap3A_1181 = vector.shape_cast %swap3A_1180 : vector<1x16xi32> to vector<16xi32>
      %swap3A_1182 = vector.shape_cast %get3A_1176 : vector<16xi32> to vector<1x16xi32>
      tpu.vector_store %arg7[%swap3A_1178, %swap3A_1179], %swap3A_1182 {strides = array<i32>} : memref<10x128xi32, #tpu.memory_space<vmem>>, vector<1x16xi32>,
      %add3A_1183 = arith.constant 100000 : i32
      %add3A_1184 = vector.broadcast %add3A_1183 : i32 to vector<16xi32>
      %add3A_1185 = arith.addi %get3A_1176, %add3A_1184 : vector<16xi32>
      %swap3A_1186 = arith.constant 5 : i32
      %swap3A_1187 = arith.index_cast %swap3A_1186 : i32 to index
      %swap3A_1188 = arith.constant 48 : index
      %swap3A_1189 = tpu.vector_load %arg8[%swap3A_1187, %swap3A_1188] {strides = array<i32>} : memref<10x128xi32, #tpu.memory_space<vmem>>, vector<1x16xi32>,
      %swap3A_1190 = vector.shape_cast %swap3A_1189 : vector<1x16xi32> to vector<16xi32>
      %swap3A_1191 = vector.shape_cast %add3A_1185 : vector<16xi32> to vector<1x16xi32>
      tpu.vector_store %arg8[%swap3A_1187, %swap3A_1188], %swap3A_1191 {strides = array<i32>} : memref<10x128xi32, #tpu.memory_space<vmem>>, vector<1x16xi32>,
      %add3A_1192 = arith.constant 200000 : i32
      %add3A_1193 = vector.broadcast %add3A_1192 : i32 to vector<16xi32>
      %add3A_1194 = arith.addi %get3A_1176, %add3A_1193 : vector<16xi32>
      %swap3A_1195 = arith.constant 5 : i32
      %swap3A_1196 = arith.index_cast %swap3A_1195 : i32 to index
      %swap3A_1197 = arith.constant 48 : index
      %swap3A_1198 = tpu.vector_load %arg9[%swap3A_1196, %swap3A_1197] {strides = array<i32>} : memref<10x128xi32, #tpu.memory_space<vmem>>, vector<1x16xi32>,
      %swap3A_1199 = vector.shape_cast %swap3A_1198 : vector<1x16xi32> to vector<16xi32>
      %swap3A_1200 = vector.shape_cast %add3A_1194 : vector<16xi32> to vector<1x16xi32>
      tpu.vector_store %arg9[%swap3A_1196, %swap3A_1197], %swap3A_1200 {strides = array<i32>} : memref<10x128xi32, #tpu.memory_space<vmem>>, vector<1x16xi32>,
      %get3A_1201 = arith.constant 704 : index
      %get3A_1202 = tpu.vector_load %arg6[%get3A_1201] {strides = array<i32>} : memref<1280xi32, #tpu.memory_space<vmem>>, vector<16xi32>,
      %get3A_1203 = vector.shape_cast %get3A_1202 : vector<16xi32> to vector<16xi32>
      %swap3A_1204 = arith.constant 5 : i32
      %swap3A_1205 = arith.index_cast %swap3A_1204 : i32 to index
      %swap3A_1206 = arith.constant 64 : index
      %swap3A_1207 = tpu.vector_load %arg7[%swap3A_1205, %swap3A_1206] {strides = array<i32>} : memref<10x128xi32, #tpu.memory_space<vmem>>, vector<1x16xi32>,
      %swap3A_1208 = vector.shape_cast %swap3A_1207 : vector<1x16xi32> to vector<16xi32>
      %swap3A_1209 = vector.shape_cast %get3A_1203 : vector<16xi32> to vector<1x16xi32>
      tpu.vector_store %arg7[%swap3A_1205, %swap3A_1206], %swap3A_1209 {strides = array<i32>} : memref<10x128xi32, #tpu.memory_space<vmem>>, vector<1x16xi32>,
      %add3A_1210 = arith.constant 100000 : i32
      %add3A_1211 = vector.broadcast %add3A_1210 : i32 to vector<16xi32>
      %add3A_1212 = arith.addi %get3A_1203, %add3A_1211 : vector<16xi32>
      %swap3A_1213 = arith.constant 5 : i32
      %swap3A_1214 = arith.index_cast %swap3A_1213 : i32 to index
      %swap3A_1215 = arith.constant 64 : index
      %swap3A_1216 = tpu.vector_load %arg8[%swap3A_1214, %swap3A_1215] {strides = array<i32>} : memref<10x128xi32, #tpu.memory_space<vmem>>, vector<1x16xi32>,
      %swap3A_1217 = vector.shape_cast %swap3A_1216 : vector<1x16xi32> to vector<16xi32>
      %swap3A_1218 = vector.shape_cast %add3A_1212 : vector<16xi32> to vector<1x16xi32>
      tpu.vector_store %arg8[%swap3A_1214, %swap3A_1215], %swap3A_1218 {strides = array<i32>} : memref<10x128xi32, #tpu.memory_space<vmem>>, vector<1x16xi32>,
      %add3A_1219 = arith.constant 200000 : i32
      %add3A_1220 = vector.broadcast %add3A_1219 : i32 to vector<16xi32>
      %add3A_1221 = arith.addi %get3A_1203, %add3A_1220 : vector<16xi32>
      %swap3A_1222 = arith.constant 5 : i32
      %swap3A_1223 = arith.index_cast %swap3A_1222 : i32 to index
      %swap3A_1224 = arith.constant 64 : index
      %swap3A_1225 = tpu.vector_load %arg9[%swap3A_1223, %swap3A_1224] {strides = array<i32>} : memref<10x128xi32, #tpu.memory_space<vmem>>, vector<1x16xi32>,
      %swap3A_1226 = vector.shape_cast %swap3A_1225 : vector<1x16xi32> to vector<16xi32>
      %swap3A_1227 = vector.shape_cast %add3A_1221 : vector<16xi32> to vector<1x16xi32>
      tpu.vector_store %arg9[%swap3A_1223, %swap3A_1224], %swap3A_1227 {strides = array<i32>} : memref<10x128xi32, #tpu.memory_space<vmem>>, vector<1x16xi32>,
      %get3A_1228 = arith.constant 720 : index
      %get3A_1229 = tpu.vector_load %arg6[%get3A_1228] {strides = array<i32>} : memref<1280xi32, #tpu.memory_space<vmem>>, vector<16xi32>,
      %get3A_1230 = vector.shape_cast %get3A_1229 : vector<16xi32> to vector<16xi32>
      %swap3A_1231 = arith.constant 5 : i32
      %swap3A_1232 = arith.index_cast %swap3A_1231 : i32 to index
      %swap3A_1233 = arith.constant 80 : index
      %swap3A_1234 = tpu.vector_load %arg7[%swap3A_1232, %swap3A_1233] {strides = array<i32>} : memref<10x128xi32, #tpu.memory_space<vmem>>, vector<1x16xi32>,
      %swap3A_1235 = vector.shape_cast %swap3A_1234 : vector<1x16xi32> to vector<16xi32>
      %swap3A_1236 = vector.shape_cast %get3A_1230 : vector<16xi32> to vector<1x16xi32>
      tpu.vector_store %arg7[%swap3A_1232, %swap3A_1233], %swap3A_1236 {strides = array<i32>} : memref<10x128xi32, #tpu.memory_space<vmem>>, vector<1x16xi32>,
      %add3A_1237 = arith.constant 100000 : i32
      %add3A_1238 = vector.broadcast %add3A_1237 : i32 to vector<16xi32>
      %add3A_1239 = arith.addi %get3A_1230, %add3A_1238 : vector<16xi32>
      %swap3A_1240 = arith.constant 5 : i32
      %swap3A_1241 = arith.index_cast %swap3A_1240 : i32 to index
      %swap3A_1242 = arith.constant 80 : index
      %swap3A_1243 = tpu.vector_load %arg8[%swap3A_1241, %swap3A_1242] {strides = array<i32>} : memref<10x128xi32, #tpu.memory_space<vmem>>, vector<1x16xi32>,
      %swap3A_1244 = vector.shape_cast %swap3A_1243 : vector<1x16xi32> to vector<16xi32>
      %swap3A_1245 = vector.shape_cast %add3A_1239 : vector<16xi32> to vector<1x16xi32>
      tpu.vector_store %arg8[%swap3A_1241, %swap3A_1242], %swap3A_1245 {strides = array<i32>} : memref<10x128xi32, #tpu.memory_space<vmem>>, vector<1x16xi32>,
      %add3A_1246 = arith.constant 200000 : i32
      %add3A_1247 = vector.broadcast %add3A_1246 : i32 to vector<16xi32>
      %add3A_1248 = arith.addi %get3A_1230, %add3A_1247 : vector<16xi32>
      %swap3A_1249 = arith.constant 5 : i32
      %swap3A_1250 = arith.index_cast %swap3A_1249 : i32 to index
      %swap3A_1251 = arith.constant 80 : index
      %swap3A_1252 = tpu.vector_load %arg9[%swap3A_1250, %swap3A_1251] {strides = array<i32>} : memref<10x128xi32, #tpu.memory_space<vmem>>, vector<1x16xi32>,
      %swap3A_1253 = vector.shape_cast %swap3A_1252 : vector<1x16xi32> to vector<16xi32>
      %swap3A_1254 = vector.shape_cast %add3A_1248 : vector<16xi32> to vector<1x16xi32>
      tpu.vector_store %arg9[%swap3A_1250, %swap3A_1251], %swap3A_1254 {strides = array<i32>} : memref<10x128xi32, #tpu.memory_space<vmem>>, vector<1x16xi32>,
      %get3A_1255 = arith.constant 736 : index
      %get3A_1256 = tpu.vector_load %arg6[%get3A_1255] {strides = array<i32>} : memref<1280xi32, #tpu.memory_space<vmem>>, vector<16xi32>,
      %get3A_1257 = vector.shape_cast %get3A_1256 : vector<16xi32> to vector<16xi32>
      %swap3A_1258 = arith.constant 5 : i32
      %swap3A_1259 = arith.index_cast %swap3A_1258 : i32 to index
      %swap3A_1260 = arith.constant 96 : index
      %swap3A_1261 = tpu.vector_load %arg7[%swap3A_1259, %swap3A_1260] {strides = array<i32>} : memref<10x128xi32, #tpu.memory_space<vmem>>, vector<1x16xi32>,
      %swap3A_1262 = vector.shape_cast %swap3A_1261 : vector<1x16xi32> to vector<16xi32>
      %swap3A_1263 = vector.shape_cast %get3A_1257 : vector<16xi32> to vector<1x16xi32>
      tpu.vector_store %arg7[%swap3A_1259, %swap3A_1260], %swap3A_1263 {strides = array<i32>} : memref<10x128xi32, #tpu.memory_space<vmem>>, vector<1x16xi32>,
      %add3A_1264 = arith.constant 100000 : i32
      %add3A_1265 = vector.broadcast %add3A_1264 : i32 to vector<16xi32>
      %add3A_1266 = arith.addi %get3A_1257, %add3A_1265 : vector<16xi32>
      %swap3A_1267 = arith.constant 5 : i32
      %swap3A_1268 = arith.index_cast %swap3A_1267 : i32 to index
      %swap3A_1269 = arith.constant 96 : index
      %swap3A_1270 = tpu.vector_load %arg8[%swap3A_1268, %swap3A_1269] {strides = array<i32>} : memref<10x128xi32, #tpu.memory_space<vmem>>, vector<1x16xi32>,
      %swap3A_1271 = vector.shape_cast %swap3A_1270 : vector<1x16xi32> to vector<16xi32>
      %swap3A_1272 = vector.shape_cast %add3A_1266 : vector<16xi32> to vector<1x16xi32>
      tpu.vector_store %arg8[%swap3A_1268, %swap3A_1269], %swap3A_1272 {strides = array<i32>} : memref<10x128xi32, #tpu.memory_space<vmem>>, vector<1x16xi32>,
      %add3A_1273 = arith.constant 200000 : i32
      %add3A_1274 = vector.broadcast %add3A_1273 : i32 to vector<16xi32>
      %add3A_1275 = arith.addi %get3A_1257, %add3A_1274 : vector<16xi32>
      %swap3A_1276 = arith.constant 5 : i32
      %swap3A_1277 = arith.index_cast %swap3A_1276 : i32 to index
      %swap3A_1278 = arith.constant 96 : index
      %swap3A_1279 = tpu.vector_load %arg9[%swap3A_1277, %swap3A_1278] {strides = array<i32>} : memref<10x128xi32, #tpu.memory_space<vmem>>, vector<1x16xi32>,
      %swap3A_1280 = vector.shape_cast %swap3A_1279 : vector<1x16xi32> to vector<16xi32>
      %swap3A_1281 = vector.shape_cast %add3A_1275 : vector<16xi32> to vector<1x16xi32>
      tpu.vector_store %arg9[%swap3A_1277, %swap3A_1278], %swap3A_1281 {strides = array<i32>} : memref<10x128xi32, #tpu.memory_space<vmem>>, vector<1x16xi32>,
      %get3A_1282 = arith.constant 752 : index
      %get3A_1283 = tpu.vector_load %arg6[%get3A_1282] {strides = array<i32>} : memref<1280xi32, #tpu.memory_space<vmem>>, vector<16xi32>,
      %get3A_1284 = vector.shape_cast %get3A_1283 : vector<16xi32> to vector<16xi32>
      %swap3A_1285 = arith.constant 5 : i32
      %swap3A_1286 = arith.index_cast %swap3A_1285 : i32 to index
      %swap3A_1287 = arith.constant 112 : index
      %swap3A_1288 = tpu.vector_load %arg7[%swap3A_1286, %swap3A_1287] {strides = array<i32>} : memref<10x128xi32, #tpu.memory_space<vmem>>, vector<1x16xi32>,
      %swap3A_1289 = vector.shape_cast %swap3A_1288 : vector<1x16xi32> to vector<16xi32>
      %swap3A_1290 = vector.shape_cast %get3A_1284 : vector<16xi32> to vector<1x16xi32>
      tpu.vector_store %arg7[%swap3A_1286, %swap3A_1287], %swap3A_1290 {strides = array<i32>} : memref<10x128xi32, #tpu.memory_space<vmem>>, vector<1x16xi32>,
      %add3A_1291 = arith.constant 100000 : i32
      %add3A_1292 = vector.broadcast %add3A_1291 : i32 to vector<16xi32>
      %add3A_1293 = arith.addi %get3A_1284, %add3A_1292 : vector<16xi32>
      %swap3A_1294 = arith.constant 5 : i32
      %swap3A_1295 = arith.index_cast %swap3A_1294 : i32 to index
      %swap3A_1296 = arith.constant 112 : index
      %swap3A_1297 = tpu.vector_load %arg8[%swap3A_1295, %swap3A_1296] {strides = array<i32>} : memref<10x128xi32, #tpu.memory_space<vmem>>, vector<1x16xi32>,
      %swap3A_1298 = vector.shape_cast %swap3A_1297 : vector<1x16xi32> to vector<16xi32>
      %swap3A_1299 = vector.shape_cast %add3A_1293 : vector<16xi32> to vector<1x16xi32>
      tpu.vector_store %arg8[%swap3A_1295, %swap3A_1296], %swap3A_1299 {strides = array<i32>} : memref<10x128xi32, #tpu.memory_space<vmem>>, vector<1x16xi32>,
      %add3A_1300 = arith.constant 200000 : i32
      %add3A_1301 = vector.broadcast %add3A_1300 : i32 to vector<16xi32>
      %add3A_1302 = arith.addi %get3A_1284, %add3A_1301 : vector<16xi32>
      %swap3A_1303 = arith.constant 5 : i32
      %swap3A_1304 = arith.index_cast %swap3A_1303 : i32 to index
      %swap3A_1305 = arith.constant 112 : index
      %swap3A_1306 = tpu.vector_load %arg9[%swap3A_1304, %swap3A_1305] {strides = array<i32>} : memref<10x128xi32, #tpu.memory_space<vmem>>, vector<1x16xi32>,
      %swap3A_1307 = vector.shape_cast %swap3A_1306 : vector<1x16xi32> to vector<16xi32>
      %swap3A_1308 = vector.shape_cast %add3A_1302 : vector<16xi32> to vector<1x16xi32>
      tpu.vector_store %arg9[%swap3A_1304, %swap3A_1305], %swap3A_1308 {strides = array<i32>} : memref<10x128xi32, #tpu.memory_space<vmem>>, vector<1x16xi32>,
      %get3A_1309 = arith.constant 768 : index
      %get3A_1310 = tpu.vector_load %arg6[%get3A_1309] {strides = array<i32>} : memref<1280xi32, #tpu.memory_space<vmem>>, vector<16xi32>,
      %get3A_1311 = vector.shape_cast %get3A_1310 : vector<16xi32> to vector<16xi32>
      %swap3A_1312 = arith.constant 6 : i32
      %swap3A_1313 = arith.index_cast %swap3A_1312 : i32 to index
      %swap3A_1314 = arith.constant 0 : index
      %swap3A_1315 = tpu.vector_load %arg7[%swap3A_1313, %swap3A_1314] {strides = array<i32>} : memref<10x128xi32, #tpu.memory_space<vmem>>, vector<1x16xi32>,
      %swap3A_1316 = vector.shape_cast %swap3A_1315 : vector<1x16xi32> to vector<16xi32>
      %swap3A_1317 = vector.shape_cast %get3A_1311 : vector<16xi32> to vector<1x16xi32>
      tpu.vector_store %arg7[%swap3A_1313, %swap3A_1314], %swap3A_1317 {strides = array<i32>} : memref<10x128xi32, #tpu.memory_space<vmem>>, vector<1x16xi32>,
      %add3A_1318 = arith.constant 100000 : i32
      %add3A_1319 = vector.broadcast %add3A_1318 : i32 to vector<16xi32>
      %add3A_1320 = arith.addi %get3A_1311, %add3A_1319 : vector<16xi32>
      %swap3A_1321 = arith.constant 6 : i32
      %swap3A_1322 = arith.index_cast %swap3A_1321 : i32 to index
      %swap3A_1323 = arith.constant 0 : index
      %swap3A_1324 = tpu.vector_load %arg8[%swap3A_1322, %swap3A_1323] {strides = array<i32>} : memref<10x128xi32, #tpu.memory_space<vmem>>, vector<1x16xi32>,
      %swap3A_1325 = vector.shape_cast %swap3A_1324 : vector<1x16xi32> to vector<16xi32>
      %swap3A_1326 = vector.shape_cast %add3A_1320 : vector<16xi32> to vector<1x16xi32>
      tpu.vector_store %arg8[%swap3A_1322, %swap3A_1323], %swap3A_1326 {strides = array<i32>} : memref<10x128xi32, #tpu.memory_space<vmem>>, vector<1x16xi32>,
      %add3A_1327 = arith.constant 200000 : i32
      %add3A_1328 = vector.broadcast %add3A_1327 : i32 to vector<16xi32>
      %add3A_1329 = arith.addi %get3A_1311, %add3A_1328 : vector<16xi32>
      %swap3A_1330 = arith.constant 6 : i32
      %swap3A_1331 = arith.index_cast %swap3A_1330 : i32 to index
      %swap3A_1332 = arith.constant 0 : index
      %swap3A_1333 = tpu.vector_load %arg9[%swap3A_1331, %swap3A_1332] {strides = array<i32>} : memref<10x128xi32, #tpu.memory_space<vmem>>, vector<1x16xi32>,
      %swap3A_1334 = vector.shape_cast %swap3A_1333 : vector<1x16xi32> to vector<16xi32>
      %swap3A_1335 = vector.shape_cast %add3A_1329 : vector<16xi32> to vector<1x16xi32>
      tpu.vector_store %arg9[%swap3A_1331, %swap3A_1332], %swap3A_1335 {strides = array<i32>} : memref<10x128xi32, #tpu.memory_space<vmem>>, vector<1x16xi32>,
      %get3A_1336 = arith.constant 784 : index
      %get3A_1337 = tpu.vector_load %arg6[%get3A_1336] {strides = array<i32>} : memref<1280xi32, #tpu.memory_space<vmem>>, vector<16xi32>,
      %get3A_1338 = vector.shape_cast %get3A_1337 : vector<16xi32> to vector<16xi32>
      %swap3A_1339 = arith.constant 6 : i32
      %swap3A_1340 = arith.index_cast %swap3A_1339 : i32 to index
      %swap3A_1341 = arith.constant 16 : index
      %swap3A_1342 = tpu.vector_load %arg7[%swap3A_1340, %swap3A_1341] {strides = array<i32>} : memref<10x128xi32, #tpu.memory_space<vmem>>, vector<1x16xi32>,
      %swap3A_1343 = vector.shape_cast %swap3A_1342 : vector<1x16xi32> to vector<16xi32>
      %swap3A_1344 = vector.shape_cast %get3A_1338 : vector<16xi32> to vector<1x16xi32>
      tpu.vector_store %arg7[%swap3A_1340, %swap3A_1341], %swap3A_1344 {strides = array<i32>} : memref<10x128xi32, #tpu.memory_space<vmem>>, vector<1x16xi32>,
      %add3A_1345 = arith.constant 100000 : i32
      %add3A_1346 = vector.broadcast %add3A_1345 : i32 to vector<16xi32>
      %add3A_1347 = arith.addi %get3A_1338, %add3A_1346 : vector<16xi32>
      %swap3A_1348 = arith.constant 6 : i32
      %swap3A_1349 = arith.index_cast %swap3A_1348 : i32 to index
      %swap3A_1350 = arith.constant 16 : index
      %swap3A_1351 = tpu.vector_load %arg8[%swap3A_1349, %swap3A_1350] {strides = array<i32>} : memref<10x128xi32, #tpu.memory_space<vmem>>, vector<1x16xi32>,
      %swap3A_1352 = vector.shape_cast %swap3A_1351 : vector<1x16xi32> to vector<16xi32>
      %swap3A_1353 = vector.shape_cast %add3A_1347 : vector<16xi32> to vector<1x16xi32>
      tpu.vector_store %arg8[%swap3A_1349, %swap3A_1350], %swap3A_1353 {strides = array<i32>} : memref<10x128xi32, #tpu.memory_space<vmem>>, vector<1x16xi32>,
      %add3A_1354 = arith.constant 200000 : i32
      %add3A_1355 = vector.broadcast %add3A_1354 : i32 to vector<16xi32>
      %add3A_1356 = arith.addi %get3A_1338, %add3A_1355 : vector<16xi32>
      %swap3A_1357 = arith.constant 6 : i32
      %swap3A_1358 = arith.index_cast %swap3A_1357 : i32 to index
      %swap3A_1359 = arith.constant 16 : index
      %swap3A_1360 = tpu.vector_load %arg9[%swap3A_1358, %swap3A_1359] {strides = array<i32>} : memref<10x128xi32, #tpu.memory_space<vmem>>, vector<1x16xi32>,
      %swap3A_1361 = vector.shape_cast %swap3A_1360 : vector<1x16xi32> to vector<16xi32>
      %swap3A_1362 = vector.shape_cast %add3A_1356 : vector<16xi32> to vector<1x16xi32>
      tpu.vector_store %arg9[%swap3A_1358, %swap3A_1359], %swap3A_1362 {strides = array<i32>} : memref<10x128xi32, #tpu.memory_space<vmem>>, vector<1x16xi32>,
      %get3A_1363 = arith.constant 800 : index
      %get3A_1364 = tpu.vector_load %arg6[%get3A_1363] {strides = array<i32>} : memref<1280xi32, #tpu.memory_space<vmem>>, vector<16xi32>,
      %get3A_1365 = vector.shape_cast %get3A_1364 : vector<16xi32> to vector<16xi32>
      %swap3A_1366 = arith.constant 6 : i32
      %swap3A_1367 = arith.index_cast %swap3A_1366 : i32 to index
      %swap3A_1368 = arith.constant 32 : index
      %swap3A_1369 = tpu.vector_load %arg7[%swap3A_1367, %swap3A_1368] {strides = array<i32>} : memref<10x128xi32, #tpu.memory_space<vmem>>, vector<1x16xi32>,
      %swap3A_1370 = vector.shape_cast %swap3A_1369 : vector<1x16xi32> to vector<16xi32>
      %swap3A_1371 = vector.shape_cast %get3A_1365 : vector<16xi32> to vector<1x16xi32>
      tpu.vector_store %arg7[%swap3A_1367, %swap3A_1368], %swap3A_1371 {strides = array<i32>} : memref<10x128xi32, #tpu.memory_space<vmem>>, vector<1x16xi32>,
      %add3A_1372 = arith.constant 100000 : i32
      %add3A_1373 = vector.broadcast %add3A_1372 : i32 to vector<16xi32>
      %add3A_1374 = arith.addi %get3A_1365, %add3A_1373 : vector<16xi32>
      %swap3A_1375 = arith.constant 6 : i32
      %swap3A_1376 = arith.index_cast %swap3A_1375 : i32 to index
      %swap3A_1377 = arith.constant 32 : index
      %swap3A_1378 = tpu.vector_load %arg8[%swap3A_1376, %swap3A_1377] {strides = array<i32>} : memref<10x128xi32, #tpu.memory_space<vmem>>, vector<1x16xi32>,
      %swap3A_1379 = vector.shape_cast %swap3A_1378 : vector<1x16xi32> to vector<16xi32>
      %swap3A_1380 = vector.shape_cast %add3A_1374 : vector<16xi32> to vector<1x16xi32>
      tpu.vector_store %arg8[%swap3A_1376, %swap3A_1377], %swap3A_1380 {strides = array<i32>} : memref<10x128xi32, #tpu.memory_space<vmem>>, vector<1x16xi32>,
      %add3A_1381 = arith.constant 200000 : i32
      %add3A_1382 = vector.broadcast %add3A_1381 : i32 to vector<16xi32>
      %add3A_1383 = arith.addi %get3A_1365, %add3A_1382 : vector<16xi32>
      %swap3A_1384 = arith.constant 6 : i32
      %swap3A_1385 = arith.index_cast %swap3A_1384 : i32 to index
      %swap3A_1386 = arith.constant 32 : index
      %swap3A_1387 = tpu.vector_load %arg9[%swap3A_1385, %swap3A_1386] {strides = array<i32>} : memref<10x128xi32, #tpu.memory_space<vmem>>, vector<1x16xi32>,
      %swap3A_1388 = vector.shape_cast %swap3A_1387 : vector<1x16xi32> to vector<16xi32>
      %swap3A_1389 = vector.shape_cast %add3A_1383 : vector<16xi32> to vector<1x16xi32>
      tpu.vector_store %arg9[%swap3A_1385, %swap3A_1386], %swap3A_1389 {strides = array<i32>} : memref<10x128xi32, #tpu.memory_space<vmem>>, vector<1x16xi32>,
      %get3A_1390 = arith.constant 816 : index
      %get3A_1391 = tpu.vector_load %arg6[%get3A_1390] {strides = array<i32>} : memref<1280xi32, #tpu.memory_space<vmem>>, vector<16xi32>,
      %get3A_1392 = vector.shape_cast %get3A_1391 : vector<16xi32> to vector<16xi32>
      %swap3A_1393 = arith.constant 6 : i32
      %swap3A_1394 = arith.index_cast %swap3A_1393 : i32 to index
      %swap3A_1395 = arith.constant 48 : index
      %swap3A_1396 = tpu.vector_load %arg7[%swap3A_1394, %swap3A_1395] {strides = array<i32>} : memref<10x128xi32, #tpu.memory_space<vmem>>, vector<1x16xi32>,
      %swap3A_1397 = vector.shape_cast %swap3A_1396 : vector<1x16xi32> to vector<16xi32>
      %swap3A_1398 = vector.shape_cast %get3A_1392 : vector<16xi32> to vector<1x16xi32>
      tpu.vector_store %arg7[%swap3A_1394, %swap3A_1395], %swap3A_1398 {strides = array<i32>} : memref<10x128xi32, #tpu.memory_space<vmem>>, vector<1x16xi32>,
      %add3A_1399 = arith.constant 100000 : i32
      %add3A_1400 = vector.broadcast %add3A_1399 : i32 to vector<16xi32>
      %add3A_1401 = arith.addi %get3A_1392, %add3A_1400 : vector<16xi32>
      %swap3A_1402 = arith.constant 6 : i32
      %swap3A_1403 = arith.index_cast %swap3A_1402 : i32 to index
      %swap3A_1404 = arith.constant 48 : index
      %swap3A_1405 = tpu.vector_load %arg8[%swap3A_1403, %swap3A_1404] {strides = array<i32>} : memref<10x128xi32, #tpu.memory_space<vmem>>, vector<1x16xi32>,
      %swap3A_1406 = vector.shape_cast %swap3A_1405 : vector<1x16xi32> to vector<16xi32>
      %swap3A_1407 = vector.shape_cast %add3A_1401 : vector<16xi32> to vector<1x16xi32>
      tpu.vector_store %arg8[%swap3A_1403, %swap3A_1404], %swap3A_1407 {strides = array<i32>} : memref<10x128xi32, #tpu.memory_space<vmem>>, vector<1x16xi32>,
      %add3A_1408 = arith.constant 200000 : i32
      %add3A_1409 = vector.broadcast %add3A_1408 : i32 to vector<16xi32>
      %add3A_1410 = arith.addi %get3A_1392, %add3A_1409 : vector<16xi32>
      %swap3A_1411 = arith.constant 6 : i32
      %swap3A_1412 = arith.index_cast %swap3A_1411 : i32 to index
      %swap3A_1413 = arith.constant 48 : index
      %swap3A_1414 = tpu.vector_load %arg9[%swap3A_1412, %swap3A_1413] {strides = array<i32>} : memref<10x128xi32, #tpu.memory_space<vmem>>, vector<1x16xi32>,
      %swap3A_1415 = vector.shape_cast %swap3A_1414 : vector<1x16xi32> to vector<16xi32>
      %swap3A_1416 = vector.shape_cast %add3A_1410 : vector<16xi32> to vector<1x16xi32>
      tpu.vector_store %arg9[%swap3A_1412, %swap3A_1413], %swap3A_1416 {strides = array<i32>} : memref<10x128xi32, #tpu.memory_space<vmem>>, vector<1x16xi32>,
      %get3A_1417 = arith.constant 832 : index
      %get3A_1418 = tpu.vector_load %arg6[%get3A_1417] {strides = array<i32>} : memref<1280xi32, #tpu.memory_space<vmem>>, vector<16xi32>,
      %get3A_1419 = vector.shape_cast %get3A_1418 : vector<16xi32> to vector<16xi32>
      %swap3A_1420 = arith.constant 6 : i32
      %swap3A_1421 = arith.index_cast %swap3A_1420 : i32 to index
      %swap3A_1422 = arith.constant 64 : index
      %swap3A_1423 = tpu.vector_load %arg7[%swap3A_1421, %swap3A_1422] {strides = array<i32>} : memref<10x128xi32, #tpu.memory_space<vmem>>, vector<1x16xi32>,
      %swap3A_1424 = vector.shape_cast %swap3A_1423 : vector<1x16xi32> to vector<16xi32>
      %swap3A_1425 = vector.shape_cast %get3A_1419 : vector<16xi32> to vector<1x16xi32>
      tpu.vector_store %arg7[%swap3A_1421, %swap3A_1422], %swap3A_1425 {strides = array<i32>} : memref<10x128xi32, #tpu.memory_space<vmem>>, vector<1x16xi32>,
      %add3A_1426 = arith.constant 100000 : i32
      %add3A_1427 = vector.broadcast %add3A_1426 : i32 to vector<16xi32>
      %add3A_1428 = arith.addi %get3A_1419, %add3A_1427 : vector<16xi32>
      %swap3A_1429 = arith.constant 6 : i32
      %swap3A_1430 = arith.index_cast %swap3A_1429 : i32 to index
      %swap3A_1431 = arith.constant 64 : index
      %swap3A_1432 = tpu.vector_load %arg8[%swap3A_1430, %swap3A_1431] {strides = array<i32>} : memref<10x128xi32, #tpu.memory_space<vmem>>, vector<1x16xi32>,
      %swap3A_1433 = vector.shape_cast %swap3A_1432 : vector<1x16xi32> to vector<16xi32>
      %swap3A_1434 = vector.shape_cast %add3A_1428 : vector<16xi32> to vector<1x16xi32>
      tpu.vector_store %arg8[%swap3A_1430, %swap3A_1431], %swap3A_1434 {strides = array<i32>} : memref<10x128xi32, #tpu.memory_space<vmem>>, vector<1x16xi32>,
      %add3A_1435 = arith.constant 200000 : i32
      %add3A_1436 = vector.broadcast %add3A_1435 : i32 to vector<16xi32>
      %add3A_1437 = arith.addi %get3A_1419, %add3A_1436 : vector<16xi32>
      %swap3A_1438 = arith.constant 6 : i32
      %swap3A_1439 = arith.index_cast %swap3A_1438 : i32 to index
      %swap3A_1440 = arith.constant 64 : index
      %swap3A_1441 = tpu.vector_load %arg9[%swap3A_1439, %swap3A_1440] {strides = array<i32>} : memref<10x128xi32, #tpu.memory_space<vmem>>, vector<1x16xi32>,
      %swap3A_1442 = vector.shape_cast %swap3A_1441 : vector<1x16xi32> to vector<16xi32>
      %swap3A_1443 = vector.shape_cast %add3A_1437 : vector<16xi32> to vector<1x16xi32>
      tpu.vector_store %arg9[%swap3A_1439, %swap3A_1440], %swap3A_1443 {strides = array<i32>} : memref<10x128xi32, #tpu.memory_space<vmem>>, vector<1x16xi32>,
      %get3A_1444 = arith.constant 848 : index
      %get3A_1445 = tpu.vector_load %arg6[%get3A_1444] {strides = array<i32>} : memref<1280xi32, #tpu.memory_space<vmem>>, vector<16xi32>,
      %get3A_1446 = vector.shape_cast %get3A_1445 : vector<16xi32> to vector<16xi32>
      %swap3A_1447 = arith.constant 6 : i32
      %swap3A_1448 = arith.index_cast %swap3A_1447 : i32 to index
      %swap3A_1449 = arith.constant 80 : index
      %swap3A_1450 = tpu.vector_load %arg7[%swap3A_1448, %swap3A_1449] {strides = array<i32>} : memref<10x128xi32, #tpu.memory_space<vmem>>, vector<1x16xi32>,
      %swap3A_1451 = vector.shape_cast %swap3A_1450 : vector<1x16xi32> to vector<16xi32>
      %swap3A_1452 = vector.shape_cast %get3A_1446 : vector<16xi32> to vector<1x16xi32>
      tpu.vector_store %arg7[%swap3A_1448, %swap3A_1449], %swap3A_1452 {strides = array<i32>} : memref<10x128xi32, #tpu.memory_space<vmem>>, vector<1x16xi32>,
      %add3A_1453 = arith.constant 100000 : i32
      %add3A_1454 = vector.broadcast %add3A_1453 : i32 to vector<16xi32>
      %add3A_1455 = arith.addi %get3A_1446, %add3A_1454 : vector<16xi32>
      %swap3A_1456 = arith.constant 6 : i32
      %swap3A_1457 = arith.index_cast %swap3A_1456 : i32 to index
      %swap3A_1458 = arith.constant 80 : index
      %swap3A_1459 = tpu.vector_load %arg8[%swap3A_1457, %swap3A_1458] {strides = array<i32>} : memref<10x128xi32, #tpu.memory_space<vmem>>, vector<1x16xi32>,
      %swap3A_1460 = vector.shape_cast %swap3A_1459 : vector<1x16xi32> to vector<16xi32>
      %swap3A_1461 = vector.shape_cast %add3A_1455 : vector<16xi32> to vector<1x16xi32>
      tpu.vector_store %arg8[%swap3A_1457, %swap3A_1458], %swap3A_1461 {strides = array<i32>} : memref<10x128xi32, #tpu.memory_space<vmem>>, vector<1x16xi32>,
      %add3A_1462 = arith.constant 200000 : i32
      %add3A_1463 = vector.broadcast %add3A_1462 : i32 to vector<16xi32>
      %add3A_1464 = arith.addi %get3A_1446, %add3A_1463 : vector<16xi32>
      %swap3A_1465 = arith.constant 6 : i32
      %swap3A_1466 = arith.index_cast %swap3A_1465 : i32 to index
      %swap3A_1467 = arith.constant 80 : index
      %swap3A_1468 = tpu.vector_load %arg9[%swap3A_1466, %swap3A_1467] {strides = array<i32>} : memref<10x128xi32, #tpu.memory_space<vmem>>, vector<1x16xi32>,
      %swap3A_1469 = vector.shape_cast %swap3A_1468 : vector<1x16xi32> to vector<16xi32>
      %swap3A_1470 = vector.shape_cast %add3A_1464 : vector<16xi32> to vector<1x16xi32>
      tpu.vector_store %arg9[%swap3A_1466, %swap3A_1467], %swap3A_1470 {strides = array<i32>} : memref<10x128xi32, #tpu.memory_space<vmem>>, vector<1x16xi32>,
      %get3A_1471 = arith.constant 864 : index
      %get3A_1472 = tpu.vector_load %arg6[%get3A_1471] {strides = array<i32>} : memref<1280xi32, #tpu.memory_space<vmem>>, vector<16xi32>,
      %get3A_1473 = vector.shape_cast %get3A_1472 : vector<16xi32> to vector<16xi32>
      %swap3A_1474 = arith.constant 6 : i32
      %swap3A_1475 = arith.index_cast %swap3A_1474 : i32 to index
      %swap3A_1476 = arith.constant 96 : index
      %swap3A_1477 = tpu.vector_load %arg7[%swap3A_1475, %swap3A_1476] {strides = array<i32>} : memref<10x128xi32, #tpu.memory_space<vmem>>, vector<1x16xi32>,
      %swap3A_1478 = vector.shape_cast %swap3A_1477 : vector<1x16xi32> to vector<16xi32>
      %swap3A_1479 = vector.shape_cast %get3A_1473 : vector<16xi32> to vector<1x16xi32>
      tpu.vector_store %arg7[%swap3A_1475, %swap3A_1476], %swap3A_1479 {strides = array<i32>} : memref<10x128xi32, #tpu.memory_space<vmem>>, vector<1x16xi32>,
      %add3A_1480 = arith.constant 100000 : i32
      %add3A_1481 = vector.broadcast %add3A_1480 : i32 to vector<16xi32>
      %add3A_1482 = arith.addi %get3A_1473, %add3A_1481 : vector<16xi32>
      %swap3A_1483 = arith.constant 6 : i32
      %swap3A_1484 = arith.index_cast %swap3A_1483 : i32 to index
      %swap3A_1485 = arith.constant 96 : index
      %swap3A_1486 = tpu.vector_load %arg8[%swap3A_1484, %swap3A_1485] {strides = array<i32>} : memref<10x128xi32, #tpu.memory_space<vmem>>, vector<1x16xi32>,
      %swap3A_1487 = vector.shape_cast %swap3A_1486 : vector<1x16xi32> to vector<16xi32>
      %swap3A_1488 = vector.shape_cast %add3A_1482 : vector<16xi32> to vector<1x16xi32>
      tpu.vector_store %arg8[%swap3A_1484, %swap3A_1485], %swap3A_1488 {strides = array<i32>} : memref<10x128xi32, #tpu.memory_space<vmem>>, vector<1x16xi32>,
      %add3A_1489 = arith.constant 200000 : i32
      %add3A_1490 = vector.broadcast %add3A_1489 : i32 to vector<16xi32>
      %add3A_1491 = arith.addi %get3A_1473, %add3A_1490 : vector<16xi32>
      %swap3A_1492 = arith.constant 6 : i32
      %swap3A_1493 = arith.index_cast %swap3A_1492 : i32 to index
      %swap3A_1494 = arith.constant 96 : index
      %swap3A_1495 = tpu.vector_load %arg9[%swap3A_1493, %swap3A_1494] {strides = array<i32>} : memref<10x128xi32, #tpu.memory_space<vmem>>, vector<1x16xi32>,
      %swap3A_1496 = vector.shape_cast %swap3A_1495 : vector<1x16xi32> to vector<16xi32>
      %swap3A_1497 = vector.shape_cast %add3A_1491 : vector<16xi32> to vector<1x16xi32>
      tpu.vector_store %arg9[%swap3A_1493, %swap3A_1494], %swap3A_1497 {strides = array<i32>} : memref<10x128xi32, #tpu.memory_space<vmem>>, vector<1x16xi32>,
      %get3A_1498 = arith.constant 880 : index
      %get3A_1499 = tpu.vector_load %arg6[%get3A_1498] {strides = array<i32>} : memref<1280xi32, #tpu.memory_space<vmem>>, vector<16xi32>,
      %get3A_1500 = vector.shape_cast %get3A_1499 : vector<16xi32> to vector<16xi32>
      %swap3A_1501 = arith.constant 6 : i32
      %swap3A_1502 = arith.index_cast %swap3A_1501 : i32 to index
      %swap3A_1503 = arith.constant 112 : index
      %swap3A_1504 = tpu.vector_load %arg7[%swap3A_1502, %swap3A_1503] {strides = array<i32>} : memref<10x128xi32, #tpu.memory_space<vmem>>, vector<1x16xi32>,
      %swap3A_1505 = vector.shape_cast %swap3A_1504 : vector<1x16xi32> to vector<16xi32>
      %swap3A_1506 = vector.shape_cast %get3A_1500 : vector<16xi32> to vector<1x16xi32>
      tpu.vector_store %arg7[%swap3A_1502, %swap3A_1503], %swap3A_1506 {strides = array<i32>} : memref<10x128xi32, #tpu.memory_space<vmem>>, vector<1x16xi32>,
      %add3A_1507 = arith.constant 100000 : i32
      %add3A_1508 = vector.broadcast %add3A_1507 : i32 to vector<16xi32>
      %add3A_1509 = arith.addi %get3A_1500, %add3A_1508 : vector<16xi32>
      %swap3A_1510 = arith.constant 6 : i32
      %swap3A_1511 = arith.index_cast %swap3A_1510 : i32 to index
      %swap3A_1512 = arith.constant 112 : index
      %swap3A_1513 = tpu.vector_load %arg8[%swap3A_1511, %swap3A_1512] {strides = array<i32>} : memref<10x128xi32, #tpu.memory_space<vmem>>, vector<1x16xi32>,
      %swap3A_1514 = vector.shape_cast %swap3A_1513 : vector<1x16xi32> to vector<16xi32>
      %swap3A_1515 = vector.shape_cast %add3A_1509 : vector<16xi32> to vector<1x16xi32>
      tpu.vector_store %arg8[%swap3A_1511, %swap3A_1512], %swap3A_1515 {strides = array<i32>} : memref<10x128xi32, #tpu.memory_space<vmem>>, vector<1x16xi32>,
      %add3A_1516 = arith.constant 200000 : i32
      %add3A_1517 = vector.broadcast %add3A_1516 : i32 to vector<16xi32>
      %add3A_1518 = arith.addi %get3A_1500, %add3A_1517 : vector<16xi32>
      %swap3A_1519 = arith.constant 6 : i32
      %swap3A_1520 = arith.index_cast %swap3A_1519 : i32 to index
      %swap3A_1521 = arith.constant 112 : index
      %swap3A_1522 = tpu.vector_load %arg9[%swap3A_1520, %swap3A_1521] {strides = array<i32>} : memref<10x128xi32, #tpu.memory_space<vmem>>, vector<1x16xi32>,
      %swap3A_1523 = vector.shape_cast %swap3A_1522 : vector<1x16xi32> to vector<16xi32>
      %swap3A_1524 = vector.shape_cast %add3A_1518 : vector<16xi32> to vector<1x16xi32>
      tpu.vector_store %arg9[%swap3A_1520, %swap3A_1521], %swap3A_1524 {strides = array<i32>} : memref<10x128xi32, #tpu.memory_space<vmem>>, vector<1x16xi32>,
      %get3A_1525 = arith.constant 896 : index
      %get3A_1526 = tpu.vector_load %arg6[%get3A_1525] {strides = array<i32>} : memref<1280xi32, #tpu.memory_space<vmem>>, vector<16xi32>,
      %get3A_1527 = vector.shape_cast %get3A_1526 : vector<16xi32> to vector<16xi32>
      %swap3A_1528 = arith.constant 7 : i32
      %swap3A_1529 = arith.index_cast %swap3A_1528 : i32 to index
      %swap3A_1530 = arith.constant 0 : index
      %swap3A_1531 = tpu.vector_load %arg7[%swap3A_1529, %swap3A_1530] {strides = array<i32>} : memref<10x128xi32, #tpu.memory_space<vmem>>, vector<1x16xi32>,
      %swap3A_1532 = vector.shape_cast %swap3A_1531 : vector<1x16xi32> to vector<16xi32>
      %swap3A_1533 = vector.shape_cast %get3A_1527 : vector<16xi32> to vector<1x16xi32>
      tpu.vector_store %arg7[%swap3A_1529, %swap3A_1530], %swap3A_1533 {strides = array<i32>} : memref<10x128xi32, #tpu.memory_space<vmem>>, vector<1x16xi32>,
      %add3A_1534 = arith.constant 100000 : i32
      %add3A_1535 = vector.broadcast %add3A_1534 : i32 to vector<16xi32>
      %add3A_1536 = arith.addi %get3A_1527, %add3A_1535 : vector<16xi32>
      %swap3A_1537 = arith.constant 7 : i32
      %swap3A_1538 = arith.index_cast %swap3A_1537 : i32 to index
      %swap3A_1539 = arith.constant 0 : index
      %swap3A_1540 = tpu.vector_load %arg8[%swap3A_1538, %swap3A_1539] {strides = array<i32>} : memref<10x128xi32, #tpu.memory_space<vmem>>, vector<1x16xi32>,
      %swap3A_1541 = vector.shape_cast %swap3A_1540 : vector<1x16xi32> to vector<16xi32>
      %swap3A_1542 = vector.shape_cast %add3A_1536 : vector<16xi32> to vector<1x16xi32>
      tpu.vector_store %arg8[%swap3A_1538, %swap3A_1539], %swap3A_1542 {strides = array<i32>} : memref<10x128xi32, #tpu.memory_space<vmem>>, vector<1x16xi32>,
      %add3A_1543 = arith.constant 200000 : i32
      %add3A_1544 = vector.broadcast %add3A_1543 : i32 to vector<16xi32>
      %add3A_1545 = arith.addi %get3A_1527, %add3A_1544 : vector<16xi32>
      %swap3A_1546 = arith.constant 7 : i32
      %swap3A_1547 = arith.index_cast %swap3A_1546 : i32 to index
      %swap3A_1548 = arith.constant 0 : index
      %swap3A_1549 = tpu.vector_load %arg9[%swap3A_1547, %swap3A_1548] {strides = array<i32>} : memref<10x128xi32, #tpu.memory_space<vmem>>, vector<1x16xi32>,
      %swap3A_1550 = vector.shape_cast %swap3A_1549 : vector<1x16xi32> to vector<16xi32>
      %swap3A_1551 = vector.shape_cast %add3A_1545 : vector<16xi32> to vector<1x16xi32>
      tpu.vector_store %arg9[%swap3A_1547, %swap3A_1548], %swap3A_1551 {strides = array<i32>} : memref<10x128xi32, #tpu.memory_space<vmem>>, vector<1x16xi32>,
      %get3A_1552 = arith.constant 912 : index
      %get3A_1553 = tpu.vector_load %arg6[%get3A_1552] {strides = array<i32>} : memref<1280xi32, #tpu.memory_space<vmem>>, vector<16xi32>,
      %get3A_1554 = vector.shape_cast %get3A_1553 : vector<16xi32> to vector<16xi32>
      %swap3A_1555 = arith.constant 7 : i32
      %swap3A_1556 = arith.index_cast %swap3A_1555 : i32 to index
      %swap3A_1557 = arith.constant 16 : index
      %swap3A_1558 = tpu.vector_load %arg7[%swap3A_1556, %swap3A_1557] {strides = array<i32>} : memref<10x128xi32, #tpu.memory_space<vmem>>, vector<1x16xi32>,
      %swap3A_1559 = vector.shape_cast %swap3A_1558 : vector<1x16xi32> to vector<16xi32>
      %swap3A_1560 = vector.shape_cast %get3A_1554 : vector<16xi32> to vector<1x16xi32>
      tpu.vector_store %arg7[%swap3A_1556, %swap3A_1557], %swap3A_1560 {strides = array<i32>} : memref<10x128xi32, #tpu.memory_space<vmem>>, vector<1x16xi32>,
      %add3A_1561 = arith.constant 100000 : i32
      %add3A_1562 = vector.broadcast %add3A_1561 : i32 to vector<16xi32>
      %add3A_1563 = arith.addi %get3A_1554, %add3A_1562 : vector<16xi32>
      %swap3A_1564 = arith.constant 7 : i32
      %swap3A_1565 = arith.index_cast %swap3A_1564 : i32 to index
      %swap3A_1566 = arith.constant 16 : index
      %swap3A_1567 = tpu.vector_load %arg8[%swap3A_1565, %swap3A_1566] {strides = array<i32>} : memref<10x128xi32, #tpu.memory_space<vmem>>, vector<1x16xi32>,
      %swap3A_1568 = vector.shape_cast %swap3A_1567 : vector<1x16xi32> to vector<16xi32>
      %swap3A_1569 = vector.shape_cast %add3A_1563 : vector<16xi32> to vector<1x16xi32>
      tpu.vector_store %arg8[%swap3A_1565, %swap3A_1566], %swap3A_1569 {strides = array<i32>} : memref<10x128xi32, #tpu.memory_space<vmem>>, vector<1x16xi32>,
      %add3A_1570 = arith.constant 200000 : i32
      %add3A_1571 = vector.broadcast %add3A_1570 : i32 to vector<16xi32>
      %add3A_1572 = arith.addi %get3A_1554, %add3A_1571 : vector<16xi32>
      %swap3A_1573 = arith.constant 7 : i32
      %swap3A_1574 = arith.index_cast %swap3A_1573 : i32 to index
      %swap3A_1575 = arith.constant 16 : index
      %swap3A_1576 = tpu.vector_load %arg9[%swap3A_1574, %swap3A_1575] {strides = array<i32>} : memref<10x128xi32, #tpu.memory_space<vmem>>, vector<1x16xi32>,
      %swap3A_1577 = vector.shape_cast %swap3A_1576 : vector<1x16xi32> to vector<16xi32>
      %swap3A_1578 = vector.shape_cast %add3A_1572 : vector<16xi32> to vector<1x16xi32>
      tpu.vector_store %arg9[%swap3A_1574, %swap3A_1575], %swap3A_1578 {strides = array<i32>} : memref<10x128xi32, #tpu.memory_space<vmem>>, vector<1x16xi32>,
      %get3A_1579 = arith.constant 928 : index
      %get3A_1580 = tpu.vector_load %arg6[%get3A_1579] {strides = array<i32>} : memref<1280xi32, #tpu.memory_space<vmem>>, vector<16xi32>,
      %get3A_1581 = vector.shape_cast %get3A_1580 : vector<16xi32> to vector<16xi32>
      %swap3A_1582 = arith.constant 7 : i32
      %swap3A_1583 = arith.index_cast %swap3A_1582 : i32 to index
      %swap3A_1584 = arith.constant 32 : index
      %swap3A_1585 = tpu.vector_load %arg7[%swap3A_1583, %swap3A_1584] {strides = array<i32>} : memref<10x128xi32, #tpu.memory_space<vmem>>, vector<1x16xi32>,
      %swap3A_1586 = vector.shape_cast %swap3A_1585 : vector<1x16xi32> to vector<16xi32>
      %swap3A_1587 = vector.shape_cast %get3A_1581 : vector<16xi32> to vector<1x16xi32>
      tpu.vector_store %arg7[%swap3A_1583, %swap3A_1584], %swap3A_1587 {strides = array<i32>} : memref<10x128xi32, #tpu.memory_space<vmem>>, vector<1x16xi32>,
      %add3A_1588 = arith.constant 100000 : i32
      %add3A_1589 = vector.broadcast %add3A_1588 : i32 to vector<16xi32>
      %add3A_1590 = arith.addi %get3A_1581, %add3A_1589 : vector<16xi32>
      %swap3A_1591 = arith.constant 7 : i32
      %swap3A_1592 = arith.index_cast %swap3A_1591 : i32 to index
      %swap3A_1593 = arith.constant 32 : index
      %swap3A_1594 = tpu.vector_load %arg8[%swap3A_1592, %swap3A_1593] {strides = array<i32>} : memref<10x128xi32, #tpu.memory_space<vmem>>, vector<1x16xi32>,
      %swap3A_1595 = vector.shape_cast %swap3A_1594 : vector<1x16xi32> to vector<16xi32>
      %swap3A_1596 = vector.shape_cast %add3A_1590 : vector<16xi32> to vector<1x16xi32>
      tpu.vector_store %arg8[%swap3A_1592, %swap3A_1593], %swap3A_1596 {strides = array<i32>} : memref<10x128xi32, #tpu.memory_space<vmem>>, vector<1x16xi32>,
      %add3A_1597 = arith.constant 200000 : i32
      %add3A_1598 = vector.broadcast %add3A_1597 : i32 to vector<16xi32>
      %add3A_1599 = arith.addi %get3A_1581, %add3A_1598 : vector<16xi32>
      %swap3A_1600 = arith.constant 7 : i32
      %swap3A_1601 = arith.index_cast %swap3A_1600 : i32 to index
      %swap3A_1602 = arith.constant 32 : index
      %swap3A_1603 = tpu.vector_load %arg9[%swap3A_1601, %swap3A_1602] {strides = array<i32>} : memref<10x128xi32, #tpu.memory_space<vmem>>, vector<1x16xi32>,
      %swap3A_1604 = vector.shape_cast %swap3A_1603 : vector<1x16xi32> to vector<16xi32>
      %swap3A_1605 = vector.shape_cast %add3A_1599 : vector<16xi32> to vector<1x16xi32>
      tpu.vector_store %arg9[%swap3A_1601, %swap3A_1602], %swap3A_1605 {strides = array<i32>} : memref<10x128xi32, #tpu.memory_space<vmem>>, vector<1x16xi32>,
      %get3A_1606 = arith.constant 944 : index
      %get3A_1607 = tpu.vector_load %arg6[%get3A_1606] {strides = array<i32>} : memref<1280xi32, #tpu.memory_space<vmem>>, vector<16xi32>,
      %get3A_1608 = vector.shape_cast %get3A_1607 : vector<16xi32> to vector<16xi32>
      %swap3A_1609 = arith.constant 7 : i32
      %swap3A_1610 = arith.index_cast %swap3A_1609 : i32 to index
      %swap3A_1611 = arith.constant 48 : index
      %swap3A_1612 = tpu.vector_load %arg7[%swap3A_1610, %swap3A_1611] {strides = array<i32>} : memref<10x128xi32, #tpu.memory_space<vmem>>, vector<1x16xi32>,
      %swap3A_1613 = vector.shape_cast %swap3A_1612 : vector<1x16xi32> to vector<16xi32>
      %swap3A_1614 = vector.shape_cast %get3A_1608 : vector<16xi32> to vector<1x16xi32>
      tpu.vector_store %arg7[%swap3A_1610, %swap3A_1611], %swap3A_1614 {strides = array<i32>} : memref<10x128xi32, #tpu.memory_space<vmem>>, vector<1x16xi32>,
      %add3A_1615 = arith.constant 100000 : i32
      %add3A_1616 = vector.broadcast %add3A_1615 : i32 to vector<16xi32>
      %add3A_1617 = arith.addi %get3A_1608, %add3A_1616 : vector<16xi32>
      %swap3A_1618 = arith.constant 7 : i32
      %swap3A_1619 = arith.index_cast %swap3A_1618 : i32 to index
      %swap3A_1620 = arith.constant 48 : index
      %swap3A_1621 = tpu.vector_load %arg8[%swap3A_1619, %swap3A_1620] {strides = array<i32>} : memref<10x128xi32, #tpu.memory_space<vmem>>, vector<1x16xi32>,
      %swap3A_1622 = vector.shape_cast %swap3A_1621 : vector<1x16xi32> to vector<16xi32>
      %swap3A_1623 = vector.shape_cast %add3A_1617 : vector<16xi32> to vector<1x16xi32>
      tpu.vector_store %arg8[%swap3A_1619, %swap3A_1620], %swap3A_1623 {strides = array<i32>} : memref<10x128xi32, #tpu.memory_space<vmem>>, vector<1x16xi32>,
      %add3A_1624 = arith.constant 200000 : i32
      %add3A_1625 = vector.broadcast %add3A_1624 : i32 to vector<16xi32>
      %add3A_1626 = arith.addi %get3A_1608, %add3A_1625 : vector<16xi32>
      %swap3A_1627 = arith.constant 7 : i32
      %swap3A_1628 = arith.index_cast %swap3A_1627 : i32 to index
      %swap3A_1629 = arith.constant 48 : index
      %swap3A_1630 = tpu.vector_load %arg9[%swap3A_1628, %swap3A_1629] {strides = array<i32>} : memref<10x128xi32, #tpu.memory_space<vmem>>, vector<1x16xi32>,
      %swap3A_1631 = vector.shape_cast %swap3A_1630 : vector<1x16xi32> to vector<16xi32>
      %swap3A_1632 = vector.shape_cast %add3A_1626 : vector<16xi32> to vector<1x16xi32>
      tpu.vector_store %arg9[%swap3A_1628, %swap3A_1629], %swap3A_1632 {strides = array<i32>} : memref<10x128xi32, #tpu.memory_space<vmem>>, vector<1x16xi32>,
      %get3A_1633 = arith.constant 960 : index
      %get3A_1634 = tpu.vector_load %arg6[%get3A_1633] {strides = array<i32>} : memref<1280xi32, #tpu.memory_space<vmem>>, vector<16xi32>,
      %get3A_1635 = vector.shape_cast %get3A_1634 : vector<16xi32> to vector<16xi32>
      %swap3A_1636 = arith.constant 7 : i32
      %swap3A_1637 = arith.index_cast %swap3A_1636 : i32 to index
      %swap3A_1638 = arith.constant 64 : index
      %swap3A_1639 = tpu.vector_load %arg7[%swap3A_1637, %swap3A_1638] {strides = array<i32>} : memref<10x128xi32, #tpu.memory_space<vmem>>, vector<1x16xi32>,
      %swap3A_1640 = vector.shape_cast %swap3A_1639 : vector<1x16xi32> to vector<16xi32>
      %swap3A_1641 = vector.shape_cast %get3A_1635 : vector<16xi32> to vector<1x16xi32>
      tpu.vector_store %arg7[%swap3A_1637, %swap3A_1638], %swap3A_1641 {strides = array<i32>} : memref<10x128xi32, #tpu.memory_space<vmem>>, vector<1x16xi32>,
      %add3A_1642 = arith.constant 100000 : i32
      %add3A_1643 = vector.broadcast %add3A_1642 : i32 to vector<16xi32>
      %add3A_1644 = arith.addi %get3A_1635, %add3A_1643 : vector<16xi32>
      %swap3A_1645 = arith.constant 7 : i32
      %swap3A_1646 = arith.index_cast %swap3A_1645 : i32 to index
      %swap3A_1647 = arith.constant 64 : index
      %swap3A_1648 = tpu.vector_load %arg8[%swap3A_1646, %swap3A_1647] {strides = array<i32>} : memref<10x128xi32, #tpu.memory_space<vmem>>, vector<1x16xi32>,
      %swap3A_1649 = vector.shape_cast %swap3A_1648 : vector<1x16xi32> to vector<16xi32>
      %swap3A_1650 = vector.shape_cast %add3A_1644 : vector<16xi32> to vector<1x16xi32>
      tpu.vector_store %arg8[%swap3A_1646, %swap3A_1647], %swap3A_1650 {strides = array<i32>} : memref<10x128xi32, #tpu.memory_space<vmem>>, vector<1x16xi32>,
      %add3A_1651 = arith.constant 200000 : i32
      %add3A_1652 = vector.broadcast %add3A_1651 : i32 to vector<16xi32>
      %add3A_1653 = arith.addi %get3A_1635, %add3A_1652 : vector<16xi32>
      %swap3A_1654 = arith.constant 7 : i32
      %swap3A_1655 = arith.index_cast %swap3A_1654 : i32 to index
      %swap3A_1656 = arith.constant 64 : index
      %swap3A_1657 = tpu.vector_load %arg9[%swap3A_1655, %swap3A_1656] {strides = array<i32>} : memref<10x128xi32, #tpu.memory_space<vmem>>, vector<1x16xi32>,
      %swap3A_1658 = vector.shape_cast %swap3A_1657 : vector<1x16xi32> to vector<16xi32>
      %swap3A_1659 = vector.shape_cast %add3A_1653 : vector<16xi32> to vector<1x16xi32>
      tpu.vector_store %arg9[%swap3A_1655, %swap3A_1656], %swap3A_1659 {strides = array<i32>} : memref<10x128xi32, #tpu.memory_space<vmem>>, vector<1x16xi32>,
      %get3A_1660 = arith.constant 976 : index
      %get3A_1661 = tpu.vector_load %arg6[%get3A_1660] {strides = array<i32>} : memref<1280xi32, #tpu.memory_space<vmem>>, vector<16xi32>,
      %get3A_1662 = vector.shape_cast %get3A_1661 : vector<16xi32> to vector<16xi32>
      %swap3A_1663 = arith.constant 7 : i32
      %swap3A_1664 = arith.index_cast %swap3A_1663 : i32 to index
      %swap3A_1665 = arith.constant 80 : index
      %swap3A_1666 = tpu.vector_load %arg7[%swap3A_1664, %swap3A_1665] {strides = array<i32>} : memref<10x128xi32, #tpu.memory_space<vmem>>, vector<1x16xi32>,
      %swap3A_1667 = vector.shape_cast %swap3A_1666 : vector<1x16xi32> to vector<16xi32>
      %swap3A_1668 = vector.shape_cast %get3A_1662 : vector<16xi32> to vector<1x16xi32>
      tpu.vector_store %arg7[%swap3A_1664, %swap3A_1665], %swap3A_1668 {strides = array<i32>} : memref<10x128xi32, #tpu.memory_space<vmem>>, vector<1x16xi32>,
      %add3A_1669 = arith.constant 100000 : i32
      %add3A_1670 = vector.broadcast %add3A_1669 : i32 to vector<16xi32>
      %add3A_1671 = arith.addi %get3A_1662, %add3A_1670 : vector<16xi32>
      %swap3A_1672 = arith.constant 7 : i32
      %swap3A_1673 = arith.index_cast %swap3A_1672 : i32 to index
      %swap3A_1674 = arith.constant 80 : index
      %swap3A_1675 = tpu.vector_load %arg8[%swap3A_1673, %swap3A_1674] {strides = array<i32>} : memref<10x128xi32, #tpu.memory_space<vmem>>, vector<1x16xi32>,
      %swap3A_1676 = vector.shape_cast %swap3A_1675 : vector<1x16xi32> to vector<16xi32>
      %swap3A_1677 = vector.shape_cast %add3A_1671 : vector<16xi32> to vector<1x16xi32>
      tpu.vector_store %arg8[%swap3A_1673, %swap3A_1674], %swap3A_1677 {strides = array<i32>} : memref<10x128xi32, #tpu.memory_space<vmem>>, vector<1x16xi32>,
      %add3A_1678 = arith.constant 200000 : i32
      %add3A_1679 = vector.broadcast %add3A_1678 : i32 to vector<16xi32>
      %add3A_1680 = arith.addi %get3A_1662, %add3A_1679 : vector<16xi32>
      %swap3A_1681 = arith.constant 7 : i32
      %swap3A_1682 = arith.index_cast %swap3A_1681 : i32 to index
      %swap3A_1683 = arith.constant 80 : index
      %swap3A_1684 = tpu.vector_load %arg9[%swap3A_1682, %swap3A_1683] {strides = array<i32>} : memref<10x128xi32, #tpu.memory_space<vmem>>, vector<1x16xi32>,
      %swap3A_1685 = vector.shape_cast %swap3A_1684 : vector<1x16xi32> to vector<16xi32>
      %swap3A_1686 = vector.shape_cast %add3A_1680 : vector<16xi32> to vector<1x16xi32>
      tpu.vector_store %arg9[%swap3A_1682, %swap3A_1683], %swap3A_1686 {strides = array<i32>} : memref<10x128xi32, #tpu.memory_space<vmem>>, vector<1x16xi32>,
      %get3A_1687 = arith.constant 992 : index
      %get3A_1688 = tpu.vector_load %arg6[%get3A_1687] {strides = array<i32>} : memref<1280xi32, #tpu.memory_space<vmem>>, vector<16xi32>,
      %get3A_1689 = vector.shape_cast %get3A_1688 : vector<16xi32> to vector<16xi32>
      %swap3A_1690 = arith.constant 7 : i32
      %swap3A_1691 = arith.index_cast %swap3A_1690 : i32 to index
      %swap3A_1692 = arith.constant 96 : index
      %swap3A_1693 = tpu.vector_load %arg7[%swap3A_1691, %swap3A_1692] {strides = array<i32>} : memref<10x128xi32, #tpu.memory_space<vmem>>, vector<1x16xi32>,
      %swap3A_1694 = vector.shape_cast %swap3A_1693 : vector<1x16xi32> to vector<16xi32>
      %swap3A_1695 = vector.shape_cast %get3A_1689 : vector<16xi32> to vector<1x16xi32>
      tpu.vector_store %arg7[%swap3A_1691, %swap3A_1692], %swap3A_1695 {strides = array<i32>} : memref<10x128xi32, #tpu.memory_space<vmem>>, vector<1x16xi32>,
      %add3A_1696 = arith.constant 100000 : i32
      %add3A_1697 = vector.broadcast %add3A_1696 : i32 to vector<16xi32>
      %add3A_1698 = arith.addi %get3A_1689, %add3A_1697 : vector<16xi32>
      %swap3A_1699 = arith.constant 7 : i32
      %swap3A_1700 = arith.index_cast %swap3A_1699 : i32 to index
      %swap3A_1701 = arith.constant 96 : index
      %swap3A_1702 = tpu.vector_load %arg8[%swap3A_1700, %swap3A_1701] {strides = array<i32>} : memref<10x128xi32, #tpu.memory_space<vmem>>, vector<1x16xi32>,
      %swap3A_1703 = vector.shape_cast %swap3A_1702 : vector<1x16xi32> to vector<16xi32>
      %swap3A_1704 = vector.shape_cast %add3A_1698 : vector<16xi32> to vector<1x16xi32>
      tpu.vector_store %arg8[%swap3A_1700, %swap3A_1701], %swap3A_1704 {strides = array<i32>} : memref<10x128xi32, #tpu.memory_space<vmem>>, vector<1x16xi32>,
      %add3A_1705 = arith.constant 200000 : i32
      %add3A_1706 = vector.broadcast %add3A_1705 : i32 to vector<16xi32>
      %add3A_1707 = arith.addi %get3A_1689, %add3A_1706 : vector<16xi32>
      %swap3A_1708 = arith.constant 7 : i32
      %swap3A_1709 = arith.index_cast %swap3A_1708 : i32 to index
      %swap3A_1710 = arith.constant 96 : index
      %swap3A_1711 = tpu.vector_load %arg9[%swap3A_1709, %swap3A_1710] {strides = array<i32>} : memref<10x128xi32, #tpu.memory_space<vmem>>, vector<1x16xi32>,
      %swap3A_1712 = vector.shape_cast %swap3A_1711 : vector<1x16xi32> to vector<16xi32>
      %swap3A_1713 = vector.shape_cast %add3A_1707 : vector<16xi32> to vector<1x16xi32>
      tpu.vector_store %arg9[%swap3A_1709, %swap3A_1710], %swap3A_1713 {strides = array<i32>} : memref<10x128xi32, #tpu.memory_space<vmem>>, vector<1x16xi32>,
      %get3A_1714 = arith.constant 1008 : index
      %get3A_1715 = tpu.vector_load %arg6[%get3A_1714] {strides = array<i32>} : memref<1280xi32, #tpu.memory_space<vmem>>, vector<16xi32>,
      %get3A_1716 = vector.shape_cast %get3A_1715 : vector<16xi32> to vector<16xi32>
      %swap3A_1717 = arith.constant 7 : i32
      %swap3A_1718 = arith.index_cast %swap3A_1717 : i32 to index
      %swap3A_1719 = arith.constant 112 : index
      %swap3A_1720 = tpu.vector_load %arg7[%swap3A_1718, %swap3A_1719] {strides = array<i32>} : memref<10x128xi32, #tpu.memory_space<vmem>>, vector<1x16xi32>,
      %swap3A_1721 = vector.shape_cast %swap3A_1720 : vector<1x16xi32> to vector<16xi32>
      %swap3A_1722 = vector.shape_cast %get3A_1716 : vector<16xi32> to vector<1x16xi32>
      tpu.vector_store %arg7[%swap3A_1718, %swap3A_1719], %swap3A_1722 {strides = array<i32>} : memref<10x128xi32, #tpu.memory_space<vmem>>, vector<1x16xi32>,
      %add3A_1723 = arith.constant 100000 : i32
      %add3A_1724 = vector.broadcast %add3A_1723 : i32 to vector<16xi32>
      %add3A_1725 = arith.addi %get3A_1716, %add3A_1724 : vector<16xi32>
      %swap3A_1726 = arith.constant 7 : i32
      %swap3A_1727 = arith.index_cast %swap3A_1726 : i32 to index
      %swap3A_1728 = arith.constant 112 : index
      %swap3A_1729 = tpu.vector_load %arg8[%swap3A_1727, %swap3A_1728] {strides = array<i32>} : memref<10x128xi32, #tpu.memory_space<vmem>>, vector<1x16xi32>,
      %swap3A_1730 = vector.shape_cast %swap3A_1729 : vector<1x16xi32> to vector<16xi32>
      %swap3A_1731 = vector.shape_cast %add3A_1725 : vector<16xi32> to vector<1x16xi32>
      tpu.vector_store %arg8[%swap3A_1727, %swap3A_1728], %swap3A_1731 {strides = array<i32>} : memref<10x128xi32, #tpu.memory_space<vmem>>, vector<1x16xi32>,
      %add3A_1732 = arith.constant 200000 : i32
      %add3A_1733 = vector.broadcast %add3A_1732 : i32 to vector<16xi32>
      %add3A_1734 = arith.addi %get3A_1716, %add3A_1733 : vector<16xi32>
      %swap3A_1735 = arith.constant 7 : i32
      %swap3A_1736 = arith.index_cast %swap3A_1735 : i32 to index
      %swap3A_1737 = arith.constant 112 : index
      %swap3A_1738 = tpu.vector_load %arg9[%swap3A_1736, %swap3A_1737] {strides = array<i32>} : memref<10x128xi32, #tpu.memory_space<vmem>>, vector<1x16xi32>,
      %swap3A_1739 = vector.shape_cast %swap3A_1738 : vector<1x16xi32> to vector<16xi32>
      %swap3A_1740 = vector.shape_cast %add3A_1734 : vector<16xi32> to vector<1x16xi32>
      tpu.vector_store %arg9[%swap3A_1736, %swap3A_1737], %swap3A_1740 {strides = array<i32>} : memref<10x128xi32, #tpu.memory_space<vmem>>, vector<1x16xi32>,
      %get3A_1741 = arith.constant 1024 : index
      %get3A_1742 = tpu.vector_load %arg6[%get3A_1741] {strides = array<i32>} : memref<1280xi32, #tpu.memory_space<vmem>>, vector<16xi32>,
      %get3A_1743 = vector.shape_cast %get3A_1742 : vector<16xi32> to vector<16xi32>
      %swap3A_1744 = arith.constant 8 : i32
      %swap3A_1745 = arith.index_cast %swap3A_1744 : i32 to index
      %swap3A_1746 = arith.constant 0 : index
      %swap3A_1747 = tpu.vector_load %arg7[%swap3A_1745, %swap3A_1746] {strides = array<i32>} : memref<10x128xi32, #tpu.memory_space<vmem>>, vector<1x16xi32>,
      %swap3A_1748 = vector.shape_cast %swap3A_1747 : vector<1x16xi32> to vector<16xi32>
      %swap3A_1749 = vector.shape_cast %get3A_1743 : vector<16xi32> to vector<1x16xi32>
      tpu.vector_store %arg7[%swap3A_1745, %swap3A_1746], %swap3A_1749 {strides = array<i32>} : memref<10x128xi32, #tpu.memory_space<vmem>>, vector<1x16xi32>,
      %add3A_1750 = arith.constant 100000 : i32
      %add3A_1751 = vector.broadcast %add3A_1750 : i32 to vector<16xi32>
      %add3A_1752 = arith.addi %get3A_1743, %add3A_1751 : vector<16xi32>
      %swap3A_1753 = arith.constant 8 : i32
      %swap3A_1754 = arith.index_cast %swap3A_1753 : i32 to index
      %swap3A_1755 = arith.constant 0 : index
      %swap3A_1756 = tpu.vector_load %arg8[%swap3A_1754, %swap3A_1755] {strides = array<i32>} : memref<10x128xi32, #tpu.memory_space<vmem>>, vector<1x16xi32>,
      %swap3A_1757 = vector.shape_cast %swap3A_1756 : vector<1x16xi32> to vector<16xi32>
      %swap3A_1758 = vector.shape_cast %add3A_1752 : vector<16xi32> to vector<1x16xi32>
      tpu.vector_store %arg8[%swap3A_1754, %swap3A_1755], %swap3A_1758 {strides = array<i32>} : memref<10x128xi32, #tpu.memory_space<vmem>>, vector<1x16xi32>,
      %add3A_1759 = arith.constant 200000 : i32
      %add3A_1760 = vector.broadcast %add3A_1759 : i32 to vector<16xi32>
      %add3A_1761 = arith.addi %get3A_1743, %add3A_1760 : vector<16xi32>
      %swap3A_1762 = arith.constant 8 : i32
      %swap3A_1763 = arith.index_cast %swap3A_1762 : i32 to index
      %swap3A_1764 = arith.constant 0 : index
      %swap3A_1765 = tpu.vector_load %arg9[%swap3A_1763, %swap3A_1764] {strides = array<i32>} : memref<10x128xi32, #tpu.memory_space<vmem>>, vector<1x16xi32>,
      %swap3A_1766 = vector.shape_cast %swap3A_1765 : vector<1x16xi32> to vector<16xi32>
      %swap3A_1767 = vector.shape_cast %add3A_1761 : vector<16xi32> to vector<1x16xi32>
      tpu.vector_store %arg9[%swap3A_1763, %swap3A_1764], %swap3A_1767 {strides = array<i32>} : memref<10x128xi32, #tpu.memory_space<vmem>>, vector<1x16xi32>,
      %get3A_1768 = arith.constant 1040 : index
      %get3A_1769 = tpu.vector_load %arg6[%get3A_1768] {strides = array<i32>} : memref<1280xi32, #tpu.memory_space<vmem>>, vector<16xi32>,
      %get3A_1770 = vector.shape_cast %get3A_1769 : vector<16xi32> to vector<16xi32>
      %swap3A_1771 = arith.constant 8 : i32
      %swap3A_1772 = arith.index_cast %swap3A_1771 : i32 to index
      %swap3A_1773 = arith.constant 16 : index
      %swap3A_1774 = tpu.vector_load %arg7[%swap3A_1772, %swap3A_1773] {strides = array<i32>} : memref<10x128xi32, #tpu.memory_space<vmem>>, vector<1x16xi32>,
      %swap3A_1775 = vector.shape_cast %swap3A_1774 : vector<1x16xi32> to vector<16xi32>
      %swap3A_1776 = vector.shape_cast %get3A_1770 : vector<16xi32> to vector<1x16xi32>
      tpu.vector_store %arg7[%swap3A_1772, %swap3A_1773], %swap3A_1776 {strides = array<i32>} : memref<10x128xi32, #tpu.memory_space<vmem>>, vector<1x16xi32>,
      %add3A_1777 = arith.constant 100000 : i32
      %add3A_1778 = vector.broadcast %add3A_1777 : i32 to vector<16xi32>
      %add3A_1779 = arith.addi %get3A_1770, %add3A_1778 : vector<16xi32>
      %swap3A_1780 = arith.constant 8 : i32
      %swap3A_1781 = arith.index_cast %swap3A_1780 : i32 to index
      %swap3A_1782 = arith.constant 16 : index
      %swap3A_1783 = tpu.vector_load %arg8[%swap3A_1781, %swap3A_1782] {strides = array<i32>} : memref<10x128xi32, #tpu.memory_space<vmem>>, vector<1x16xi32>,
      %swap3A_1784 = vector.shape_cast %swap3A_1783 : vector<1x16xi32> to vector<16xi32>
      %swap3A_1785 = vector.shape_cast %add3A_1779 : vector<16xi32> to vector<1x16xi32>
      tpu.vector_store %arg8[%swap3A_1781, %swap3A_1782], %swap3A_1785 {strides = array<i32>} : memref<10x128xi32, #tpu.memory_space<vmem>>, vector<1x16xi32>,
      %add3A_1786 = arith.constant 200000 : i32
      %add3A_1787 = vector.broadcast %add3A_1786 : i32 to vector<16xi32>
      %add3A_1788 = arith.addi %get3A_1770, %add3A_1787 : vector<16xi32>
      %swap3A_1789 = arith.constant 8 : i32
      %swap3A_1790 = arith.index_cast %swap3A_1789 : i32 to index
      %swap3A_1791 = arith.constant 16 : index
      %swap3A_1792 = tpu.vector_load %arg9[%swap3A_1790, %swap3A_1791] {strides = array<i32>} : memref<10x128xi32, #tpu.memory_space<vmem>>, vector<1x16xi32>,
      %swap3A_1793 = vector.shape_cast %swap3A_1792 : vector<1x16xi32> to vector<16xi32>
      %swap3A_1794 = vector.shape_cast %add3A_1788 : vector<16xi32> to vector<1x16xi32>
      tpu.vector_store %arg9[%swap3A_1790, %swap3A_1791], %swap3A_1794 {strides = array<i32>} : memref<10x128xi32, #tpu.memory_space<vmem>>, vector<1x16xi32>,
      %get3A_1795 = arith.constant 1056 : index
      %get3A_1796 = tpu.vector_load %arg6[%get3A_1795] {strides = array<i32>} : memref<1280xi32, #tpu.memory_space<vmem>>, vector<16xi32>,
      %get3A_1797 = vector.shape_cast %get3A_1796 : vector<16xi32> to vector<16xi32>
      %swap3A_1798 = arith.constant 8 : i32
      %swap3A_1799 = arith.index_cast %swap3A_1798 : i32 to index
      %swap3A_1800 = arith.constant 32 : index
      %swap3A_1801 = tpu.vector_load %arg7[%swap3A_1799, %swap3A_1800] {strides = array<i32>} : memref<10x128xi32, #tpu.memory_space<vmem>>, vector<1x16xi32>,
      %swap3A_1802 = vector.shape_cast %swap3A_1801 : vector<1x16xi32> to vector<16xi32>
      %swap3A_1803 = vector.shape_cast %get3A_1797 : vector<16xi32> to vector<1x16xi32>
      tpu.vector_store %arg7[%swap3A_1799, %swap3A_1800], %swap3A_1803 {strides = array<i32>} : memref<10x128xi32, #tpu.memory_space<vmem>>, vector<1x16xi32>,
      %add3A_1804 = arith.constant 100000 : i32
      %add3A_1805 = vector.broadcast %add3A_1804 : i32 to vector<16xi32>
      %add3A_1806 = arith.addi %get3A_1797, %add3A_1805 : vector<16xi32>
      %swap3A_1807 = arith.constant 8 : i32
      %swap3A_1808 = arith.index_cast %swap3A_1807 : i32 to index
      %swap3A_1809 = arith.constant 32 : index
      %swap3A_1810 = tpu.vector_load %arg8[%swap3A_1808, %swap3A_1809] {strides = array<i32>} : memref<10x128xi32, #tpu.memory_space<vmem>>, vector<1x16xi32>,
      %swap3A_1811 = vector.shape_cast %swap3A_1810 : vector<1x16xi32> to vector<16xi32>
      %swap3A_1812 = vector.shape_cast %add3A_1806 : vector<16xi32> to vector<1x16xi32>
      tpu.vector_store %arg8[%swap3A_1808, %swap3A_1809], %swap3A_1812 {strides = array<i32>} : memref<10x128xi32, #tpu.memory_space<vmem>>, vector<1x16xi32>,
      %add3A_1813 = arith.constant 200000 : i32
      %add3A_1814 = vector.broadcast %add3A_1813 : i32 to vector<16xi32>
      %add3A_1815 = arith.addi %get3A_1797, %add3A_1814 : vector<16xi32>
      %swap3A_1816 = arith.constant 8 : i32
      %swap3A_1817 = arith.index_cast %swap3A_1816 : i32 to index
      %swap3A_1818 = arith.constant 32 : index
      %swap3A_1819 = tpu.vector_load %arg9[%swap3A_1817, %swap3A_1818] {strides = array<i32>} : memref<10x128xi32, #tpu.memory_space<vmem>>, vector<1x16xi32>,
      %swap3A_1820 = vector.shape_cast %swap3A_1819 : vector<1x16xi32> to vector<16xi32>
      %swap3A_1821 = vector.shape_cast %add3A_1815 : vector<16xi32> to vector<1x16xi32>
      tpu.vector_store %arg9[%swap3A_1817, %swap3A_1818], %swap3A_1821 {strides = array<i32>} : memref<10x128xi32, #tpu.memory_space<vmem>>, vector<1x16xi32>,
      %get3A_1822 = arith.constant 1072 : index
      %get3A_1823 = tpu.vector_load %arg6[%get3A_1822] {strides = array<i32>} : memref<1280xi32, #tpu.memory_space<vmem>>, vector<16xi32>,
      %get3A_1824 = vector.shape_cast %get3A_1823 : vector<16xi32> to vector<16xi32>
      %swap3A_1825 = arith.constant 8 : i32
      %swap3A_1826 = arith.index_cast %swap3A_1825 : i32 to index
      %swap3A_1827 = arith.constant 48 : index
      %swap3A_1828 = tpu.vector_load %arg7[%swap3A_1826, %swap3A_1827] {strides = array<i32>} : memref<10x128xi32, #tpu.memory_space<vmem>>, vector<1x16xi32>,
      %swap3A_1829 = vector.shape_cast %swap3A_1828 : vector<1x16xi32> to vector<16xi32>
      %swap3A_1830 = vector.shape_cast %get3A_1824 : vector<16xi32> to vector<1x16xi32>
      tpu.vector_store %arg7[%swap3A_1826, %swap3A_1827], %swap3A_1830 {strides = array<i32>} : memref<10x128xi32, #tpu.memory_space<vmem>>, vector<1x16xi32>,
      %add3A_1831 = arith.constant 100000 : i32
      %add3A_1832 = vector.broadcast %add3A_1831 : i32 to vector<16xi32>
      %add3A_1833 = arith.addi %get3A_1824, %add3A_1832 : vector<16xi32>
      %swap3A_1834 = arith.constant 8 : i32
      %swap3A_1835 = arith.index_cast %swap3A_1834 : i32 to index
      %swap3A_1836 = arith.constant 48 : index
      %swap3A_1837 = tpu.vector_load %arg8[%swap3A_1835, %swap3A_1836] {strides = array<i32>} : memref<10x128xi32, #tpu.memory_space<vmem>>, vector<1x16xi32>,
      %swap3A_1838 = vector.shape_cast %swap3A_1837 : vector<1x16xi32> to vector<16xi32>
      %swap3A_1839 = vector.shape_cast %add3A_1833 : vector<16xi32> to vector<1x16xi32>
      tpu.vector_store %arg8[%swap3A_1835, %swap3A_1836], %swap3A_1839 {strides = array<i32>} : memref<10x128xi32, #tpu.memory_space<vmem>>, vector<1x16xi32>,
      %add3A_1840 = arith.constant 200000 : i32
      %add3A_1841 = vector.broadcast %add3A_1840 : i32 to vector<16xi32>
      %add3A_1842 = arith.addi %get3A_1824, %add3A_1841 : vector<16xi32>
      %swap3A_1843 = arith.constant 8 : i32
      %swap3A_1844 = arith.index_cast %swap3A_1843 : i32 to index
      %swap3A_1845 = arith.constant 48 : index
      %swap3A_1846 = tpu.vector_load %arg9[%swap3A_1844, %swap3A_1845] {strides = array<i32>} : memref<10x128xi32, #tpu.memory_space<vmem>>, vector<1x16xi32>,
      %swap3A_1847 = vector.shape_cast %swap3A_1846 : vector<1x16xi32> to vector<16xi32>
      %swap3A_1848 = vector.shape_cast %add3A_1842 : vector<16xi32> to vector<1x16xi32>
      tpu.vector_store %arg9[%swap3A_1844, %swap3A_1845], %swap3A_1848 {strides = array<i32>} : memref<10x128xi32, #tpu.memory_space<vmem>>, vector<1x16xi32>,
      %get3A_1849 = arith.constant 1088 : index
      %get3A_1850 = tpu.vector_load %arg6[%get3A_1849] {strides = array<i32>} : memref<1280xi32, #tpu.memory_space<vmem>>, vector<16xi32>,
      %get3A_1851 = vector.shape_cast %get3A_1850 : vector<16xi32> to vector<16xi32>
      %swap3A_1852 = arith.constant 8 : i32
      %swap3A_1853 = arith.index_cast %swap3A_1852 : i32 to index
      %swap3A_1854 = arith.constant 64 : index
      %swap3A_1855 = tpu.vector_load %arg7[%swap3A_1853, %swap3A_1854] {strides = array<i32>} : memref<10x128xi32, #tpu.memory_space<vmem>>, vector<1x16xi32>,
      %swap3A_1856 = vector.shape_cast %swap3A_1855 : vector<1x16xi32> to vector<16xi32>
      %swap3A_1857 = vector.shape_cast %get3A_1851 : vector<16xi32> to vector<1x16xi32>
      tpu.vector_store %arg7[%swap3A_1853, %swap3A_1854], %swap3A_1857 {strides = array<i32>} : memref<10x128xi32, #tpu.memory_space<vmem>>, vector<1x16xi32>,
      %add3A_1858 = arith.constant 100000 : i32
      %add3A_1859 = vector.broadcast %add3A_1858 : i32 to vector<16xi32>
      %add3A_1860 = arith.addi %get3A_1851, %add3A_1859 : vector<16xi32>
      %swap3A_1861 = arith.constant 8 : i32
      %swap3A_1862 = arith.index_cast %swap3A_1861 : i32 to index
      %swap3A_1863 = arith.constant 64 : index
      %swap3A_1864 = tpu.vector_load %arg8[%swap3A_1862, %swap3A_1863] {strides = array<i32>} : memref<10x128xi32, #tpu.memory_space<vmem>>, vector<1x16xi32>,
      %swap3A_1865 = vector.shape_cast %swap3A_1864 : vector<1x16xi32> to vector<16xi32>
      %swap3A_1866 = vector.shape_cast %add3A_1860 : vector<16xi32> to vector<1x16xi32>
      tpu.vector_store %arg8[%swap3A_1862, %swap3A_1863], %swap3A_1866 {strides = array<i32>} : memref<10x128xi32, #tpu.memory_space<vmem>>, vector<1x16xi32>,
      %add3A_1867 = arith.constant 200000 : i32
      %add3A_1868 = vector.broadcast %add3A_1867 : i32 to vector<16xi32>
      %add3A_1869 = arith.addi %get3A_1851, %add3A_1868 : vector<16xi32>
      %swap3A_1870 = arith.constant 8 : i32
      %swap3A_1871 = arith.index_cast %swap3A_1870 : i32 to index
      %swap3A_1872 = arith.constant 64 : index
      %swap3A_1873 = tpu.vector_load %arg9[%swap3A_1871, %swap3A_1872] {strides = array<i32>} : memref<10x128xi32, #tpu.memory_space<vmem>>, vector<1x16xi32>,
      %swap3A_1874 = vector.shape_cast %swap3A_1873 : vector<1x16xi32> to vector<16xi32>
      %swap3A_1875 = vector.shape_cast %add3A_1869 : vector<16xi32> to vector<1x16xi32>
      tpu.vector_store %arg9[%swap3A_1871, %swap3A_1872], %swap3A_1875 {strides = array<i32>} : memref<10x128xi32, #tpu.memory_space<vmem>>, vector<1x16xi32>,
      %get3A_1876 = arith.constant 1104 : index
      %get3A_1877 = tpu.vector_load %arg6[%get3A_1876] {strides = array<i32>} : memref<1280xi32, #tpu.memory_space<vmem>>, vector<16xi32>,
      %get3A_1878 = vector.shape_cast %get3A_1877 : vector<16xi32> to vector<16xi32>
      %swap3A_1879 = arith.constant 8 : i32
      %swap3A_1880 = arith.index_cast %swap3A_1879 : i32 to index
      %swap3A_1881 = arith.constant 80 : index
      %swap3A_1882 = tpu.vector_load %arg7[%swap3A_1880, %swap3A_1881] {strides = array<i32>} : memref<10x128xi32, #tpu.memory_space<vmem>>, vector<1x16xi32>,
      %swap3A_1883 = vector.shape_cast %swap3A_1882 : vector<1x16xi32> to vector<16xi32>
      %swap3A_1884 = vector.shape_cast %get3A_1878 : vector<16xi32> to vector<1x16xi32>
      tpu.vector_store %arg7[%swap3A_1880, %swap3A_1881], %swap3A_1884 {strides = array<i32>} : memref<10x128xi32, #tpu.memory_space<vmem>>, vector<1x16xi32>,
      %add3A_1885 = arith.constant 100000 : i32
      %add3A_1886 = vector.broadcast %add3A_1885 : i32 to vector<16xi32>
      %add3A_1887 = arith.addi %get3A_1878, %add3A_1886 : vector<16xi32>
      %swap3A_1888 = arith.constant 8 : i32
      %swap3A_1889 = arith.index_cast %swap3A_1888 : i32 to index
      %swap3A_1890 = arith.constant 80 : index
      %swap3A_1891 = tpu.vector_load %arg8[%swap3A_1889, %swap3A_1890] {strides = array<i32>} : memref<10x128xi32, #tpu.memory_space<vmem>>, vector<1x16xi32>,
      %swap3A_1892 = vector.shape_cast %swap3A_1891 : vector<1x16xi32> to vector<16xi32>
      %swap3A_1893 = vector.shape_cast %add3A_1887 : vector<16xi32> to vector<1x16xi32>
      tpu.vector_store %arg8[%swap3A_1889, %swap3A_1890], %swap3A_1893 {strides = array<i32>} : memref<10x128xi32, #tpu.memory_space<vmem>>, vector<1x16xi32>,
      %add3A_1894 = arith.constant 200000 : i32
      %add3A_1895 = vector.broadcast %add3A_1894 : i32 to vector<16xi32>
      %add3A_1896 = arith.addi %get3A_1878, %add3A_1895 : vector<16xi32>
      %swap3A_1897 = arith.constant 8 : i32
      %swap3A_1898 = arith.index_cast %swap3A_1897 : i32 to index
      %swap3A_1899 = arith.constant 80 : index
      %swap3A_1900 = tpu.vector_load %arg9[%swap3A_1898, %swap3A_1899] {strides = array<i32>} : memref<10x128xi32, #tpu.memory_space<vmem>>, vector<1x16xi32>,
      %swap3A_1901 = vector.shape_cast %swap3A_1900 : vector<1x16xi32> to vector<16xi32>
      %swap3A_1902 = vector.shape_cast %add3A_1896 : vector<16xi32> to vector<1x16xi32>
      tpu.vector_store %arg9[%swap3A_1898, %swap3A_1899], %swap3A_1902 {strides = array<i32>} : memref<10x128xi32, #tpu.memory_space<vmem>>, vector<1x16xi32>,
      %get3A_1903 = arith.constant 1120 : index
      %get3A_1904 = tpu.vector_load %arg6[%get3A_1903] {strides = array<i32>} : memref<1280xi32, #tpu.memory_space<vmem>>, vector<16xi32>,
      %get3A_1905 = vector.shape_cast %get3A_1904 : vector<16xi32> to vector<16xi32>
      %swap3A_1906 = arith.constant 8 : i32
      %swap3A_1907 = arith.index_cast %swap3A_1906 : i32 to index
      %swap3A_1908 = arith.constant 96 : index
      %swap3A_1909 = tpu.vector_load %arg7[%swap3A_1907, %swap3A_1908] {strides = array<i32>} : memref<10x128xi32, #tpu.memory_space<vmem>>, vector<1x16xi32>,
      %swap3A_1910 = vector.shape_cast %swap3A_1909 : vector<1x16xi32> to vector<16xi32>
      %swap3A_1911 = vector.shape_cast %get3A_1905 : vector<16xi32> to vector<1x16xi32>
      tpu.vector_store %arg7[%swap3A_1907, %swap3A_1908], %swap3A_1911 {strides = array<i32>} : memref<10x128xi32, #tpu.memory_space<vmem>>, vector<1x16xi32>,
      %add3A_1912 = arith.constant 100000 : i32
      %add3A_1913 = vector.broadcast %add3A_1912 : i32 to vector<16xi32>
      %add3A_1914 = arith.addi %get3A_1905, %add3A_1913 : vector<16xi32>
      %swap3A_1915 = arith.constant 8 : i32
      %swap3A_1916 = arith.index_cast %swap3A_1915 : i32 to index
      %swap3A_1917 = arith.constant 96 : index
      %swap3A_1918 = tpu.vector_load %arg8[%swap3A_1916, %swap3A_1917] {strides = array<i32>} : memref<10x128xi32, #tpu.memory_space<vmem>>, vector<1x16xi32>,
      %swap3A_1919 = vector.shape_cast %swap3A_1918 : vector<1x16xi32> to vector<16xi32>
      %swap3A_1920 = vector.shape_cast %add3A_1914 : vector<16xi32> to vector<1x16xi32>
      tpu.vector_store %arg8[%swap3A_1916, %swap3A_1917], %swap3A_1920 {strides = array<i32>} : memref<10x128xi32, #tpu.memory_space<vmem>>, vector<1x16xi32>,
      %add3A_1921 = arith.constant 200000 : i32
      %add3A_1922 = vector.broadcast %add3A_1921 : i32 to vector<16xi32>
      %add3A_1923 = arith.addi %get3A_1905, %add3A_1922 : vector<16xi32>
      %swap3A_1924 = arith.constant 8 : i32
      %swap3A_1925 = arith.index_cast %swap3A_1924 : i32 to index
      %swap3A_1926 = arith.constant 96 : index
      %swap3A_1927 = tpu.vector_load %arg9[%swap3A_1925, %swap3A_1926] {strides = array<i32>} : memref<10x128xi32, #tpu.memory_space<vmem>>, vector<1x16xi32>,
      %swap3A_1928 = vector.shape_cast %swap3A_1927 : vector<1x16xi32> to vector<16xi32>
      %swap3A_1929 = vector.shape_cast %add3A_1923 : vector<16xi32> to vector<1x16xi32>
      tpu.vector_store %arg9[%swap3A_1925, %swap3A_1926], %swap3A_1929 {strides = array<i32>} : memref<10x128xi32, #tpu.memory_space<vmem>>, vector<1x16xi32>,
      %get3A_1930 = arith.constant 1136 : index
      %get3A_1931 = tpu.vector_load %arg6[%get3A_1930] {strides = array<i32>} : memref<1280xi32, #tpu.memory_space<vmem>>, vector<16xi32>,
      %get3A_1932 = vector.shape_cast %get3A_1931 : vector<16xi32> to vector<16xi32>
      %swap3A_1933 = arith.constant 8 : i32
      %swap3A_1934 = arith.index_cast %swap3A_1933 : i32 to index
      %swap3A_1935 = arith.constant 112 : index
      %swap3A_1936 = tpu.vector_load %arg7[%swap3A_1934, %swap3A_1935] {strides = array<i32>} : memref<10x128xi32, #tpu.memory_space<vmem>>, vector<1x16xi32>,
      %swap3A_1937 = vector.shape_cast %swap3A_1936 : vector<1x16xi32> to vector<16xi32>
      %swap3A_1938 = vector.shape_cast %get3A_1932 : vector<16xi32> to vector<1x16xi32>
      tpu.vector_store %arg7[%swap3A_1934, %swap3A_1935], %swap3A_1938 {strides = array<i32>} : memref<10x128xi32, #tpu.memory_space<vmem>>, vector<1x16xi32>,
      %add3A_1939 = arith.constant 100000 : i32
      %add3A_1940 = vector.broadcast %add3A_1939 : i32 to vector<16xi32>
      %add3A_1941 = arith.addi %get3A_1932, %add3A_1940 : vector<16xi32>
      %swap3A_1942 = arith.constant 8 : i32
      %swap3A_1943 = arith.index_cast %swap3A_1942 : i32 to index
      %swap3A_1944 = arith.constant 112 : index
      %swap3A_1945 = tpu.vector_load %arg8[%swap3A_1943, %swap3A_1944] {strides = array<i32>} : memref<10x128xi32, #tpu.memory_space<vmem>>, vector<1x16xi32>,
      %swap3A_1946 = vector.shape_cast %swap3A_1945 : vector<1x16xi32> to vector<16xi32>
      %swap3A_1947 = vector.shape_cast %add3A_1941 : vector<16xi32> to vector<1x16xi32>
      tpu.vector_store %arg8[%swap3A_1943, %swap3A_1944], %swap3A_1947 {strides = array<i32>} : memref<10x128xi32, #tpu.memory_space<vmem>>, vector<1x16xi32>,
      %add3A_1948 = arith.constant 200000 : i32
      %add3A_1949 = vector.broadcast %add3A_1948 : i32 to vector<16xi32>
      %add3A_1950 = arith.addi %get3A_1932, %add3A_1949 : vector<16xi32>
      %swap3A_1951 = arith.constant 8 : i32
      %swap3A_1952 = arith.index_cast %swap3A_1951 : i32 to index
      %swap3A_1953 = arith.constant 112 : index
      %swap3A_1954 = tpu.vector_load %arg9[%swap3A_1952, %swap3A_1953] {strides = array<i32>} : memref<10x128xi32, #tpu.memory_space<vmem>>, vector<1x16xi32>,
      %swap3A_1955 = vector.shape_cast %swap3A_1954 : vector<1x16xi32> to vector<16xi32>
      %swap3A_1956 = vector.shape_cast %add3A_1950 : vector<16xi32> to vector<1x16xi32>
      tpu.vector_store %arg9[%swap3A_1952, %swap3A_1953], %swap3A_1956 {strides = array<i32>} : memref<10x128xi32, #tpu.memory_space<vmem>>, vector<1x16xi32>,
      %get3A_1957 = arith.constant 1152 : index
      %get3A_1958 = tpu.vector_load %arg6[%get3A_1957] {strides = array<i32>} : memref<1280xi32, #tpu.memory_space<vmem>>, vector<16xi32>,
      %get3A_1959 = vector.shape_cast %get3A_1958 : vector<16xi32> to vector<16xi32>
      %swap3A_1960 = arith.constant 9 : i32
      %swap3A_1961 = arith.index_cast %swap3A_1960 : i32 to index
      %swap3A_1962 = arith.constant 0 : index
      %swap3A_1963 = tpu.vector_load %arg7[%swap3A_1961, %swap3A_1962] {strides = array<i32>} : memref<10x128xi32, #tpu.memory_space<vmem>>, vector<1x16xi32>,
      %swap3A_1964 = vector.shape_cast %swap3A_1963 : vector<1x16xi32> to vector<16xi32>
      %swap3A_1965 = vector.shape_cast %get3A_1959 : vector<16xi32> to vector<1x16xi32>
      tpu.vector_store %arg7[%swap3A_1961, %swap3A_1962], %swap3A_1965 {strides = array<i32>} : memref<10x128xi32, #tpu.memory_space<vmem>>, vector<1x16xi32>,
      %add3A_1966 = arith.constant 100000 : i32
      %add3A_1967 = vector.broadcast %add3A_1966 : i32 to vector<16xi32>
      %add3A_1968 = arith.addi %get3A_1959, %add3A_1967 : vector<16xi32>
      %swap3A_1969 = arith.constant 9 : i32
      %swap3A_1970 = arith.index_cast %swap3A_1969 : i32 to index
      %swap3A_1971 = arith.constant 0 : index
      %swap3A_1972 = tpu.vector_load %arg8[%swap3A_1970, %swap3A_1971] {strides = array<i32>} : memref<10x128xi32, #tpu.memory_space<vmem>>, vector<1x16xi32>,
      %swap3A_1973 = vector.shape_cast %swap3A_1972 : vector<1x16xi32> to vector<16xi32>
      %swap3A_1974 = vector.shape_cast %add3A_1968 : vector<16xi32> to vector<1x16xi32>
      tpu.vector_store %arg8[%swap3A_1970, %swap3A_1971], %swap3A_1974 {strides = array<i32>} : memref<10x128xi32, #tpu.memory_space<vmem>>, vector<1x16xi32>,
      %add3A_1975 = arith.constant 200000 : i32
      %add3A_1976 = vector.broadcast %add3A_1975 : i32 to vector<16xi32>
      %add3A_1977 = arith.addi %get3A_1959, %add3A_1976 : vector<16xi32>
      %swap3A_1978 = arith.constant 9 : i32
      %swap3A_1979 = arith.index_cast %swap3A_1978 : i32 to index
      %swap3A_1980 = arith.constant 0 : index
      %swap3A_1981 = tpu.vector_load %arg9[%swap3A_1979, %swap3A_1980] {strides = array<i32>} : memref<10x128xi32, #tpu.memory_space<vmem>>, vector<1x16xi32>,
      %swap3A_1982 = vector.shape_cast %swap3A_1981 : vector<1x16xi32> to vector<16xi32>
      %swap3A_1983 = vector.shape_cast %add3A_1977 : vector<16xi32> to vector<1x16xi32>
      tpu.vector_store %arg9[%swap3A_1979, %swap3A_1980], %swap3A_1983 {strides = array<i32>} : memref<10x128xi32, #tpu.memory_space<vmem>>, vector<1x16xi32>,
      %get3A_1984 = arith.constant 1168 : index
      %get3A_1985 = tpu.vector_load %arg6[%get3A_1984] {strides = array<i32>} : memref<1280xi32, #tpu.memory_space<vmem>>, vector<16xi32>,
      %get3A_1986 = vector.shape_cast %get3A_1985 : vector<16xi32> to vector<16xi32>
      %swap3A_1987 = arith.constant 9 : i32
      %swap3A_1988 = arith.index_cast %swap3A_1987 : i32 to index
      %swap3A_1989 = arith.constant 16 : index
      %swap3A_1990 = tpu.vector_load %arg7[%swap3A_1988, %swap3A_1989] {strides = array<i32>} : memref<10x128xi32, #tpu.memory_space<vmem>>, vector<1x16xi32>,
      %swap3A_1991 = vector.shape_cast %swap3A_1990 : vector<1x16xi32> to vector<16xi32>
      %swap3A_1992 = vector.shape_cast %get3A_1986 : vector<16xi32> to vector<1x16xi32>
      tpu.vector_store %arg7[%swap3A_1988, %swap3A_1989], %swap3A_1992 {strides = array<i32>} : memref<10x128xi32, #tpu.memory_space<vmem>>, vector<1x16xi32>,
      %add3A_1993 = arith.constant 100000 : i32
      %add3A_1994 = vector.broadcast %add3A_1993 : i32 to vector<16xi32>
      %add3A_1995 = arith.addi %get3A_1986, %add3A_1994 : vector<16xi32>
      %swap3A_1996 = arith.constant 9 : i32
      %swap3A_1997 = arith.index_cast %swap3A_1996 : i32 to index
      %swap3A_1998 = arith.constant 16 : index
      %swap3A_1999 = tpu.vector_load %arg8[%swap3A_1997, %swap3A_1998] {strides = array<i32>} : memref<10x128xi32, #tpu.memory_space<vmem>>, vector<1x16xi32>,
      %swap3A_2000 = vector.shape_cast %swap3A_1999 : vector<1x16xi32> to vector<16xi32>
      %swap3A_2001 = vector.shape_cast %add3A_1995 : vector<16xi32> to vector<1x16xi32>
      tpu.vector_store %arg8[%swap3A_1997, %swap3A_1998], %swap3A_2001 {strides = array<i32>} : memref<10x128xi32, #tpu.memory_space<vmem>>, vector<1x16xi32>,
      %add3A_2002 = arith.constant 200000 : i32
      %add3A_2003 = vector.broadcast %add3A_2002 : i32 to vector<16xi32>
      %add3A_2004 = arith.addi %get3A_1986, %add3A_2003 : vector<16xi32>
      %swap3A_2005 = arith.constant 9 : i32
      %swap3A_2006 = arith.index_cast %swap3A_2005 : i32 to index
      %swap3A_2007 = arith.constant 16 : index
      %swap3A_2008 = tpu.vector_load %arg9[%swap3A_2006, %swap3A_2007] {strides = array<i32>} : memref<10x128xi32, #tpu.memory_space<vmem>>, vector<1x16xi32>,
      %swap3A_2009 = vector.shape_cast %swap3A_2008 : vector<1x16xi32> to vector<16xi32>
      %swap3A_2010 = vector.shape_cast %add3A_2004 : vector<16xi32> to vector<1x16xi32>
      tpu.vector_store %arg9[%swap3A_2006, %swap3A_2007], %swap3A_2010 {strides = array<i32>} : memref<10x128xi32, #tpu.memory_space<vmem>>, vector<1x16xi32>,
      %get3A_2011 = arith.constant 1184 : index
      %get3A_2012 = tpu.vector_load %arg6[%get3A_2011] {strides = array<i32>} : memref<1280xi32, #tpu.memory_space<vmem>>, vector<16xi32>,
      %get3A_2013 = vector.shape_cast %get3A_2012 : vector<16xi32> to vector<16xi32>
      %swap3A_2014 = arith.constant 9 : i32
      %swap3A_2015 = arith.index_cast %swap3A_2014 : i32 to index
      %swap3A_2016 = arith.constant 32 : index
      %swap3A_2017 = tpu.vector_load %arg7[%swap3A_2015, %swap3A_2016] {strides = array<i32>} : memref<10x128xi32, #tpu.memory_space<vmem>>, vector<1x16xi32>,
      %swap3A_2018 = vector.shape_cast %swap3A_2017 : vector<1x16xi32> to vector<16xi32>
      %swap3A_2019 = vector.shape_cast %get3A_2013 : vector<16xi32> to vector<1x16xi32>
      tpu.vector_store %arg7[%swap3A_2015, %swap3A_2016], %swap3A_2019 {strides = array<i32>} : memref<10x128xi32, #tpu.memory_space<vmem>>, vector<1x16xi32>,
      %add3A_2020 = arith.constant 100000 : i32
      %add3A_2021 = vector.broadcast %add3A_2020 : i32 to vector<16xi32>
      %add3A_2022 = arith.addi %get3A_2013, %add3A_2021 : vector<16xi32>
      %swap3A_2023 = arith.constant 9 : i32
      %swap3A_2024 = arith.index_cast %swap3A_2023 : i32 to index
      %swap3A_2025 = arith.constant 32 : index
      %swap3A_2026 = tpu.vector_load %arg8[%swap3A_2024, %swap3A_2025] {strides = array<i32>} : memref<10x128xi32, #tpu.memory_space<vmem>>, vector<1x16xi32>,
      %swap3A_2027 = vector.shape_cast %swap3A_2026 : vector<1x16xi32> to vector<16xi32>
      %swap3A_2028 = vector.shape_cast %add3A_2022 : vector<16xi32> to vector<1x16xi32>
      tpu.vector_store %arg8[%swap3A_2024, %swap3A_2025], %swap3A_2028 {strides = array<i32>} : memref<10x128xi32, #tpu.memory_space<vmem>>, vector<1x16xi32>,
      %add3A_2029 = arith.constant 200000 : i32
      %add3A_2030 = vector.broadcast %add3A_2029 : i32 to vector<16xi32>
      %add3A_2031 = arith.addi %get3A_2013, %add3A_2030 : vector<16xi32>
      %swap3A_2032 = arith.constant 9 : i32
      %swap3A_2033 = arith.index_cast %swap3A_2032 : i32 to index
      %swap3A_2034 = arith.constant 32 : index
      %swap3A_2035 = tpu.vector_load %arg9[%swap3A_2033, %swap3A_2034] {strides = array<i32>} : memref<10x128xi32, #tpu.memory_space<vmem>>, vector<1x16xi32>,
      %swap3A_2036 = vector.shape_cast %swap3A_2035 : vector<1x16xi32> to vector<16xi32>
      %swap3A_2037 = vector.shape_cast %add3A_2031 : vector<16xi32> to vector<1x16xi32>
      tpu.vector_store %arg9[%swap3A_2033, %swap3A_2034], %swap3A_2037 {strides = array<i32>} : memref<10x128xi32, #tpu.memory_space<vmem>>, vector<1x16xi32>,
      %get3A_2038 = arith.constant 1200 : index
      %get3A_2039 = tpu.vector_load %arg6[%get3A_2038] {strides = array<i32>} : memref<1280xi32, #tpu.memory_space<vmem>>, vector<16xi32>,
      %get3A_2040 = vector.shape_cast %get3A_2039 : vector<16xi32> to vector<16xi32>
      %swap3A_2041 = arith.constant 9 : i32
      %swap3A_2042 = arith.index_cast %swap3A_2041 : i32 to index
      %swap3A_2043 = arith.constant 48 : index
      %swap3A_2044 = tpu.vector_load %arg7[%swap3A_2042, %swap3A_2043] {strides = array<i32>} : memref<10x128xi32, #tpu.memory_space<vmem>>, vector<1x16xi32>,
      %swap3A_2045 = vector.shape_cast %swap3A_2044 : vector<1x16xi32> to vector<16xi32>
      %swap3A_2046 = vector.shape_cast %get3A_2040 : vector<16xi32> to vector<1x16xi32>
      tpu.vector_store %arg7[%swap3A_2042, %swap3A_2043], %swap3A_2046 {strides = array<i32>} : memref<10x128xi32, #tpu.memory_space<vmem>>, vector<1x16xi32>,
      %add3A_2047 = arith.constant 100000 : i32
      %add3A_2048 = vector.broadcast %add3A_2047 : i32 to vector<16xi32>
      %add3A_2049 = arith.addi %get3A_2040, %add3A_2048 : vector<16xi32>
      %swap3A_2050 = arith.constant 9 : i32
      %swap3A_2051 = arith.index_cast %swap3A_2050 : i32 to index
      %swap3A_2052 = arith.constant 48 : index
      %swap3A_2053 = tpu.vector_load %arg8[%swap3A_2051, %swap3A_2052] {strides = array<i32>} : memref<10x128xi32, #tpu.memory_space<vmem>>, vector<1x16xi32>,
      %swap3A_2054 = vector.shape_cast %swap3A_2053 : vector<1x16xi32> to vector<16xi32>
      %swap3A_2055 = vector.shape_cast %add3A_2049 : vector<16xi32> to vector<1x16xi32>
      tpu.vector_store %arg8[%swap3A_2051, %swap3A_2052], %swap3A_2055 {strides = array<i32>} : memref<10x128xi32, #tpu.memory_space<vmem>>, vector<1x16xi32>,
      %add3A_2056 = arith.constant 200000 : i32
      %add3A_2057 = vector.broadcast %add3A_2056 : i32 to vector<16xi32>
      %add3A_2058 = arith.addi %get3A_2040, %add3A_2057 : vector<16xi32>
      %swap3A_2059 = arith.constant 9 : i32
      %swap3A_2060 = arith.index_cast %swap3A_2059 : i32 to index
      %swap3A_2061 = arith.constant 48 : index
      %swap3A_2062 = tpu.vector_load %arg9[%swap3A_2060, %swap3A_2061] {strides = array<i32>} : memref<10x128xi32, #tpu.memory_space<vmem>>, vector<1x16xi32>,
      %swap3A_2063 = vector.shape_cast %swap3A_2062 : vector<1x16xi32> to vector<16xi32>
      %swap3A_2064 = vector.shape_cast %add3A_2058 : vector<16xi32> to vector<1x16xi32>
      tpu.vector_store %arg9[%swap3A_2060, %swap3A_2061], %swap3A_2064 {strides = array<i32>} : memref<10x128xi32, #tpu.memory_space<vmem>>, vector<1x16xi32>,
      %get3A_2065 = arith.constant 1216 : index
      %get3A_2066 = tpu.vector_load %arg6[%get3A_2065] {strides = array<i32>} : memref<1280xi32, #tpu.memory_space<vmem>>, vector<16xi32>,
      %get3A_2067 = vector.shape_cast %get3A_2066 : vector<16xi32> to vector<16xi32>
      %swap3A_2068 = arith.constant 9 : i32
      %swap3A_2069 = arith.index_cast %swap3A_2068 : i32 to index
      %swap3A_2070 = arith.constant 64 : index
      %swap3A_2071 = tpu.vector_load %arg7[%swap3A_2069, %swap3A_2070] {strides = array<i32>} : memref<10x128xi32, #tpu.memory_space<vmem>>, vector<1x16xi32>,
      %swap3A_2072 = vector.shape_cast %swap3A_2071 : vector<1x16xi32> to vector<16xi32>
      %swap3A_2073 = vector.shape_cast %get3A_2067 : vector<16xi32> to vector<1x16xi32>
      tpu.vector_store %arg7[%swap3A_2069, %swap3A_2070], %swap3A_2073 {strides = array<i32>} : memref<10x128xi32, #tpu.memory_space<vmem>>, vector<1x16xi32>,
      %add3A_2074 = arith.constant 100000 : i32
      %add3A_2075 = vector.broadcast %add3A_2074 : i32 to vector<16xi32>
      %add3A_2076 = arith.addi %get3A_2067, %add3A_2075 : vector<16xi32>
      %swap3A_2077 = arith.constant 9 : i32
      %swap3A_2078 = arith.index_cast %swap3A_2077 : i32 to index
      %swap3A_2079 = arith.constant 64 : index
      %swap3A_2080 = tpu.vector_load %arg8[%swap3A_2078, %swap3A_2079] {strides = array<i32>} : memref<10x128xi32, #tpu.memory_space<vmem>>, vector<1x16xi32>,
      %swap3A_2081 = vector.shape_cast %swap3A_2080 : vector<1x16xi32> to vector<16xi32>
      %swap3A_2082 = vector.shape_cast %add3A_2076 : vector<16xi32> to vector<1x16xi32>
      tpu.vector_store %arg8[%swap3A_2078, %swap3A_2079], %swap3A_2082 {strides = array<i32>} : memref<10x128xi32, #tpu.memory_space<vmem>>, vector<1x16xi32>,
      %add3A_2083 = arith.constant 200000 : i32
      %add3A_2084 = vector.broadcast %add3A_2083 : i32 to vector<16xi32>
      %add3A_2085 = arith.addi %get3A_2067, %add3A_2084 : vector<16xi32>
      %swap3A_2086 = arith.constant 9 : i32
      %swap3A_2087 = arith.index_cast %swap3A_2086 : i32 to index
      %swap3A_2088 = arith.constant 64 : index
      %swap3A_2089 = tpu.vector_load %arg9[%swap3A_2087, %swap3A_2088] {strides = array<i32>} : memref<10x128xi32, #tpu.memory_space<vmem>>, vector<1x16xi32>,
      %swap3A_2090 = vector.shape_cast %swap3A_2089 : vector<1x16xi32> to vector<16xi32>
      %swap3A_2091 = vector.shape_cast %add3A_2085 : vector<16xi32> to vector<1x16xi32>
      tpu.vector_store %arg9[%swap3A_2087, %swap3A_2088], %swap3A_2091 {strides = array<i32>} : memref<10x128xi32, #tpu.memory_space<vmem>>, vector<1x16xi32>,
      %get3A_2092 = arith.constant 1232 : index
      %get3A_2093 = tpu.vector_load %arg6[%get3A_2092] {strides = array<i32>} : memref<1280xi32, #tpu.memory_space<vmem>>, vector<16xi32>,
      %get3A_2094 = vector.shape_cast %get3A_2093 : vector<16xi32> to vector<16xi32>
      %swap3A_2095 = arith.constant 9 : i32
      %swap3A_2096 = arith.index_cast %swap3A_2095 : i32 to index
      %swap3A_2097 = arith.constant 80 : index
      %swap3A_2098 = tpu.vector_load %arg7[%swap3A_2096, %swap3A_2097] {strides = array<i32>} : memref<10x128xi32, #tpu.memory_space<vmem>>, vector<1x16xi32>,
      %swap3A_2099 = vector.shape_cast %swap3A_2098 : vector<1x16xi32> to vector<16xi32>
      %swap3A_2100 = vector.shape_cast %get3A_2094 : vector<16xi32> to vector<1x16xi32>
      tpu.vector_store %arg7[%swap3A_2096, %swap3A_2097], %swap3A_2100 {strides = array<i32>} : memref<10x128xi32, #tpu.memory_space<vmem>>, vector<1x16xi32>,
      %add3A_2101 = arith.constant 100000 : i32
      %add3A_2102 = vector.broadcast %add3A_2101 : i32 to vector<16xi32>
      %add3A_2103 = arith.addi %get3A_2094, %add3A_2102 : vector<16xi32>
      %swap3A_2104 = arith.constant 9 : i32
      %swap3A_2105 = arith.index_cast %swap3A_2104 : i32 to index
      %swap3A_2106 = arith.constant 80 : index
      %swap3A_2107 = tpu.vector_load %arg8[%swap3A_2105, %swap3A_2106] {strides = array<i32>} : memref<10x128xi32, #tpu.memory_space<vmem>>, vector<1x16xi32>,
      %swap3A_2108 = vector.shape_cast %swap3A_2107 : vector<1x16xi32> to vector<16xi32>
      %swap3A_2109 = vector.shape_cast %add3A_2103 : vector<16xi32> to vector<1x16xi32>
      tpu.vector_store %arg8[%swap3A_2105, %swap3A_2106], %swap3A_2109 {strides = array<i32>} : memref<10x128xi32, #tpu.memory_space<vmem>>, vector<1x16xi32>,
      %add3A_2110 = arith.constant 200000 : i32
      %add3A_2111 = vector.broadcast %add3A_2110 : i32 to vector<16xi32>
      %add3A_2112 = arith.addi %get3A_2094, %add3A_2111 : vector<16xi32>
      %swap3A_2113 = arith.constant 9 : i32
      %swap3A_2114 = arith.index_cast %swap3A_2113 : i32 to index
      %swap3A_2115 = arith.constant 80 : index
      %swap3A_2116 = tpu.vector_load %arg9[%swap3A_2114, %swap3A_2115] {strides = array<i32>} : memref<10x128xi32, #tpu.memory_space<vmem>>, vector<1x16xi32>,
      %swap3A_2117 = vector.shape_cast %swap3A_2116 : vector<1x16xi32> to vector<16xi32>
      %swap3A_2118 = vector.shape_cast %add3A_2112 : vector<16xi32> to vector<1x16xi32>
      tpu.vector_store %arg9[%swap3A_2114, %swap3A_2115], %swap3A_2118 {strides = array<i32>} : memref<10x128xi32, #tpu.memory_space<vmem>>, vector<1x16xi32>,
      %get3A_2119 = arith.constant 1248 : index
      %get3A_2120 = tpu.vector_load %arg6[%get3A_2119] {strides = array<i32>} : memref<1280xi32, #tpu.memory_space<vmem>>, vector<16xi32>,
      %get3A_2121 = vector.shape_cast %get3A_2120 : vector<16xi32> to vector<16xi32>
      %swap3A_2122 = arith.constant 9 : i32
      %swap3A_2123 = arith.index_cast %swap3A_2122 : i32 to index
      %swap3A_2124 = arith.constant 96 : index
      %swap3A_2125 = tpu.vector_load %arg7[%swap3A_2123, %swap3A_2124] {strides = array<i32>} : memref<10x128xi32, #tpu.memory_space<vmem>>, vector<1x16xi32>,
      %swap3A_2126 = vector.shape_cast %swap3A_2125 : vector<1x16xi32> to vector<16xi32>
      %swap3A_2127 = vector.shape_cast %get3A_2121 : vector<16xi32> to vector<1x16xi32>
      tpu.vector_store %arg7[%swap3A_2123, %swap3A_2124], %swap3A_2127 {strides = array<i32>} : memref<10x128xi32, #tpu.memory_space<vmem>>, vector<1x16xi32>,
      %add3A_2128 = arith.constant 100000 : i32
      %add3A_2129 = vector.broadcast %add3A_2128 : i32 to vector<16xi32>
      %add3A_2130 = arith.addi %get3A_2121, %add3A_2129 : vector<16xi32>
      %swap3A_2131 = arith.constant 9 : i32
      %swap3A_2132 = arith.index_cast %swap3A_2131 : i32 to index
      %swap3A_2133 = arith.constant 96 : index
      %swap3A_2134 = tpu.vector_load %arg8[%swap3A_2132, %swap3A_2133] {strides = array<i32>} : memref<10x128xi32, #tpu.memory_space<vmem>>, vector<1x16xi32>,
      %swap3A_2135 = vector.shape_cast %swap3A_2134 : vector<1x16xi32> to vector<16xi32>
      %swap3A_2136 = vector.shape_cast %add3A_2130 : vector<16xi32> to vector<1x16xi32>
      tpu.vector_store %arg8[%swap3A_2132, %swap3A_2133], %swap3A_2136 {strides = array<i32>} : memref<10x128xi32, #tpu.memory_space<vmem>>, vector<1x16xi32>,
      %add3A_2137 = arith.constant 200000 : i32
      %add3A_2138 = vector.broadcast %add3A_2137 : i32 to vector<16xi32>
      %add3A_2139 = arith.addi %get3A_2121, %add3A_2138 : vector<16xi32>
      %swap3A_2140 = arith.constant 9 : i32
      %swap3A_2141 = arith.index_cast %swap3A_2140 : i32 to index
      %swap3A_2142 = arith.constant 96 : index
      %swap3A_2143 = tpu.vector_load %arg9[%swap3A_2141, %swap3A_2142] {strides = array<i32>} : memref<10x128xi32, #tpu.memory_space<vmem>>, vector<1x16xi32>,
      %swap3A_2144 = vector.shape_cast %swap3A_2143 : vector<1x16xi32> to vector<16xi32>
      %swap3A_2145 = vector.shape_cast %add3A_2139 : vector<16xi32> to vector<1x16xi32>
      tpu.vector_store %arg9[%swap3A_2141, %swap3A_2142], %swap3A_2145 {strides = array<i32>} : memref<10x128xi32, #tpu.memory_space<vmem>>, vector<1x16xi32>,
      %get3A_2146 = arith.constant 1264 : index
      %get3A_2147 = tpu.vector_load %arg6[%get3A_2146] {strides = array<i32>} : memref<1280xi32, #tpu.memory_space<vmem>>, vector<16xi32>,
      %get3A_2148 = vector.shape_cast %get3A_2147 : vector<16xi32> to vector<16xi32>
      %swap3A_2149 = arith.constant 9 : i32
      %swap3A_2150 = arith.index_cast %swap3A_2149 : i32 to index
      %swap3A_2151 = arith.constant 112 : index
      %swap3A_2152 = tpu.vector_load %arg7[%swap3A_2150, %swap3A_2151] {strides = array<i32>} : memref<10x128xi32, #tpu.memory_space<vmem>>, vector<1x16xi32>,
      %swap3A_2153 = vector.shape_cast %swap3A_2152 : vector<1x16xi32> to vector<16xi32>
      %swap3A_2154 = vector.shape_cast %get3A_2148 : vector<16xi32> to vector<1x16xi32>
      tpu.vector_store %arg7[%swap3A_2150, %swap3A_2151], %swap3A_2154 {strides = array<i32>} : memref<10x128xi32, #tpu.memory_space<vmem>>, vector<1x16xi32>,
      %add3A_2155 = arith.constant 100000 : i32
      %add3A_2156 = vector.broadcast %add3A_2155 : i32 to vector<16xi32>
      %add3A_2157 = arith.addi %get3A_2148, %add3A_2156 : vector<16xi32>
      %swap3A_2158 = arith.constant 9 : i32
      %swap3A_2159 = arith.index_cast %swap3A_2158 : i32 to index
      %swap3A_2160 = arith.constant 112 : index
      %swap3A_2161 = tpu.vector_load %arg8[%swap3A_2159, %swap3A_2160] {strides = array<i32>} : memref<10x128xi32, #tpu.memory_space<vmem>>, vector<1x16xi32>,
      %swap3A_2162 = vector.shape_cast %swap3A_2161 : vector<1x16xi32> to vector<16xi32>
      %swap3A_2163 = vector.shape_cast %add3A_2157 : vector<16xi32> to vector<1x16xi32>
      tpu.vector_store %arg8[%swap3A_2159, %swap3A_2160], %swap3A_2163 {strides = array<i32>} : memref<10x128xi32, #tpu.memory_space<vmem>>, vector<1x16xi32>,
      %add3A_2164 = arith.constant 200000 : i32
      %add3A_2165 = vector.broadcast %add3A_2164 : i32 to vector<16xi32>
      %add3A_2166 = arith.addi %get3A_2148, %add3A_2165 : vector<16xi32>
      %swap3A_2167 = arith.constant 9 : i32
      %swap3A_2168 = arith.index_cast %swap3A_2167 : i32 to index
      %swap3A_2169 = arith.constant 112 : index
      %swap3A_2170 = tpu.vector_load %arg9[%swap3A_2168, %swap3A_2169] {strides = array<i32>} : memref<10x128xi32, #tpu.memory_space<vmem>>, vector<1x16xi32>,
      %swap3A_2171 = vector.shape_cast %swap3A_2170 : vector<1x16xi32> to vector<16xi32>
      %swap3A_2172 = vector.shape_cast %add3A_2166 : vector<16xi32> to vector<1x16xi32>
      tpu.vector_store %arg9[%swap3A_2168, %swap3A_2169], %swap3A_2172 {strides = array<i32>} : memref<10x128xi32, #tpu.memory_space<vmem>>, vector<1x16xi32>,
      %dma_start3A = arith.constant 0 : i32
      %dma_start3A_2173 = arith.constant 0 : i32
      %dma_start3A_2174 = arith.constant 0 : i32
      %dma_start3A_2175 = tpu.memref_slice %arg10[%dma_start3A_2173, %dma_start3A_2174] : memref<1280x32xf32, #tpu.memory_space<vmem>> -> memref<128x32xf32, #tpu.memory_space<vmem>>
      %dma_start3A_2176 = arith.constant 0 : i32
      %dma_start3A_2177 = tpu.memref_slice %arg8[%dma_start3A, %dma_start3A_2176] : memref<10x128xi32, #tpu.memory_space<vmem>> -> memref<1x128xi32, #tpu.memory_space<vmem>>
      %dma_start3A_2178 = tpu.memref_squeeze %dma_start3A_2177 : memref<1x128xi32, #tpu.memory_space<vmem>> -> memref<128xi32, #tpu.memory_space<vmem>>
      %dma_start3A_2179 = arith.constant 0 : i32
      %dma_start3A_2180 = arith.constant 0 : i32
      %dma_start3A_2181 = tpu.memref_slice %arg3[%dma_start3A_2179, %dma_start3A_2180] : memref<300000x32xf32, #tpu.memory_space<hbm>> -> memref<300000x32xf32, #tpu.memory_space<hbm>>
      tpu.enqueue_indirect_dma source(%dma_start3A_2181 : memref<300000x32xf32, #tpu.memory_space<hbm>>) target(%dma_start3A_2175 : memref<128x32xf32, #tpu.memory_space<vmem>>) offsets(%dma_start3A_2178 : memref<128xi32, #tpu.memory_space<vmem>>) semaphore(%arg14 : memref<!tpu.dma_semaphore, #tpu.memory_space<semaphore_mem>>)
      %dma_start3A_2182 = arith.constant 0 : i32
      %dma_start3A_2183 = arith.constant 0 : i32
      %dma_start3A_2184 = arith.constant 0 : i32
      %dma_start3A_2185 = tpu.memref_slice %arg11[%dma_start3A_2183, %dma_start3A_2184] : memref<1280x32xf32, #tpu.memory_space<vmem>> -> memref<128x32xf32, #tpu.memory_space<vmem>>
      %dma_start3A_2186 = arith.constant 0 : i32
      %dma_start3A_2187 = tpu.memref_slice %arg9[%dma_start3A_2182, %dma_start3A_2186] : memref<10x128xi32, #tpu.memory_space<vmem>> -> memref<1x128xi32, #tpu.memory_space<vmem>>
      %dma_start3A_2188 = tpu.memref_squeeze %dma_start3A_2187 : memref<1x128xi32, #tpu.memory_space<vmem>> -> memref<128xi32, #tpu.memory_space<vmem>>
      %dma_start3A_2189 = arith.constant 0 : i32
      %dma_start3A_2190 = arith.constant 0 : i32
      %dma_start3A_2191 = tpu.memref_slice %arg3[%dma_start3A_2189, %dma_start3A_2190] : memref<300000x32xf32, #tpu.memory_space<hbm>> -> memref<300000x32xf32, #tpu.memory_space<hbm>>
      tpu.enqueue_indirect_dma source(%dma_start3A_2191 : memref<300000x32xf32, #tpu.memory_space<hbm>>) target(%dma_start3A_2185 : memref<128x32xf32, #tpu.memory_space<vmem>>) offsets(%dma_start3A_2188 : memref<128xi32, #tpu.memory_space<vmem>>) semaphore(%arg14 : memref<!tpu.dma_semaphore, #tpu.memory_space<semaphore_mem>>)
      %dma_start3A_2192 = arith.constant 0 : i32
      %dma_start3A_2193 = arith.constant 0 : i32
      %dma_start3A_2194 = arith.constant 0 : i32
      %dma_start3A_2195 = tpu.memref_slice %arg12[%dma_start3A_2193, %dma_start3A_2194] : memref<1280x32xf32, #tpu.memory_space<vmem>> -> memref<128x32xf32, #tpu.memory_space<vmem>>
      %dma_start3A_2196 = arith.constant 0 : i32
      %dma_start3A_2197 = tpu.memref_slice %arg7[%dma_start3A_2192, %dma_start3A_2196] : memref<10x128xi32, #tpu.memory_space<vmem>> -> memref<1x128xi32, #tpu.memory_space<vmem>>
      %dma_start3A_2198 = tpu.memref_squeeze %dma_start3A_2197 : memref<1x128xi32, #tpu.memory_space<vmem>> -> memref<128xi32, #tpu.memory_space<vmem>>
      %dma_start3A_2199 = arith.constant 0 : i32
      %dma_start3A_2200 = arith.constant 0 : i32
      %dma_start3A_2201 = tpu.memref_slice %arg4[%dma_start3A_2199, %dma_start3A_2200] : memref<100000x32xf32, #tpu.memory_space<hbm>> -> memref<100000x32xf32, #tpu.memory_space<hbm>>
      tpu.enqueue_indirect_dma source(%dma_start3A_2201 : memref<100000x32xf32, #tpu.memory_space<hbm>>) target(%dma_start3A_2195 : memref<128x32xf32, #tpu.memory_space<vmem>>) offsets(%dma_start3A_2198 : memref<128xi32, #tpu.memory_space<vmem>>) semaphore(%arg14 : memref<!tpu.dma_semaphore, #tpu.memory_space<semaphore_mem>>)
      %dma_start3A_2202 = arith.constant 1 : i32
      %dma_start3A_2203 = arith.constant 128 : i32
      %dma_start3A_2204 = arith.constant 0 : i32
      %dma_start3A_2205 = tpu.memref_slice %arg10[%dma_start3A_2203, %dma_start3A_2204] : memref<1280x32xf32, #tpu.memory_space<vmem>> -> memref<128x32xf32, #tpu.memory_space<vmem>>
      %dma_start3A_2206 = arith.constant 0 : i32
      %dma_start3A_2207 = tpu.memref_slice %arg8[%dma_start3A_2202, %dma_start3A_2206] : memref<10x128xi32, #tpu.memory_space<vmem>> -> memref<1x128xi32, #tpu.memory_space<vmem>>
      %dma_start3A_2208 = tpu.memref_squeeze %dma_start3A_2207 : memref<1x128xi32, #tpu.memory_space<vmem>> -> memref<128xi32, #tpu.memory_space<vmem>>
      %dma_start3A_2209 = arith.constant 0 : i32
      %dma_start3A_2210 = arith.constant 0 : i32
      %dma_start3A_2211 = tpu.memref_slice %arg3[%dma_start3A_2209, %dma_start3A_2210] : memref<300000x32xf32, #tpu.memory_space<hbm>> -> memref<300000x32xf32, #tpu.memory_space<hbm>>
      tpu.enqueue_indirect_dma source(%dma_start3A_2211 : memref<300000x32xf32, #tpu.memory_space<hbm>>) target(%dma_start3A_2205 : memref<128x32xf32, #tpu.memory_space<vmem>>) offsets(%dma_start3A_2208 : memref<128xi32, #tpu.memory_space<vmem>>) semaphore(%arg14 : memref<!tpu.dma_semaphore, #tpu.memory_space<semaphore_mem>>)
      %dma_start3A_2212 = arith.constant 1 : i32
      %dma_start3A_2213 = arith.constant 128 : i32
      %dma_start3A_2214 = arith.constant 0 : i32
      %dma_start3A_2215 = tpu.memref_slice %arg11[%dma_start3A_2213, %dma_start3A_2214] : memref<1280x32xf32, #tpu.memory_space<vmem>> -> memref<128x32xf32, #tpu.memory_space<vmem>>
      %dma_start3A_2216 = arith.constant 0 : i32
      %dma_start3A_2217 = tpu.memref_slice %arg9[%dma_start3A_2212, %dma_start3A_2216] : memref<10x128xi32, #tpu.memory_space<vmem>> -> memref<1x128xi32, #tpu.memory_space<vmem>>
      %dma_start3A_2218 = tpu.memref_squeeze %dma_start3A_2217 : memref<1x128xi32, #tpu.memory_space<vmem>> -> memref<128xi32, #tpu.memory_space<vmem>>
      %dma_start3A_2219 = arith.constant 0 : i32
      %dma_start3A_2220 = arith.constant 0 : i32
      %dma_start3A_2221 = tpu.memref_slice %arg3[%dma_start3A_2219, %dma_start3A_2220] : memref<300000x32xf32, #tpu.memory_space<hbm>> -> memref<300000x32xf32, #tpu.memory_space<hbm>>
      tpu.enqueue_indirect_dma source(%dma_start3A_2221 : memref<300000x32xf32, #tpu.memory_space<hbm>>) target(%dma_start3A_2215 : memref<128x32xf32, #tpu.memory_space<vmem>>) offsets(%dma_start3A_2218 : memref<128xi32, #tpu.memory_space<vmem>>) semaphore(%arg14 : memref<!tpu.dma_semaphore, #tpu.memory_space<semaphore_mem>>)
      %dma_start3A_2222 = arith.constant 1 : i32
      %dma_start3A_2223 = arith.constant 128 : i32
      %dma_start3A_2224 = arith.constant 0 : i32
      %dma_start3A_2225 = tpu.memref_slice %arg12[%dma_start3A_2223, %dma_start3A_2224] : memref<1280x32xf32, #tpu.memory_space<vmem>> -> memref<128x32xf32, #tpu.memory_space<vmem>>
      %dma_start3A_2226 = arith.constant 0 : i32
      %dma_start3A_2227 = tpu.memref_slice %arg7[%dma_start3A_2222, %dma_start3A_2226] : memref<10x128xi32, #tpu.memory_space<vmem>> -> memref<1x128xi32, #tpu.memory_space<vmem>>
      %dma_start3A_2228 = tpu.memref_squeeze %dma_start3A_2227 : memref<1x128xi32, #tpu.memory_space<vmem>> -> memref<128xi32, #tpu.memory_space<vmem>>
      %dma_start3A_2229 = arith.constant 0 : i32
      %dma_start3A_2230 = arith.constant 0 : i32
      %dma_start3A_2231 = tpu.memref_slice %arg4[%dma_start3A_2229, %dma_start3A_2230] : memref<100000x32xf32, #tpu.memory_space<hbm>> -> memref<100000x32xf32, #tpu.memory_space<hbm>>
      tpu.enqueue_indirect_dma source(%dma_start3A_2231 : memref<100000x32xf32, #tpu.memory_space<hbm>>) target(%dma_start3A_2225 : memref<128x32xf32, #tpu.memory_space<vmem>>) offsets(%dma_start3A_2228 : memref<128xi32, #tpu.memory_space<vmem>>) semaphore(%arg14 : memref<!tpu.dma_semaphore, #tpu.memory_space<semaphore_mem>>)
      %dma_start3A_2232 = arith.constant 2 : i32
      %dma_start3A_2233 = arith.constant 256 : i32
      %dma_start3A_2234 = arith.constant 0 : i32
      %dma_start3A_2235 = tpu.memref_slice %arg10[%dma_start3A_2233, %dma_start3A_2234] : memref<1280x32xf32, #tpu.memory_space<vmem>> -> memref<128x32xf32, #tpu.memory_space<vmem>>
      %dma_start3A_2236 = arith.constant 0 : i32
      %dma_start3A_2237 = tpu.memref_slice %arg8[%dma_start3A_2232, %dma_start3A_2236] : memref<10x128xi32, #tpu.memory_space<vmem>> -> memref<1x128xi32, #tpu.memory_space<vmem>>
      %dma_start3A_2238 = tpu.memref_squeeze %dma_start3A_2237 : memref<1x128xi32, #tpu.memory_space<vmem>> -> memref<128xi32, #tpu.memory_space<vmem>>
      %dma_start3A_2239 = arith.constant 0 : i32
      %dma_start3A_2240 = arith.constant 0 : i32
      %dma_start3A_2241 = tpu.memref_slice %arg3[%dma_start3A_2239, %dma_start3A_2240] : memref<300000x32xf32, #tpu.memory_space<hbm>> -> memref<300000x32xf32, #tpu.memory_space<hbm>>
      tpu.enqueue_indirect_dma source(%dma_start3A_2241 : memref<300000x32xf32, #tpu.memory_space<hbm>>) target(%dma_start3A_2235 : memref<128x32xf32, #tpu.memory_space<vmem>>) offsets(%dma_start3A_2238 : memref<128xi32, #tpu.memory_space<vmem>>) semaphore(%arg14 : memref<!tpu.dma_semaphore, #tpu.memory_space<semaphore_mem>>)
      %dma_start3A_2242 = arith.constant 2 : i32
      %dma_start3A_2243 = arith.constant 256 : i32
      %dma_start3A_2244 = arith.constant 0 : i32
      %dma_start3A_2245 = tpu.memref_slice %arg11[%dma_start3A_2243, %dma_start3A_2244] : memref<1280x32xf32, #tpu.memory_space<vmem>> -> memref<128x32xf32, #tpu.memory_space<vmem>>
      %dma_start3A_2246 = arith.constant 0 : i32
      %dma_start3A_2247 = tpu.memref_slice %arg9[%dma_start3A_2242, %dma_start3A_2246] : memref<10x128xi32, #tpu.memory_space<vmem>> -> memref<1x128xi32, #tpu.memory_space<vmem>>
      %dma_start3A_2248 = tpu.memref_squeeze %dma_start3A_2247 : memref<1x128xi32, #tpu.memory_space<vmem>> -> memref<128xi32, #tpu.memory_space<vmem>>
      %dma_start3A_2249 = arith.constant 0 : i32
      %dma_start3A_2250 = arith.constant 0 : i32
      %dma_start3A_2251 = tpu.memref_slice %arg3[%dma_start3A_2249, %dma_start3A_2250] : memref<300000x32xf32, #tpu.memory_space<hbm>> -> memref<300000x32xf32, #tpu.memory_space<hbm>>
      tpu.enqueue_indirect_dma source(%dma_start3A_2251 : memref<300000x32xf32, #tpu.memory_space<hbm>>) target(%dma_start3A_2245 : memref<128x32xf32, #tpu.memory_space<vmem>>) offsets(%dma_start3A_2248 : memref<128xi32, #tpu.memory_space<vmem>>) semaphore(%arg14 : memref<!tpu.dma_semaphore, #tpu.memory_space<semaphore_mem>>)
      %dma_start3A_2252 = arith.constant 2 : i32
      %dma_start3A_2253 = arith.constant 256 : i32
      %dma_start3A_2254 = arith.constant 0 : i32
      %dma_start3A_2255 = tpu.memref_slice %arg12[%dma_start3A_2253, %dma_start3A_2254] : memref<1280x32xf32, #tpu.memory_space<vmem>> -> memref<128x32xf32, #tpu.memory_space<vmem>>
      %dma_start3A_2256 = arith.constant 0 : i32
      %dma_start3A_2257 = tpu.memref_slice %arg7[%dma_start3A_2252, %dma_start3A_2256] : memref<10x128xi32, #tpu.memory_space<vmem>> -> memref<1x128xi32, #tpu.memory_space<vmem>>
      %dma_start3A_2258 = tpu.memref_squeeze %dma_start3A_2257 : memref<1x128xi32, #tpu.memory_space<vmem>> -> memref<128xi32, #tpu.memory_space<vmem>>
      %dma_start3A_2259 = arith.constant 0 : i32
      %dma_start3A_2260 = arith.constant 0 : i32
      %dma_start3A_2261 = tpu.memref_slice %arg4[%dma_start3A_2259, %dma_start3A_2260] : memref<100000x32xf32, #tpu.memory_space<hbm>> -> memref<100000x32xf32, #tpu.memory_space<hbm>>
      tpu.enqueue_indirect_dma source(%dma_start3A_2261 : memref<100000x32xf32, #tpu.memory_space<hbm>>) target(%dma_start3A_2255 : memref<128x32xf32, #tpu.memory_space<vmem>>) offsets(%dma_start3A_2258 : memref<128xi32, #tpu.memory_space<vmem>>) semaphore(%arg14 : memref<!tpu.dma_semaphore, #tpu.memory_space<semaphore_mem>>)
      %dma_start3A_2262 = arith.constant 3 : i32
      %dma_start3A_2263 = arith.constant 384 : i32
      %dma_start3A_2264 = arith.constant 0 : i32
      %dma_start3A_2265 = tpu.memref_slice %arg10[%dma_start3A_2263, %dma_start3A_2264] : memref<1280x32xf32, #tpu.memory_space<vmem>> -> memref<128x32xf32, #tpu.memory_space<vmem>>
      %dma_start3A_2266 = arith.constant 0 : i32
      %dma_start3A_2267 = tpu.memref_slice %arg8[%dma_start3A_2262, %dma_start3A_2266] : memref<10x128xi32, #tpu.memory_space<vmem>> -> memref<1x128xi32, #tpu.memory_space<vmem>>
      %dma_start3A_2268 = tpu.memref_squeeze %dma_start3A_2267 : memref<1x128xi32, #tpu.memory_space<vmem>> -> memref<128xi32, #tpu.memory_space<vmem>>
      %dma_start3A_2269 = arith.constant 0 : i32
      %dma_start3A_2270 = arith.constant 0 : i32
      %dma_start3A_2271 = tpu.memref_slice %arg3[%dma_start3A_2269, %dma_start3A_2270] : memref<300000x32xf32, #tpu.memory_space<hbm>> -> memref<300000x32xf32, #tpu.memory_space<hbm>>
      tpu.enqueue_indirect_dma source(%dma_start3A_2271 : memref<300000x32xf32, #tpu.memory_space<hbm>>) target(%dma_start3A_2265 : memref<128x32xf32, #tpu.memory_space<vmem>>) offsets(%dma_start3A_2268 : memref<128xi32, #tpu.memory_space<vmem>>) semaphore(%arg14 : memref<!tpu.dma_semaphore, #tpu.memory_space<semaphore_mem>>)
      %dma_start3A_2272 = arith.constant 3 : i32
      %dma_start3A_2273 = arith.constant 384 : i32
      %dma_start3A_2274 = arith.constant 0 : i32
      %dma_start3A_2275 = tpu.memref_slice %arg11[%dma_start3A_2273, %dma_start3A_2274] : memref<1280x32xf32, #tpu.memory_space<vmem>> -> memref<128x32xf32, #tpu.memory_space<vmem>>
      %dma_start3A_2276 = arith.constant 0 : i32
      %dma_start3A_2277 = tpu.memref_slice %arg9[%dma_start3A_2272, %dma_start3A_2276] : memref<10x128xi32, #tpu.memory_space<vmem>> -> memref<1x128xi32, #tpu.memory_space<vmem>>
      %dma_start3A_2278 = tpu.memref_squeeze %dma_start3A_2277 : memref<1x128xi32, #tpu.memory_space<vmem>> -> memref<128xi32, #tpu.memory_space<vmem>>
      %dma_start3A_2279 = arith.constant 0 : i32
      %dma_start3A_2280 = arith.constant 0 : i32
      %dma_start3A_2281 = tpu.memref_slice %arg3[%dma_start3A_2279, %dma_start3A_2280] : memref<300000x32xf32, #tpu.memory_space<hbm>> -> memref<300000x32xf32, #tpu.memory_space<hbm>>
      tpu.enqueue_indirect_dma source(%dma_start3A_2281 : memref<300000x32xf32, #tpu.memory_space<hbm>>) target(%dma_start3A_2275 : memref<128x32xf32, #tpu.memory_space<vmem>>) offsets(%dma_start3A_2278 : memref<128xi32, #tpu.memory_space<vmem>>) semaphore(%arg14 : memref<!tpu.dma_semaphore, #tpu.memory_space<semaphore_mem>>)
      %dma_start3A_2282 = arith.constant 3 : i32
      %dma_start3A_2283 = arith.constant 384 : i32
      %dma_start3A_2284 = arith.constant 0 : i32
      %dma_start3A_2285 = tpu.memref_slice %arg12[%dma_start3A_2283, %dma_start3A_2284] : memref<1280x32xf32, #tpu.memory_space<vmem>> -> memref<128x32xf32, #tpu.memory_space<vmem>>
      %dma_start3A_2286 = arith.constant 0 : i32
      %dma_start3A_2287 = tpu.memref_slice %arg7[%dma_start3A_2282, %dma_start3A_2286] : memref<10x128xi32, #tpu.memory_space<vmem>> -> memref<1x128xi32, #tpu.memory_space<vmem>>
      %dma_start3A_2288 = tpu.memref_squeeze %dma_start3A_2287 : memref<1x128xi32, #tpu.memory_space<vmem>> -> memref<128xi32, #tpu.memory_space<vmem>>
      %dma_start3A_2289 = arith.constant 0 : i32
      %dma_start3A_2290 = arith.constant 0 : i32
      %dma_start3A_2291 = tpu.memref_slice %arg4[%dma_start3A_2289, %dma_start3A_2290] : memref<100000x32xf32, #tpu.memory_space<hbm>> -> memref<100000x32xf32, #tpu.memory_space<hbm>>
      tpu.enqueue_indirect_dma source(%dma_start3A_2291 : memref<100000x32xf32, #tpu.memory_space<hbm>>) target(%dma_start3A_2285 : memref<128x32xf32, #tpu.memory_space<vmem>>) offsets(%dma_start3A_2288 : memref<128xi32, #tpu.memory_space<vmem>>) semaphore(%arg14 : memref<!tpu.dma_semaphore, #tpu.memory_space<semaphore_mem>>)
      %dma_start3A_2292 = arith.constant 4 : i32
      %dma_start3A_2293 = arith.constant 512 : i32
      %dma_start3A_2294 = arith.constant 0 : i32
      %dma_start3A_2295 = tpu.memref_slice %arg10[%dma_start3A_2293, %dma_start3A_2294] : memref<1280x32xf32, #tpu.memory_space<vmem>> -> memref<128x32xf32, #tpu.memory_space<vmem>>
      %dma_start3A_2296 = arith.constant 0 : i32
      %dma_start3A_2297 = tpu.memref_slice %arg8[%dma_start3A_2292, %dma_start3A_2296] : memref<10x128xi32, #tpu.memory_space<vmem>> -> memref<1x128xi32, #tpu.memory_space<vmem>>
      %dma_start3A_2298 = tpu.memref_squeeze %dma_start3A_2297 : memref<1x128xi32, #tpu.memory_space<vmem>> -> memref<128xi32, #tpu.memory_space<vmem>>
      %dma_start3A_2299 = arith.constant 0 : i32
      %dma_start3A_2300 = arith.constant 0 : i32
      %dma_start3A_2301 = tpu.memref_slice %arg3[%dma_start3A_2299, %dma_start3A_2300] : memref<300000x32xf32, #tpu.memory_space<hbm>> -> memref<300000x32xf32, #tpu.memory_space<hbm>>
      tpu.enqueue_indirect_dma source(%dma_start3A_2301 : memref<300000x32xf32, #tpu.memory_space<hbm>>) target(%dma_start3A_2295 : memref<128x32xf32, #tpu.memory_space<vmem>>) offsets(%dma_start3A_2298 : memref<128xi32, #tpu.memory_space<vmem>>) semaphore(%arg14 : memref<!tpu.dma_semaphore, #tpu.memory_space<semaphore_mem>>)
      %dma_start3A_2302 = arith.constant 4 : i32
      %dma_start3A_2303 = arith.constant 512 : i32
      %dma_start3A_2304 = arith.constant 0 : i32
      %dma_start3A_2305 = tpu.memref_slice %arg11[%dma_start3A_2303, %dma_start3A_2304] : memref<1280x32xf32, #tpu.memory_space<vmem>> -> memref<128x32xf32, #tpu.memory_space<vmem>>
      %dma_start3A_2306 = arith.constant 0 : i32
      %dma_start3A_2307 = tpu.memref_slice %arg9[%dma_start3A_2302, %dma_start3A_2306] : memref<10x128xi32, #tpu.memory_space<vmem>> -> memref<1x128xi32, #tpu.memory_space<vmem>>
      %dma_start3A_2308 = tpu.memref_squeeze %dma_start3A_2307 : memref<1x128xi32, #tpu.memory_space<vmem>> -> memref<128xi32, #tpu.memory_space<vmem>>
      %dma_start3A_2309 = arith.constant 0 : i32
      %dma_start3A_2310 = arith.constant 0 : i32
      %dma_start3A_2311 = tpu.memref_slice %arg3[%dma_start3A_2309, %dma_start3A_2310] : memref<300000x32xf32, #tpu.memory_space<hbm>> -> memref<300000x32xf32, #tpu.memory_space<hbm>>
      tpu.enqueue_indirect_dma source(%dma_start3A_2311 : memref<300000x32xf32, #tpu.memory_space<hbm>>) target(%dma_start3A_2305 : memref<128x32xf32, #tpu.memory_space<vmem>>) offsets(%dma_start3A_2308 : memref<128xi32, #tpu.memory_space<vmem>>) semaphore(%arg14 : memref<!tpu.dma_semaphore, #tpu.memory_space<semaphore_mem>>)
      %dma_start3A_2312 = arith.constant 4 : i32
      %dma_start3A_2313 = arith.constant 512 : i32
      %dma_start3A_2314 = arith.constant 0 : i32
      %dma_start3A_2315 = tpu.memref_slice %arg12[%dma_start3A_2313, %dma_start3A_2314] : memref<1280x32xf32, #tpu.memory_space<vmem>> -> memref<128x32xf32, #tpu.memory_space<vmem>>
      %dma_start3A_2316 = arith.constant 0 : i32
      %dma_start3A_2317 = tpu.memref_slice %arg7[%dma_start3A_2312, %dma_start3A_2316] : memref<10x128xi32, #tpu.memory_space<vmem>> -> memref<1x128xi32, #tpu.memory_space<vmem>>
      %dma_start3A_2318 = tpu.memref_squeeze %dma_start3A_2317 : memref<1x128xi32, #tpu.memory_space<vmem>> -> memref<128xi32, #tpu.memory_space<vmem>>
      %dma_start3A_2319 = arith.constant 0 : i32
      %dma_start3A_2320 = arith.constant 0 : i32
      %dma_start3A_2321 = tpu.memref_slice %arg4[%dma_start3A_2319, %dma_start3A_2320] : memref<100000x32xf32, #tpu.memory_space<hbm>> -> memref<100000x32xf32, #tpu.memory_space<hbm>>
      tpu.enqueue_indirect_dma source(%dma_start3A_2321 : memref<100000x32xf32, #tpu.memory_space<hbm>>) target(%dma_start3A_2315 : memref<128x32xf32, #tpu.memory_space<vmem>>) offsets(%dma_start3A_2318 : memref<128xi32, #tpu.memory_space<vmem>>) semaphore(%arg14 : memref<!tpu.dma_semaphore, #tpu.memory_space<semaphore_mem>>)
      %dma_start3A_2322 = arith.constant 5 : i32
      %dma_start3A_2323 = arith.constant 640 : i32
      %dma_start3A_2324 = arith.constant 0 : i32
      %dma_start3A_2325 = tpu.memref_slice %arg10[%dma_start3A_2323, %dma_start3A_2324] : memref<1280x32xf32, #tpu.memory_space<vmem>> -> memref<128x32xf32, #tpu.memory_space<vmem>>
      %dma_start3A_2326 = arith.constant 0 : i32
      %dma_start3A_2327 = tpu.memref_slice %arg8[%dma_start3A_2322, %dma_start3A_2326] : memref<10x128xi32, #tpu.memory_space<vmem>> -> memref<1x128xi32, #tpu.memory_space<vmem>>
      %dma_start3A_2328 = tpu.memref_squeeze %dma_start3A_2327 : memref<1x128xi32, #tpu.memory_space<vmem>> -> memref<128xi32, #tpu.memory_space<vmem>>
      %dma_start3A_2329 = arith.constant 0 : i32
      %dma_start3A_2330 = arith.constant 0 : i32
      %dma_start3A_2331 = tpu.memref_slice %arg3[%dma_start3A_2329, %dma_start3A_2330] : memref<300000x32xf32, #tpu.memory_space<hbm>> -> memref<300000x32xf32, #tpu.memory_space<hbm>>
      tpu.enqueue_indirect_dma source(%dma_start3A_2331 : memref<300000x32xf32, #tpu.memory_space<hbm>>) target(%dma_start3A_2325 : memref<128x32xf32, #tpu.memory_space<vmem>>) offsets(%dma_start3A_2328 : memref<128xi32, #tpu.memory_space<vmem>>) semaphore(%arg14 : memref<!tpu.dma_semaphore, #tpu.memory_space<semaphore_mem>>)
      %dma_start3A_2332 = arith.constant 5 : i32
      %dma_start3A_2333 = arith.constant 640 : i32
      %dma_start3A_2334 = arith.constant 0 : i32
      %dma_start3A_2335 = tpu.memref_slice %arg11[%dma_start3A_2333, %dma_start3A_2334] : memref<1280x32xf32, #tpu.memory_space<vmem>> -> memref<128x32xf32, #tpu.memory_space<vmem>>
      %dma_start3A_2336 = arith.constant 0 : i32
      %dma_start3A_2337 = tpu.memref_slice %arg9[%dma_start3A_2332, %dma_start3A_2336] : memref<10x128xi32, #tpu.memory_space<vmem>> -> memref<1x128xi32, #tpu.memory_space<vmem>>
      %dma_start3A_2338 = tpu.memref_squeeze %dma_start3A_2337 : memref<1x128xi32, #tpu.memory_space<vmem>> -> memref<128xi32, #tpu.memory_space<vmem>>
      %dma_start3A_2339 = arith.constant 0 : i32
      %dma_start3A_2340 = arith.constant 0 : i32
      %dma_start3A_2341 = tpu.memref_slice %arg3[%dma_start3A_2339, %dma_start3A_2340] : memref<300000x32xf32, #tpu.memory_space<hbm>> -> memref<300000x32xf32, #tpu.memory_space<hbm>>
      tpu.enqueue_indirect_dma source(%dma_start3A_2341 : memref<300000x32xf32, #tpu.memory_space<hbm>>) target(%dma_start3A_2335 : memref<128x32xf32, #tpu.memory_space<vmem>>) offsets(%dma_start3A_2338 : memref<128xi32, #tpu.memory_space<vmem>>) semaphore(%arg14 : memref<!tpu.dma_semaphore, #tpu.memory_space<semaphore_mem>>)
      %dma_start3A_2342 = arith.constant 5 : i32
      %dma_start3A_2343 = arith.constant 640 : i32
      %dma_start3A_2344 = arith.constant 0 : i32
      %dma_start3A_2345 = tpu.memref_slice %arg12[%dma_start3A_2343, %dma_start3A_2344] : memref<1280x32xf32, #tpu.memory_space<vmem>> -> memref<128x32xf32, #tpu.memory_space<vmem>>
      %dma_start3A_2346 = arith.constant 0 : i32
      %dma_start3A_2347 = tpu.memref_slice %arg7[%dma_start3A_2342, %dma_start3A_2346] : memref<10x128xi32, #tpu.memory_space<vmem>> -> memref<1x128xi32, #tpu.memory_space<vmem>>
      %dma_start3A_2348 = tpu.memref_squeeze %dma_start3A_2347 : memref<1x128xi32, #tpu.memory_space<vmem>> -> memref<128xi32, #tpu.memory_space<vmem>>
      %dma_start3A_2349 = arith.constant 0 : i32
      %dma_start3A_2350 = arith.constant 0 : i32
      %dma_start3A_2351 = tpu.memref_slice %arg4[%dma_start3A_2349, %dma_start3A_2350] : memref<100000x32xf32, #tpu.memory_space<hbm>> -> memref<100000x32xf32, #tpu.memory_space<hbm>>
      tpu.enqueue_indirect_dma source(%dma_start3A_2351 : memref<100000x32xf32, #tpu.memory_space<hbm>>) target(%dma_start3A_2345 : memref<128x32xf32, #tpu.memory_space<vmem>>) offsets(%dma_start3A_2348 : memref<128xi32, #tpu.memory_space<vmem>>) semaphore(%arg14 : memref<!tpu.dma_semaphore, #tpu.memory_space<semaphore_mem>>)
      %dma_start3A_2352 = arith.constant 6 : i32
      %dma_start3A_2353 = arith.constant 768 : i32
      %dma_start3A_2354 = arith.constant 0 : i32
      %dma_start3A_2355 = tpu.memref_slice %arg10[%dma_start3A_2353, %dma_start3A_2354] : memref<1280x32xf32, #tpu.memory_space<vmem>> -> memref<128x32xf32, #tpu.memory_space<vmem>>
      %dma_start3A_2356 = arith.constant 0 : i32
      %dma_start3A_2357 = tpu.memref_slice %arg8[%dma_start3A_2352, %dma_start3A_2356] : memref<10x128xi32, #tpu.memory_space<vmem>> -> memref<1x128xi32, #tpu.memory_space<vmem>>
      %dma_start3A_2358 = tpu.memref_squeeze %dma_start3A_2357 : memref<1x128xi32, #tpu.memory_space<vmem>> -> memref<128xi32, #tpu.memory_space<vmem>>
      %dma_start3A_2359 = arith.constant 0 : i32
      %dma_start3A_2360 = arith.constant 0 : i32
      %dma_start3A_2361 = tpu.memref_slice %arg3[%dma_start3A_2359, %dma_start3A_2360] : memref<300000x32xf32, #tpu.memory_space<hbm>> -> memref<300000x32xf32, #tpu.memory_space<hbm>>
      tpu.enqueue_indirect_dma source(%dma_start3A_2361 : memref<300000x32xf32, #tpu.memory_space<hbm>>) target(%dma_start3A_2355 : memref<128x32xf32, #tpu.memory_space<vmem>>) offsets(%dma_start3A_2358 : memref<128xi32, #tpu.memory_space<vmem>>) semaphore(%arg14 : memref<!tpu.dma_semaphore, #tpu.memory_space<semaphore_mem>>)
      %dma_start3A_2362 = arith.constant 6 : i32
      %dma_start3A_2363 = arith.constant 768 : i32
      %dma_start3A_2364 = arith.constant 0 : i32
      %dma_start3A_2365 = tpu.memref_slice %arg11[%dma_start3A_2363, %dma_start3A_2364] : memref<1280x32xf32, #tpu.memory_space<vmem>> -> memref<128x32xf32, #tpu.memory_space<vmem>>
      %dma_start3A_2366 = arith.constant 0 : i32
      %dma_start3A_2367 = tpu.memref_slice %arg9[%dma_start3A_2362, %dma_start3A_2366] : memref<10x128xi32, #tpu.memory_space<vmem>> -> memref<1x128xi32, #tpu.memory_space<vmem>>
      %dma_start3A_2368 = tpu.memref_squeeze %dma_start3A_2367 : memref<1x128xi32, #tpu.memory_space<vmem>> -> memref<128xi32, #tpu.memory_space<vmem>>
      %dma_start3A_2369 = arith.constant 0 : i32
      %dma_start3A_2370 = arith.constant 0 : i32
      %dma_start3A_2371 = tpu.memref_slice %arg3[%dma_start3A_2369, %dma_start3A_2370] : memref<300000x32xf32, #tpu.memory_space<hbm>> -> memref<300000x32xf32, #tpu.memory_space<hbm>>
      tpu.enqueue_indirect_dma source(%dma_start3A_2371 : memref<300000x32xf32, #tpu.memory_space<hbm>>) target(%dma_start3A_2365 : memref<128x32xf32, #tpu.memory_space<vmem>>) offsets(%dma_start3A_2368 : memref<128xi32, #tpu.memory_space<vmem>>) semaphore(%arg14 : memref<!tpu.dma_semaphore, #tpu.memory_space<semaphore_mem>>)
      %dma_start3A_2372 = arith.constant 6 : i32
      %dma_start3A_2373 = arith.constant 768 : i32
      %dma_start3A_2374 = arith.constant 0 : i32
      %dma_start3A_2375 = tpu.memref_slice %arg12[%dma_start3A_2373, %dma_start3A_2374] : memref<1280x32xf32, #tpu.memory_space<vmem>> -> memref<128x32xf32, #tpu.memory_space<vmem>>
      %dma_start3A_2376 = arith.constant 0 : i32
      %dma_start3A_2377 = tpu.memref_slice %arg7[%dma_start3A_2372, %dma_start3A_2376] : memref<10x128xi32, #tpu.memory_space<vmem>> -> memref<1x128xi32, #tpu.memory_space<vmem>>
      %dma_start3A_2378 = tpu.memref_squeeze %dma_start3A_2377 : memref<1x128xi32, #tpu.memory_space<vmem>> -> memref<128xi32, #tpu.memory_space<vmem>>
      %dma_start3A_2379 = arith.constant 0 : i32
      %dma_start3A_2380 = arith.constant 0 : i32
      %dma_start3A_2381 = tpu.memref_slice %arg4[%dma_start3A_2379, %dma_start3A_2380] : memref<100000x32xf32, #tpu.memory_space<hbm>> -> memref<100000x32xf32, #tpu.memory_space<hbm>>
      tpu.enqueue_indirect_dma source(%dma_start3A_2381 : memref<100000x32xf32, #tpu.memory_space<hbm>>) target(%dma_start3A_2375 : memref<128x32xf32, #tpu.memory_space<vmem>>) offsets(%dma_start3A_2378 : memref<128xi32, #tpu.memory_space<vmem>>) semaphore(%arg14 : memref<!tpu.dma_semaphore, #tpu.memory_space<semaphore_mem>>)
      %dma_start3A_2382 = arith.constant 7 : i32
      %dma_start3A_2383 = arith.constant 896 : i32
      %dma_start3A_2384 = arith.constant 0 : i32
      %dma_start3A_2385 = tpu.memref_slice %arg10[%dma_start3A_2383, %dma_start3A_2384] : memref<1280x32xf32, #tpu.memory_space<vmem>> -> memref<128x32xf32, #tpu.memory_space<vmem>>
      %dma_start3A_2386 = arith.constant 0 : i32
      %dma_start3A_2387 = tpu.memref_slice %arg8[%dma_start3A_2382, %dma_start3A_2386] : memref<10x128xi32, #tpu.memory_space<vmem>> -> memref<1x128xi32, #tpu.memory_space<vmem>>
      %dma_start3A_2388 = tpu.memref_squeeze %dma_start3A_2387 : memref<1x128xi32, #tpu.memory_space<vmem>> -> memref<128xi32, #tpu.memory_space<vmem>>
      %dma_start3A_2389 = arith.constant 0 : i32
      %dma_start3A_2390 = arith.constant 0 : i32
      %dma_start3A_2391 = tpu.memref_slice %arg3[%dma_start3A_2389, %dma_start3A_2390] : memref<300000x32xf32, #tpu.memory_space<hbm>> -> memref<300000x32xf32, #tpu.memory_space<hbm>>
      tpu.enqueue_indirect_dma source(%dma_start3A_2391 : memref<300000x32xf32, #tpu.memory_space<hbm>>) target(%dma_start3A_2385 : memref<128x32xf32, #tpu.memory_space<vmem>>) offsets(%dma_start3A_2388 : memref<128xi32, #tpu.memory_space<vmem>>) semaphore(%arg14 : memref<!tpu.dma_semaphore, #tpu.memory_space<semaphore_mem>>)
      %dma_start3A_2392 = arith.constant 7 : i32
      %dma_start3A_2393 = arith.constant 896 : i32
      %dma_start3A_2394 = arith.constant 0 : i32
      %dma_start3A_2395 = tpu.memref_slice %arg11[%dma_start3A_2393, %dma_start3A_2394] : memref<1280x32xf32, #tpu.memory_space<vmem>> -> memref<128x32xf32, #tpu.memory_space<vmem>>
      %dma_start3A_2396 = arith.constant 0 : i32
      %dma_start3A_2397 = tpu.memref_slice %arg9[%dma_start3A_2392, %dma_start3A_2396] : memref<10x128xi32, #tpu.memory_space<vmem>> -> memref<1x128xi32, #tpu.memory_space<vmem>>
      %dma_start3A_2398 = tpu.memref_squeeze %dma_start3A_2397 : memref<1x128xi32, #tpu.memory_space<vmem>> -> memref<128xi32, #tpu.memory_space<vmem>>
      %dma_start3A_2399 = arith.constant 0 : i32
      %dma_start3A_2400 = arith.constant 0 : i32
      %dma_start3A_2401 = tpu.memref_slice %arg3[%dma_start3A_2399, %dma_start3A_2400] : memref<300000x32xf32, #tpu.memory_space<hbm>> -> memref<300000x32xf32, #tpu.memory_space<hbm>>
      tpu.enqueue_indirect_dma source(%dma_start3A_2401 : memref<300000x32xf32, #tpu.memory_space<hbm>>) target(%dma_start3A_2395 : memref<128x32xf32, #tpu.memory_space<vmem>>) offsets(%dma_start3A_2398 : memref<128xi32, #tpu.memory_space<vmem>>) semaphore(%arg14 : memref<!tpu.dma_semaphore, #tpu.memory_space<semaphore_mem>>)
      %dma_start3A_2402 = arith.constant 7 : i32
      %dma_start3A_2403 = arith.constant 896 : i32
      %dma_start3A_2404 = arith.constant 0 : i32
      %dma_start3A_2405 = tpu.memref_slice %arg12[%dma_start3A_2403, %dma_start3A_2404] : memref<1280x32xf32, #tpu.memory_space<vmem>> -> memref<128x32xf32, #tpu.memory_space<vmem>>
      %dma_start3A_2406 = arith.constant 0 : i32
      %dma_start3A_2407 = tpu.memref_slice %arg7[%dma_start3A_2402, %dma_start3A_2406] : memref<10x128xi32, #tpu.memory_space<vmem>> -> memref<1x128xi32, #tpu.memory_space<vmem>>
      %dma_start3A_2408 = tpu.memref_squeeze %dma_start3A_2407 : memref<1x128xi32, #tpu.memory_space<vmem>> -> memref<128xi32, #tpu.memory_space<vmem>>
      %dma_start3A_2409 = arith.constant 0 : i32
      %dma_start3A_2410 = arith.constant 0 : i32
      %dma_start3A_2411 = tpu.memref_slice %arg4[%dma_start3A_2409, %dma_start3A_2410] : memref<100000x32xf32, #tpu.memory_space<hbm>> -> memref<100000x32xf32, #tpu.memory_space<hbm>>
      tpu.enqueue_indirect_dma source(%dma_start3A_2411 : memref<100000x32xf32, #tpu.memory_space<hbm>>) target(%dma_start3A_2405 : memref<128x32xf32, #tpu.memory_space<vmem>>) offsets(%dma_start3A_2408 : memref<128xi32, #tpu.memory_space<vmem>>) semaphore(%arg14 : memref<!tpu.dma_semaphore, #tpu.memory_space<semaphore_mem>>)
      %dma_start3A_2412 = arith.constant 8 : i32
      %dma_start3A_2413 = arith.constant 1024 : i32
      %dma_start3A_2414 = arith.constant 0 : i32
      %dma_start3A_2415 = tpu.memref_slice %arg10[%dma_start3A_2413, %dma_start3A_2414] : memref<1280x32xf32, #tpu.memory_space<vmem>> -> memref<128x32xf32, #tpu.memory_space<vmem>>
      %dma_start3A_2416 = arith.constant 0 : i32
      %dma_start3A_2417 = tpu.memref_slice %arg8[%dma_start3A_2412, %dma_start3A_2416] : memref<10x128xi32, #tpu.memory_space<vmem>> -> memref<1x128xi32, #tpu.memory_space<vmem>>
      %dma_start3A_2418 = tpu.memref_squeeze %dma_start3A_2417 : memref<1x128xi32, #tpu.memory_space<vmem>> -> memref<128xi32, #tpu.memory_space<vmem>>
      %dma_start3A_2419 = arith.constant 0 : i32
      %dma_start3A_2420 = arith.constant 0 : i32
      %dma_start3A_2421 = tpu.memref_slice %arg3[%dma_start3A_2419, %dma_start3A_2420] : memref<300000x32xf32, #tpu.memory_space<hbm>> -> memref<300000x32xf32, #tpu.memory_space<hbm>>
      tpu.enqueue_indirect_dma source(%dma_start3A_2421 : memref<300000x32xf32, #tpu.memory_space<hbm>>) target(%dma_start3A_2415 : memref<128x32xf32, #tpu.memory_space<vmem>>) offsets(%dma_start3A_2418 : memref<128xi32, #tpu.memory_space<vmem>>) semaphore(%arg14 : memref<!tpu.dma_semaphore, #tpu.memory_space<semaphore_mem>>)
      %dma_start3A_2422 = arith.constant 8 : i32
      %dma_start3A_2423 = arith.constant 1024 : i32
      %dma_start3A_2424 = arith.constant 0 : i32
      %dma_start3A_2425 = tpu.memref_slice %arg11[%dma_start3A_2423, %dma_start3A_2424] : memref<1280x32xf32, #tpu.memory_space<vmem>> -> memref<128x32xf32, #tpu.memory_space<vmem>>
      %dma_start3A_2426 = arith.constant 0 : i32
      %dma_start3A_2427 = tpu.memref_slice %arg9[%dma_start3A_2422, %dma_start3A_2426] : memref<10x128xi32, #tpu.memory_space<vmem>> -> memref<1x128xi32, #tpu.memory_space<vmem>>
      %dma_start3A_2428 = tpu.memref_squeeze %dma_start3A_2427 : memref<1x128xi32, #tpu.memory_space<vmem>> -> memref<128xi32, #tpu.memory_space<vmem>>
      %dma_start3A_2429 = arith.constant 0 : i32
      %dma_start3A_2430 = arith.constant 0 : i32
      %dma_start3A_2431 = tpu.memref_slice %arg3[%dma_start3A_2429, %dma_start3A_2430] : memref<300000x32xf32, #tpu.memory_space<hbm>> -> memref<300000x32xf32, #tpu.memory_space<hbm>>
      tpu.enqueue_indirect_dma source(%dma_start3A_2431 : memref<300000x32xf32, #tpu.memory_space<hbm>>) target(%dma_start3A_2425 : memref<128x32xf32, #tpu.memory_space<vmem>>) offsets(%dma_start3A_2428 : memref<128xi32, #tpu.memory_space<vmem>>) semaphore(%arg14 : memref<!tpu.dma_semaphore, #tpu.memory_space<semaphore_mem>>)
      %dma_start3A_2432 = arith.constant 8 : i32
      %dma_start3A_2433 = arith.constant 1024 : i32
      %dma_start3A_2434 = arith.constant 0 : i32
      %dma_start3A_2435 = tpu.memref_slice %arg12[%dma_start3A_2433, %dma_start3A_2434] : memref<1280x32xf32, #tpu.memory_space<vmem>> -> memref<128x32xf32, #tpu.memory_space<vmem>>
      %dma_start3A_2436 = arith.constant 0 : i32
      %dma_start3A_2437 = tpu.memref_slice %arg7[%dma_start3A_2432, %dma_start3A_2436] : memref<10x128xi32, #tpu.memory_space<vmem>> -> memref<1x128xi32, #tpu.memory_space<vmem>>
      %dma_start3A_2438 = tpu.memref_squeeze %dma_start3A_2437 : memref<1x128xi32, #tpu.memory_space<vmem>> -> memref<128xi32, #tpu.memory_space<vmem>>
      %dma_start3A_2439 = arith.constant 0 : i32
      %dma_start3A_2440 = arith.constant 0 : i32
      %dma_start3A_2441 = tpu.memref_slice %arg4[%dma_start3A_2439, %dma_start3A_2440] : memref<100000x32xf32, #tpu.memory_space<hbm>> -> memref<100000x32xf32, #tpu.memory_space<hbm>>
      tpu.enqueue_indirect_dma source(%dma_start3A_2441 : memref<100000x32xf32, #tpu.memory_space<hbm>>) target(%dma_start3A_2435 : memref<128x32xf32, #tpu.memory_space<vmem>>) offsets(%dma_start3A_2438 : memref<128xi32, #tpu.memory_space<vmem>>) semaphore(%arg14 : memref<!tpu.dma_semaphore, #tpu.memory_space<semaphore_mem>>)
      %dma_start3A_2442 = arith.constant 9 : i32
      %dma_start3A_2443 = arith.constant 1152 : i32
      %dma_start3A_2444 = arith.constant 0 : i32
      %dma_start3A_2445 = tpu.memref_slice %arg10[%dma_start3A_2443, %dma_start3A_2444] : memref<1280x32xf32, #tpu.memory_space<vmem>> -> memref<128x32xf32, #tpu.memory_space<vmem>>
      %dma_start3A_2446 = arith.constant 0 : i32
      %dma_start3A_2447 = tpu.memref_slice %arg8[%dma_start3A_2442, %dma_start3A_2446] : memref<10x128xi32, #tpu.memory_space<vmem>> -> memref<1x128xi32, #tpu.memory_space<vmem>>
      %dma_start3A_2448 = tpu.memref_squeeze %dma_start3A_2447 : memref<1x128xi32, #tpu.memory_space<vmem>> -> memref<128xi32, #tpu.memory_space<vmem>>
      %dma_start3A_2449 = arith.constant 0 : i32
      %dma_start3A_2450 = arith.constant 0 : i32
      %dma_start3A_2451 = tpu.memref_slice %arg3[%dma_start3A_2449, %dma_start3A_2450] : memref<300000x32xf32, #tpu.memory_space<hbm>> -> memref<300000x32xf32, #tpu.memory_space<hbm>>
      tpu.enqueue_indirect_dma source(%dma_start3A_2451 : memref<300000x32xf32, #tpu.memory_space<hbm>>) target(%dma_start3A_2445 : memref<128x32xf32, #tpu.memory_space<vmem>>) offsets(%dma_start3A_2448 : memref<128xi32, #tpu.memory_space<vmem>>) semaphore(%arg14 : memref<!tpu.dma_semaphore, #tpu.memory_space<semaphore_mem>>)
      %dma_start3A_2452 = arith.constant 9 : i32
      %dma_start3A_2453 = arith.constant 1152 : i32
      %dma_start3A_2454 = arith.constant 0 : i32
      %dma_start3A_2455 = tpu.memref_slice %arg11[%dma_start3A_2453, %dma_start3A_2454] : memref<1280x32xf32, #tpu.memory_space<vmem>> -> memref<128x32xf32, #tpu.memory_space<vmem>>
      %dma_start3A_2456 = arith.constant 0 : i32
      %dma_start3A_2457 = tpu.memref_slice %arg9[%dma_start3A_2452, %dma_start3A_2456] : memref<10x128xi32, #tpu.memory_space<vmem>> -> memref<1x128xi32, #tpu.memory_space<vmem>>
      %dma_start3A_2458 = tpu.memref_squeeze %dma_start3A_2457 : memref<1x128xi32, #tpu.memory_space<vmem>> -> memref<128xi32, #tpu.memory_space<vmem>>
      %dma_start3A_2459 = arith.constant 0 : i32
      %dma_start3A_2460 = arith.constant 0 : i32
      %dma_start3A_2461 = tpu.memref_slice %arg3[%dma_start3A_2459, %dma_start3A_2460] : memref<300000x32xf32, #tpu.memory_space<hbm>> -> memref<300000x32xf32, #tpu.memory_space<hbm>>
      tpu.enqueue_indirect_dma source(%dma_start3A_2461 : memref<300000x32xf32, #tpu.memory_space<hbm>>) target(%dma_start3A_2455 : memref<128x32xf32, #tpu.memory_space<vmem>>) offsets(%dma_start3A_2458 : memref<128xi32, #tpu.memory_space<vmem>>) semaphore(%arg14 : memref<!tpu.dma_semaphore, #tpu.memory_space<semaphore_mem>>)
      %dma_start3A_2462 = arith.constant 9 : i32
      %dma_start3A_2463 = arith.constant 1152 : i32
      %dma_start3A_2464 = arith.constant 0 : i32
      %dma_start3A_2465 = tpu.memref_slice %arg12[%dma_start3A_2463, %dma_start3A_2464] : memref<1280x32xf32, #tpu.memory_space<vmem>> -> memref<128x32xf32, #tpu.memory_space<vmem>>
      %dma_start3A_2466 = arith.constant 0 : i32
      %dma_start3A_2467 = tpu.memref_slice %arg7[%dma_start3A_2462, %dma_start3A_2466] : memref<10x128xi32, #tpu.memory_space<vmem>> -> memref<1x128xi32, #tpu.memory_space<vmem>>
      %dma_start3A_2468 = tpu.memref_squeeze %dma_start3A_2467 : memref<1x128xi32, #tpu.memory_space<vmem>> -> memref<128xi32, #tpu.memory_space<vmem>>
      %dma_start3A_2469 = arith.constant 0 : i32
      %dma_start3A_2470 = arith.constant 0 : i32
      %dma_start3A_2471 = tpu.memref_slice %arg4[%dma_start3A_2469, %dma_start3A_2470] : memref<100000x32xf32, #tpu.memory_space<hbm>> -> memref<100000x32xf32, #tpu.memory_space<hbm>>
      tpu.enqueue_indirect_dma source(%dma_start3A_2471 : memref<100000x32xf32, #tpu.memory_space<hbm>>) target(%dma_start3A_2465 : memref<128x32xf32, #tpu.memory_space<vmem>>) offsets(%dma_start3A_2468 : memref<128xi32, #tpu.memory_space<vmem>>) semaphore(%arg14 : memref<!tpu.dma_semaphore, #tpu.memory_space<semaphore_mem>>)
      %dma_wait3A = arith.constant 0 : i32
      %dma_wait3A_2472 = arith.constant 0 : i32
      %dma_wait3A_2473 = arith.constant 0 : i32
      %dma_wait3A_2474 = tpu.memref_slice %arg10[%dma_wait3A_2472, %dma_wait3A_2473] : memref<1280x32xf32, #tpu.memory_space<vmem>> -> memref<128x32xf32, #tpu.memory_space<vmem>>
      %dma_wait3A_2475 = arith.constant 0 : i32
      %dma_wait3A_2476 = tpu.memref_slice %arg8[%dma_wait3A, %dma_wait3A_2475] : memref<10x128xi32, #tpu.memory_space<vmem>> -> memref<1x128xi32, #tpu.memory_space<vmem>>
      %dma_wait3A_2477 = tpu.memref_squeeze %dma_wait3A_2476 : memref<1x128xi32, #tpu.memory_space<vmem>> -> memref<128xi32, #tpu.memory_space<vmem>>
      %dma_wait3A_2478 = arith.constant 0 : i32
      %dma_wait3A_2479 = arith.constant 0 : i32
      %dma_wait3A_2480 = tpu.memref_slice %arg3[%dma_wait3A_2478, %dma_wait3A_2479] : memref<300000x32xf32, #tpu.memory_space<hbm>> -> memref<300000x32xf32, #tpu.memory_space<hbm>>
      tpu.wait_indirect_dma semaphore(%arg14 : memref<!tpu.dma_semaphore, #tpu.memory_space<semaphore_mem>>) src(%dma_wait3A_2480 : memref<300000x32xf32, #tpu.memory_space<hbm>>) dst(%dma_wait3A_2474 : memref<128x32xf32, #tpu.memory_space<vmem>>)
      %dma_wait3A_2481 = arith.constant 0 : i32
      %dma_wait3A_2482 = arith.constant 0 : i32
      %dma_wait3A_2483 = arith.constant 0 : i32
      %dma_wait3A_2484 = tpu.memref_slice %arg11[%dma_wait3A_2482, %dma_wait3A_2483] : memref<1280x32xf32, #tpu.memory_space<vmem>> -> memref<128x32xf32, #tpu.memory_space<vmem>>
      %dma_wait3A_2485 = arith.constant 0 : i32
      %dma_wait3A_2486 = tpu.memref_slice %arg9[%dma_wait3A_2481, %dma_wait3A_2485] : memref<10x128xi32, #tpu.memory_space<vmem>> -> memref<1x128xi32, #tpu.memory_space<vmem>>
      %dma_wait3A_2487 = tpu.memref_squeeze %dma_wait3A_2486 : memref<1x128xi32, #tpu.memory_space<vmem>> -> memref<128xi32, #tpu.memory_space<vmem>>
      %dma_wait3A_2488 = arith.constant 0 : i32
      %dma_wait3A_2489 = arith.constant 0 : i32
      %dma_wait3A_2490 = tpu.memref_slice %arg3[%dma_wait3A_2488, %dma_wait3A_2489] : memref<300000x32xf32, #tpu.memory_space<hbm>> -> memref<300000x32xf32, #tpu.memory_space<hbm>>
      tpu.wait_indirect_dma semaphore(%arg14 : memref<!tpu.dma_semaphore, #tpu.memory_space<semaphore_mem>>) src(%dma_wait3A_2490 : memref<300000x32xf32, #tpu.memory_space<hbm>>) dst(%dma_wait3A_2484 : memref<128x32xf32, #tpu.memory_space<vmem>>)
      %dma_wait3A_2491 = arith.constant 0 : i32
      %dma_wait3A_2492 = arith.constant 0 : i32
      %dma_wait3A_2493 = arith.constant 0 : i32
      %dma_wait3A_2494 = tpu.memref_slice %arg12[%dma_wait3A_2492, %dma_wait3A_2493] : memref<1280x32xf32, #tpu.memory_space<vmem>> -> memref<128x32xf32, #tpu.memory_space<vmem>>
      %dma_wait3A_2495 = arith.constant 0 : i32
      %dma_wait3A_2496 = tpu.memref_slice %arg7[%dma_wait3A_2491, %dma_wait3A_2495] : memref<10x128xi32, #tpu.memory_space<vmem>> -> memref<1x128xi32, #tpu.memory_space<vmem>>
      %dma_wait3A_2497 = tpu.memref_squeeze %dma_wait3A_2496 : memref<1x128xi32, #tpu.memory_space<vmem>> -> memref<128xi32, #tpu.memory_space<vmem>>
      %dma_wait3A_2498 = arith.constant 0 : i32
      %dma_wait3A_2499 = arith.constant 0 : i32
      %dma_wait3A_2500 = tpu.memref_slice %arg4[%dma_wait3A_2498, %dma_wait3A_2499] : memref<100000x32xf32, #tpu.memory_space<hbm>> -> memref<100000x32xf32, #tpu.memory_space<hbm>>
      tpu.wait_indirect_dma semaphore(%arg14 : memref<!tpu.dma_semaphore, #tpu.memory_space<semaphore_mem>>) src(%dma_wait3A_2500 : memref<100000x32xf32, #tpu.memory_space<hbm>>) dst(%dma_wait3A_2494 : memref<128x32xf32, #tpu.memory_space<vmem>>)
      %dma_wait3A_2501 = arith.constant 1 : i32
      %dma_wait3A_2502 = arith.constant 128 : i32
      %dma_wait3A_2503 = arith.constant 0 : i32
      %dma_wait3A_2504 = tpu.memref_slice %arg10[%dma_wait3A_2502, %dma_wait3A_2503] : memref<1280x32xf32, #tpu.memory_space<vmem>> -> memref<128x32xf32, #tpu.memory_space<vmem>>
      %dma_wait3A_2505 = arith.constant 0 : i32
      %dma_wait3A_2506 = tpu.memref_slice %arg8[%dma_wait3A_2501, %dma_wait3A_2505] : memref<10x128xi32, #tpu.memory_space<vmem>> -> memref<1x128xi32, #tpu.memory_space<vmem>>
      %dma_wait3A_2507 = tpu.memref_squeeze %dma_wait3A_2506 : memref<1x128xi32, #tpu.memory_space<vmem>> -> memref<128xi32, #tpu.memory_space<vmem>>
      %dma_wait3A_2508 = arith.constant 0 : i32
      %dma_wait3A_2509 = arith.constant 0 : i32
      %dma_wait3A_2510 = tpu.memref_slice %arg3[%dma_wait3A_2508, %dma_wait3A_2509] : memref<300000x32xf32, #tpu.memory_space<hbm>> -> memref<300000x32xf32, #tpu.memory_space<hbm>>
      tpu.wait_indirect_dma semaphore(%arg14 : memref<!tpu.dma_semaphore, #tpu.memory_space<semaphore_mem>>) src(%dma_wait3A_2510 : memref<300000x32xf32, #tpu.memory_space<hbm>>) dst(%dma_wait3A_2504 : memref<128x32xf32, #tpu.memory_space<vmem>>)
      %dma_wait3A_2511 = arith.constant 1 : i32
      %dma_wait3A_2512 = arith.constant 128 : i32
      %dma_wait3A_2513 = arith.constant 0 : i32
      %dma_wait3A_2514 = tpu.memref_slice %arg11[%dma_wait3A_2512, %dma_wait3A_2513] : memref<1280x32xf32, #tpu.memory_space<vmem>> -> memref<128x32xf32, #tpu.memory_space<vmem>>
      %dma_wait3A_2515 = arith.constant 0 : i32
      %dma_wait3A_2516 = tpu.memref_slice %arg9[%dma_wait3A_2511, %dma_wait3A_2515] : memref<10x128xi32, #tpu.memory_space<vmem>> -> memref<1x128xi32, #tpu.memory_space<vmem>>
      %dma_wait3A_2517 = tpu.memref_squeeze %dma_wait3A_2516 : memref<1x128xi32, #tpu.memory_space<vmem>> -> memref<128xi32, #tpu.memory_space<vmem>>
      %dma_wait3A_2518 = arith.constant 0 : i32
      %dma_wait3A_2519 = arith.constant 0 : i32
      %dma_wait3A_2520 = tpu.memref_slice %arg3[%dma_wait3A_2518, %dma_wait3A_2519] : memref<300000x32xf32, #tpu.memory_space<hbm>> -> memref<300000x32xf32, #tpu.memory_space<hbm>>
      tpu.wait_indirect_dma semaphore(%arg14 : memref<!tpu.dma_semaphore, #tpu.memory_space<semaphore_mem>>) src(%dma_wait3A_2520 : memref<300000x32xf32, #tpu.memory_space<hbm>>) dst(%dma_wait3A_2514 : memref<128x32xf32, #tpu.memory_space<vmem>>)
      %dma_wait3A_2521 = arith.constant 1 : i32
      %dma_wait3A_2522 = arith.constant 128 : i32
      %dma_wait3A_2523 = arith.constant 0 : i32
      %dma_wait3A_2524 = tpu.memref_slice %arg12[%dma_wait3A_2522, %dma_wait3A_2523] : memref<1280x32xf32, #tpu.memory_space<vmem>> -> memref<128x32xf32, #tpu.memory_space<vmem>>
      %dma_wait3A_2525 = arith.constant 0 : i32
      %dma_wait3A_2526 = tpu.memref_slice %arg7[%dma_wait3A_2521, %dma_wait3A_2525] : memref<10x128xi32, #tpu.memory_space<vmem>> -> memref<1x128xi32, #tpu.memory_space<vmem>>
      %dma_wait3A_2527 = tpu.memref_squeeze %dma_wait3A_2526 : memref<1x128xi32, #tpu.memory_space<vmem>> -> memref<128xi32, #tpu.memory_space<vmem>>
      %dma_wait3A_2528 = arith.constant 0 : i32
      %dma_wait3A_2529 = arith.constant 0 : i32
      %dma_wait3A_2530 = tpu.memref_slice %arg4[%dma_wait3A_2528, %dma_wait3A_2529] : memref<100000x32xf32, #tpu.memory_space<hbm>> -> memref<100000x32xf32, #tpu.memory_space<hbm>>
      tpu.wait_indirect_dma semaphore(%arg14 : memref<!tpu.dma_semaphore, #tpu.memory_space<semaphore_mem>>) src(%dma_wait3A_2530 : memref<100000x32xf32, #tpu.memory_space<hbm>>) dst(%dma_wait3A_2524 : memref<128x32xf32, #tpu.memory_space<vmem>>)
      %dma_wait3A_2531 = arith.constant 2 : i32
      %dma_wait3A_2532 = arith.constant 256 : i32
      %dma_wait3A_2533 = arith.constant 0 : i32
      %dma_wait3A_2534 = tpu.memref_slice %arg10[%dma_wait3A_2532, %dma_wait3A_2533] : memref<1280x32xf32, #tpu.memory_space<vmem>> -> memref<128x32xf32, #tpu.memory_space<vmem>>
      %dma_wait3A_2535 = arith.constant 0 : i32
      %dma_wait3A_2536 = tpu.memref_slice %arg8[%dma_wait3A_2531, %dma_wait3A_2535] : memref<10x128xi32, #tpu.memory_space<vmem>> -> memref<1x128xi32, #tpu.memory_space<vmem>>
      %dma_wait3A_2537 = tpu.memref_squeeze %dma_wait3A_2536 : memref<1x128xi32, #tpu.memory_space<vmem>> -> memref<128xi32, #tpu.memory_space<vmem>>
      %dma_wait3A_2538 = arith.constant 0 : i32
      %dma_wait3A_2539 = arith.constant 0 : i32
      %dma_wait3A_2540 = tpu.memref_slice %arg3[%dma_wait3A_2538, %dma_wait3A_2539] : memref<300000x32xf32, #tpu.memory_space<hbm>> -> memref<300000x32xf32, #tpu.memory_space<hbm>>
      tpu.wait_indirect_dma semaphore(%arg14 : memref<!tpu.dma_semaphore, #tpu.memory_space<semaphore_mem>>) src(%dma_wait3A_2540 : memref<300000x32xf32, #tpu.memory_space<hbm>>) dst(%dma_wait3A_2534 : memref<128x32xf32, #tpu.memory_space<vmem>>)
      %dma_wait3A_2541 = arith.constant 2 : i32
      %dma_wait3A_2542 = arith.constant 256 : i32
      %dma_wait3A_2543 = arith.constant 0 : i32
      %dma_wait3A_2544 = tpu.memref_slice %arg11[%dma_wait3A_2542, %dma_wait3A_2543] : memref<1280x32xf32, #tpu.memory_space<vmem>> -> memref<128x32xf32, #tpu.memory_space<vmem>>
      %dma_wait3A_2545 = arith.constant 0 : i32
      %dma_wait3A_2546 = tpu.memref_slice %arg9[%dma_wait3A_2541, %dma_wait3A_2545] : memref<10x128xi32, #tpu.memory_space<vmem>> -> memref<1x128xi32, #tpu.memory_space<vmem>>
      %dma_wait3A_2547 = tpu.memref_squeeze %dma_wait3A_2546 : memref<1x128xi32, #tpu.memory_space<vmem>> -> memref<128xi32, #tpu.memory_space<vmem>>
      %dma_wait3A_2548 = arith.constant 0 : i32
      %dma_wait3A_2549 = arith.constant 0 : i32
      %dma_wait3A_2550 = tpu.memref_slice %arg3[%dma_wait3A_2548, %dma_wait3A_2549] : memref<300000x32xf32, #tpu.memory_space<hbm>> -> memref<300000x32xf32, #tpu.memory_space<hbm>>
      tpu.wait_indirect_dma semaphore(%arg14 : memref<!tpu.dma_semaphore, #tpu.memory_space<semaphore_mem>>) src(%dma_wait3A_2550 : memref<300000x32xf32, #tpu.memory_space<hbm>>) dst(%dma_wait3A_2544 : memref<128x32xf32, #tpu.memory_space<vmem>>)
      %dma_wait3A_2551 = arith.constant 2 : i32
      %dma_wait3A_2552 = arith.constant 256 : i32
      %dma_wait3A_2553 = arith.constant 0 : i32
      %dma_wait3A_2554 = tpu.memref_slice %arg12[%dma_wait3A_2552, %dma_wait3A_2553] : memref<1280x32xf32, #tpu.memory_space<vmem>> -> memref<128x32xf32, #tpu.memory_space<vmem>>
      %dma_wait3A_2555 = arith.constant 0 : i32
      %dma_wait3A_2556 = tpu.memref_slice %arg7[%dma_wait3A_2551, %dma_wait3A_2555] : memref<10x128xi32, #tpu.memory_space<vmem>> -> memref<1x128xi32, #tpu.memory_space<vmem>>
      %dma_wait3A_2557 = tpu.memref_squeeze %dma_wait3A_2556 : memref<1x128xi32, #tpu.memory_space<vmem>> -> memref<128xi32, #tpu.memory_space<vmem>>
      %dma_wait3A_2558 = arith.constant 0 : i32
      %dma_wait3A_2559 = arith.constant 0 : i32
      %dma_wait3A_2560 = tpu.memref_slice %arg4[%dma_wait3A_2558, %dma_wait3A_2559] : memref<100000x32xf32, #tpu.memory_space<hbm>> -> memref<100000x32xf32, #tpu.memory_space<hbm>>
      tpu.wait_indirect_dma semaphore(%arg14 : memref<!tpu.dma_semaphore, #tpu.memory_space<semaphore_mem>>) src(%dma_wait3A_2560 : memref<100000x32xf32, #tpu.memory_space<hbm>>) dst(%dma_wait3A_2554 : memref<128x32xf32, #tpu.memory_space<vmem>>)
      %dma_wait3A_2561 = arith.constant 3 : i32
      %dma_wait3A_2562 = arith.constant 384 : i32
      %dma_wait3A_2563 = arith.constant 0 : i32
      %dma_wait3A_2564 = tpu.memref_slice %arg10[%dma_wait3A_2562, %dma_wait3A_2563] : memref<1280x32xf32, #tpu.memory_space<vmem>> -> memref<128x32xf32, #tpu.memory_space<vmem>>
      %dma_wait3A_2565 = arith.constant 0 : i32
      %dma_wait3A_2566 = tpu.memref_slice %arg8[%dma_wait3A_2561, %dma_wait3A_2565] : memref<10x128xi32, #tpu.memory_space<vmem>> -> memref<1x128xi32, #tpu.memory_space<vmem>>
      %dma_wait3A_2567 = tpu.memref_squeeze %dma_wait3A_2566 : memref<1x128xi32, #tpu.memory_space<vmem>> -> memref<128xi32, #tpu.memory_space<vmem>>
      %dma_wait3A_2568 = arith.constant 0 : i32
      %dma_wait3A_2569 = arith.constant 0 : i32
      %dma_wait3A_2570 = tpu.memref_slice %arg3[%dma_wait3A_2568, %dma_wait3A_2569] : memref<300000x32xf32, #tpu.memory_space<hbm>> -> memref<300000x32xf32, #tpu.memory_space<hbm>>
      tpu.wait_indirect_dma semaphore(%arg14 : memref<!tpu.dma_semaphore, #tpu.memory_space<semaphore_mem>>) src(%dma_wait3A_2570 : memref<300000x32xf32, #tpu.memory_space<hbm>>) dst(%dma_wait3A_2564 : memref<128x32xf32, #tpu.memory_space<vmem>>)
      %dma_wait3A_2571 = arith.constant 3 : i32
      %dma_wait3A_2572 = arith.constant 384 : i32
      %dma_wait3A_2573 = arith.constant 0 : i32
      %dma_wait3A_2574 = tpu.memref_slice %arg11[%dma_wait3A_2572, %dma_wait3A_2573] : memref<1280x32xf32, #tpu.memory_space<vmem>> -> memref<128x32xf32, #tpu.memory_space<vmem>>
      %dma_wait3A_2575 = arith.constant 0 : i32
      %dma_wait3A_2576 = tpu.memref_slice %arg9[%dma_wait3A_2571, %dma_wait3A_2575] : memref<10x128xi32, #tpu.memory_space<vmem>> -> memref<1x128xi32, #tpu.memory_space<vmem>>
      %dma_wait3A_2577 = tpu.memref_squeeze %dma_wait3A_2576 : memref<1x128xi32, #tpu.memory_space<vmem>> -> memref<128xi32, #tpu.memory_space<vmem>>
      %dma_wait3A_2578 = arith.constant 0 : i32
      %dma_wait3A_2579 = arith.constant 0 : i32
      %dma_wait3A_2580 = tpu.memref_slice %arg3[%dma_wait3A_2578, %dma_wait3A_2579] : memref<300000x32xf32, #tpu.memory_space<hbm>> -> memref<300000x32xf32, #tpu.memory_space<hbm>>
      tpu.wait_indirect_dma semaphore(%arg14 : memref<!tpu.dma_semaphore, #tpu.memory_space<semaphore_mem>>) src(%dma_wait3A_2580 : memref<300000x32xf32, #tpu.memory_space<hbm>>) dst(%dma_wait3A_2574 : memref<128x32xf32, #tpu.memory_space<vmem>>)
      %dma_wait3A_2581 = arith.constant 3 : i32
      %dma_wait3A_2582 = arith.constant 384 : i32
      %dma_wait3A_2583 = arith.constant 0 : i32
      %dma_wait3A_2584 = tpu.memref_slice %arg12[%dma_wait3A_2582, %dma_wait3A_2583] : memref<1280x32xf32, #tpu.memory_space<vmem>> -> memref<128x32xf32, #tpu.memory_space<vmem>>
      %dma_wait3A_2585 = arith.constant 0 : i32
      %dma_wait3A_2586 = tpu.memref_slice %arg7[%dma_wait3A_2581, %dma_wait3A_2585] : memref<10x128xi32, #tpu.memory_space<vmem>> -> memref<1x128xi32, #tpu.memory_space<vmem>>
      %dma_wait3A_2587 = tpu.memref_squeeze %dma_wait3A_2586 : memref<1x128xi32, #tpu.memory_space<vmem>> -> memref<128xi32, #tpu.memory_space<vmem>>
      %dma_wait3A_2588 = arith.constant 0 : i32
      %dma_wait3A_2589 = arith.constant 0 : i32
      %dma_wait3A_2590 = tpu.memref_slice %arg4[%dma_wait3A_2588, %dma_wait3A_2589] : memref<100000x32xf32, #tpu.memory_space<hbm>> -> memref<100000x32xf32, #tpu.memory_space<hbm>>
      tpu.wait_indirect_dma semaphore(%arg14 : memref<!tpu.dma_semaphore, #tpu.memory_space<semaphore_mem>>) src(%dma_wait3A_2590 : memref<100000x32xf32, #tpu.memory_space<hbm>>) dst(%dma_wait3A_2584 : memref<128x32xf32, #tpu.memory_space<vmem>>)
      %dma_wait3A_2591 = arith.constant 4 : i32
      %dma_wait3A_2592 = arith.constant 512 : i32
      %dma_wait3A_2593 = arith.constant 0 : i32
      %dma_wait3A_2594 = tpu.memref_slice %arg10[%dma_wait3A_2592, %dma_wait3A_2593] : memref<1280x32xf32, #tpu.memory_space<vmem>> -> memref<128x32xf32, #tpu.memory_space<vmem>>
      %dma_wait3A_2595 = arith.constant 0 : i32
      %dma_wait3A_2596 = tpu.memref_slice %arg8[%dma_wait3A_2591, %dma_wait3A_2595] : memref<10x128xi32, #tpu.memory_space<vmem>> -> memref<1x128xi32, #tpu.memory_space<vmem>>
      %dma_wait3A_2597 = tpu.memref_squeeze %dma_wait3A_2596 : memref<1x128xi32, #tpu.memory_space<vmem>> -> memref<128xi32, #tpu.memory_space<vmem>>
      %dma_wait3A_2598 = arith.constant 0 : i32
      %dma_wait3A_2599 = arith.constant 0 : i32
      %dma_wait3A_2600 = tpu.memref_slice %arg3[%dma_wait3A_2598, %dma_wait3A_2599] : memref<300000x32xf32, #tpu.memory_space<hbm>> -> memref<300000x32xf32, #tpu.memory_space<hbm>>
      tpu.wait_indirect_dma semaphore(%arg14 : memref<!tpu.dma_semaphore, #tpu.memory_space<semaphore_mem>>) src(%dma_wait3A_2600 : memref<300000x32xf32, #tpu.memory_space<hbm>>) dst(%dma_wait3A_2594 : memref<128x32xf32, #tpu.memory_space<vmem>>)
      %dma_wait3A_2601 = arith.constant 4 : i32
      %dma_wait3A_2602 = arith.constant 512 : i32
      %dma_wait3A_2603 = arith.constant 0 : i32
      %dma_wait3A_2604 = tpu.memref_slice %arg11[%dma_wait3A_2602, %dma_wait3A_2603] : memref<1280x32xf32, #tpu.memory_space<vmem>> -> memref<128x32xf32, #tpu.memory_space<vmem>>
      %dma_wait3A_2605 = arith.constant 0 : i32
      %dma_wait3A_2606 = tpu.memref_slice %arg9[%dma_wait3A_2601, %dma_wait3A_2605] : memref<10x128xi32, #tpu.memory_space<vmem>> -> memref<1x128xi32, #tpu.memory_space<vmem>>
      %dma_wait3A_2607 = tpu.memref_squeeze %dma_wait3A_2606 : memref<1x128xi32, #tpu.memory_space<vmem>> -> memref<128xi32, #tpu.memory_space<vmem>>
      %dma_wait3A_2608 = arith.constant 0 : i32
      %dma_wait3A_2609 = arith.constant 0 : i32
      %dma_wait3A_2610 = tpu.memref_slice %arg3[%dma_wait3A_2608, %dma_wait3A_2609] : memref<300000x32xf32, #tpu.memory_space<hbm>> -> memref<300000x32xf32, #tpu.memory_space<hbm>>
      tpu.wait_indirect_dma semaphore(%arg14 : memref<!tpu.dma_semaphore, #tpu.memory_space<semaphore_mem>>) src(%dma_wait3A_2610 : memref<300000x32xf32, #tpu.memory_space<hbm>>) dst(%dma_wait3A_2604 : memref<128x32xf32, #tpu.memory_space<vmem>>)
      %dma_wait3A_2611 = arith.constant 4 : i32
      %dma_wait3A_2612 = arith.constant 512 : i32
      %dma_wait3A_2613 = arith.constant 0 : i32
      %dma_wait3A_2614 = tpu.memref_slice %arg12[%dma_wait3A_2612, %dma_wait3A_2613] : memref<1280x32xf32, #tpu.memory_space<vmem>> -> memref<128x32xf32, #tpu.memory_space<vmem>>
      %dma_wait3A_2615 = arith.constant 0 : i32
      %dma_wait3A_2616 = tpu.memref_slice %arg7[%dma_wait3A_2611, %dma_wait3A_2615] : memref<10x128xi32, #tpu.memory_space<vmem>> -> memref<1x128xi32, #tpu.memory_space<vmem>>
      %dma_wait3A_2617 = tpu.memref_squeeze %dma_wait3A_2616 : memref<1x128xi32, #tpu.memory_space<vmem>> -> memref<128xi32, #tpu.memory_space<vmem>>
      %dma_wait3A_2618 = arith.constant 0 : i32
      %dma_wait3A_2619 = arith.constant 0 : i32
      %dma_wait3A_2620 = tpu.memref_slice %arg4[%dma_wait3A_2618, %dma_wait3A_2619] : memref<100000x32xf32, #tpu.memory_space<hbm>> -> memref<100000x32xf32, #tpu.memory_space<hbm>>
      tpu.wait_indirect_dma semaphore(%arg14 : memref<!tpu.dma_semaphore, #tpu.memory_space<semaphore_mem>>) src(%dma_wait3A_2620 : memref<100000x32xf32, #tpu.memory_space<hbm>>) dst(%dma_wait3A_2614 : memref<128x32xf32, #tpu.memory_space<vmem>>)
      %dma_wait3A_2621 = arith.constant 5 : i32
      %dma_wait3A_2622 = arith.constant 640 : i32
      %dma_wait3A_2623 = arith.constant 0 : i32
      %dma_wait3A_2624 = tpu.memref_slice %arg10[%dma_wait3A_2622, %dma_wait3A_2623] : memref<1280x32xf32, #tpu.memory_space<vmem>> -> memref<128x32xf32, #tpu.memory_space<vmem>>
      %dma_wait3A_2625 = arith.constant 0 : i32
      %dma_wait3A_2626 = tpu.memref_slice %arg8[%dma_wait3A_2621, %dma_wait3A_2625] : memref<10x128xi32, #tpu.memory_space<vmem>> -> memref<1x128xi32, #tpu.memory_space<vmem>>
      %dma_wait3A_2627 = tpu.memref_squeeze %dma_wait3A_2626 : memref<1x128xi32, #tpu.memory_space<vmem>> -> memref<128xi32, #tpu.memory_space<vmem>>
      %dma_wait3A_2628 = arith.constant 0 : i32
      %dma_wait3A_2629 = arith.constant 0 : i32
      %dma_wait3A_2630 = tpu.memref_slice %arg3[%dma_wait3A_2628, %dma_wait3A_2629] : memref<300000x32xf32, #tpu.memory_space<hbm>> -> memref<300000x32xf32, #tpu.memory_space<hbm>>
      tpu.wait_indirect_dma semaphore(%arg14 : memref<!tpu.dma_semaphore, #tpu.memory_space<semaphore_mem>>) src(%dma_wait3A_2630 : memref<300000x32xf32, #tpu.memory_space<hbm>>) dst(%dma_wait3A_2624 : memref<128x32xf32, #tpu.memory_space<vmem>>)
      %dma_wait3A_2631 = arith.constant 5 : i32
      %dma_wait3A_2632 = arith.constant 640 : i32
      %dma_wait3A_2633 = arith.constant 0 : i32
      %dma_wait3A_2634 = tpu.memref_slice %arg11[%dma_wait3A_2632, %dma_wait3A_2633] : memref<1280x32xf32, #tpu.memory_space<vmem>> -> memref<128x32xf32, #tpu.memory_space<vmem>>
      %dma_wait3A_2635 = arith.constant 0 : i32
      %dma_wait3A_2636 = tpu.memref_slice %arg9[%dma_wait3A_2631, %dma_wait3A_2635] : memref<10x128xi32, #tpu.memory_space<vmem>> -> memref<1x128xi32, #tpu.memory_space<vmem>>
      %dma_wait3A_2637 = tpu.memref_squeeze %dma_wait3A_2636 : memref<1x128xi32, #tpu.memory_space<vmem>> -> memref<128xi32, #tpu.memory_space<vmem>>
      %dma_wait3A_2638 = arith.constant 0 : i32
      %dma_wait3A_2639 = arith.constant 0 : i32
      %dma_wait3A_2640 = tpu.memref_slice %arg3[%dma_wait3A_2638, %dma_wait3A_2639] : memref<300000x32xf32, #tpu.memory_space<hbm>> -> memref<300000x32xf32, #tpu.memory_space<hbm>>
      tpu.wait_indirect_dma semaphore(%arg14 : memref<!tpu.dma_semaphore, #tpu.memory_space<semaphore_mem>>) src(%dma_wait3A_2640 : memref<300000x32xf32, #tpu.memory_space<hbm>>) dst(%dma_wait3A_2634 : memref<128x32xf32, #tpu.memory_space<vmem>>)
      %dma_wait3A_2641 = arith.constant 5 : i32
      %dma_wait3A_2642 = arith.constant 640 : i32
      %dma_wait3A_2643 = arith.constant 0 : i32
      %dma_wait3A_2644 = tpu.memref_slice %arg12[%dma_wait3A_2642, %dma_wait3A_2643] : memref<1280x32xf32, #tpu.memory_space<vmem>> -> memref<128x32xf32, #tpu.memory_space<vmem>>
      %dma_wait3A_2645 = arith.constant 0 : i32
      %dma_wait3A_2646 = tpu.memref_slice %arg7[%dma_wait3A_2641, %dma_wait3A_2645] : memref<10x128xi32, #tpu.memory_space<vmem>> -> memref<1x128xi32, #tpu.memory_space<vmem>>
      %dma_wait3A_2647 = tpu.memref_squeeze %dma_wait3A_2646 : memref<1x128xi32, #tpu.memory_space<vmem>> -> memref<128xi32, #tpu.memory_space<vmem>>
      %dma_wait3A_2648 = arith.constant 0 : i32
      %dma_wait3A_2649 = arith.constant 0 : i32
      %dma_wait3A_2650 = tpu.memref_slice %arg4[%dma_wait3A_2648, %dma_wait3A_2649] : memref<100000x32xf32, #tpu.memory_space<hbm>> -> memref<100000x32xf32, #tpu.memory_space<hbm>>
      tpu.wait_indirect_dma semaphore(%arg14 : memref<!tpu.dma_semaphore, #tpu.memory_space<semaphore_mem>>) src(%dma_wait3A_2650 : memref<100000x32xf32, #tpu.memory_space<hbm>>) dst(%dma_wait3A_2644 : memref<128x32xf32, #tpu.memory_space<vmem>>)
      %dma_wait3A_2651 = arith.constant 6 : i32
      %dma_wait3A_2652 = arith.constant 768 : i32
      %dma_wait3A_2653 = arith.constant 0 : i32
      %dma_wait3A_2654 = tpu.memref_slice %arg10[%dma_wait3A_2652, %dma_wait3A_2653] : memref<1280x32xf32, #tpu.memory_space<vmem>> -> memref<128x32xf32, #tpu.memory_space<vmem>>
      %dma_wait3A_2655 = arith.constant 0 : i32
      %dma_wait3A_2656 = tpu.memref_slice %arg8[%dma_wait3A_2651, %dma_wait3A_2655] : memref<10x128xi32, #tpu.memory_space<vmem>> -> memref<1x128xi32, #tpu.memory_space<vmem>>
      %dma_wait3A_2657 = tpu.memref_squeeze %dma_wait3A_2656 : memref<1x128xi32, #tpu.memory_space<vmem>> -> memref<128xi32, #tpu.memory_space<vmem>>
      %dma_wait3A_2658 = arith.constant 0 : i32
      %dma_wait3A_2659 = arith.constant 0 : i32
      %dma_wait3A_2660 = tpu.memref_slice %arg3[%dma_wait3A_2658, %dma_wait3A_2659] : memref<300000x32xf32, #tpu.memory_space<hbm>> -> memref<300000x32xf32, #tpu.memory_space<hbm>>
      tpu.wait_indirect_dma semaphore(%arg14 : memref<!tpu.dma_semaphore, #tpu.memory_space<semaphore_mem>>) src(%dma_wait3A_2660 : memref<300000x32xf32, #tpu.memory_space<hbm>>) dst(%dma_wait3A_2654 : memref<128x32xf32, #tpu.memory_space<vmem>>)
      %dma_wait3A_2661 = arith.constant 6 : i32
      %dma_wait3A_2662 = arith.constant 768 : i32
      %dma_wait3A_2663 = arith.constant 0 : i32
      %dma_wait3A_2664 = tpu.memref_slice %arg11[%dma_wait3A_2662, %dma_wait3A_2663] : memref<1280x32xf32, #tpu.memory_space<vmem>> -> memref<128x32xf32, #tpu.memory_space<vmem>>
      %dma_wait3A_2665 = arith.constant 0 : i32
      %dma_wait3A_2666 = tpu.memref_slice %arg9[%dma_wait3A_2661, %dma_wait3A_2665] : memref<10x128xi32, #tpu.memory_space<vmem>> -> memref<1x128xi32, #tpu.memory_space<vmem>>
      %dma_wait3A_2667 = tpu.memref_squeeze %dma_wait3A_2666 : memref<1x128xi32, #tpu.memory_space<vmem>> -> memref<128xi32, #tpu.memory_space<vmem>>
      %dma_wait3A_2668 = arith.constant 0 : i32
      %dma_wait3A_2669 = arith.constant 0 : i32
      %dma_wait3A_2670 = tpu.memref_slice %arg3[%dma_wait3A_2668, %dma_wait3A_2669] : memref<300000x32xf32, #tpu.memory_space<hbm>> -> memref<300000x32xf32, #tpu.memory_space<hbm>>
      tpu.wait_indirect_dma semaphore(%arg14 : memref<!tpu.dma_semaphore, #tpu.memory_space<semaphore_mem>>) src(%dma_wait3A_2670 : memref<300000x32xf32, #tpu.memory_space<hbm>>) dst(%dma_wait3A_2664 : memref<128x32xf32, #tpu.memory_space<vmem>>)
      %dma_wait3A_2671 = arith.constant 6 : i32
      %dma_wait3A_2672 = arith.constant 768 : i32
      %dma_wait3A_2673 = arith.constant 0 : i32
      %dma_wait3A_2674 = tpu.memref_slice %arg12[%dma_wait3A_2672, %dma_wait3A_2673] : memref<1280x32xf32, #tpu.memory_space<vmem>> -> memref<128x32xf32, #tpu.memory_space<vmem>>
      %dma_wait3A_2675 = arith.constant 0 : i32
      %dma_wait3A_2676 = tpu.memref_slice %arg7[%dma_wait3A_2671, %dma_wait3A_2675] : memref<10x128xi32, #tpu.memory_space<vmem>> -> memref<1x128xi32, #tpu.memory_space<vmem>>
      %dma_wait3A_2677 = tpu.memref_squeeze %dma_wait3A_2676 : memref<1x128xi32, #tpu.memory_space<vmem>> -> memref<128xi32, #tpu.memory_space<vmem>>
      %dma_wait3A_2678 = arith.constant 0 : i32
      %dma_wait3A_2679 = arith.constant 0 : i32
      %dma_wait3A_2680 = tpu.memref_slice %arg4[%dma_wait3A_2678, %dma_wait3A_2679] : memref<100000x32xf32, #tpu.memory_space<hbm>> -> memref<100000x32xf32, #tpu.memory_space<hbm>>
      tpu.wait_indirect_dma semaphore(%arg14 : memref<!tpu.dma_semaphore, #tpu.memory_space<semaphore_mem>>) src(%dma_wait3A_2680 : memref<100000x32xf32, #tpu.memory_space<hbm>>) dst(%dma_wait3A_2674 : memref<128x32xf32, #tpu.memory_space<vmem>>)
      %dma_wait3A_2681 = arith.constant 7 : i32
      %dma_wait3A_2682 = arith.constant 896 : i32
      %dma_wait3A_2683 = arith.constant 0 : i32
      %dma_wait3A_2684 = tpu.memref_slice %arg10[%dma_wait3A_2682, %dma_wait3A_2683] : memref<1280x32xf32, #tpu.memory_space<vmem>> -> memref<128x32xf32, #tpu.memory_space<vmem>>
      %dma_wait3A_2685 = arith.constant 0 : i32
      %dma_wait3A_2686 = tpu.memref_slice %arg8[%dma_wait3A_2681, %dma_wait3A_2685] : memref<10x128xi32, #tpu.memory_space<vmem>> -> memref<1x128xi32, #tpu.memory_space<vmem>>
      %dma_wait3A_2687 = tpu.memref_squeeze %dma_wait3A_2686 : memref<1x128xi32, #tpu.memory_space<vmem>> -> memref<128xi32, #tpu.memory_space<vmem>>
      %dma_wait3A_2688 = arith.constant 0 : i32
      %dma_wait3A_2689 = arith.constant 0 : i32
      %dma_wait3A_2690 = tpu.memref_slice %arg3[%dma_wait3A_2688, %dma_wait3A_2689] : memref<300000x32xf32, #tpu.memory_space<hbm>> -> memref<300000x32xf32, #tpu.memory_space<hbm>>
      tpu.wait_indirect_dma semaphore(%arg14 : memref<!tpu.dma_semaphore, #tpu.memory_space<semaphore_mem>>) src(%dma_wait3A_2690 : memref<300000x32xf32, #tpu.memory_space<hbm>>) dst(%dma_wait3A_2684 : memref<128x32xf32, #tpu.memory_space<vmem>>)
      %dma_wait3A_2691 = arith.constant 7 : i32
      %dma_wait3A_2692 = arith.constant 896 : i32
      %dma_wait3A_2693 = arith.constant 0 : i32
      %dma_wait3A_2694 = tpu.memref_slice %arg11[%dma_wait3A_2692, %dma_wait3A_2693] : memref<1280x32xf32, #tpu.memory_space<vmem>> -> memref<128x32xf32, #tpu.memory_space<vmem>>
      %dma_wait3A_2695 = arith.constant 0 : i32
      %dma_wait3A_2696 = tpu.memref_slice %arg9[%dma_wait3A_2691, %dma_wait3A_2695] : memref<10x128xi32, #tpu.memory_space<vmem>> -> memref<1x128xi32, #tpu.memory_space<vmem>>
      %dma_wait3A_2697 = tpu.memref_squeeze %dma_wait3A_2696 : memref<1x128xi32, #tpu.memory_space<vmem>> -> memref<128xi32, #tpu.memory_space<vmem>>
      %dma_wait3A_2698 = arith.constant 0 : i32
      %dma_wait3A_2699 = arith.constant 0 : i32
      %dma_wait3A_2700 = tpu.memref_slice %arg3[%dma_wait3A_2698, %dma_wait3A_2699] : memref<300000x32xf32, #tpu.memory_space<hbm>> -> memref<300000x32xf32, #tpu.memory_space<hbm>>
      tpu.wait_indirect_dma semaphore(%arg14 : memref<!tpu.dma_semaphore, #tpu.memory_space<semaphore_mem>>) src(%dma_wait3A_2700 : memref<300000x32xf32, #tpu.memory_space<hbm>>) dst(%dma_wait3A_2694 : memref<128x32xf32, #tpu.memory_space<vmem>>)
      %dma_wait3A_2701 = arith.constant 7 : i32
      %dma_wait3A_2702 = arith.constant 896 : i32
      %dma_wait3A_2703 = arith.constant 0 : i32
      %dma_wait3A_2704 = tpu.memref_slice %arg12[%dma_wait3A_2702, %dma_wait3A_2703] : memref<1280x32xf32, #tpu.memory_space<vmem>> -> memref<128x32xf32, #tpu.memory_space<vmem>>
      %dma_wait3A_2705 = arith.constant 0 : i32
      %dma_wait3A_2706 = tpu.memref_slice %arg7[%dma_wait3A_2701, %dma_wait3A_2705] : memref<10x128xi32, #tpu.memory_space<vmem>> -> memref<1x128xi32, #tpu.memory_space<vmem>>
      %dma_wait3A_2707 = tpu.memref_squeeze %dma_wait3A_2706 : memref<1x128xi32, #tpu.memory_space<vmem>> -> memref<128xi32, #tpu.memory_space<vmem>>
      %dma_wait3A_2708 = arith.constant 0 : i32
      %dma_wait3A_2709 = arith.constant 0 : i32
      %dma_wait3A_2710 = tpu.memref_slice %arg4[%dma_wait3A_2708, %dma_wait3A_2709] : memref<100000x32xf32, #tpu.memory_space<hbm>> -> memref<100000x32xf32, #tpu.memory_space<hbm>>
      tpu.wait_indirect_dma semaphore(%arg14 : memref<!tpu.dma_semaphore, #tpu.memory_space<semaphore_mem>>) src(%dma_wait3A_2710 : memref<100000x32xf32, #tpu.memory_space<hbm>>) dst(%dma_wait3A_2704 : memref<128x32xf32, #tpu.memory_space<vmem>>)
      %dma_wait3A_2711 = arith.constant 8 : i32
      %dma_wait3A_2712 = arith.constant 1024 : i32
      %dma_wait3A_2713 = arith.constant 0 : i32
      %dma_wait3A_2714 = tpu.memref_slice %arg10[%dma_wait3A_2712, %dma_wait3A_2713] : memref<1280x32xf32, #tpu.memory_space<vmem>> -> memref<128x32xf32, #tpu.memory_space<vmem>>
      %dma_wait3A_2715 = arith.constant 0 : i32
      %dma_wait3A_2716 = tpu.memref_slice %arg8[%dma_wait3A_2711, %dma_wait3A_2715] : memref<10x128xi32, #tpu.memory_space<vmem>> -> memref<1x128xi32, #tpu.memory_space<vmem>>
      %dma_wait3A_2717 = tpu.memref_squeeze %dma_wait3A_2716 : memref<1x128xi32, #tpu.memory_space<vmem>> -> memref<128xi32, #tpu.memory_space<vmem>>
      %dma_wait3A_2718 = arith.constant 0 : i32
      %dma_wait3A_2719 = arith.constant 0 : i32
      %dma_wait3A_2720 = tpu.memref_slice %arg3[%dma_wait3A_2718, %dma_wait3A_2719] : memref<300000x32xf32, #tpu.memory_space<hbm>> -> memref<300000x32xf32, #tpu.memory_space<hbm>>
      tpu.wait_indirect_dma semaphore(%arg14 : memref<!tpu.dma_semaphore, #tpu.memory_space<semaphore_mem>>) src(%dma_wait3A_2720 : memref<300000x32xf32, #tpu.memory_space<hbm>>) dst(%dma_wait3A_2714 : memref<128x32xf32, #tpu.memory_space<vmem>>)
      %dma_wait3A_2721 = arith.constant 8 : i32
      %dma_wait3A_2722 = arith.constant 1024 : i32
      %dma_wait3A_2723 = arith.constant 0 : i32
      %dma_wait3A_2724 = tpu.memref_slice %arg11[%dma_wait3A_2722, %dma_wait3A_2723] : memref<1280x32xf32, #tpu.memory_space<vmem>> -> memref<128x32xf32, #tpu.memory_space<vmem>>
      %dma_wait3A_2725 = arith.constant 0 : i32
      %dma_wait3A_2726 = tpu.memref_slice %arg9[%dma_wait3A_2721, %dma_wait3A_2725] : memref<10x128xi32, #tpu.memory_space<vmem>> -> memref<1x128xi32, #tpu.memory_space<vmem>>
      %dma_wait3A_2727 = tpu.memref_squeeze %dma_wait3A_2726 : memref<1x128xi32, #tpu.memory_space<vmem>> -> memref<128xi32, #tpu.memory_space<vmem>>
      %dma_wait3A_2728 = arith.constant 0 : i32
      %dma_wait3A_2729 = arith.constant 0 : i32
      %dma_wait3A_2730 = tpu.memref_slice %arg3[%dma_wait3A_2728, %dma_wait3A_2729] : memref<300000x32xf32, #tpu.memory_space<hbm>> -> memref<300000x32xf32, #tpu.memory_space<hbm>>
      tpu.wait_indirect_dma semaphore(%arg14 : memref<!tpu.dma_semaphore, #tpu.memory_space<semaphore_mem>>) src(%dma_wait3A_2730 : memref<300000x32xf32, #tpu.memory_space<hbm>>) dst(%dma_wait3A_2724 : memref<128x32xf32, #tpu.memory_space<vmem>>)
      %dma_wait3A_2731 = arith.constant 8 : i32
      %dma_wait3A_2732 = arith.constant 1024 : i32
      %dma_wait3A_2733 = arith.constant 0 : i32
      %dma_wait3A_2734 = tpu.memref_slice %arg12[%dma_wait3A_2732, %dma_wait3A_2733] : memref<1280x32xf32, #tpu.memory_space<vmem>> -> memref<128x32xf32, #tpu.memory_space<vmem>>
      %dma_wait3A_2735 = arith.constant 0 : i32
      %dma_wait3A_2736 = tpu.memref_slice %arg7[%dma_wait3A_2731, %dma_wait3A_2735] : memref<10x128xi32, #tpu.memory_space<vmem>> -> memref<1x128xi32, #tpu.memory_space<vmem>>
      %dma_wait3A_2737 = tpu.memref_squeeze %dma_wait3A_2736 : memref<1x128xi32, #tpu.memory_space<vmem>> -> memref<128xi32, #tpu.memory_space<vmem>>
      %dma_wait3A_2738 = arith.constant 0 : i32
      %dma_wait3A_2739 = arith.constant 0 : i32
      %dma_wait3A_2740 = tpu.memref_slice %arg4[%dma_wait3A_2738, %dma_wait3A_2739] : memref<100000x32xf32, #tpu.memory_space<hbm>> -> memref<100000x32xf32, #tpu.memory_space<hbm>>
      tpu.wait_indirect_dma semaphore(%arg14 : memref<!tpu.dma_semaphore, #tpu.memory_space<semaphore_mem>>) src(%dma_wait3A_2740 : memref<100000x32xf32, #tpu.memory_space<hbm>>) dst(%dma_wait3A_2734 : memref<128x32xf32, #tpu.memory_space<vmem>>)
      %dma_wait3A_2741 = arith.constant 9 : i32
      %dma_wait3A_2742 = arith.constant 1152 : i32
      %dma_wait3A_2743 = arith.constant 0 : i32
      %dma_wait3A_2744 = tpu.memref_slice %arg10[%dma_wait3A_2742, %dma_wait3A_2743] : memref<1280x32xf32, #tpu.memory_space<vmem>> -> memref<128x32xf32, #tpu.memory_space<vmem>>
      %dma_wait3A_2745 = arith.constant 0 : i32
      %dma_wait3A_2746 = tpu.memref_slice %arg8[%dma_wait3A_2741, %dma_wait3A_2745] : memref<10x128xi32, #tpu.memory_space<vmem>> -> memref<1x128xi32, #tpu.memory_space<vmem>>
      %dma_wait3A_2747 = tpu.memref_squeeze %dma_wait3A_2746 : memref<1x128xi32, #tpu.memory_space<vmem>> -> memref<128xi32, #tpu.memory_space<vmem>>
      %dma_wait3A_2748 = arith.constant 0 : i32
      %dma_wait3A_2749 = arith.constant 0 : i32
      %dma_wait3A_2750 = tpu.memref_slice %arg3[%dma_wait3A_2748, %dma_wait3A_2749] : memref<300000x32xf32, #tpu.memory_space<hbm>> -> memref<300000x32xf32, #tpu.memory_space<hbm>>
      tpu.wait_indirect_dma semaphore(%arg14 : memref<!tpu.dma_semaphore, #tpu.memory_space<semaphore_mem>>) src(%dma_wait3A_2750 : memref<300000x32xf32, #tpu.memory_space<hbm>>) dst(%dma_wait3A_2744 : memref<128x32xf32, #tpu.memory_space<vmem>>)
      %dma_wait3A_2751 = arith.constant 9 : i32
      %dma_wait3A_2752 = arith.constant 1152 : i32
      %dma_wait3A_2753 = arith.constant 0 : i32
      %dma_wait3A_2754 = tpu.memref_slice %arg11[%dma_wait3A_2752, %dma_wait3A_2753] : memref<1280x32xf32, #tpu.memory_space<vmem>> -> memref<128x32xf32, #tpu.memory_space<vmem>>
      %dma_wait3A_2755 = arith.constant 0 : i32
      %dma_wait3A_2756 = tpu.memref_slice %arg9[%dma_wait3A_2751, %dma_wait3A_2755] : memref<10x128xi32, #tpu.memory_space<vmem>> -> memref<1x128xi32, #tpu.memory_space<vmem>>
      %dma_wait3A_2757 = tpu.memref_squeeze %dma_wait3A_2756 : memref<1x128xi32, #tpu.memory_space<vmem>> -> memref<128xi32, #tpu.memory_space<vmem>>
      %dma_wait3A_2758 = arith.constant 0 : i32
      %dma_wait3A_2759 = arith.constant 0 : i32
      %dma_wait3A_2760 = tpu.memref_slice %arg3[%dma_wait3A_2758, %dma_wait3A_2759] : memref<300000x32xf32, #tpu.memory_space<hbm>> -> memref<300000x32xf32, #tpu.memory_space<hbm>>
      tpu.wait_indirect_dma semaphore(%arg14 : memref<!tpu.dma_semaphore, #tpu.memory_space<semaphore_mem>>) src(%dma_wait3A_2760 : memref<300000x32xf32, #tpu.memory_space<hbm>>) dst(%dma_wait3A_2754 : memref<128x32xf32, #tpu.memory_space<vmem>>)
      %dma_wait3A_2761 = arith.constant 9 : i32
      %dma_wait3A_2762 = arith.constant 1152 : i32
      %dma_wait3A_2763 = arith.constant 0 : i32
      %dma_wait3A_2764 = tpu.memref_slice %arg12[%dma_wait3A_2762, %dma_wait3A_2763] : memref<1280x32xf32, #tpu.memory_space<vmem>> -> memref<128x32xf32, #tpu.memory_space<vmem>>
      %dma_wait3A_2765 = arith.constant 0 : i32
      %dma_wait3A_2766 = tpu.memref_slice %arg7[%dma_wait3A_2761, %dma_wait3A_2765] : memref<10x128xi32, #tpu.memory_space<vmem>> -> memref<1x128xi32, #tpu.memory_space<vmem>>
      %dma_wait3A_2767 = tpu.memref_squeeze %dma_wait3A_2766 : memref<1x128xi32, #tpu.memory_space<vmem>> -> memref<128xi32, #tpu.memory_space<vmem>>
      %dma_wait3A_2768 = arith.constant 0 : i32
      %dma_wait3A_2769 = arith.constant 0 : i32
      %dma_wait3A_2770 = tpu.memref_slice %arg4[%dma_wait3A_2768, %dma_wait3A_2769] : memref<100000x32xf32, #tpu.memory_space<hbm>> -> memref<100000x32xf32, #tpu.memory_space<hbm>>
      tpu.wait_indirect_dma semaphore(%arg14 : memref<!tpu.dma_semaphore, #tpu.memory_space<semaphore_mem>>) src(%dma_wait3A_2770 : memref<100000x32xf32, #tpu.memory_space<hbm>>) dst(%dma_wait3A_2764 : memref<128x32xf32, #tpu.memory_space<vmem>>)
      %scan3A_2771 = arith.constant 0 : i32
      %scan3A_2772 = arith.constant 64 : i32
      %scan3A_2773 = arith.addi %scan3A_2771, %scan3A_2772 : i32
      %scan3A_2774 = arith.constant 1 : i32
      scf.for %scan3A_2781 = %scan3A_2771 to %scan3A_2773 step %scan3A_2774  : i32 {
        %mul3A_2782 = arith.constant 1 : i32
        %mul3A_2783 = arith.muli %scan3A_2781, %mul3A_2782 : i32
        %add3A_2784 = arith.constant 0 : i32
        %add3A_2785 = arith.addi %add3A_2784, %mul3A_2783 : i32
        %mul3A_2786 = arith.constant 20 : i32
        %mul3A_2787 = arith.muli %add3A_2785, %mul3A_2786 : i32
        %broadcast_in_dim3A = arith.constant 0.000000e+00 : f32
        %broadcast_in_dim3A_2788 = vector.broadcast %broadcast_in_dim3A : f32 to vector<16xf32>
        %scan3A_2789 = arith.constant 0 : i32
        %scan3A_2790 = arith.constant 20 : i32
        %scan3A_2791 = arith.addi %scan3A_2789, %scan3A_2790 : i32
        %scan3A_2792 = arith.constant 1 : i32
        %scan3A_2793:6 = scf.for %scan3A_3062 = %scan3A_2789 to %scan3A_2791 step %scan3A_2792 iter_args(%scan3A_3063 = %broadcast_in_dim3A_2788, %scan3A_3064 = %broadcast_in_dim3A_2788, %scan3A_3065 = %broadcast_in_dim3A_2788, %scan3A_3066 = %broadcast_in_dim3A_2788, %scan3A_3067 = %broadcast_in_dim3A_2788, %scan3A_3068 = %broadcast_in_dim3A_2788) -> (vector<16xf32>, vector<16xf32>, vector<16xf32>, vector<16xf32>, vector<16xf32>, vector<16xf32>)  : i32 {
          %add3A_3069 = arith.addi %mul3A_2787, %scan3A_3062 : i32
          %get3A_3070 = arith.index_cast %add3A_3069 : i32 to index
          %get3A_3071 = arith.constant 0 : index
          %get3A_3072 = tpu.vector_load %arg10[%get3A_3070, %get3A_3071] {strides = array<i32>} : memref<1280x32xf32, #tpu.memory_space<vmem>>, vector<1x16xf32>,
          %get3A_3073 = vector.shape_cast %get3A_3072 : vector<1x16xf32> to vector<16xf32>
          %add3A_3074 = arith.addf %scan3A_3063, %get3A_3073 : vector<16xf32>
          %get3A_3075 = arith.index_cast %add3A_3069 : i32 to index
          %get3A_3076 = arith.constant 16 : index
          %get3A_3077 = tpu.vector_load %arg10[%get3A_3075, %get3A_3076] {strides = array<i32>} : memref<1280x32xf32, #tpu.memory_space<vmem>>, vector<1x16xf32>,
          %get3A_3078 = vector.shape_cast %get3A_3077 : vector<1x16xf32> to vector<16xf32>
          %add3A_3079 = arith.addf %scan3A_3064, %get3A_3078 : vector<16xf32>
          %get3A_3080 = arith.index_cast %add3A_3069 : i32 to index
          %get3A_3081 = arith.constant 0 : index
          %get3A_3082 = tpu.vector_load %arg11[%get3A_3080, %get3A_3081] {strides = array<i32>} : memref<1280x32xf32, #tpu.memory_space<vmem>>, vector<1x16xf32>,
          %get3A_3083 = vector.shape_cast %get3A_3082 : vector<1x16xf32> to vector<16xf32>
          %add3A_3084 = arith.addf %scan3A_3065, %get3A_3083 : vector<16xf32>
          %get3A_3085 = arith.index_cast %add3A_3069 : i32 to index
          %get3A_3086 = arith.constant 16 : index
          %get3A_3087 = tpu.vector_load %arg11[%get3A_3085, %get3A_3086] {strides = array<i32>} : memref<1280x32xf32, #tpu.memory_space<vmem>>, vector<1x16xf32>,
          %get3A_3088 = vector.shape_cast %get3A_3087 : vector<1x16xf32> to vector<16xf32>
          %add3A_3089 = arith.addf %scan3A_3066, %get3A_3088 : vector<16xf32>
          %get3A_3090 = arith.index_cast %add3A_3069 : i32 to index
          %get3A_3091 = arith.constant 0 : index
          %get3A_3092 = tpu.vector_load %arg12[%get3A_3090, %get3A_3091] {strides = array<i32>} : memref<1280x32xf32, #tpu.memory_space<vmem>>, vector<1x16xf32>,
          %get3A_3093 = vector.shape_cast %get3A_3092 : vector<1x16xf32> to vector<16xf32>
          %add3A_3094 = arith.addf %scan3A_3067, %get3A_3093 : vector<16xf32>
          %get3A_3095 = arith.index_cast %add3A_3069 : i32 to index
          %get3A_3096 = arith.constant 16 : index
          %get3A_3097 = tpu.vector_load %arg12[%get3A_3095, %get3A_3096] {strides = array<i32>} : memref<1280x32xf32, #tpu.memory_space<vmem>>, vector<1x16xf32>,
          %get3A_3098 = vector.shape_cast %get3A_3097 : vector<1x16xf32> to vector<16xf32>
          %add3A_3099 = arith.addf %scan3A_3068, %get3A_3098 : vector<16xf32>
          scf.yield %add3A_3074, %add3A_3079, %add3A_3084, %add3A_3089, %add3A_3094, %add3A_3099 : vector<16xf32>, vector<16xf32>, vector<16xf32>, vector<16xf32>, vector<16xf32>, vector<16xf32>
        }
        %scan3A_2794 = arith.constant 20 : i32
        %mul3A_2795 = arith.constant 3.125000e-02 : f32
        %mul3A_2796 = vector.broadcast %mul3A_2795 : f32 to vector<16xf32>
        %mul3A_2797 = arith.mulf %scan3A_2793#0, %mul3A_2796 : vector<16xf32>
        %mul3A_2798 = arith.constant 3.125000e-02 : f32
        %mul3A_2799 = vector.broadcast %mul3A_2798 : f32 to vector<16xf32>
        %mul3A_2800 = arith.mulf %scan3A_2793#1, %mul3A_2799 : vector<16xf32>
        %mul3A_2801 = arith.mulf %scan3A_2793#0, %mul3A_2797 : vector<16xf32>
        %mul3A_2802 = arith.mulf %scan3A_2793#1, %mul3A_2800 : vector<16xf32>
        %max3A = arith.maximumf %mul3A_2801, %mul3A_2802 : vector<16xf32>
        %iota3A = tpu.iota {dimensions = array<i32: 0>} : vector<16xi32>
        %xor3A = arith.constant 8 : i32
        %xor3A_2803 = vector.broadcast %xor3A : i32 to vector<16xi32>
        %xor3A_2804 = arith.xori %iota3A, %xor3A_2803 : vector<16xi32>
        %lt3A = arith.constant 0 : i32
        %lt3A_2805 = vector.broadcast %lt3A : i32 to vector<16xi32>
        %lt3A_2806 = arith.cmpi slt, %xor3A_2804, %lt3A_2805 : vector<16xi32>
        %add3A_2807 = arith.constant 16 : i32
        %add3A_2808 = vector.broadcast %add3A_2807 : i32 to vector<16xi32>
        %add3A_2809 = arith.addi %xor3A_2804, %add3A_2808 : vector<16xi32>
        %select_n3A = arith.select %lt3A_2806, %add3A_2809, %xor3A_2804 : vector<16xi1>, vector<16xi32>
        %broadcast_in_dim3A_2810 = vector.shape_cast %select_n3A : vector<16xi32> to vector<16x1xi32>
        %gather3A = vector.shape_cast %broadcast_in_dim3A_2810 : vector<16x1xi32> to vector<16xi32>
        %gather3A_2811 = tpu.dynamic_gather %max3A[%gather3A] in [0] : vector<16xf32>, vector<16xi32> -> vector<16xf32>
        %max3A_2812 = arith.maximumf %max3A, %gather3A_2811 : vector<16xf32>
        %xor3A_2813 = arith.constant 4 : i32
        %xor3A_2814 = vector.broadcast %xor3A_2813 : i32 to vector<16xi32>
        %xor3A_2815 = arith.xori %iota3A, %xor3A_2814 : vector<16xi32>
        %lt3A_2816 = arith.constant 0 : i32
        %lt3A_2817 = vector.broadcast %lt3A_2816 : i32 to vector<16xi32>
        %lt3A_2818 = arith.cmpi slt, %xor3A_2815, %lt3A_2817 : vector<16xi32>
        %add3A_2819 = arith.constant 16 : i32
        %add3A_2820 = vector.broadcast %add3A_2819 : i32 to vector<16xi32>
        %add3A_2821 = arith.addi %xor3A_2815, %add3A_2820 : vector<16xi32>
        %select_n3A_2822 = arith.select %lt3A_2818, %add3A_2821, %xor3A_2815 : vector<16xi1>, vector<16xi32>
        %broadcast_in_dim3A_2823 = vector.shape_cast %select_n3A_2822 : vector<16xi32> to vector<16x1xi32>
        %gather3A_2824 = vector.shape_cast %broadcast_in_dim3A_2823 : vector<16x1xi32> to vector<16xi32>
        %gather3A_2825 = tpu.dynamic_gather %max3A_2812[%gather3A_2824] in [0] : vector<16xf32>, vector<16xi32> -> vector<16xf32>
        %max3A_2826 = arith.maximumf %max3A_2812, %gather3A_2825 : vector<16xf32>
        %xor3A_2827 = arith.constant 2 : i32
        %xor3A_2828 = vector.broadcast %xor3A_2827 : i32 to vector<16xi32>
        %xor3A_2829 = arith.xori %iota3A, %xor3A_2828 : vector<16xi32>
        %lt3A_2830 = arith.constant 0 : i32
        %lt3A_2831 = vector.broadcast %lt3A_2830 : i32 to vector<16xi32>
        %lt3A_2832 = arith.cmpi slt, %xor3A_2829, %lt3A_2831 : vector<16xi32>
        %add3A_2833 = arith.constant 16 : i32
        %add3A_2834 = vector.broadcast %add3A_2833 : i32 to vector<16xi32>
        %add3A_2835 = arith.addi %xor3A_2829, %add3A_2834 : vector<16xi32>
        %select_n3A_2836 = arith.select %lt3A_2832, %add3A_2835, %xor3A_2829 : vector<16xi1>, vector<16xi32>
        %broadcast_in_dim3A_2837 = vector.shape_cast %select_n3A_2836 : vector<16xi32> to vector<16x1xi32>
        %gather3A_2838 = vector.shape_cast %broadcast_in_dim3A_2837 : vector<16x1xi32> to vector<16xi32>
        %gather3A_2839 = tpu.dynamic_gather %max3A_2826[%gather3A_2838] in [0] : vector<16xf32>, vector<16xi32> -> vector<16xf32>
        %max3A_2840 = arith.maximumf %max3A_2826, %gather3A_2839 : vector<16xf32>
        %xor3A_2841 = arith.constant 1 : i32
        %xor3A_2842 = vector.broadcast %xor3A_2841 : i32 to vector<16xi32>
        %xor3A_2843 = arith.xori %iota3A, %xor3A_2842 : vector<16xi32>
        %lt3A_2844 = arith.constant 0 : i32
        %lt3A_2845 = vector.broadcast %lt3A_2844 : i32 to vector<16xi32>
        %lt3A_2846 = arith.cmpi slt, %xor3A_2843, %lt3A_2845 : vector<16xi32>
        %add3A_2847 = arith.constant 16 : i32
        %add3A_2848 = vector.broadcast %add3A_2847 : i32 to vector<16xi32>
        %add3A_2849 = arith.addi %xor3A_2843, %add3A_2848 : vector<16xi32>
        %select_n3A_2850 = arith.select %lt3A_2846, %add3A_2849, %xor3A_2843 : vector<16xi1>, vector<16xi32>
        %broadcast_in_dim3A_2851 = vector.shape_cast %select_n3A_2850 : vector<16xi32> to vector<16x1xi32>
        %gather3A_2852 = vector.shape_cast %broadcast_in_dim3A_2851 : vector<16x1xi32> to vector<16xi32>
        %gather3A_2853 = tpu.dynamic_gather %max3A_2840[%gather3A_2852] in [0] : vector<16xf32>, vector<16xi32> -> vector<16xf32>
        %max3A_2854 = arith.maximumf %max3A_2840, %gather3A_2853 : vector<16xf32>
        %sub3A = arith.subf %mul3A_2801, %max3A_2854 : vector<16xf32>
        %exp3A = math.exp %sub3A : vector<16xf32>
        %sub3A_2855 = arith.subf %mul3A_2802, %max3A_2854 : vector<16xf32>
        %exp3A_2856 = math.exp %sub3A_2855 : vector<16xf32>
        %add3A_2857 = arith.addf %exp3A, %exp3A_2856 : vector<16xf32>
        %iota3A_2858 = tpu.iota {dimensions = array<i32: 0>} : vector<16xi32>
        %xor3A_2859 = arith.constant 8 : i32
        %xor3A_2860 = vector.broadcast %xor3A_2859 : i32 to vector<16xi32>
        %xor3A_2861 = arith.xori %iota3A_2858, %xor3A_2860 : vector<16xi32>
        %lt3A_2862 = arith.constant 0 : i32
        %lt3A_2863 = vector.broadcast %lt3A_2862 : i32 to vector<16xi32>
        %lt3A_2864 = arith.cmpi slt, %xor3A_2861, %lt3A_2863 : vector<16xi32>
        %add3A_2865 = arith.constant 16 : i32
        %add3A_2866 = vector.broadcast %add3A_2865 : i32 to vector<16xi32>
        %add3A_2867 = arith.addi %xor3A_2861, %add3A_2866 : vector<16xi32>
        %select_n3A_2868 = arith.select %lt3A_2864, %add3A_2867, %xor3A_2861 : vector<16xi1>, vector<16xi32>
        %broadcast_in_dim3A_2869 = vector.shape_cast %select_n3A_2868 : vector<16xi32> to vector<16x1xi32>
        %gather3A_2870 = vector.shape_cast %broadcast_in_dim3A_2869 : vector<16x1xi32> to vector<16xi32>
        %gather3A_2871 = tpu.dynamic_gather %add3A_2857[%gather3A_2870] in [0] : vector<16xf32>, vector<16xi32> -> vector<16xf32>
        %add3A_2872 = arith.addf %add3A_2857, %gather3A_2871 : vector<16xf32>
        %xor3A_2873 = arith.constant 4 : i32
        %xor3A_2874 = vector.broadcast %xor3A_2873 : i32 to vector<16xi32>
        %xor3A_2875 = arith.xori %iota3A_2858, %xor3A_2874 : vector<16xi32>
        %lt3A_2876 = arith.constant 0 : i32
        %lt3A_2877 = vector.broadcast %lt3A_2876 : i32 to vector<16xi32>
        %lt3A_2878 = arith.cmpi slt, %xor3A_2875, %lt3A_2877 : vector<16xi32>
        %add3A_2879 = arith.constant 16 : i32
        %add3A_2880 = vector.broadcast %add3A_2879 : i32 to vector<16xi32>
        %add3A_2881 = arith.addi %xor3A_2875, %add3A_2880 : vector<16xi32>
        %select_n3A_2882 = arith.select %lt3A_2878, %add3A_2881, %xor3A_2875 : vector<16xi1>, vector<16xi32>
        %broadcast_in_dim3A_2883 = vector.shape_cast %select_n3A_2882 : vector<16xi32> to vector<16x1xi32>
        %gather3A_2884 = vector.shape_cast %broadcast_in_dim3A_2883 : vector<16x1xi32> to vector<16xi32>
        %gather3A_2885 = tpu.dynamic_gather %add3A_2872[%gather3A_2884] in [0] : vector<16xf32>, vector<16xi32> -> vector<16xf32>
        %add3A_2886 = arith.addf %add3A_2872, %gather3A_2885 : vector<16xf32>
        %xor3A_2887 = arith.constant 2 : i32
        %xor3A_2888 = vector.broadcast %xor3A_2887 : i32 to vector<16xi32>
        %xor3A_2889 = arith.xori %iota3A_2858, %xor3A_2888 : vector<16xi32>
        %lt3A_2890 = arith.constant 0 : i32
        %lt3A_2891 = vector.broadcast %lt3A_2890 : i32 to vector<16xi32>
        %lt3A_2892 = arith.cmpi slt, %xor3A_2889, %lt3A_2891 : vector<16xi32>
        %add3A_2893 = arith.constant 16 : i32
        %add3A_2894 = vector.broadcast %add3A_2893 : i32 to vector<16xi32>
        %add3A_2895 = arith.addi %xor3A_2889, %add3A_2894 : vector<16xi32>
        %select_n3A_2896 = arith.select %lt3A_2892, %add3A_2895, %xor3A_2889 : vector<16xi1>, vector<16xi32>
        %broadcast_in_dim3A_2897 = vector.shape_cast %select_n3A_2896 : vector<16xi32> to vector<16x1xi32>
        %gather3A_2898 = vector.shape_cast %broadcast_in_dim3A_2897 : vector<16x1xi32> to vector<16xi32>
        %gather3A_2899 = tpu.dynamic_gather %add3A_2886[%gather3A_2898] in [0] : vector<16xf32>, vector<16xi32> -> vector<16xf32>
        %add3A_2900 = arith.addf %add3A_2886, %gather3A_2899 : vector<16xf32>
        %xor3A_2901 = arith.constant 1 : i32
        %xor3A_2902 = vector.broadcast %xor3A_2901 : i32 to vector<16xi32>
        %xor3A_2903 = arith.xori %iota3A_2858, %xor3A_2902 : vector<16xi32>
        %lt3A_2904 = arith.constant 0 : i32
        %lt3A_2905 = vector.broadcast %lt3A_2904 : i32 to vector<16xi32>
        %lt3A_2906 = arith.cmpi slt, %xor3A_2903, %lt3A_2905 : vector<16xi32>
        %add3A_2907 = arith.constant 16 : i32
        %add3A_2908 = vector.broadcast %add3A_2907 : i32 to vector<16xi32>
        %add3A_2909 = arith.addi %xor3A_2903, %add3A_2908 : vector<16xi32>
        %select_n3A_2910 = arith.select %lt3A_2906, %add3A_2909, %xor3A_2903 : vector<16xi1>, vector<16xi32>
        %broadcast_in_dim3A_2911 = vector.shape_cast %select_n3A_2910 : vector<16xi32> to vector<16x1xi32>
        %gather3A_2912 = vector.shape_cast %broadcast_in_dim3A_2911 : vector<16x1xi32> to vector<16xi32>
        %gather3A_2913 = tpu.dynamic_gather %add3A_2900[%gather3A_2912] in [0] : vector<16xf32>, vector<16xi32> -> vector<16xf32>
        %add3A_2914 = arith.addf %add3A_2900, %gather3A_2913 : vector<16xf32>
        %div3A = arith.constant 1.000000e+00 : f32
        %div3A_2915 = vector.broadcast %div3A : f32 to vector<16xf32>
        %div3A_2916 = arith.divf %div3A_2915, %add3A_2914 : vector<16xf32>
        %mul3A_2917 = arith.mulf %exp3A, %div3A_2916 : vector<16xf32>
        %mul3A_2918 = arith.mulf %scan3A_2793#2, %mul3A_2917 : vector<16xf32>
        %add3A_2919 = arith.addf %mul3A_2797, %mul3A_2918 : vector<16xf32>
        %mul3A_2920 = arith.mulf %exp3A_2856, %div3A_2916 : vector<16xf32>
        %mul3A_2921 = arith.mulf %scan3A_2793#3, %mul3A_2920 : vector<16xf32>
        %add3A_2922 = arith.addf %mul3A_2800, %mul3A_2921 : vector<16xf32>
        %mul3A_2923 = arith.mulf %scan3A_2793#2, %add3A_2919 : vector<16xf32>
        %mul3A_2924 = arith.mulf %scan3A_2793#3, %add3A_2922 : vector<16xf32>
        %max3A_2925 = arith.maximumf %mul3A_2923, %mul3A_2924 : vector<16xf32>
        %iota3A_2926 = tpu.iota {dimensions = array<i32: 0>} : vector<16xi32>
        %xor3A_2927 = arith.constant 8 : i32
        %xor3A_2928 = vector.broadcast %xor3A_2927 : i32 to vector<16xi32>
        %xor3A_2929 = arith.xori %iota3A_2926, %xor3A_2928 : vector<16xi32>
        %lt3A_2930 = arith.constant 0 : i32
        %lt3A_2931 = vector.broadcast %lt3A_2930 : i32 to vector<16xi32>
        %lt3A_2932 = arith.cmpi slt, %xor3A_2929, %lt3A_2931 : vector<16xi32>
        %add3A_2933 = arith.constant 16 : i32
        %add3A_2934 = vector.broadcast %add3A_2933 : i32 to vector<16xi32>
        %add3A_2935 = arith.addi %xor3A_2929, %add3A_2934 : vector<16xi32>
        %select_n3A_2936 = arith.select %lt3A_2932, %add3A_2935, %xor3A_2929 : vector<16xi1>, vector<16xi32>
        %broadcast_in_dim3A_2937 = vector.shape_cast %select_n3A_2936 : vector<16xi32> to vector<16x1xi32>
        %gather3A_2938 = vector.shape_cast %broadcast_in_dim3A_2937 : vector<16x1xi32> to vector<16xi32>
        %gather3A_2939 = tpu.dynamic_gather %max3A_2925[%gather3A_2938] in [0] : vector<16xf32>, vector<16xi32> -> vector<16xf32>
        %max3A_2940 = arith.maximumf %max3A_2925, %gather3A_2939 : vector<16xf32>
        %xor3A_2941 = arith.constant 4 : i32
        %xor3A_2942 = vector.broadcast %xor3A_2941 : i32 to vector<16xi32>
        %xor3A_2943 = arith.xori %iota3A_2926, %xor3A_2942 : vector<16xi32>
        %lt3A_2944 = arith.constant 0 : i32
        %lt3A_2945 = vector.broadcast %lt3A_2944 : i32 to vector<16xi32>
        %lt3A_2946 = arith.cmpi slt, %xor3A_2943, %lt3A_2945 : vector<16xi32>
        %add3A_2947 = arith.constant 16 : i32
        %add3A_2948 = vector.broadcast %add3A_2947 : i32 to vector<16xi32>
        %add3A_2949 = arith.addi %xor3A_2943, %add3A_2948 : vector<16xi32>
        %select_n3A_2950 = arith.select %lt3A_2946, %add3A_2949, %xor3A_2943 : vector<16xi1>, vector<16xi32>
        %broadcast_in_dim3A_2951 = vector.shape_cast %select_n3A_2950 : vector<16xi32> to vector<16x1xi32>
        %gather3A_2952 = vector.shape_cast %broadcast_in_dim3A_2951 : vector<16x1xi32> to vector<16xi32>
        %gather3A_2953 = tpu.dynamic_gather %max3A_2940[%gather3A_2952] in [0] : vector<16xf32>, vector<16xi32> -> vector<16xf32>
        %max3A_2954 = arith.maximumf %max3A_2940, %gather3A_2953 : vector<16xf32>
        %xor3A_2955 = arith.constant 2 : i32
        %xor3A_2956 = vector.broadcast %xor3A_2955 : i32 to vector<16xi32>
        %xor3A_2957 = arith.xori %iota3A_2926, %xor3A_2956 : vector<16xi32>
        %lt3A_2958 = arith.constant 0 : i32
        %lt3A_2959 = vector.broadcast %lt3A_2958 : i32 to vector<16xi32>
        %lt3A_2960 = arith.cmpi slt, %xor3A_2957, %lt3A_2959 : vector<16xi32>
        %add3A_2961 = arith.constant 16 : i32
        %add3A_2962 = vector.broadcast %add3A_2961 : i32 to vector<16xi32>
        %add3A_2963 = arith.addi %xor3A_2957, %add3A_2962 : vector<16xi32>
        %select_n3A_2964 = arith.select %lt3A_2960, %add3A_2963, %xor3A_2957 : vector<16xi1>, vector<16xi32>
        %broadcast_in_dim3A_2965 = vector.shape_cast %select_n3A_2964 : vector<16xi32> to vector<16x1xi32>
        %gather3A_2966 = vector.shape_cast %broadcast_in_dim3A_2965 : vector<16x1xi32> to vector<16xi32>
        %gather3A_2967 = tpu.dynamic_gather %max3A_2954[%gather3A_2966] in [0] : vector<16xf32>, vector<16xi32> -> vector<16xf32>
        %max3A_2968 = arith.maximumf %max3A_2954, %gather3A_2967 : vector<16xf32>
        %xor3A_2969 = arith.constant 1 : i32
        %xor3A_2970 = vector.broadcast %xor3A_2969 : i32 to vector<16xi32>
        %xor3A_2971 = arith.xori %iota3A_2926, %xor3A_2970 : vector<16xi32>
        %lt3A_2972 = arith.constant 0 : i32
        %lt3A_2973 = vector.broadcast %lt3A_2972 : i32 to vector<16xi32>
        %lt3A_2974 = arith.cmpi slt, %xor3A_2971, %lt3A_2973 : vector<16xi32>
        %add3A_2975 = arith.constant 16 : i32
        %add3A_2976 = vector.broadcast %add3A_2975 : i32 to vector<16xi32>
        %add3A_2977 = arith.addi %xor3A_2971, %add3A_2976 : vector<16xi32>
        %select_n3A_2978 = arith.select %lt3A_2974, %add3A_2977, %xor3A_2971 : vector<16xi1>, vector<16xi32>
        %broadcast_in_dim3A_2979 = vector.shape_cast %select_n3A_2978 : vector<16xi32> to vector<16x1xi32>
        %gather3A_2980 = vector.shape_cast %broadcast_in_dim3A_2979 : vector<16x1xi32> to vector<16xi32>
        %gather3A_2981 = tpu.dynamic_gather %max3A_2968[%gather3A_2980] in [0] : vector<16xf32>, vector<16xi32> -> vector<16xf32>
        %max3A_2982 = arith.maximumf %max3A_2968, %gather3A_2981 : vector<16xf32>
        %sub3A_2983 = arith.subf %mul3A_2923, %max3A_2982 : vector<16xf32>
        %exp3A_2984 = math.exp %sub3A_2983 : vector<16xf32>
        %sub3A_2985 = arith.subf %mul3A_2924, %max3A_2982 : vector<16xf32>
        %exp3A_2986 = math.exp %sub3A_2985 : vector<16xf32>
        %add3A_2987 = arith.addf %exp3A_2984, %exp3A_2986 : vector<16xf32>
        %iota3A_2988 = tpu.iota {dimensions = array<i32: 0>} : vector<16xi32>
        %xor3A_2989 = arith.constant 8 : i32
        %xor3A_2990 = vector.broadcast %xor3A_2989 : i32 to vector<16xi32>
        %xor3A_2991 = arith.xori %iota3A_2988, %xor3A_2990 : vector<16xi32>
        %lt3A_2992 = arith.constant 0 : i32
        %lt3A_2993 = vector.broadcast %lt3A_2992 : i32 to vector<16xi32>
        %lt3A_2994 = arith.cmpi slt, %xor3A_2991, %lt3A_2993 : vector<16xi32>
        %add3A_2995 = arith.constant 16 : i32
        %add3A_2996 = vector.broadcast %add3A_2995 : i32 to vector<16xi32>
        %add3A_2997 = arith.addi %xor3A_2991, %add3A_2996 : vector<16xi32>
        %select_n3A_2998 = arith.select %lt3A_2994, %add3A_2997, %xor3A_2991 : vector<16xi1>, vector<16xi32>
        %broadcast_in_dim3A_2999 = vector.shape_cast %select_n3A_2998 : vector<16xi32> to vector<16x1xi32>
        %gather3A_3000 = vector.shape_cast %broadcast_in_dim3A_2999 : vector<16x1xi32> to vector<16xi32>
        %gather3A_3001 = tpu.dynamic_gather %add3A_2987[%gather3A_3000] in [0] : vector<16xf32>, vector<16xi32> -> vector<16xf32>
        %add3A_3002 = arith.addf %add3A_2987, %gather3A_3001 : vector<16xf32>
        %xor3A_3003 = arith.constant 4 : i32
        %xor3A_3004 = vector.broadcast %xor3A_3003 : i32 to vector<16xi32>
        %xor3A_3005 = arith.xori %iota3A_2988, %xor3A_3004 : vector<16xi32>
        %lt3A_3006 = arith.constant 0 : i32
        %lt3A_3007 = vector.broadcast %lt3A_3006 : i32 to vector<16xi32>
        %lt3A_3008 = arith.cmpi slt, %xor3A_3005, %lt3A_3007 : vector<16xi32>
        %add3A_3009 = arith.constant 16 : i32
        %add3A_3010 = vector.broadcast %add3A_3009 : i32 to vector<16xi32>
        %add3A_3011 = arith.addi %xor3A_3005, %add3A_3010 : vector<16xi32>
        %select_n3A_3012 = arith.select %lt3A_3008, %add3A_3011, %xor3A_3005 : vector<16xi1>, vector<16xi32>
        %broadcast_in_dim3A_3013 = vector.shape_cast %select_n3A_3012 : vector<16xi32> to vector<16x1xi32>
        %gather3A_3014 = vector.shape_cast %broadcast_in_dim3A_3013 : vector<16x1xi32> to vector<16xi32>
        %gather3A_3015 = tpu.dynamic_gather %add3A_3002[%gather3A_3014] in [0] : vector<16xf32>, vector<16xi32> -> vector<16xf32>
        %add3A_3016 = arith.addf %add3A_3002, %gather3A_3015 : vector<16xf32>
        %xor3A_3017 = arith.constant 2 : i32
        %xor3A_3018 = vector.broadcast %xor3A_3017 : i32 to vector<16xi32>
        %xor3A_3019 = arith.xori %iota3A_2988, %xor3A_3018 : vector<16xi32>
        %lt3A_3020 = arith.constant 0 : i32
        %lt3A_3021 = vector.broadcast %lt3A_3020 : i32 to vector<16xi32>
        %lt3A_3022 = arith.cmpi slt, %xor3A_3019, %lt3A_3021 : vector<16xi32>
        %add3A_3023 = arith.constant 16 : i32
        %add3A_3024 = vector.broadcast %add3A_3023 : i32 to vector<16xi32>
        %add3A_3025 = arith.addi %xor3A_3019, %add3A_3024 : vector<16xi32>
        %select_n3A_3026 = arith.select %lt3A_3022, %add3A_3025, %xor3A_3019 : vector<16xi1>, vector<16xi32>
        %broadcast_in_dim3A_3027 = vector.shape_cast %select_n3A_3026 : vector<16xi32> to vector<16x1xi32>
        %gather3A_3028 = vector.shape_cast %broadcast_in_dim3A_3027 : vector<16x1xi32> to vector<16xi32>
        %gather3A_3029 = tpu.dynamic_gather %add3A_3016[%gather3A_3028] in [0] : vector<16xf32>, vector<16xi32> -> vector<16xf32>
        %add3A_3030 = arith.addf %add3A_3016, %gather3A_3029 : vector<16xf32>
        %xor3A_3031 = arith.constant 1 : i32
        %xor3A_3032 = vector.broadcast %xor3A_3031 : i32 to vector<16xi32>
        %xor3A_3033 = arith.xori %iota3A_2988, %xor3A_3032 : vector<16xi32>
        %lt3A_3034 = arith.constant 0 : i32
        %lt3A_3035 = vector.broadcast %lt3A_3034 : i32 to vector<16xi32>
        %lt3A_3036 = arith.cmpi slt, %xor3A_3033, %lt3A_3035 : vector<16xi32>
        %add3A_3037 = arith.constant 16 : i32
        %add3A_3038 = vector.broadcast %add3A_3037 : i32 to vector<16xi32>
        %add3A_3039 = arith.addi %xor3A_3033, %add3A_3038 : vector<16xi32>
        %select_n3A_3040 = arith.select %lt3A_3036, %add3A_3039, %xor3A_3033 : vector<16xi1>, vector<16xi32>
        %broadcast_in_dim3A_3041 = vector.shape_cast %select_n3A_3040 : vector<16xi32> to vector<16x1xi32>
        %gather3A_3042 = vector.shape_cast %broadcast_in_dim3A_3041 : vector<16x1xi32> to vector<16xi32>
        %gather3A_3043 = tpu.dynamic_gather %add3A_3030[%gather3A_3042] in [0] : vector<16xf32>, vector<16xi32> -> vector<16xf32>
        %add3A_3044 = arith.addf %add3A_3030, %gather3A_3043 : vector<16xf32>
        %div3A_3045 = arith.constant 1.000000e+00 : f32
        %div3A_3046 = vector.broadcast %div3A_3045 : f32 to vector<16xf32>
        %div3A_3047 = arith.divf %div3A_3046, %add3A_3044 : vector<16xf32>
        %mul3A_3048 = arith.mulf %exp3A_2984, %div3A_3047 : vector<16xf32>
        %mul3A_3049 = arith.mulf %scan3A_2793#4, %mul3A_3048 : vector<16xf32>
        %swap3A_3050 = arith.index_cast %add3A_2785 : i32 to index
        %swap3A_3051 = arith.constant 0 : index
        %swap3A_3052 = tpu.vector_load %arg13[%swap3A_3050, %swap3A_3051] {strides = array<i32>} : memref<64x32xf32, #tpu.memory_space<vmem>>, vector<1x16xf32>,
        %swap3A_3053 = vector.shape_cast %swap3A_3052 : vector<1x16xf32> to vector<16xf32>
        %swap3A_3054 = vector.shape_cast %mul3A_3049 : vector<16xf32> to vector<1x16xf32>
        tpu.vector_store %arg13[%swap3A_3050, %swap3A_3051], %swap3A_3054 {strides = array<i32>} : memref<64x32xf32, #tpu.memory_space<vmem>>, vector<1x16xf32>,
        %mul3A_3055 = arith.mulf %exp3A_2986, %div3A_3047 : vector<16xf32>
        %mul3A_3056 = arith.mulf %scan3A_2793#5, %mul3A_3055 : vector<16xf32>
        %swap3A_3057 = arith.index_cast %add3A_2785 : i32 to index
        %swap3A_3058 = arith.constant 16 : index
        %swap3A_3059 = tpu.vector_load %arg13[%swap3A_3057, %swap3A_3058] {strides = array<i32>} : memref<64x32xf32, #tpu.memory_space<vmem>>, vector<1x16xf32>,
        %swap3A_3060 = vector.shape_cast %swap3A_3059 : vector<1x16xf32> to vector<16xf32>
        %swap3A_3061 = vector.shape_cast %mul3A_3056 : vector<16xf32> to vector<1x16xf32>
        tpu.vector_store %arg13[%swap3A_3057, %swap3A_3058], %swap3A_3061 {strides = array<i32>} : memref<64x32xf32, #tpu.memory_space<vmem>>, vector<1x16xf32>,
      }
      %scan3A_2775 = arith.constant 64 : i32
      %mul3A_2776 = arith.constant 1600 : i32
      %mul3A_2777 = arith.muli %add3A, %mul3A_2776 : i32
      %mul3A_2778 = arith.constant 64 : i32
      %mul3A_2779 = arith.muli %add3A_9, %mul3A_2778 : i32
      %add3A_2780 = arith.addi %mul3A_2777, %mul3A_2779 : i32
      "tpu.region"() ({
        %run_scoped3A = tpu.sem_alloc : memref<!tpu.dma_semaphore, #tpu.memory_space<semaphore_mem>>
        %dma_start3A_2781 = arith.constant 0 : i32
        %dma_start3A_2782 = tpu.memref_slice %arg5[%add3A_2780, %dma_start3A_2781] : memref<51200x32xf32, #tpu.memory_space<hbm>> -> memref<64x32xf32, #tpu.memory_space<hbm>>
        %dma_start3A_2783 = arith.constant 0 : i32
        %dma_start3A_2784 = tpu.memref_slice %arg5[%add3A_2780, %dma_start3A_2783] : memref<51200x32xf32, #tpu.memory_space<hbm>> -> memref<64x32xf32, #tpu.memory_space<hbm>>
        tpu.enqueue_dma source(%arg13 : memref<64x32xf32, #tpu.memory_space<vmem>>) target(%dma_start3A_2784 : memref<64x32xf32, #tpu.memory_space<hbm>>) target_semaphore(%run_scoped3A : memref<!tpu.dma_semaphore, #tpu.memory_space<semaphore_mem>>)
        %dma_wait3A_2785 = arith.constant 0 : i32
        %dma_wait3A_2786 = tpu.memref_slice %arg5[%add3A_2780, %dma_wait3A_2785] : memref<51200x32xf32, #tpu.memory_space<hbm>> -> memref<64x32xf32, #tpu.memory_space<hbm>>
        %dma_wait3A_2787 = arith.constant 0 : i32
        %dma_wait3A_2788 = tpu.memref_slice %arg5[%add3A_2780, %dma_wait3A_2787] : memref<51200x32xf32, #tpu.memory_space<hbm>> -> memref<64x32xf32, #tpu.memory_space<hbm>>
        tpu.wait_dma2 semaphore(%run_scoped3A : memref<!tpu.dma_semaphore, #tpu.memory_space<semaphore_mem>>) src(%arg13 : memref<64x32xf32, #tpu.memory_space<vmem>>) dst(%dma_wait3A_2788 : memref<64x32xf32, #tpu.memory_space<hbm>>)
        tpu.yield
      }) : () -> ()
    }
    %scan3A_4 = arith.constant 25 : i32
    return
  }
}

</mosaic_0001>

<sc_bundles>
// kernel: _encoder_sc.3.cloned.1.call-start
scs
__scs_entry_jumppad:
0x0: {  	(pc) =	sbr.rel $0x88, $3  }
0x1: {  	(tag) =	ssettag $0x0;
	lr =	simm.s32 $0x1  }
0x2: {  	[smem:$0x3F9E] =	sst lr;
	_ =	strace $0xD0000000  }
0x3: {  	_ = 	snop  }
0x4: {  	_ = 	snop  }
0x5: {  	_ = 	snop  }
0x6: {  	_ = 	snop  }
0x7: {  	_ = 	snop  }
__scs_overlays_trampoline_lowered:
0x8: {  	[smem:$0x3FAD] =	sst s0  }
0x9: {  	[smem:$0x3FAE] =	sst s1  }
0xa: {  	[smem:$0x3FAF] =	sst s2  }
0xb: {  	[smem:$0x3FB0] =	sst s3  }
0xc: {  	[smem:$0x3FB1] =	sst s4  }
0xd: {  	[smem:$0x3FB2] =	sst s5  }
0xe: {  	[smem:$0x3FB3] =	sst s6  }
0xf: {  	[smem:$0x3FB4] =	sst s7  }
0x10: {  	[smem:$0x3FB5] =	sst s8  }
0x11: {  	[smem:$0x3FB6] =	sst s9;
	s0 =	simm.s32 @!p0 $0x0  }
0x12: {  	s1 =	sld [smem:$0x3F9C];
	s0 =	simm.s32 @p0 $0x1  }
0x13: {  	[smem:$0x3FB7] =	sst s0;
	s0 =	simm.s32 @!p1 $0x0  }
0x14: {  	s2 =	sld [smem:$0x3F9B];
	s0 =	simm.s32 @p1 $0x1  }
0x15: {  	[smem:$0x3FB8] =	sst s0;
	s0 =	simm.s32 @!p2 $0x0  }
0x16: {  	s3 =	sld [smem:$0x3FDB];
	s0 =	simm.s32 @p2 $0x1  }
0x17: {  	s4 =	simm.s32 $0x1BF5;
	[smem:$0x3FBA] =	sst s0  }
0x18: {  	s0 =	sld [smem:$0x3F9D];
	_ =	swait.ge [sflag:s4], $0x0  }
0x19: {  	s7 =	sld [smem:$0x3F9E]  }
0x1a: {  	s8 =	sadd.s32 $0xFFFFE003, lr  }
0x1b: {  	s9 =	sadd.s32 $0xFFFFFEF7, lr;
	s5 =	simm.s32 $0xFFFFFFFF;
	p2 =	slt.u32 s8, $0xFFFFF086  }
0x1c: {  	p1 =	slt.u32 s9, $0xF7A;
	s5 =	simm.s32 @!p2 $0x0  }
0x1d: {  	s5 =	simm.s32 @p1 $0x1;
	p0 =	seq.s32 s7, s2  }
0x1e: {  	s7 =	smul.u32 @!p0 $0xF7A, s2;
	p2 =	seq.s32 @!p0 s5, $0x0  }
0x1f: {  	s9 =	smul.u32 $0xF7A, s1;
	s8 =	simm.s32 @!p0 $0x1BF5;
	p2 =	por !p2, p0  }
0x20: {  	[sflag:s8] =	ssyncset.s32 @!p0 $0xFFFFF086;
	s6 =	sadd.s32 @!p0 s3, s7;
	s7 =	simm.s32 @!p0 $0x108  }
0x21: {  	s3 =	sadd.s32 s3, s9;
	s6 =	sadd.s32 @!p0 $0x88, s6;
	s7 =	simm.s32 @p2 $0x1082  }
0x22: {  	[simem:s7], [sflag:s8] =	dma.local @!p0 [hbm:s6], $0xF7A  }
0x23: {  	s9 =	sor.u32 $0xD0000000, s2;
	s6 =	simm.s32 $0x108;
	_ =	swait.ge @!p0 [sflag:s8], $0x0  }
0x24: {  	s3 =	sadd.s32 $0x88, s3;
	s6 =	simm.s32 @!p1 $0x1082;
	[sflag:s4] =	ssyncset.s32 $0xFFFFF086  }
0x25: {  	[simem:s6], [sflag:s4] =	dma.local [hbm:s3], $0xF7A  }
0x26: {  	[smem:$0x3F9E] =	sst s1;
	(tag) =	ssettag s2;
	_ =	strace s9  }
0x27: {  	s1 =	sld [smem:$0x3FAE]  }
0x28: {  	s2 =	sld [smem:$0x3FAF]  }
0x29: {  	s4 =	sld [smem:$0x3FB1]  }
0x2a: {  	p0 =	seq.s32 s5, $0x0;
	s5 =	sld [smem:$0x3FB2]  }
0x2b: {  	s6 =	sld [smem:$0x3FB3]  }
0x2c: {  	s7 =	sld [smem:$0x3FB4]  }
0x2d: {  	s3 =	simm.s32 $0x108;
	s8 =	sld [smem:$0x3FB5]  }
0x2e: {  	s3 =	simm.s32 @!p0 $0x1082;
	s9 =	sld [smem:$0x3FB6]  }
0x2f: {  	lr =	sadd.s32 s0, s3;
	s0 =	sld [smem:$0x3FAD]  }
0x30: {  	s3 =	sld [smem:$0x3FB0]  }
0x31: {  	[smem:$0x3FB9] =	sst s10  }
0x32: {  	s10 =	sld [smem:$0x3FB7];
	_ =	sdelay $0x3  }
0x33: {  	p0 =	seq.s32 s10, $0x1;
	s10 =	sld [smem:$0x3FB9];
	_ =	sdelay $0x3  }
0x34: {  	[smem:$0x3FB9] =	sst s10  }
0x35: {  	s10 =	sld [smem:$0x3FB8];
	_ =	sdelay $0x3  }
0x36: {  	p1 =	seq.s32 s10, $0x1;
	s10 =	sld [smem:$0x3FB9];
	_ =	sdelay $0x3  }
0x37: {  	[smem:$0x3FB9] =	sst s10  }
0x38: {  	s10 =	sld [smem:$0x3FBA]  }
0x39: {  	_ = 	snop;
	(pc) =	sbr.ind lr, $3  }
0x3a: {  	_ = 	snop  }
0x3b: {  	_ = 	snop  }
0x3c: {  	p2 =	seq.s32 s10, $0x1;
	s10 =	sld [smem:$0x3FB9]  }
0x3d: {  	_ =	shalt  }
0x3e: {  	_ =	shalt  }
0x3f: {  	_ =	shalt  }
0x40: {  	_ =	shalt  }
0x41: {  	_ =	shalt  }
0x42: {  	_ =	shalt  }
0x43: {  	_ =	shalt  }
0x44: {  	_ =	shalt  }
0x45: {  	_ =	shalt  }
0x46: {  	_ =	shalt  }
0x47: {  	_ =	shalt  }
0x48: {  	_ =	shalt  }
0x49: {  	_ =	shalt  }
0x4a: {  	_ =	shalt  }
0x4b: {  	_ =	shalt  }
0x4c: {  	_ =	shalt  }
0x4d: {  	_ =	shalt  }
0x4e: {  	_ =	shalt  }
0x4f: {  	_ =	shalt  }
0x50: {  	_ =	shalt  }
0x51: {  	_ =	shalt  }
0x52: {  	_ =	shalt  }
0x53: {  	_ =	shalt  }
0x54: {  	_ =	shalt  }
0x55: {  	_ =	shalt  }
0x56: {  	_ =	shalt  }
0x57: {  	_ =	shalt  }
0x58: {  	_ =	shalt  }
0x59: {  	_ =	shalt  }
0x5a: {  	_ =	shalt  }
0x5b: {  	_ =	shalt  }
0x5c: {  	_ =	shalt  }
0x5d: {  	_ =	shalt  }
0x5e: {  	_ =	shalt  }
0x5f: {  	_ =	shalt  }
0x60: {  	_ =	shalt  }
0x61: {  	_ =	shalt  }
0x62: {  	_ =	shalt  }
0x63: {  	_ =	shalt  }
0x64: {  	_ =	shalt  }
0x65: {  	_ =	shalt  }
0x66: {  	_ =	shalt  }
0x67: {  	_ =	shalt  }
0x68: {  	_ =	shalt  }
0x69: {  	_ =	shalt  }
0x6a: {  	_ =	shalt  }
0x6b: {  	_ =	shalt  }
0x6c: {  	_ =	shalt  }
0x6d: {  	_ =	shalt  }
0x6e: {  	_ =	shalt  }
0x6f: {  	_ =	shalt  }
0x70: {  	_ =	shalt  }
0x71: {  	_ =	shalt  }
0x72: {  	_ =	shalt  }
0x73: {  	_ =	shalt  }
0x74: {  	_ =	shalt  }
0x75: {  	_ =	shalt  }
0x76: {  	_ =	shalt  }
0x77: {  	_ =	shalt  }
0x78: {  	_ =	shalt  }
0x79: {  	_ =	shalt  }
0x7a: {  	_ =	shalt  }
0x7b: {  	_ =	shalt  }
0x7c: {  	_ =	shalt  }
0x7d: {  	_ =	shalt  }
0x7e: {  	_ =	shalt  }
0x7f: {  	_ =	shalt  }
0x80: {  	_ =	shalt  }
0x81: {  	_ =	shalt  }
0x82: {  	_ =	shalt  }
0x83: {  	_ =	shalt  }
0x84: {  	_ =	shalt  }
0x85: {  	_ =	shalt  }
0x86: {  	_ =	shalt  }
0x87: {  	_ =	shalt  }
.Lfunc_end0:
.L_simem_size_0:
called_computation_lowered:
.L_overlay_start_0:
0x88: {  	s2 =	sld [smem:$0x3FD9]  }
0x89: {  	s3 =	sld [smem:$0x3FFE];
	_ =	sdelay $0x1  }
0x8a: {  	s1 =	srdreg.scid  }
0x8b: {  	s0 =	sand.u32 $0x1, s1  }
0x8c: {  	s17 =	sshll.u32 s0, $0xA;
	s2 =	sadd.s32 s3, s2  }
0x8d: {  	s2 =	sadd.s32 s2, s17  }
0x8e: {  	[smem:$0x3FC5] =	sst s2  }
0x8f: {  	_ = 	snop  }
0x90: {  	s2 =	sld [smem:$0x3FC9]  }
0x91: {  	s18 =	sld [smem:$0x3FD0];
	(tm) =	ssettm $0x1  }
0x92: {  	s4 =	sld [smem:$0x3FFB];
	_ =	sdelay $0x3  }
0x93: {  	_ =	strace s4  }
0x94: {  	s4 =	sld [smem:$0x3FFC];
	_ =	sdelay $0x3  }
0x95: {  	_ =	strace s4  }
0x96: {  	s4 =	sld [smem:$0x3FFD];
	_ =	sdelay $0x3  }
0x97: {  	_ =	strace s4  }
0x98: {  	_ =	strace $0x8FFFFFFF  }
0x99: {  	s19 =	sld [smem:$0x3FDB];
	_ =	sdelay $0x1  }
0x9a: {  	s5 =	simm.s32 $_scs_section_size  }
0x9b: {  	s6 =	simm.s32 $_size__tile_overlayer_lowered;
	s7 =	simm.s32 $_tile_overlayer_lowered  }
0x9c: {  	s22 =	simm.s32 $0x1BFF;
	s21 =	sshll.u32 s7, $0x1;
	s4 =	sadd.s32 s5, s19  }
0x9d: {  	s8 =	simm.s32 $0x0;
	s20 =	sshll.u32 s6, $0x1;
	s6 =	sadd.s32 s21, s4  }
0x9e: {  	[timem:s8], [sflag:s22] =	dma.local [hbm:s6], s20  }
0x9f: {  	_ =	swait.ge [sflag:s22], s20  }
0xa0: {  	s5 =	ssub.s32 $0x0, s20;
	[sflag:s22] =	ssyncset.done $0x0  }
0xa1: {  	[sflag:s22] =	ssyncadd.s32 s5;
	_ =	sdelay $0x1  }
0xa2: {  	s23 =	simm.s32 $0x1B8B  }
0xa3: {  	_ =	swait.ge [sflag:s23], $0x1  }
0xa4: {  	[sflag:s23] =	ssyncset.done $0x0  }
0xa5: {  	s25 =	simm.s32 $0x1B8E;
	s24 =	sld [smem:$0x3FFE];
	[sflag:s23] =	ssyncadd.s32 $0xFFFFFFFF  }
0xa6: {  	s26 =	simm.s32 $execute0_lowered;
	[smem:$0x3FD2] =	sst s25  }
0xa7: {  	s6 =	sshll.u32 s26, $0x1;
	_ =	strace $0x80000046;
	[dreg:$0x1] =	wrdreg $0xFFFFFFFF  }
0xa8: {  	s28 =	simm.s32 $_size_execute0_lowered;
	s4 =	sadd.s32 s4, s6;
	[dreg:$0x0] =	wrdreg $0x0  }
0xa9: {  	s6 =	sshll.u32 s28, $0x1;
	[dreg:$0x2] =	wrdreg s4  }
0xaa: {  	[dreg:$0x3] =	wrdreg s6  }
0xab: {  	[dreg:$0x4] =	wrdreg $0xC0  }
0xac: {  	_ =	task [dreg:s8], $0x5FFFF  }
0xad: {  	[dreg:$0x1] =	wrdreg $0xFFFFFFFF  }
0xae: {  	[dreg:$0x0] =	wrdreg $0x60  }
0xaf: {  	[dreg:$0x2] =	wrdreg s2  }
0xb0: {  	[dreg:$0x3] =	wrdreg s24  }
0xb1: {  	[dreg:$0x4] =	wrdreg s18  }
0xb2: {  	[dreg:$0x5] =	wrdreg $0x9  }
0xb3: {  	_ =	task.clear_ibuf [dreg:s8], $0x6FFFF;
	_ =	strace $0x90000046  }
0xb4: {  	s29 =	simm.s32 $0x9;
	_ =	strace $0x80000048  }
0xb5: {  	_ =	swait.ge [sflag:s29], $0x1  }
0xb6: {  	[sflag:s29] =	ssyncadd.s32 $0xFFFFFFFF  }
0xb7: {  	_ =	strace $0x90000048  }
0xb8: {  	_ =	sfence  }
0xb9: {  	s30 =	sld [smem:$0x0];
	_ =	sdelay $0x2  }
0xba: {  	s31 =	sshll.u32 s1, $0xD;
	s1 =	sshrl.u32 s1, $0x2  }
0xbb: {  	s3 =	sand.u32 $0x4000, s31;
	s1 =	sadd.s32 s1, s30  }
0xbc: {  	s0 =	sor.u32 s3, s0;
	s1 =	sshll.u32 s1, $0x11  }
0xbd: {  	s0 =	sor.u32 s1, s0  }
0xbe: {  	s0 =	sadd.s32 $0x8F2B, s0  }
0xbf: {  	[sflag:s0] =	ssyncadd.remote.s32 $0x1  }
0xc0: {  	_ =	sfence.sel $0xFFFF  }
0xc1: {  	[dreg:$0x0] =	wrdreg $0xFFFFFFFF;
	(pc) =	sbr.abs _section_cstart, $3  }
0xc2: {  	[dreg:$0x1] =	wrdreg $0xFFFFFFFF  }
0xc3: {  	_ =	task.clear_ibuf [dreg:s8], $0x2FFFF;
	_ =	strace $0x9FFFFFFF  }
0xc4: {  	(tm) =	ssettm $0x7FFFFFFF  }
0xc5: {  	_ =	shalt  }
tec
execute0_lowered:
.L_overlay_start_1:
0x0: {  	(tag) =	ssettag $0x1  }
0x1: {  	s0 =	rddreg [dreg:$0x1];
	s2 =	simm.s32 $0x0;
	s1 =	srdreg.scid;
	v0 =	vimm.s32 $0x76543210;
	v1 =	vimm.s32 $0xFEDCBA98;
	v2 =	vimm.s32 $0xBA98FEDC  }
0x2: {  	s3 =	stileid.u32;
	s10 =	simm.s32 $0x2;
	s11 =	simm.s32 $0x80;
	v3 =	vimm.s32 $0x32107654;
	v4 =	vimm.s32 $0xDCFE98BA;
	v5 =	vimm.s32 $0x54761032  }
0x3: {  	v6 =	vimm.s32 $0xEFCDAB89;
	s31 =	simm.s32 $0x1280;
	s9 =	simm.s32 $0x1C400;
	s12 =	simm.s32 $0x13400  }
0x4: {  	v7 =	vimm.s32 $0x67452301;
	s13 =	simm.s32 $0x900;
	s14 =	simm.s32 $0x1D400;
	s15 =	simm.s32 $0xE80  }
0x5: {  	s16 =	simm.s32 $0xA400;
	s17 =	simm.s32 $0x1380;
	s18 =	simm.s32 $0x14400;
	v1 =	vunpack.c.l.s4.s8 v1;
	v0 =	vunpack.c.l.s4.s8 v0;
	v2 =	vunpack.c.l.s4.s8 v2  }
0x6: {  	s19 =	simm.s32 $0x980;
	s20 =	simm.s32 $0x1E400;
	s21 =	simm.s32 $0x1;
	v3 =	vunpack.c.l.s4.s8 v3;
	v4 =	vunpack.c.l.s4.s8 v4;
	v5 =	vunpack.c.l.s4.s8 v5  }
0x7: {  	s22 =	simm.s32 $0x1F400;
	s24 =	simm.s32 $0x0;
	[smem:$0x7FF] =	sst s2;
	v6 =	vunpack.c.l.s4.s8 v6;
	v7 =	vunpack.c.l.s4.s8 v7;
	v1 =	vunpack.c.0.s8.s32 v1  }
0x8: {  	s1 =	sand.u32 $0x1, s1;
	s3 =	sshll.u32 s3, $0x1;
	s5 =	sadd.s32 $0x495200, s0;
	v2 =	vunpack.c.0.s8.s32 v2;
	v3 =	vunpack.c.0.s8.s32 v3;
	v4 =	vunpack.c.0.s8.s32 v4  }
0x9: {  	s6 =	sadd.s32 $0x187E00, s0;
	s2 =	simm.s32 $0x9400;
	s29 =	ssub.s32 $0x2, s1;
	v5 =	vunpack.c.0.s8.s32 v5;
	v6 =	vunpack.c.0.s8.s32 v6;
	v7 =	vunpack.c.0.s8.s32 v7  }
0xa: {  	_ =	strace $0x80000047;
	s1 =	sor.u32 s1, s3;
	s4 =	sshrl.u32 s29, $0x1;
	v0 =	vunpack.c.0.s8.s32 v0;
	v2 =	vcombine.low v3, v2  }
0xb: {  	s3 =	simm.s32 $0x880;
	s7 =	smul.u32 $0x7D00, s1;
	s30 =	ssub.s32 s29, s4;
	v3 =	vcombine.low v5, v4;
	v4 =	vcombine.low v7, v6;
	v1 =	vand.u32 $0xF, v1  }
0xc: {  	s8 =	smul.u32 $0xC800, s1;
	s1 =	simm.s32 $0xE00;
	s0 =	smax.u32 s30, $0x1;
	v0 =	vcombine.low v1, v0  }
0xd: {  	s4 =	simm.s32 $0x1300;
	[dreg:$0x4] =	wrdreg s0;
	s0 =	simm.s32 $0x12400;
	v1 =	vand.u32 $0xF, v2;
	v2 =	vand.u32 $0xF, v3;
	v3 =	vand.u32 $0xF, v4  }
.LBB2_1:
0xe: {  	[dreg:$0x5] =	wrdreg s24;
	s23 =	simm.s32 $0x0  }
.LBB2_2:
0xf: {  	s24 =	smul.u32 $0x500, s23;
	_ =	sdelay $0x1  }
0x10: {  	s24 =	sadd.s32 s7, s24  }
0x11: {  	s25 =	rddreg [dreg:$0x0];
	s24 =	sshrl.u32 s24, $0x3  }
0x12: {  	s25 =	sadd.s32 s25, s24;
	s24 =	simm.s32 $0x0  }
0x13: {  	[tilespmem:s24], [sflag:$0x2] =	stream.linear.gather [hbm4b:s25+s24], $0x500, $0x38;
	[tilespmem:$0x1FC00] =	vst v63  }
0x14: {  	_ =	swait.ge [sflag:s10], $0x500  }
0x15: {  	[sflag:s10] =	ssyncset.done $0x0  }
0x16: {  	[sflag:s10] =	ssyncadd.s32 $0xFFFFFB00  }
0x17: {  	v4 =	vld [tilespmem:$0x0]  }
0x18: {  	v5 =	vld [tilespmem:$0x10]  }
0x19: {  	v24 =	vld [tilespmem:$0x20]  }
0x1a: {  	v26 =	vld [tilespmem:$0x50]  }
0x1b: {  	v27 =	vld [tilespmem:$0x70]  }
0x1c: {  	[tilespmem:$0x500] =	vst v4  }
0x1d: {  	[tilespmem:$0x510] =	vst v5  }
0x1e: {  	[tilespmem:$0x520] =	vst v24  }
0x1f: {  	[tilespmem:$0x550] =	vst v26  }
0x20: {  	v28 =	vld [tilespmem:$0x90];
	v6 =	vadd.s32 $0x186A0, v4;
	v4 =	vadd.s32 $0x30D40, v4;
	[tilespmem:$0x570] =	vst v27  }
0x21: {  	v29 =	vld [tilespmem:$0xB0];
	[tilespmem:$0xF00] =	vst v4;
	v4 =	vadd.s32 $0x186A0, v5  }
0x22: {  	v30 =	vld [tilespmem:$0xD0];
	[tilespmem:$0xA10] =	vst v4;
	v4 =	vadd.s32 $0x30D40, v5  }
0x23: {  	v5 =	vld [tilespmem:$0x30];
	[tilespmem:$0xF10] =	vst v4;
	v4 =	vadd.s32 $0x186A0, v24  }
0x24: {  	[tilespmem:$0xA20] =	vst v4;
	v4 =	vld [tilespmem:$0x40]  }
0x25: {  	[tilespmem:$0x590] =	vst v28  }
0x26: {  	v31 =	vld [tilespmem:$0xF0];
	[tilespmem:$0x5B0] =	vst v29  }
0x27: {  	[tilespmem:$0x5D0] =	vst v30  }
0x28: {  	[tilespmem:$0x530] =	vst v5;
	v25 =	vadd.s32 $0x186A0, v5;
	v5 =	vadd.s32 $0x30D40, v5  }
0x29: {  	[tilespmem:$0xF30] =	vst v5;
	v5 =	vadd.s32 $0x186A0, v4  }
0x2a: {  	[tilespmem:$0xA40] =	vst v5;
	v5 =	vld [tilespmem:$0x60]  }
0x2b: {  	[tilespmem:$0x5F0] =	vst v31  }
0x2c: {  	v32 =	vld [tilespmem:$0x110];
	[tilespmem:$0x540] =	vst v4;
	v4 =	vadd.s32 $0x30D40, v4  }
0x2d: {  	[tilespmem:$0xF40] =	vst v4;
	v4 =	vadd.s32 $0x186A0, v26  }
0x2e: {  	[tilespmem:$0xA50] =	vst v4;
	v4 =	vadd.s32 $0x30D40, v26  }
0x2f: {  	[tilespmem:$0xF50] =	vst v4;
	v4 =	vadd.s32 $0x186A0, v5  }
0x30: {  	[tilespmem:$0xA60] =	vst v4;
	v4 =	vld [tilespmem:$0x80]  }
0x31: {  	[tilespmem:$0x610] =	vst v32  }
0x32: {  	v33 =	vld [tilespmem:$0x130];
	[tilespmem:$0x560] =	vst v5;
	v5 =	vadd.s32 $0x30D40, v5  }
0x33: {  	[tilespmem:$0xF60] =	vst v5;
	v5 =	vadd.s32 $0x186A0, v27  }
0x34: {  	[tilespmem:$0xA70] =	vst v5;
	v5 =	vadd.s32 $0x30D40, v27  }
0x35: {  	[tilespmem:$0xF70] =	vst v5;
	v5 =	vadd.s32 $0x186A0, v4  }
0x36: {  	[tilespmem:$0xA80] =	vst v5;
	v5 =	vld [tilespmem:$0xA0]  }
0x37: {  	[tilespmem:$0x630] =	vst v33  }
0x38: {  	v34 =	vld [tilespmem:$0x150];
	[tilespmem:$0x580] =	vst v4;
	v4 =	vadd.s32 $0x30D40, v4  }
0x39: {  	[tilespmem:$0xF80] =	vst v4;
	v4 =	vadd.s32 $0x186A0, v28  }
0x3a: {  	[tilespmem:$0xA90] =	vst v4;
	v4 =	vadd.s32 $0x30D40, v28  }
0x3b: {  	[tilespmem:$0xF90] =	vst v4;
	v4 =	vadd.s32 $0x186A0, v5  }
0x3c: {  	[tilespmem:$0xAA0] =	vst v4;
	v4 =	vld [tilespmem:$0xC0]  }
0x3d: {  	[tilespmem:$0x650] =	vst v34  }
0x3e: {  	v35 =	vld [tilespmem:$0x170];
	[tilespmem:$0x5A0] =	vst v5;
	v5 =	vadd.s32 $0x30D40, v5  }
0x3f: {  	[tilespmem:$0xFA0] =	vst v5;
	v5 =	vadd.s32 $0x186A0, v29  }
0x40: {  	[tilespmem:$0xAB0] =	vst v5;
	v5 =	vadd.s32 $0x30D40, v29  }
0x41: {  	[tilespmem:$0xFB0] =	vst v5;
	v5 =	vadd.s32 $0x186A0, v4  }
0x42: {  	[tilespmem:$0xAC0] =	vst v5;
	v5 =	vld [tilespmem:$0xE0]  }
0x43: {  	[tilespmem:$0x670] =	vst v35  }
0x44: {  	v36 =	vld [tilespmem:$0x190];
	[tilespmem:$0x5C0] =	vst v4;
	v4 =	vadd.s32 $0x30D40, v4  }
0x45: {  	[tilespmem:$0xFC0] =	vst v4;
	v4 =	vadd.s32 $0x186A0, v30  }
0x46: {  	[tilespmem:$0xAD0] =	vst v4;
	v4 =	vadd.s32 $0x30D40, v30  }
0x47: {  	[tilespmem:$0xFD0] =	vst v4;
	v4 =	vadd.s32 $0x186A0, v5  }
0x48: {  	[tilespmem:$0xAE0] =	vst v4;
	v4 =	vld [tilespmem:$0x100]  }
0x49: {  	[tilespmem:$0x690] =	vst v36  }
0x4a: {  	v37 =	vld [tilespmem:$0x1B0];
	[tilespmem:$0x5E0] =	vst v5;
	v5 =	vadd.s32 $0x30D40, v5  }
0x4b: {  	[tilespmem:$0xFE0] =	vst v5;
	v5 =	vadd.s32 $0x186A0, v31  }
0x4c: {  	[tilespmem:$0xAF0] =	vst v5;
	v5 =	vadd.s32 $0x30D40, v31  }
0x4d: {  	[tilespmem:$0xFF0] =	vst v5;
	v5 =	vadd.s32 $0x186A0, v4  }
0x4e: {  	[tilespmem:$0xB00] =	vst v5;
	v5 =	vld [tilespmem:$0x120]  }
0x4f: {  	[tilespmem:$0x6B0] =	vst v37  }
0x50: {  	v38 =	vld [tilespmem:$0x1D0];
	[tilespmem:$0x600] =	vst v4;
	v4 =	vadd.s32 $0x30D40, v4  }
0x51: {  	[tilespmem:$0x1000] =	vst v4;
	v4 =	vadd.s32 $0x186A0, v32  }
0x52: {  	[tilespmem:$0xB10] =	vst v4;
	v4 =	vadd.s32 $0x30D40, v32  }
0x53: {  	[tilespmem:$0x1010] =	vst v4;
	v4 =	vadd.s32 $0x186A0, v5  }
0x54: {  	[tilespmem:$0xB20] =	vst v4;
	v4 =	vld [tilespmem:$0x140]  }
0x55: {  	[tilespmem:$0x6D0] =	vst v38  }
0x56: {  	v39 =	vld [tilespmem:$0x1F0];
	[tilespmem:$0x620] =	vst v5;
	v5 =	vadd.s32 $0x30D40, v5  }
0x57: {  	[tilespmem:$0x1020] =	vst v5;
	v5 =	vadd.s32 $0x186A0, v33  }
0x58: {  	[tilespmem:$0xB30] =	vst v5;
	v5 =	vadd.s32 $0x30D40, v33  }
0x59: {  	[tilespmem:$0x1030] =	vst v5;
	v5 =	vadd.s32 $0x186A0, v4  }
0x5a: {  	[tilespmem:$0xB40] =	vst v5;
	v5 =	vld [tilespmem:$0x160]  }
0x5b: {  	[tilespmem:$0x6F0] =	vst v39  }
0x5c: {  	v40 =	vld [tilespmem:$0x210];
	[tilespmem:$0x640] =	vst v4;
	v4 =	vadd.s32 $0x30D40, v4  }
0x5d: {  	[tilespmem:$0x1040] =	vst v4;
	v4 =	vadd.s32 $0x186A0, v34  }
0x5e: {  	[tilespmem:$0xB50] =	vst v4;
	v4 =	vadd.s32 $0x30D40, v34  }
0x5f: {  	[tilespmem:$0x1050] =	vst v4;
	v4 =	vadd.s32 $0x186A0, v5  }
0x60: {  	[tilespmem:$0xB60] =	vst v4;
	v4 =	vld [tilespmem:$0x180]  }
0x61: {  	[tilespmem:$0x710] =	vst v40  }
0x62: {  	v41 =	vld [tilespmem:$0x230];
	[tilespmem:$0x660] =	vst v5;
	v5 =	vadd.s32 $0x30D40, v5  }
0x63: {  	[tilespmem:$0x1060] =	vst v5;
	v5 =	vadd.s32 $0x186A0, v35  }
0x64: {  	[tilespmem:$0xB70] =	vst v5;
	v5 =	vadd.s32 $0x30D40, v35  }
0x65: {  	[tilespmem:$0x1070] =	vst v5;
	v5 =	vadd.s32 $0x186A0, v4  }
0x66: {  	[tilespmem:$0xB80] =	vst v5;
	v5 =	vld [tilespmem:$0x1A0]  }
0x67: {  	[tilespmem:$0x730] =	vst v41  }
0x68: {  	v42 =	vld [tilespmem:$0x250];
	[tilespmem:$0x680] =	vst v4;
	v4 =	vadd.s32 $0x30D40, v4  }
0x69: {  	[tilespmem:$0x1080] =	vst v4;
	v4 =	vadd.s32 $0x186A0, v36  }
0x6a: {  	[tilespmem:$0xB90] =	vst v4;
	v4 =	vadd.s32 $0x30D40, v36  }
0x6b: {  	[tilespmem:$0x1090] =	vst v4;
	v4 =	vadd.s32 $0x186A0, v5  }
0x6c: {  	[tilespmem:$0xBA0] =	vst v4;
	v4 =	vld [tilespmem:$0x1C0]  }
0x6d: {  	[tilespmem:$0x750] =	vst v42  }
0x6e: {  	v43 =	vld [tilespmem:$0x270];
	[tilespmem:$0x6A0] =	vst v5;
	v5 =	vadd.s32 $0x30D40, v5  }
0x6f: {  	[tilespmem:$0x10A0] =	vst v5;
	v5 =	vadd.s32 $0x186A0, v37  }
0x70: {  	[tilespmem:$0xBB0] =	vst v5;
	v5 =	vadd.s32 $0x30D40, v37  }
0x71: {  	[tilespmem:$0x10B0] =	vst v5;
	v5 =	vadd.s32 $0x186A0, v4  }
0x72: {  	[tilespmem:$0xBC0] =	vst v5;
	v5 =	vld [tilespmem:$0x1E0]  }
0x73: {  	[tilespmem:$0x770] =	vst v43  }
0x74: {  	v44 =	vld [tilespmem:$0x290];
	[tilespmem:$0x6C0] =	vst v4;
	v4 =	vadd.s32 $0x30D40, v4  }
0x75: {  	[tilespmem:$0x10C0] =	vst v4;
	v4 =	vadd.s32 $0x186A0, v38  }
0x76: {  	[tilespmem:$0xBD0] =	vst v4;
	v4 =	vadd.s32 $0x30D40, v38  }
0x77: {  	[tilespmem:$0x10D0] =	vst v4;
	v4 =	vadd.s32 $0x186A0, v5  }
0x78: {  	[tilespmem:$0xBE0] =	vst v4;
	v4 =	vld [tilespmem:$0x200]  }
0x79: {  	[tilespmem:$0x790] =	vst v44  }
0x7a: {  	v45 =	vld [tilespmem:$0x2B0];
	[tilespmem:$0x6E0] =	vst v5;
	v5 =	vadd.s32 $0x30D40, v5  }
0x7b: {  	[tilespmem:$0x10E0] =	vst v5;
	v5 =	vadd.s32 $0x186A0, v39  }
0x7c: {  	[tilespmem:$0xBF0] =	vst v5;
	v5 =	vadd.s32 $0x30D40, v39  }
0x7d: {  	[tilespmem:$0x10F0] =	vst v5;
	v5 =	vadd.s32 $0x186A0, v4  }
0x7e: {  	[tilespmem:$0xC00] =	vst v5;
	v5 =	vld [tilespmem:$0x220]  }
0x7f: {  	[tilespmem:$0x7B0] =	vst v45  }
0x80: {  	v46 =	vld [tilespmem:$0x2D0];
	[tilespmem:$0x700] =	vst v4;
	v4 =	vadd.s32 $0x30D40, v4  }
0x81: {  	[tilespmem:$0x1100] =	vst v4;
	v4 =	vadd.s32 $0x186A0, v40  }
0x82: {  	[tilespmem:$0xC10] =	vst v4;
	v4 =	vadd.s32 $0x30D40, v40  }
0x83: {  	[tilespmem:$0x1110] =	vst v4;
	v4 =	vadd.s32 $0x186A0, v5  }
0x84: {  	[tilespmem:$0xC20] =	vst v4;
	v4 =	vld [tilespmem:$0x240]  }
0x85: {  	[tilespmem:$0x7D0] =	vst v46  }
0x86: {  	v47 =	vld [tilespmem:$0x2F0];
	[tilespmem:$0x720] =	vst v5;
	v5 =	vadd.s32 $0x30D40, v5  }
0x87: {  	[tilespmem:$0x1120] =	vst v5;
	v5 =	vadd.s32 $0x186A0, v41  }
0x88: {  	[tilespmem:$0xC30] =	vst v5;
	v5 =	vadd.s32 $0x30D40, v41  }
0x89: {  	[tilespmem:$0x1130] =	vst v5;
	v5 =	vadd.s32 $0x186A0, v4  }
0x8a: {  	[tilespmem:$0xC40] =	vst v5;
	v5 =	vld [tilespmem:$0x260]  }
0x8b: {  	[tilespmem:$0x7F0] =	vst v47  }
0x8c: {  	v48 =	vld [tilespmem:$0x310];
	[tilespmem:$0x740] =	vst v4;
	v4 =	vadd.s32 $0x30D40, v4  }
0x8d: {  	[tilespmem:$0x1140] =	vst v4;
	v4 =	vadd.s32 $0x186A0, v42  }
0x8e: {  	[tilespmem:$0xC50] =	vst v4;
	v4 =	vadd.s32 $0x30D40, v42  }
0x8f: {  	[tilespmem:$0x1150] =	vst v4;
	v4 =	vadd.s32 $0x186A0, v5  }
0x90: {  	[tilespmem:$0xC60] =	vst v4;
	v4 =	vld [tilespmem:$0x280]  }
0x91: {  	[tilespmem:$0x810] =	vst v48  }
0x92: {  	v49 =	vld [tilespmem:$0x330];
	[tilespmem:$0x760] =	vst v5;
	v5 =	vadd.s32 $0x30D40, v5  }
0x93: {  	[tilespmem:$0x1160] =	vst v5;
	v5 =	vadd.s32 $0x186A0, v43  }
0x94: {  	[tilespmem:$0xC70] =	vst v5;
	v5 =	vadd.s32 $0x30D40, v43  }
0x95: {  	[tilespmem:$0x1170] =	vst v5;
	v5 =	vadd.s32 $0x186A0, v4  }
0x96: {  	[tilespmem:$0xC80] =	vst v5;
	v5 =	vld [tilespmem:$0x2A0]  }
0x97: {  	[tilespmem:$0x830] =	vst v49  }
0x98: {  	v50 =	vld [tilespmem:$0x350];
	[tilespmem:$0x780] =	vst v4;
	v4 =	vadd.s32 $0x30D40, v4  }
0x99: {  	[tilespmem:$0x1180] =	vst v4;
	v4 =	vadd.s32 $0x186A0, v44  }
0x9a: {  	[tilespmem:$0xC90] =	vst v4;
	v4 =	vadd.s32 $0x30D40, v44  }
0x9b: {  	[tilespmem:$0x1190] =	vst v4;
	v4 =	vadd.s32 $0x186A0, v5  }
0x9c: {  	[tilespmem:$0xCA0] =	vst v4;
	v4 =	vld [tilespmem:$0x2C0]  }
0x9d: {  	[tilespmem:$0x850] =	vst v50  }
0x9e: {  	v51 =	vld [tilespmem:$0x370];
	[tilespmem:$0x7A0] =	vst v5;
	v5 =	vadd.s32 $0x30D40, v5  }
0x9f: {  	[tilespmem:$0x11A0] =	vst v5;
	v5 =	vadd.s32 $0x186A0, v45  }
0xa0: {  	[tilespmem:$0xCB0] =	vst v5;
	v5 =	vadd.s32 $0x30D40, v45  }
0xa1: {  	[tilespmem:$0x11B0] =	vst v5;
	v5 =	vadd.s32 $0x186A0, v4  }
0xa2: {  	[tilespmem:$0xCC0] =	vst v5;
	v5 =	vld [tilespmem:$0x2E0]  }
0xa3: {  	[tilespmem:$0x870] =	vst v51  }
0xa4: {  	v52 =	vld [tilespmem:$0x390];
	[tilespmem:$0x7C0] =	vst v4;
	v4 =	vadd.s32 $0x30D40, v4  }
0xa5: {  	[tilespmem:$0x11C0] =	vst v4;
	v4 =	vadd.s32 $0x186A0, v46  }
0xa6: {  	[tilespmem:$0xCD0] =	vst v4;
	v4 =	vadd.s32 $0x30D40, v46  }
0xa7: {  	[tilespmem:$0x11D0] =	vst v4;
	v4 =	vadd.s32 $0x186A0, v5  }
0xa8: {  	[tilespmem:$0xCE0] =	vst v4;
	v4 =	vld [tilespmem:$0x300]  }
0xa9: {  	[tilespmem:$0x890] =	vst v52  }
0xaa: {  	v53 =	vld [tilespmem:$0x3B0];
	[tilespmem:$0x7E0] =	vst v5;
	v5 =	vadd.s32 $0x30D40, v5  }
0xab: {  	[tilespmem:$0x11E0] =	vst v5;
	v5 =	vadd.s32 $0x186A0, v47  }
0xac: {  	[tilespmem:$0xCF0] =	vst v5;
	v5 =	vadd.s32 $0x30D40, v47  }
0xad: {  	[tilespmem:$0x11F0] =	vst v5;
	v5 =	vadd.s32 $0x186A0, v4  }
0xae: {  	[tilespmem:$0xD00] =	vst v5;
	v5 =	vld [tilespmem:$0x320]  }
0xaf: {  	[tilespmem:$0x8B0] =	vst v53  }
0xb0: {  	v54 =	vld [tilespmem:$0x3D0];
	[tilespmem:$0x800] =	vst v4;
	v4 =	vadd.s32 $0x30D40, v4  }
0xb1: {  	[tilespmem:$0x1200] =	vst v4;
	v4 =	vadd.s32 $0x186A0, v48  }
0xb2: {  	[tilespmem:$0xD10] =	vst v4;
	v4 =	vadd.s32 $0x30D40, v48  }
0xb3: {  	[tilespmem:$0x1210] =	vst v4;
	v4 =	vadd.s32 $0x186A0, v5  }
0xb4: {  	[tilespmem:$0xD20] =	vst v4;
	v4 =	vld [tilespmem:$0x340]  }
0xb5: {  	[tilespmem:$0x8D0] =	vst v54  }
0xb6: {  	v55 =	vld [tilespmem:$0x3F0];
	[tilespmem:$0x820] =	vst v5;
	v5 =	vadd.s32 $0x30D40, v5  }
0xb7: {  	[tilespmem:$0x1220] =	vst v5;
	v5 =	vadd.s32 $0x186A0, v49  }
0xb8: {  	[tilespmem:$0xD30] =	vst v5;
	v5 =	vadd.s32 $0x30D40, v49  }
0xb9: {  	[tilespmem:$0x1230] =	vst v5;
	v5 =	vadd.s32 $0x186A0, v4  }
0xba: {  	[tilespmem:$0xD40] =	vst v5;
	v5 =	vld [tilespmem:$0x360]  }
0xbb: {  	[tilespmem:$0x8F0] =	vst v55  }
0xbc: {  	v56 =	vld [tilespmem:$0x410];
	[tilespmem:$0x840] =	vst v4;
	v4 =	vadd.s32 $0x30D40, v4  }
0xbd: {  	[tilespmem:$0x1240] =	vst v4;
	v4 =	vadd.s32 $0x186A0, v50  }
0xbe: {  	[tilespmem:$0xD50] =	vst v4;
	v4 =	vadd.s32 $0x30D40, v50  }
0xbf: {  	[tilespmem:$0x1250] =	vst v4;
	v4 =	vadd.s32 $0x186A0, v5  }
0xc0: {  	[tilespmem:$0xD60] =	vst v4;
	v4 =	vld [tilespmem:$0x380]  }
0xc1: {  	[tilespmem:$0x910] =	vst v56  }
0xc2: {  	v57 =	vld [tilespmem:$0x430];
	[tilespmem:$0x860] =	vst v5;
	v5 =	vadd.s32 $0x30D40, v5  }
0xc3: {  	[tilespmem:$0x1260] =	vst v5;
	v5 =	vadd.s32 $0x186A0, v51  }
0xc4: {  	[tilespmem:$0xD70] =	vst v5;
	v5 =	vadd.s32 $0x30D40, v51  }
0xc5: {  	[tilespmem:$0x1270] =	vst v5;
	v5 =	vadd.s32 $0x186A0, v4  }
0xc6: {  	[tilespmem:$0xD80] =	vst v5;
	v5 =	vld [tilespmem:$0x3A0]  }
0xc7: {  	[tilespmem:$0x930] =	vst v57  }
0xc8: {  	v58 =	vld [tilespmem:$0x450];
	[tilespmem:$0x880] =	vst v4;
	v4 =	vadd.s32 $0x30D40, v4  }
0xc9: {  	[tilespmem:$0x1280] =	vst v4;
	v4 =	vadd.s32 $0x186A0, v52  }
0xca: {  	[tilespmem:$0xD90] =	vst v4;
	v4 =	vadd.s32 $0x30D40, v52  }
0xcb: {  	[tilespmem:$0x1290] =	vst v4;
	v4 =	vadd.s32 $0x186A0, v5  }
0xcc: {  	[tilespmem:$0xDA0] =	vst v4;
	v4 =	vld [tilespmem:$0x3C0]  }
0xcd: {  	[tilespmem:$0x950] =	vst v58  }
0xce: {  	v59 =	vld [tilespmem:$0x470];
	[tilespmem:$0x8A0] =	vst v5;
	v5 =	vadd.s32 $0x30D40, v5  }
0xcf: {  	[tilespmem:$0x12A0] =	vst v5;
	v5 =	vadd.s32 $0x186A0, v53  }
0xd0: {  	[tilespmem:$0xDB0] =	vst v5;
	v5 =	vadd.s32 $0x30D40, v53  }
0xd1: {  	[tilespmem:$0x12B0] =	vst v5;
	v5 =	vadd.s32 $0x186A0, v4  }
0xd2: {  	[tilespmem:$0xDC0] =	vst v5;
	v5 =	vld [tilespmem:$0x3E0]  }
0xd3: {  	[tilespmem:$0x970] =	vst v59  }
0xd4: {  	v60 =	vld [tilespmem:$0x490];
	[tilespmem:$0x8C0] =	vst v4;
	v4 =	vadd.s32 $0x30D40, v4  }
0xd5: {  	[tilespmem:$0x12C0] =	vst v4;
	v4 =	vadd.s32 $0x186A0, v54  }
0xd6: {  	[tilespmem:$0xDD0] =	vst v4;
	v4 =	vadd.s32 $0x30D40, v54  }
0xd7: {  	[tilespmem:$0x12D0] =	vst v4;
	v4 =	vadd.s32 $0x186A0, v5  }
0xd8: {  	[tilespmem:$0xDE0] =	vst v4;
	v4 =	vld [tilespmem:$0x400]  }
0xd9: {  	[tilespmem:$0x990] =	vst v60  }
0xda: {  	v61 =	vld [tilespmem:$0x4B0];
	[tilespmem:$0x8E0] =	vst v5;
	v5 =	vadd.s32 $0x30D40, v5  }
0xdb: {  	[tilespmem:$0x12E0] =	vst v5;
	v5 =	vadd.s32 $0x186A0, v55  }
0xdc: {  	[tilespmem:$0xDF0] =	vst v5;
	v5 =	vadd.s32 $0x30D40, v55  }
0xdd: {  	[tilespmem:$0x12F0] =	vst v5;
	v5 =	vadd.s32 $0x186A0, v4  }
0xde: {  	[tilespmem:$0xE00] =	vst v5;
	v5 =	vld [tilespmem:$0x420]  }
0xdf: {  	[tilespmem:$0x9B0] =	vst v61  }
0xe0: {  	v62 =	vld [tilespmem:$0x4D0];
	[tilespmem:$0x900] =	vst v4;
	v4 =	vadd.s32 $0x30D40, v4  }
0xe1: {  	[tilespmem:$0x1300] =	vst v4;
	v4 =	vadd.s32 $0x186A0, v56  }
0xe2: {  	[tilespmem:$0xE10] =	vst v4;
	v4 =	vadd.s32 $0x30D40, v56  }
0xe3: {  	[tilespmem:$0x1310] =	vst v4;
	v4 =	vadd.s32 $0x186A0, v5  }
0xe4: {  	[tilespmem:$0xE20] =	vst v4;
	v4 =	vld [tilespmem:$0x440]  }
0xe5: {  	[tilespmem:$0x9D0] =	vst v62  }
0xe6: {  	v63 =	vld [tilespmem:$0x4F0];
	[tilespmem:$0x920] =	vst v5;
	v5 =	vadd.s32 $0x30D40, v5  }
0xe7: {  	[tilespmem:$0x1320] =	vst v5;
	v5 =	vadd.s32 $0x186A0, v57  }
0xe8: {  	[tilespmem:$0xE30] =	vst v5;
	v5 =	vadd.s32 $0x30D40, v57  }
0xe9: {  	[tilespmem:$0x1330] =	vst v5;
	v5 =	vadd.s32 $0x186A0, v4  }
0xea: {  	[tilespmem:$0xE40] =	vst v5;
	v5 =	vld [tilespmem:$0x460]  }
0xeb: {  	[tilespmem:$0x9F0] =	vst v63  }
0xec: {  	[tilespmem:$0x940] =	vst v4;
	v4 =	vadd.s32 $0x30D40, v4  }
0xed: {  	[tilespmem:$0x1340] =	vst v4;
	v4 =	vadd.s32 $0x186A0, v58  }
0xee: {  	[tilespmem:$0xE50] =	vst v4;
	v4 =	vadd.s32 $0x30D40, v58  }
0xef: {  	[tilespmem:$0x1350] =	vst v4;
	v4 =	vadd.s32 $0x186A0, v5  }
0xf0: {  	[tilespmem:$0xE60] =	vst v4;
	v4 =	vld [tilespmem:$0x480]  }
0xf1: {  	[tilespmem:$0xA00] =	vst v6  }
0xf2: {  	[tilespmem:$0x960] =	vst v5;
	v5 =	vadd.s32 $0x30D40, v5  }
0xf3: {  	[tilespmem:$0x1360] =	vst v5;
	v5 =	vadd.s32 $0x186A0, v59  }
0xf4: {  	[tilespmem:$0xE70] =	vst v5;
	v5 =	vadd.s32 $0x30D40, v59  }
0xf5: {  	[tilespmem:$0x1370] =	vst v5;
	v5 =	vadd.s32 $0x186A0, v4  }
0xf6: {  	v6 =	vadd.s32 $0x30D40, v24;
	[tilespmem:$0xE80] =	vst v5;
	v5 =	vld [tilespmem:$0x4A0]  }
0xf7: {  	[tilespmem:$0xF20] =	vst v6  }
0xf8: {  	[tilespmem:$0x980] =	vst v4;
	v4 =	vadd.s32 $0x30D40, v4  }
0xf9: {  	[tilespmem:$0x1380] =	vst v4;
	v4 =	vadd.s32 $0x186A0, v60  }
0xfa: {  	[tilespmem:$0xE90] =	vst v4;
	v4 =	vadd.s32 $0x30D40, v60  }
0xfb: {  	[tilespmem:$0x1390] =	vst v4;
	v4 =	vadd.s32 $0x186A0, v5  }
0xfc: {  	[tilespmem:$0xEA0] =	vst v4;
	v4 =	vld [tilespmem:$0x4C0]  }
0xfd: {  	[tilespmem:$0xA30] =	vst v25  }
0xfe: {  	[tilespmem:$0x9A0] =	vst v5;
	v5 =	vadd.s32 $0x30D40, v5  }
0xff: {  	[tilespmem:$0x13A0] =	vst v5;
	v5 =	vadd.s32 $0x186A0, v61  }
0x100: {  	[tilespmem:$0xEB0] =	vst v5;
	v5 =	vadd.s32 $0x30D40, v61  }
0x101: {  	[tilespmem:$0x13B0] =	vst v5;
	v5 =	vadd.s32 $0x186A0, v4  }
0x102: {  	[tilespmem:$0xEC0] =	vst v5;
	v5 =	vld [tilespmem:$0x4E0]  }
0x103: {  	[tilespmem:$0x9C0] =	vst v4;
	v4 =	vadd.s32 $0x30D40, v4  }
0x104: {  	[tilespmem:$0x13C0] =	vst v4;
	v4 =	vadd.s32 $0x186A0, v62  }
0x105: {  	[tilespmem:$0xED0] =	vst v4;
	v4 =	vadd.s32 $0x30D40, v62  }
0x106: {  	[tilespmem:$0x13D0] =	vst v4  }
0x107: {  	v4 =	vadd.s32 $0x186A0, v5;
	[tilespmem:$0x9E0] =	vst v5  }
0x108: {  	[tilespmem:$0xEE0] =	vst v4;
	v4 =	vadd.s32 $0x30D40, v5  }
0x109: {  	[tilespmem:$0x13E0] =	vst v4;
	v4 =	vadd.s32 $0x186A0, v63  }
0x10a: {  	[tilespmem:$0xEF0] =	vst v4;
	v4 =	vadd.s32 $0x30D40, v63  }
0x10b: {  	s26 =	simm.s32 $0xA00;
	s25 =	simm.s32 $0x1400;
	[tilespmem:$0x13F0] =	vst v4  }
0x10c: {  	[tilespmem:s25], [sflag:$0x1] =	stream.indirect.gather [hbm4b:s5+s11], $0x20, s26, s11, $0xb8;
	[tilespmem:$0x1FC00] =	vst v63  }
0x10d: {  	s30 =	simm.s32 $0xF00;
	s28 =	simm.s32 $0xB400  }
0x10e: {  	[tilespmem:s28], [sflag:$0x1] =	stream.indirect.gather [hbm4b:s5+s11], $0x20, s30, s11, $0xb8;
	[tilespmem:$0x1FC00] =	vst v63  }
0x10f: {  	s29 =	simm.s32 $0x500;
	s28 =	simm.s32 $0x15400  }
0x110: {  	[tilespmem:s28], [sflag:$0x1] =	stream.indirect.gather [hbm4b:s6+s11], $0x20, s29, s11, $0xb8;
	[tilespmem:$0x1FC00] =	vst v63  }
0x111: {  	s30 =	simm.s32 $0xA80;
	s28 =	simm.s32 $0x2400  }
0x112: {  	[tilespmem:s28], [sflag:$0x1] =	stream.indirect.gather [hbm4b:s5+s11], $0x20, s30, s11, $0xb8;
	[tilespmem:$0x1FC00] =	vst v63  }
0x113: {  	s29 =	simm.s32 $0xF80;
	s28 =	simm.s32 $0xC400  }
0x114: {  	[tilespmem:s28], [sflag:$0x1] =	stream.indirect.gather [hbm4b:s5+s11], $0x20, s29, s11, $0xb8;
	[tilespmem:$0x1FC00] =	vst v63  }
0x115: {  	s30 =	simm.s32 $0x580;
	s28 =	simm.s32 $0x16400  }
0x116: {  	[tilespmem:s28], [sflag:$0x1] =	stream.indirect.gather [hbm4b:s6+s11], $0x20, s30, s11, $0xb8;
	[tilespmem:$0x1FC00] =	vst v63  }
0x117: {  	s29 =	simm.s32 $0xB00;
	s28 =	simm.s32 $0x3400  }
0x118: {  	[tilespmem:s28], [sflag:$0x1] =	stream.indirect.gather [hbm4b:s5+s11], $0x20, s29, s11, $0xb8;
	[tilespmem:$0x1FC00] =	vst v63  }
0x119: {  	s30 =	simm.s32 $0x1000;
	s28 =	simm.s32 $0xD400  }
0x11a: {  	[tilespmem:s28], [sflag:$0x1] =	stream.indirect.gather [hbm4b:s5+s11], $0x20, s30, s11, $0xb8;
	[tilespmem:$0x1FC00] =	vst v63  }
0x11b: {  	s29 =	simm.s32 $0x600;
	s28 =	simm.s32 $0x17400  }
0x11c: {  	[tilespmem:s28], [sflag:$0x1] =	stream.indirect.gather [hbm4b:s6+s11], $0x20, s29, s11, $0xb8;
	[tilespmem:$0x1FC00] =	vst v63  }
0x11d: {  	s30 =	simm.s32 $0xB80;
	s28 =	simm.s32 $0x4400  }
0x11e: {  	[tilespmem:s28], [sflag:$0x1] =	stream.indirect.gather [hbm4b:s5+s11], $0x20, s30, s11, $0xb8;
	[tilespmem:$0x1FC00] =	vst v63  }
0x11f: {  	s29 =	simm.s32 $0x1080;
	s28 =	simm.s32 $0xE400  }
0x120: {  	[tilespmem:s28], [sflag:$0x1] =	stream.indirect.gather [hbm4b:s5+s11], $0x20, s29, s11, $0xb8;
	[tilespmem:$0x1FC00] =	vst v63  }
0x121: {  	s30 =	simm.s32 $0x680;
	s28 =	simm.s32 $0x18400  }
0x122: {  	[tilespmem:s28], [sflag:$0x1] =	stream.indirect.gather [hbm4b:s6+s11], $0x20, s30, s11, $0xb8;
	[tilespmem:$0x1FC00] =	vst v63  }
0x123: {  	s29 =	simm.s32 $0xC00;
	s28 =	simm.s32 $0x5400  }
0x124: {  	[tilespmem:s28], [sflag:$0x1] =	stream.indirect.gather [hbm4b:s5+s11], $0x20, s29, s11, $0xb8;
	[tilespmem:$0x1FC00] =	vst v63  }
0x125: {  	s30 =	simm.s32 $0x1100;
	s28 =	simm.s32 $0xF400  }
0x126: {  	[tilespmem:s28], [sflag:$0x1] =	stream.indirect.gather [hbm4b:s5+s11], $0x20, s30, s11, $0xb8;
	[tilespmem:$0x1FC00] =	vst v63  }
0x127: {  	s29 =	simm.s32 $0x700;
	s28 =	simm.s32 $0x19400  }
0x128: {  	[tilespmem:s28], [sflag:$0x1] =	stream.indirect.gather [hbm4b:s6+s11], $0x20, s29, s11, $0xb8;
	[tilespmem:$0x1FC00] =	vst v63  }
0x129: {  	s30 =	simm.s32 $0xC80;
	s28 =	simm.s32 $0x6400  }
0x12a: {  	[tilespmem:s28], [sflag:$0x1] =	stream.indirect.gather [hbm4b:s5+s11], $0x20, s30, s11, $0xb8;
	[tilespmem:$0x1FC00] =	vst v63  }
0x12b: {  	s29 =	simm.s32 $0x1180;
	s28 =	simm.s32 $0x10400  }
0x12c: {  	[tilespmem:s28], [sflag:$0x1] =	stream.indirect.gather [hbm4b:s5+s11], $0x20, s29, s11, $0xb8;
	[tilespmem:$0x1FC00] =	vst v63  }
0x12d: {  	s30 =	simm.s32 $0x780;
	s28 =	simm.s32 $0x1A400  }
0x12e: {  	[tilespmem:s28], [sflag:$0x1] =	stream.indirect.gather [hbm4b:s6+s11], $0x20, s30, s11, $0xb8;
	[tilespmem:$0x1FC00] =	vst v63  }
0x12f: {  	s29 =	simm.s32 $0xD00;
	s28 =	simm.s32 $0x7400  }
0x130: {  	[tilespmem:s28], [sflag:$0x1] =	stream.indirect.gather [hbm4b:s5+s11], $0x20, s29, s11, $0xb8;
	[tilespmem:$0x1FC00] =	vst v63  }
0x131: {  	s30 =	simm.s32 $0x1200;
	s28 =	simm.s32 $0x11400  }
0x132: {  	[tilespmem:s28], [sflag:$0x1] =	stream.indirect.gather [hbm4b:s5+s11], $0x20, s30, s11, $0xb8;
	[tilespmem:$0x1FC00] =	vst v63  }
0x133: {  	s29 =	simm.s32 $0x800;
	s28 =	simm.s32 $0x1B400  }
0x134: {  	[tilespmem:s28], [sflag:$0x1] =	stream.indirect.gather [hbm4b:s6+s11], $0x20, s29, s11, $0xb8;
	[tilespmem:$0x1FC00] =	vst v63  }
0x135: {  	s30 =	simm.s32 $0xD80;
	s28 =	simm.s32 $0x8400  }
0x136: {  	[tilespmem:s28], [sflag:$0x1] =	stream.indirect.gather [hbm4b:s5+s11], $0x20, s30, s11, $0xb8;
	[tilespmem:$0x1FC00] =	vst v63  }
0x137: {  	_ = 	snop  }
0x138: {  	[tilespmem:s0], [sflag:$0x1] =	stream.indirect.gather [hbm4b:s5+s11], $0x20, s31, s11, $0xb8;
	[tilespmem:$0x1FC00] =	vst v63  }
0x139: {  	_ = 	snop  }
0x13a: {  	[tilespmem:s9], [sflag:$0x1] =	stream.indirect.gather [hbm4b:s6+s11], $0x20, s3, s11, $0xb8;
	[tilespmem:$0x1FC00] =	vst v63  }
0x13b: {  	_ = 	snop  }
0x13c: {  	[tilespmem:s2], [sflag:$0x1] =	stream.indirect.gather [hbm4b:s5+s11], $0x20, s1, s11, $0xb8;
	[tilespmem:$0x1FC00] =	vst v63  }
0x13d: {  	_ = 	snop  }
0x13e: {  	[tilespmem:s12], [sflag:$0x1] =	stream.indirect.gather [hbm4b:s5+s11], $0x20, s4, s11, $0xb8;
	[tilespmem:$0x1FC00] =	vst v63  }
0x13f: {  	_ = 	snop  }
0x140: {  	[tilespmem:s14], [sflag:$0x1] =	stream.indirect.gather [hbm4b:s6+s11], $0x20, s13, s11, $0xb8;
	[tilespmem:$0x1FC00] =	vst v63  }
0x141: {  	_ = 	snop  }
0x142: {  	[tilespmem:s16], [sflag:$0x1] =	stream.indirect.gather [hbm4b:s5+s11], $0x20, s15, s11, $0xb8;
	[tilespmem:$0x1FC00] =	vst v63  }
0x143: {  	_ = 	snop  }
0x144: {  	[tilespmem:s18], [sflag:$0x1] =	stream.indirect.gather [hbm4b:s5+s11], $0x20, s17, s11, $0xb8;
	[tilespmem:$0x1FC00] =	vst v63  }
0x145: {  	_ = 	snop  }
0x146: {  	[tilespmem:s20], [sflag:$0x1] =	stream.indirect.gather [hbm4b:s6+s11], $0x20, s19, s11, $0xb8;
	[tilespmem:$0x1FC00] =	vst v63  }
0x147: {  	_ =	swait.ge [sflag:s21], $0x1000  }
0x148: {  	[sflag:s21] =	ssyncset.done $0x0  }
0x149: {  	[sflag:s21] =	ssyncadd.s32 $0xFFFFF000  }
0x14a: {  	_ =	swait.ge [sflag:s21], $0x1000  }
0x14b: {  	[sflag:s21] =	ssyncset.done $0x0  }
0x14c: {  	[sflag:s21] =	ssyncadd.s32 $0xFFFFF000  }
0x14d: {  	_ =	swait.ge [sflag:s21], $0x1000  }
0x14e: {  	[sflag:s21] =	ssyncset.done $0x0  }
0x14f: {  	[sflag:s21] =	ssyncadd.s32 $0xFFFFF000  }
0x150: {  	_ =	swait.ge [sflag:s21], $0x1000  }
0x151: {  	[sflag:s21] =	ssyncset.done $0x0  }
0x152: {  	[sflag:s21] =	ssyncadd.s32 $0xFFFFF000  }
0x153: {  	_ =	swait.ge [sflag:s21], $0x1000  }
0x154: {  	[sflag:s21] =	ssyncset.done $0x0  }
0x155: {  	[sflag:s21] =	ssyncadd.s32 $0xFFFFF000  }
0x156: {  	_ =	swait.ge [sflag:s21], $0x1000  }
0x157: {  	[sflag:s21] =	ssyncset.done $0x0  }
0x158: {  	[sflag:s21] =	ssyncadd.s32 $0xFFFFF000  }
0x159: {  	_ =	swait.ge [sflag:s21], $0x1000  }
0x15a: {  	[sflag:s21] =	ssyncset.done $0x0  }
0x15b: {  	[sflag:s21] =	ssyncadd.s32 $0xFFFFF000  }
0x15c: {  	_ =	swait.ge [sflag:s21], $0x1000  }
0x15d: {  	[sflag:s21] =	ssyncset.done $0x0  }
0x15e: {  	[sflag:s21] =	ssyncadd.s32 $0xFFFFF000  }
0x15f: {  	_ =	swait.ge [sflag:s21], $0x1000  }
0x160: {  	[sflag:s21] =	ssyncset.done $0x0  }
0x161: {  	[sflag:s21] =	ssyncadd.s32 $0xFFFFF000  }
0x162: {  	_ =	swait.ge [sflag:s21], $0x1000  }
0x163: {  	[sflag:s21] =	ssyncset.done $0x0  }
0x164: {  	[sflag:s21] =	ssyncadd.s32 $0xFFFFF000  }
0x165: {  	_ =	swait.ge [sflag:s21], $0x1000  }
0x166: {  	[sflag:s21] =	ssyncset.done $0x0  }
0x167: {  	[sflag:s21] =	ssyncadd.s32 $0xFFFFF000  }
0x168: {  	_ =	swait.ge [sflag:s21], $0x1000  }
0x169: {  	[sflag:s21] =	ssyncset.done $0x0  }
0x16a: {  	[sflag:s21] =	ssyncadd.s32 $0xFFFFF000  }
0x16b: {  	_ =	swait.ge [sflag:s21], $0x1000  }
0x16c: {  	[sflag:s21] =	ssyncset.done $0x0  }
0x16d: {  	[sflag:s21] =	ssyncadd.s32 $0xFFFFF000  }
0x16e: {  	_ =	swait.ge [sflag:s21], $0x1000  }
0x16f: {  	[sflag:s21] =	ssyncset.done $0x0  }
0x170: {  	[sflag:s21] =	ssyncadd.s32 $0xFFFFF000  }
0x171: {  	_ =	swait.ge [sflag:s21], $0x1000  }
0x172: {  	[sflag:s21] =	ssyncset.done $0x0  }
0x173: {  	[sflag:s21] =	ssyncadd.s32 $0xFFFFF000  }
0x174: {  	_ =	swait.ge [sflag:s21], $0x1000  }
0x175: {  	[sflag:s21] =	ssyncset.done $0x0  }
0x176: {  	[sflag:s21] =	ssyncadd.s32 $0xFFFFF000  }
0x177: {  	_ =	swait.ge [sflag:s21], $0x1000  }
0x178: {  	[sflag:s21] =	ssyncset.done $0x0  }
0x179: {  	[sflag:s21] =	ssyncadd.s32 $0xFFFFF000  }
0x17a: {  	_ =	swait.ge [sflag:s21], $0x1000  }
0x17b: {  	[sflag:s21] =	ssyncset.done $0x0  }
0x17c: {  	[sflag:s21] =	ssyncadd.s32 $0xFFFFF000  }
0x17d: {  	_ =	swait.ge [sflag:s21], $0x1000  }
0x17e: {  	[sflag:s21] =	ssyncset.done $0x0  }
0x17f: {  	[sflag:s21] =	ssyncadd.s32 $0xFFFFF000  }
0x180: {  	_ =	swait.ge [sflag:s21], $0x1000  }
0x181: {  	[sflag:s21] =	ssyncset.done $0x0  }
0x182: {  	[sflag:s21] =	ssyncadd.s32 $0xFFFFF000  }
0x183: {  	_ =	swait.ge [sflag:s21], $0x1000  }
0x184: {  	[sflag:s21] =	ssyncset.done $0x0  }
0x185: {  	[sflag:s21] =	ssyncadd.s32 $0xFFFFF000  }
0x186: {  	_ =	swait.ge [sflag:s21], $0x1000  }
0x187: {  	[sflag:s21] =	ssyncset.done $0x0  }
0x188: {  	[sflag:s21] =	ssyncadd.s32 $0xFFFFF000  }
0x189: {  	_ =	swait.ge [sflag:s21], $0x1000  }
0x18a: {  	[sflag:s21] =	ssyncset.done $0x0  }
0x18b: {  	[sflag:s21] =	ssyncadd.s32 $0xFFFFF000  }
0x18c: {  	_ =	swait.ge [sflag:s21], $0x1000  }
0x18d: {  	[sflag:s21] =	ssyncset.done $0x0  }
0x18e: {  	[sflag:s21] =	ssyncadd.s32 $0xFFFFF000  }
0x18f: {  	_ =	swait.ge [sflag:s21], $0x1000  }
0x190: {  	[sflag:s21] =	ssyncset.done $0x0  }
0x191: {  	[sflag:s21] =	ssyncadd.s32 $0xFFFFF000  }
0x192: {  	_ =	swait.ge [sflag:s21], $0x1000  }
0x193: {  	[sflag:s21] =	ssyncset.done $0x0  }
0x194: {  	[sflag:s21] =	ssyncadd.s32 $0xFFFFF000  }
0x195: {  	_ =	swait.ge [sflag:s21], $0x1000  }
0x196: {  	[sflag:s21] =	ssyncset.done $0x0  }
0x197: {  	[sflag:s21] =	ssyncadd.s32 $0xFFFFF000  }
0x198: {  	_ =	swait.ge [sflag:s21], $0x1000  }
0x199: {  	[sflag:s21] =	ssyncset.done $0x0  }
0x19a: {  	[sflag:s21] =	ssyncadd.s32 $0xFFFFF000  }
0x19b: {  	_ =	swait.ge [sflag:s21], $0x1000  }
0x19c: {  	[sflag:s21] =	ssyncset.done $0x0  }
0x19d: {  	[sflag:s21] =	ssyncadd.s32 $0xFFFFF000  }
0x19e: {  	_ =	swait.ge [sflag:s21], $0x1000  }
0x19f: {  	[sflag:s21] =	ssyncset.done $0x0  }
0x1a0: {  	s26 =	simm.s32 $0xB410;
	s28 =	simm.s32 $0x15410;
	[sflag:s21] =	ssyncadd.s32 $0xFFFFF000  }
.LBB2_3:
0x1a1: {  	v4 =	vmov s28  }
0x1a2: {  	v13 =	vmov s25;
	_ =	sdelay $0x1  }
0x1a3: {  	v14 =	vmov s26  }
0x1a4: {  	s30 =	simm.s32 $0x0  }
0x1a5: {  	v6 =	vld.idx.msk [tilespmem:v4+s30+$0x0 ss:$0x1], $0xffff  }
0x1a6: {  	v9 =	vld.idx.msk [tilespmem:v13+s30+$0x0 ss:$0x1], $0xffff  }
0x1a7: {  	v10 =	vld.idx.msk [tilespmem:v13+s30+$0x10 ss:$0x1], $0xffff  }
0x1a8: {  	v11 =	vld.idx.msk [tilespmem:v14+s30+$0xFFFFFFF0 ss:$0x1], $0xffff  }
0x1a9: {  	v19 =	vld.idx.msk [tilespmem:v14+s30+$0x0 ss:$0x1], $0xffff  }
0x1aa: {  	s29 =	simm.s32 $0x20;
	v7 =	vld.idx.msk [tilespmem:v4+s30+$0xFFFFFFF0 ss:$0x1], $0xffff  }
0x1ab: {  	v5 =	vld.idx.msk [tilespmem:v4+s29+$0x0 ss:$0x1], $0xffff  }
0x1ac: {  	v8 =	vimm.f32 $0.0e+00;
	v15 =	vld.idx.msk [tilespmem:v13+s29+$0x0 ss:$0x1], $0xffff  }
0x1ad: {  	v16 =	vld.idx.msk [tilespmem:v13+s29+$0x10 ss:$0x1], $0xffff;
	v6 =	vadd.f32 v6, v8  }
0x1ae: {  	v12 =	vld.idx.msk [tilespmem:v14+s29+$0x0 ss:$0x1], $0xffff;
	v17 =	vadd.f32 v9, v8;
	v18 =	vadd.f32 v10, v8  }
0x1af: {  	s30 =	simm.s32 $0x100;
	v9 =	vld.idx.msk [tilespmem:v14+s29+$0xFFFFFFF0 ss:$0x1], $0xffff;
	v10 =	vadd.f32 v11, v8;
	v11 =	vadd.f32 v19, v8  }
.LBB2_4:
0x1b0: {  	p0 =	sne.s32 s30, $0x980;
	v8 =	vadd.f32 v7, v8;
	v7 =	vld.idx.msk [tilespmem:v4+s29+$0xFFFFFFF0 ss:$0x1], $0xffff;
	s29 =	sshra.s32 s30, $0x2;
	s30 =	sadd.s32 $0x80, s30  }
.Ltmp0:
0x1b1: {  	v6 =	vadd.f32 v5, v6;
	v5 =	vld.idx.msk [tilespmem:v4+s29+$0x0 ss:$0x1], $0xffff;
	(pc) =	sbr.rel @p0 .LBB2_4-.Ltmp0, $4  }
0x1b2: {  	v17 =	vadd.f32 v15, v17;
	v15 =	vld.idx.msk [tilespmem:v13+s29+$0x0 ss:$0x1], $0xffff  }
0x1b3: {  	v18 =	vadd.f32 v16, v18;
	v16 =	vld.idx.msk [tilespmem:v13+s29+$0x10 ss:$0x1], $0xffff  }
0x1b4: {  	v10 =	vadd.f32 v9, v10;
	v9 =	vld.idx.msk [tilespmem:v14+s29+$0xFFFFFFF0 ss:$0x1], $0xffff  }
0x1b5: {  	v11 =	vadd.f32 v12, v11;
	v12 =	vld.idx.msk [tilespmem:v14+s29+$0x0 ss:$0x1], $0xffff  }
0x1b6: {  	_ =	sdelay $0x1  }
0x1b7: {  	v13 =	vadd.f32 v15, v17;
	v14 =	vadd.f32 v16, v18;
	_ =	sdelay $0x1  }
0x1b8: {  	v15 =	vmul.f32 $3.125000000e-02, v13;
	v16 =	vmul.f32 $3.125000000e-02, v14;
	_ =	sdelay $0x1  }
0x1b9: {  	v13 =	vmul.f32 v15, v13;
	v14 =	vmul.f32 v16, v14;
	_ =	sdelay $0x1  }
0x1ba: {  	v52 =	vmax.f32 v13, v14  }
0x1bb: {  	v53 =	vperm.xlane v52, v0;
	_ =	sdelay $0x1  }
0x1bc: {  	v17 =	vmax.f32 v52, v53  }
0x1bd: {  	v18 =	vperm.xlane v17, v1;
	_ =	sdelay $0x1  }
0x1be: {  	v17 =	vmax.f32 v17, v18  }
0x1bf: {  	v18 =	vperm.xlane v17, v2;
	_ =	sdelay $0x1  }
0x1c0: {  	v17 =	vmax.f32 v17, v18  }
0x1c1: {  	v18 =	vperm.xlane v17, v3;
	_ =	sdelay $0x1  }
0x1c2: {  	v17 =	vmax.f32 v17, v18  }
0x1c3: {  	v13 =	vsub.f32 v13, v17  }
0x1c4: {  	v14 =	vsub.f32 v14, v17  }
0x1c5: {  	v13 =	vmul.f32 $1.442695020e+00, v13  }
0x1c6: {  	v14 =	vmul.f32 $1.442695020e+00, v14  }
0x1c7: {  	(erf) = vpow2.f32 v13  }
0x1c8: {  	(erf) = vpow2.f32 v14;
	_ =	sdelay $0x7  }
0x1c9: {  	v13 =	vpop (erf)  }
0x1ca: {  	v14 =	vpop (erf)  }
0x1cb: {  	v54 =	vadd.f32 v14, v13;
	_ =	sdelay $0x1  }
0x1cc: {  	v55 =	vperm.xlane v54, v0;
	_ =	sdelay $0x1  }
0x1cd: {  	v17 =	vadd.f32 v54, v55;
	_ =	sdelay $0x1  }
0x1ce: {  	v18 =	vperm.xlane v17, v1;
	_ =	sdelay $0x1  }
0x1cf: {  	v17 =	vadd.f32 v17, v18;
	_ =	sdelay $0x1  }
0x1d0: {  	v18 =	vperm.xlane v17, v2;
	_ =	sdelay $0x1  }
0x1d1: {  	v17 =	vadd.f32 v17, v18;
	_ =	sdelay $0x1  }
0x1d2: {  	v18 =	vperm.xlane v17, v3;
	_ =	sdelay $0x1  }
0x1d3: {  	v17 =	vadd.f32 v17, v18;
	_ =	sdelay $0x1  }
0x1d4: {  	(erf) = vrcp.f32 v17;
	_ =	sdelay $0x8  }
0x1d5: {  	v9 =	vadd.f32 v9, v10;
	v56 =	vpop (erf)  }
0x1d6: {  	v11 =	vadd.f32 v12, v11;
	v57 =	vmul.f32 v56, v13;
	v10 =	vmul.f32 v56, v14;
	_ =	sdelay $0x1  }
0x1d7: {  	v12 =	vmul.f32 v57, v9;
	v10 =	vmul.f32 v10, v11;
	_ =	sdelay $0x1  }
0x1d8: {  	v12 =	vadd.f32 v12, v15;
	v10 =	vadd.f32 v10, v16;
	_ =	sdelay $0x1  }
0x1d9: {  	v9 =	vmul.f32 v12, v9;
	v10 =	vmul.f32 v10, v11;
	_ =	sdelay $0x1  }
0x1da: {  	v11 =	vmax.f32 v9, v10  }
0x1db: {  	v58 =	vperm.xlane v11, v0;
	_ =	sdelay $0x1  }
0x1dc: {  	v11 =	vmax.f32 v11, v58  }
0x1dd: {  	v12 =	vperm.xlane v11, v1;
	_ =	sdelay $0x1  }
0x1de: {  	v11 =	vmax.f32 v11, v12  }
0x1df: {  	v12 =	vperm.xlane v11, v2;
	_ =	sdelay $0x1  }
0x1e0: {  	v11 =	vmax.f32 v11, v12  }
0x1e1: {  	v12 =	vperm.xlane v11, v3;
	_ =	sdelay $0x1  }
0x1e2: {  	v11 =	vmax.f32 v11, v12  }
0x1e3: {  	v9 =	vsub.f32 v9, v11  }
0x1e4: {  	v10 =	vsub.f32 v10, v11  }
0x1e5: {  	v9 =	vmul.f32 $1.442695020e+00, v9  }
0x1e6: {  	v10 =	vmul.f32 $1.442695020e+00, v10  }
0x1e7: {  	(erf) = vpow2.f32 v9  }
0x1e8: {  	(erf) = vpow2.f32 v10;
	_ =	sdelay $0x7  }
0x1e9: {  	v9 =	vpop (erf)  }
0x1ea: {  	v10 =	vpop (erf)  }
0x1eb: {  	v59 =	vadd.f32 v10, v9;
	_ =	sdelay $0x1  }
0x1ec: {  	v60 =	vperm.xlane v59, v0;
	_ =	sdelay $0x1  }
0x1ed: {  	v11 =	vadd.f32 v59, v60;
	_ =	sdelay $0x1  }
0x1ee: {  	v12 =	vperm.xlane v11, v1;
	_ =	sdelay $0x1  }
0x1ef: {  	v11 =	vadd.f32 v11, v12;
	_ =	sdelay $0x1  }
0x1f0: {  	v12 =	vperm.xlane v11, v2;
	_ =	sdelay $0x1  }
0x1f1: {  	v11 =	vadd.f32 v11, v12;
	_ =	sdelay $0x1  }
0x1f2: {  	v12 =	vperm.xlane v11, v3;
	_ =	sdelay $0x1  }
0x1f3: {  	v11 =	vadd.f32 v11, v12;
	_ =	sdelay $0x1  }
0x1f4: {  	(erf) = vrcp.f32 v11;
	_ =	sdelay $0x4  }
0x1f5: {  	v4 =	vld.idx.msk [tilespmem:v4+s29+$0xFFFFFFF0 ss:$0x1], $0xffff;
	_ =	sdelay $0x2  }
0x1f6: {  	v7 =	vadd.f32 v7, v8  }
0x1f7: {  	s30 =	sshll.u32 s24, $0x5;
	s24 =	sadd.s32 $0x1, s24;
	v61 =	vpop (erf)  }
0x1f8: {  	p0 =	sne.s32 s24, $0x40;
	v4 =	vadd.f32 v4, v7;
	v62 =	vmul.f32 v61, v9  }
.Ltmp1:
0x1f9: {  	v5 =	vadd.f32 v5, v6;
	v63 =	vmul.f32 v61, v10;
	(pc) =	sbr.rel @p0 .LBB2_3-.Ltmp1, $4  }
0x1fa: {  	v4 =	vmul.f32 v62, v4  }
0x1fb: {  	s29 =	sand.u32 $0x3FFFFFE0, s30;
	v5 =	vmul.f32 v63, v5  }
0x1fc: {  	[tilespmem:s29+$0x1F400] =	vst v4  }
0x1fd: {  	s25 =	sadd.s32 $0x280, s25;
	s26 =	sadd.s32 $0x280, s26;
	s28 =	sadd.s32 $0x280, s28;
	[tilespmem:s29+$0x1F410] =	vst v5  }
0x1fe: {  	s24 =	sshll.u32 s23, $0xB  }
0x1ff: {  	s23 =	sadd.s32 $0x1, s23;
	s24 =	sadd.s32 s8, s24  }
0x200: {  	s25 =	rddreg [dreg:$0x2];
	p0 =	sne.s32 s23, $0x19;
	s24 =	sshrl.u32 s24, $0x3  }
.Ltmp2:
0x201: {  	s30 =	simm.s32 $0x0;
	s24 =	sadd.s32 s25, s24;
	(pc) =	sbr.rel @p0 .LBB2_2-.Ltmp2, $4  }
0x202: {  	[hbm4b:s24+s30] =	stream.linear.scatter [tilespmem:s22], [sflag:$0x2], $0x800, $0x38;
	[tilespmem:$0x1FC00] =	vst v63  }
0x203: {  	_ =	swait.ge [sflag:s10], $0x800  }
0x204: {  	[sflag:s10] =	ssyncset.done $0x0  }
0x205: {  	[sflag:s10] =	ssyncadd.s32 $0xFFFFF800  }
0x206: {  	s24 =	rddreg [dreg:$0x5]  }
0x207: {  	s23 =	rddreg [dreg:$0x4];
	s24 =	sadd.s32 $0x1, s24  }
0x208: {  	p0 =	sne.s32 s24, s23  }
.Ltmp3:
0x209: {  	_ = 	snop;
	(pc) =	sbr.rel @p0 .LBB2_1-.Ltmp3, $1  }
0x20a: {  	_ =	sdelay $0x3  }
0x20b: {  	_ =	sfence.sel $0x180000  }
0x20c: {  	[bflag:$0x0] =	sbarrier.arrive $0xFFFF  }
0x20d: {  	_ =	strace $0x90000047  }
0x20e: {  	s0 =	stileid.u32;
	[bflag:$0x2] =	sbarrier.arrive $0xFFFF  }
0x20f: {  	p0 =	sne.s32 s0, $0x0;
	s0 =	rddreg [dreg:$0x3]  }
0x210: {  	s0 =	sadd.s32 @!p0 $0x100000, s0  }
0x211: {  	[sflag:s0] =	ssyncadd.tile.s32 @!p0 $0x1;
	_ =	shalt  }
.Lfunc_end2:
_tile_overlayer_lowered:
.L_overlay_start_2:
0x212: {  	(tag) =	ssettag $0x2  }
0x213: {  	s0 =	rddreg [dreg:$0x0];
	s2 =	stileid.u32  }
0x214: {  	s1 =	rddreg [dreg:$0x1];
	p0 =	sne.s32 s2, $0x0  }
0x215: {  	s3 =	rddreg [dreg:$0x2];
	[bflag:$0x3] =	sbarrier.arrive $0xFFFF;
	s2 =	simm.s32 @!p0 $0x1C02  }
0x216: {  	[timem:s3], [sflag:s2] =	dma.local @!p0 [hbm:s0], s1  }
0x217: {  	s0 =	simm.s32 @!p0 $0x2  }
0x218: {  	_ =	swait.ge @!p0 [sflag:s0], s1  }
0x219: {  	s1 =	ssub.s32 @!p0 $0x0, s1;
	[sflag:s0] =	ssyncset.done @!p0 $0x0  }
0x21a: {  	[sflag:s0] =	ssyncadd.s32 @!p0 s1  }
0x21b: {  	[bflag:$0x3] =	sbarrier.arrive $0xFFFF  }
0x21c: {  	_ =	shalt  }

</sc_bundles>
